<compile_context>
chip_gen: v7x
topology: tpu7x:2x2x1
jax: 0.10.2.dev20260603
libtpu: 0.0.44.dev20260713+nightly
codegen_flags: <defaults>
</compile_context>

<pallas_src>
import functools

import jax
import jax.numpy as jnp
from jax import lax
from jax.experimental import pallas as pl
from jax.experimental.pallas import tpu as pltpu
from jax.experimental.pallas import tpu_sc as plsc

N = 10000
E = 320000
H = 128
B = 250
NSUB = 16
NCORE = 2
HH = H // 2
EPW = E // (NCORE * NSUB)
ROWS = E // B // NSUB
NPAD = 10240
NPT = NPAD // NSUB
RB = 2000
PH = 2
PCH = ROWS // PH

_mesh = plsc.VectorSubcoreMesh(core_axis_name="c", subcore_axis_name="s",
                               num_cores=NCORE, num_subcores=NSUB)



@functools.partial(
    pl.kernel,
    out_type=jax.ShapeDtypeStruct((NCORE * NSUB, NPAD), jnp.float32),
    mesh=_mesh,
    scratch_types=[
        pltpu.VMEM((EPW,), jnp.int32),
        pltpu.VMEM((NPAD,), jnp.float32),
    ],
    compiler_params=pltpu.CompilerParams(
        needs_layout_passes=False, use_tc_tiling_on_sc=False),
)
def _deg_count(dst_hbm, out_hbm, dstb, degp):
    c = lax.axis_index("c")
    s = lax.axis_index("s")
    w = c * NSUB + s
    pltpu.sync_copy(dst_hbm.at[pl.ds(w * EPW, EPW)], dstb)
    zeros16 = jnp.zeros((16,), jnp.float32)

    def zbody(k, carry):
        degp[pl.ds(k * 16, 16)] = zeros16
        return carry

    lax.fori_loop(0, NPAD // 16, zbody, 0)
    ones16 = jnp.ones((16,), jnp.float32)

    def cbody(k, carry):
        idx = dstb[pl.ds(k * 16, 16)]
        plsc.addupdate_scatter(degp, [idx], ones16)
        return carry

    lax.fori_loop(0, EPW // 16, cbody, 0)
    pltpu.sync_copy(degp, out_hbm.at[w])


@functools.partial(
    pl.kernel,
    out_type=jax.ShapeDtypeStruct((NPAD, H), jnp.float32),
    mesh=_mesh,
    scratch_types=[
        pltpu.VMEM((PCH, B), jnp.int32),
        pltpu.VMEM((PCH, B), jnp.int32),
        pltpu.VMEM((B, HH), jnp.float32),
        pltpu.VMEM((B, HH), jnp.float32),
        pltpu.VMEM_SHARED((NPAD, HH), jnp.float32),
        pltpu.SemaphoreType.DMA,
        pltpu.SemaphoreType.DMA,
    ],
    compiler_params=pltpu.CompilerParams(use_tc_tiling_on_sc=False),
)
def _edge_scatter(ys_hbm, src0_hbm, src1_hbm, dst_hbm, zero_hbm, out_hbm,
                  srcb, dstb, g0, g1, acc, sem0, sem1):
    c = lax.axis_index("c")
    s = lax.axis_index("s")
    pltpu.sync_copy(zero_hbm.at[pl.ds(s * NPT, NPT)],
                    acc.at[pl.ds(s * NPT, NPT)])
    plsc.subcore_barrier()

    def start(j, buf, sem):
        pltpu.async_copy(ys_hbm.at[srcb.at[j]], buf, sem)

    def wait(buf, sem):
        pltpu.make_async_copy(ys_hbm.at[srcb.at[0]], buf, sem).wait()

    def scat(j, buf):
        pltpu.sync_copy(buf, acc.at[dstb.at[j]], add=True)

    for p in range(PH):
        base = s * (PCH * PH) + p * PCH

        @pl.when(c == 0)
        def _():
            pltpu.sync_copy(src0_hbm.at[pl.ds(base, PCH)], srcb)

        @pl.when(c == 1)
        def _():
            pltpu.sync_copy(src1_hbm.at[pl.ds(base, PCH)], srcb)

        pltpu.sync_copy(dst_hbm.at[pl.ds(base, PCH)], dstb)
        start(0, g0, sem0)

        def body(i, carry):
            j = 2 * i
            start(j + 1, g1, sem1)
            wait(g0, sem0)
            scat(j, g0)

            @pl.when(j + 2 < PCH)
            def _():
                start(j + 2, g0, sem0)

            wait(g1, sem1)
            scat(j + 1, g1)
            return carry

        lax.fori_loop(0, PCH // 2, body, 0)
    plsc.subcore_barrier()
    pltpu.sync_copy(acc.at[pl.ds(s * NPT, NPT)],
                    out_hbm.at[pl.ds(s * NPT, NPT), pl.ds(c * HH, HH)])



def _dis_body(degp_ref, dis_ref):
    deg = jnp.sum(degp_ref[...], axis=0, keepdims=True) + 1.0
    dis_ref[...] = lax.rsqrt(deg)


def _pre_body(x_ref, wi_ref, bi_ref, w0_ref, dis_ref, h_ref, y_ref):
    h = jnp.maximum(
        jnp.dot(x_ref[...], wi_ref[...], preferred_element_type=jnp.float32)
        + bi_ref[...], 0.0)
    h_ref[...] = h
    y_ref[...] = dis_ref[...] * jnp.dot(
        h, w0_ref[...], preferred_element_type=jnp.float32)


def _ln(x, g, b):
    m = jnp.mean(x, axis=-1, keepdims=True)
    v = jnp.mean((x - m) ** 2, axis=-1, keepdims=True)
    return (x - m) * lax.rsqrt(v + 1e-5) * g + b


def _layer_body(z_ref, y_ref, dis_ref, h_ref, b_ref, g_ref,
                bb_ref, wn_ref, hn_ref, yn_ref):
    dis = dis_ref[...]
    agg = dis * (z_ref[...] + y_ref[...]) + b_ref[...]
    hn = jnp.maximum(_ln(agg, g_ref[...], bb_ref[...]), 0.0) + h_ref[...]
    hn_ref[...] = hn
    yn_ref[...] = dis * jnp.dot(
        hn, wn_ref[...], preferred_element_type=jnp.float32)


def _layer_final_body(z_ref, y_ref, dis_ref, h_ref, b_ref, g_ref, bb_ref,
                      hn_ref):
    agg = dis_ref[...] * (z_ref[...] + y_ref[...]) + b_ref[...]
    hn_ref[...] = jnp.maximum(_ln(agg, g_ref[...], bb_ref[...]), 0.0) + h_ref[...]


def _heads_body(h_ref, nw1_ref, nb1_ref, ng_ref, nbb_ref, nw2_ref, nb2_ref,
                nw3_ref, nb3_ref, gw1_ref, gb1_ref, gg_ref, gbb_ref, gw2_ref,
                gb2_ref, gw3_ref, gb3_ref, nlog_ref, glog_ref, sacc):
    i = pl.program_id(0)
    blk = h_ref[...]

    @pl.when(i == 0)
    def _():
        sacc[0:1, :] = jnp.zeros((1, H), jnp.float32)
        sacc[1:2, :] = jnp.full((1, H), -jnp.inf, jnp.float32)

    sacc[0:1, :] += jnp.sum(blk, axis=0, keepdims=True)
    sacc[1:2, :] = jnp.maximum(sacc[1:2, :], jnp.max(blk, axis=0, keepdims=True))

    t = jnp.dot(blk, nw1_ref[...], preferred_element_type=jnp.float32) + nb1_ref[...]
    t = jnp.maximum(_ln(t, ng_ref[...], nbb_ref[...]), 0.0)
    t = jnp.maximum(
        jnp.dot(t, nw2_ref[...], preferred_element_type=jnp.float32) + nb2_ref[...],
        0.0)
    nlog_ref[...] = jnp.dot(
        t, nw3_ref[...], preferred_element_type=jnp.float32) + nb3_ref[...]

    @pl.when(i == pl.num_programs(0) - 1)
    def _():
        gm = sacc[0:1, :] * (1.0 / N)
        gx = sacc[1:2, :]
        gh = (jnp.dot(gm, gw1_ref[0:H, :], preferred_element_type=jnp.float32)
              + jnp.dot(gx, gw1_ref[H:2 * H, :], preferred_element_type=jnp.float32)
              + gb1_ref[...])
        gh = jnp.maximum(_ln(gh, gg_ref[...], gbb_ref[...]), 0.0)
        gh = jnp.maximum(
            jnp.dot(gh, gw2_ref[...], preferred_element_type=jnp.float32)
            + gb2_ref[...], 0.0)
        gl = jnp.dot(gh, gw3_ref[...], preferred_element_type=jnp.float32) + gb3_ref[...]
        glog_ref[...] = jnp.broadcast_to(gl, (8, H))


def _row_spec(rows):
    return pl.BlockSpec((rows, H), lambda i: (i, 0))


def _full(shape):
    return pl.BlockSpec(shape, lambda i: tuple(0 for _ in shape))


_GRID = N // RB


def _pre_call(x, wi, bi, w0, dis):
    return pl.pallas_call(
        _pre_body,
        grid=(_GRID,),
        in_specs=[_row_spec(RB), _full((H, H)), _full((1, H)), _full((H, H)),
                  pl.BlockSpec((RB, 1), lambda i: (i, 0))],
        out_specs=[_row_spec(RB), _row_spec(RB)],
        out_shape=[jax.ShapeDtypeStruct((N, H), jnp.float32),
                   jax.ShapeDtypeStruct((N, H), jnp.float32)],
    )(x, wi, bi, w0, dis)


def _dis_call(degp):
    return pl.pallas_call(
        _dis_body,
        out_shape=jax.ShapeDtypeStruct((1, NPAD), jnp.float32),
    )(degp)


def _layer_call(z, y, dis, h, b, g, bb, wn):
    return pl.pallas_call(
        _layer_body,
        grid=(_GRID,),
        in_specs=[_row_spec(RB), _row_spec(RB),
                  pl.BlockSpec((RB, 1), lambda i: (i, 0)), _row_spec(RB),
                  _full((1, H)), _full((1, H)), _full((1, H)), _full((H, H))],
        out_specs=[_row_spec(RB), _row_spec(RB)],
        out_shape=[jax.ShapeDtypeStruct((N, H), jnp.float32),
                   jax.ShapeDtypeStruct((N, H), jnp.float32)],
    )(z, y, dis, h, b, g, bb, wn)


def _layer_final_call(z, y, dis, h, b, g, bb):
    return pl.pallas_call(
        _layer_final_body,
        grid=(_GRID,),
        in_specs=[_row_spec(RB), _row_spec(RB),
                  pl.BlockSpec((RB, 1), lambda i: (i, 0)), _row_spec(RB),
                  _full((1, H)), _full((1, H)), _full((1, H))],
        out_specs=_row_spec(RB),
        out_shape=jax.ShapeDtypeStruct((N, H), jnp.float32),
    )(z, y, dis, h, b, g, bb)


def _heads_call(h, nw1, nb1, ng, nbb, nw2, nb2, nw3p, nb3p,
                gw1, gb1, gg, gbb, gw2, gb2, gw3p, gb3p):
    return pl.pallas_call(
        _heads_body,
        grid=(_GRID,),
        in_specs=[_row_spec(RB), _full((H, H)), _full((1, H)), _full((1, H)),
                  _full((1, H)), _full((H, H // 2)), _full((1, H // 2)),
                  _full((H // 2, H)), _full((1, H)), _full((2 * H, H)),
                  _full((1, H)), _full((1, H)), _full((1, H)),
                  _full((H, H // 2)), _full((1, H // 2)), _full((H // 2, H)),
                  _full((1, H))],
        out_specs=[_row_spec(RB), pl.BlockSpec((8, H), lambda i: (0, 0))],
        out_shape=[jax.ShapeDtypeStruct((N, H), jnp.float32),
                   jax.ShapeDtypeStruct((8, H), jnp.float32)],
        scratch_shapes=[pltpu.VMEM((8, H), jnp.float32)],
    )(h, nw1, nb1, ng, nbb, nw2, nb2, nw3p, nb3p,
      gw1, gb1, gg, gbb, gw2, gb2, gw3p, gb3p)



def kernel(x, edge_index, W_in, b_in, conv_W, conv_b, ln_g, ln_b, gW1, gb1,
           gln_g, gln_b, gW2, gb2, gW3, gb3, nW1, nb1, nln_g, nln_b, nW2, nb2,
           nW3, nb3):
    src0_2d = (edge_index[0] * 2).reshape(E // B, B)
    src1_2d = (edge_index[0] * 2 + 1).reshape(E // B, B)
    dst2d = edge_index[1].reshape(E // B, B)

    degp = _deg_count(edge_index[1])
    dis = _dis_call(degp).reshape(NPAD, 1)[:N]

    zeros = jnp.zeros((NPAD, HH), jnp.float32)
    h, y = _pre_call(x, W_in, b_in.reshape(1, H), conv_W[0], dis)
    for i in range(4):
        z = _edge_scatter(y.reshape(2 * N, HH), src0_2d, src1_2d, dst2d,
                          zeros)
        b = conv_b[i].reshape(1, H)
        g = ln_g[i].reshape(1, H)
        bb = ln_b[i].reshape(1, H)
        if i < 3:
            h, y = _layer_call(z, y, dis, h, b, g, bb, conv_W[i + 1])
        else:
            h = _layer_final_call(z, y, dis, h, b, g, bb)

    nw3p = jnp.pad(nW3, ((0, 0), (0, H - 2)))
    nb3p = jnp.pad(nb3, (0, H - 2)).reshape(1, H)
    gw3p = jnp.pad(gW3, ((0, 0), (0, H - 2)))
    gb3p = jnp.pad(gb3, (0, H - 2)).reshape(1, H)
    nlog, glog = _heads_call(
        h, nW1, nb1.reshape(1, H), nln_g.reshape(1, H), nln_b.reshape(1, H),
        nW2, nb2.reshape(1, H // 2), nw3p, nb3p,
        gW1, gb1.reshape(1, H), gln_g.reshape(1, H), gln_b.reshape(1, H),
        gW2, gb2.reshape(1, H // 2), gw3p, gb3p)
    return (glog[0:1, 0:2], nlog[:, 0:2])

# --- scband reference (transcript-rebuilt; emitter-appended) ---
"""Pipeline reference for scband-trojan-gnn-14714557956359 (READ-ONLY COPY).

The authoritative reference and input builder live on the scoring server;
editing this copy changes nothing except your own understanding.
"""

import jax, jax.numpy as jnp
import numpy as np

N = 10000
E = 320000
D = 128
H = 128
L = 4


def setup_inputs(seed: int = 0) -> dict:
    key = jax.random.key(seed)
    ks = jax.random.split(key, 16)
    def w(k, shape, s=0.05):
        return jax.random.normal(k, shape, dtype=jnp.float32) * s
    inp = {}
    inp["x"] = jax.random.normal(ks[0], (N, D), dtype=jnp.float32)
    inp["edge_index"] = jax.random.randint(ks[1], (2, E), 0, N, dtype=jnp.int32)
    inp["W_in"] = w(ks[2], (D, H)); inp["b_in"] = jnp.zeros((H,), jnp.float32)
    inp["conv_W"] = w(ks[3], (L, H, H)); inp["conv_b"] = jnp.zeros((L, H), jnp.float32)
    inp["ln_g"] = jnp.ones((L, H), jnp.float32); inp["ln_b"] = jnp.zeros((L, H), jnp.float32)
    inp["gW1"] = w(ks[4], (2 * H, H)); inp["gb1"] = jnp.zeros((H,), jnp.float32)
    inp["gln_g"] = jnp.ones((H,), jnp.float32); inp["gln_b"] = jnp.zeros((H,), jnp.float32)
    inp["gW2"] = w(ks[5], (H, H // 2)); inp["gb2"] = jnp.zeros((H // 2,), jnp.float32)
    inp["gW3"] = w(ks[6], (H // 2, 2)); inp["gb3"] = jnp.zeros((2,), jnp.float32)
    inp["nW1"] = w(ks[7], (H, H)); inp["nb1"] = jnp.zeros((H,), jnp.float32)
    inp["nln_g"] = jnp.ones((H,), jnp.float32); inp["nln_b"] = jnp.zeros((H,), jnp.float32)
    inp["nW2"] = w(ks[8], (H, H // 2)); inp["nb2"] = jnp.zeros((H // 2,), jnp.float32)
    inp["nW3"] = w(ks[9], (H // 2, 2)); inp["nb3"] = jnp.zeros((2,), jnp.float32)
    return inp


def _ln(x, g, b):
    m = jnp.mean(x, axis=-1, keepdims=True)
    v = jnp.var(x, axis=-1, keepdims=True)
    return (x - m) / jnp.sqrt(v + 1e-5) * g + b


def _gcn(x, src, dst, W, b, n):
    # PyG GCNConv: add self-loops, sym-normalized adjacency, linear, bias
    xw = x @ W
    loop = jnp.arange(n, dtype=src.dtype)
    s = jnp.concatenate([src, loop])
    d = jnp.concatenate([dst, loop])
    deg = jnp.zeros((n,), dtype=x.dtype).at[d].add(1.0)
    dis = jnp.where(deg > 0, 1.0 / jnp.sqrt(deg), 0.0)
    norm = dis[s] * dis[d]
    out = jnp.zeros_like(xw).at[d].add(xw[s] * norm[:, None])
    return out + b


def reference(x, edge_index, W_in, b_in, conv_W, conv_b, ln_g, ln_b, gW1, gb1, gln_g, gln_b, gW2, gb2, gW3, gb3, nW1, nb1, nln_g, nln_b, nW2, nb2, nW3, nb3):
    src = edge_index[0]; dst = edge_index[1]; n = x.shape[0]
    h = jax.nn.relu(x @ W_in + b_in)
    for i in range(conv_W.shape[0]):
        idn = h
        h = _gcn(h, src, dst, conv_W[i], conv_b[i], n)
        h = _ln(h, ln_g[i], ln_b[i])
        h = jax.nn.relu(h)
        # dropout is identity in eval mode
        h = h + idn
    node_emb = h
    # batch=None -> all nodes in one graph
    g_mean = jnp.mean(node_emb, axis=0, keepdims=True)
    g_max = jnp.max(node_emb, axis=0, keepdims=True)
    graph_emb = jnp.concatenate([g_mean, g_max], axis=1)
    gh = jax.nn.relu(_ln(graph_emb @ gW1 + gb1, gln_g, gln_b))
    gh = jax.nn.relu(gh @ gW2 + gb2)
    graph_logits = gh @ gW3 + gb3
    nh = jax.nn.relu(_ln(node_emb @ nW1 + nb1, nln_g, nln_b))
    nh = jax.nn.relu(nh @ nW2 + nb2)
    node_logits = nh @ nW3 + nb3
    return (graph_logits, node_logits)

if __name__ == "__main__":
    import jax
    _d = setup_inputs()
    print(jax.jit(kernel)(*tuple(_d.values())))

</pallas_src>

<mosaic_0001>
#map = affine_map<(d0, d1) -> (0)>
#map1 = affine_map<(d0, d1) -> (0, 0)>
module attributes {stable_mosaic.version = 14 : i64} {
  func.func @_deg_count(%arg0: i32, %arg1: i32, %arg2: memref<320000xi32, #tpu.memory_space<hbm>>, %arg3: memref<32x10240xf32, #tpu.memory_space<hbm>>, %arg4: memref<10000xi32, #tpu.memory_space<vmem>>, %arg5: memref<10240xf32, #tpu.memory_space<vmem>>) attributes {dimension_semantics = [#tpu.dimension_semantics<core_parallel>, #tpu.dimension_semantics<subcore_parallel>], iteration_bounds = array<i64: 2, 16>, scalar_prefetch = 0 : i64, scratch_operands = 2 : i64, tpu.core_type = #tpu.core_type<sc_vector_subcore>, window_params = [{transform_indices = #map}, {transform_indices = #map1}]} {
    %mul3A = arith.constant 16 : i32
    %mul3A_0 = arith.muli %arg0, %mul3A : i32
    %add3A = arith.addi %mul3A_0, %arg1 : i32
    %mul3A_1 = arith.constant 10000 : i32
    %mul3A_2 = arith.muli %add3A, %mul3A_1 : i32
    "tpu.region"() ({
      %run_scoped3A = tpu.sem_alloc : memref<!tpu.dma_semaphore, #tpu.memory_space<semaphore_mem>>
      %dma_start3A = tpu.memref_slice %arg2[%mul3A_2] : memref<320000xi32, #tpu.memory_space<hbm>> -> memref<10000xi32, #tpu.memory_space<hbm>>
      %dma_start3A_17 = tpu.memref_slice %arg2[%mul3A_2] : memref<320000xi32, #tpu.memory_space<hbm>> -> memref<10000xi32, #tpu.memory_space<hbm>>
      tpu.enqueue_dma source(%dma_start3A_17 : memref<10000xi32, #tpu.memory_space<hbm>>) target(%arg4 : memref<10000xi32, #tpu.memory_space<vmem>>) target_semaphore(%run_scoped3A : memref<!tpu.dma_semaphore, #tpu.memory_space<semaphore_mem>>)
      %dma_wait3A = tpu.memref_slice %arg2[%mul3A_2] : memref<320000xi32, #tpu.memory_space<hbm>> -> memref<10000xi32, #tpu.memory_space<hbm>>
      %dma_wait3A_18 = tpu.memref_slice %arg2[%mul3A_2] : memref<320000xi32, #tpu.memory_space<hbm>> -> memref<10000xi32, #tpu.memory_space<hbm>>
      tpu.wait_dma2 semaphore(%run_scoped3A : memref<!tpu.dma_semaphore, #tpu.memory_space<semaphore_mem>>) src(%dma_wait3A_18 : memref<10000xi32, #tpu.memory_space<hbm>>) dst(%arg4 : memref<10000xi32, #tpu.memory_space<vmem>>)
      tpu.yield
    }) : () -> ()
    %broadcast_in_dim3A = arith.constant 0.000000e+00 : f32
    %broadcast_in_dim3A_3 = vector.broadcast %broadcast_in_dim3A : f32 to vector<16xf32>
    %scan3A = arith.constant 0 : i32
    %scan3A_4 = arith.constant 0 : i32
    %scan3A_5 = arith.constant 640 : i32
    %scan3A_6 = arith.addi %scan3A_4, %scan3A_5 : i32
    %scan3A_7 = arith.constant 1 : i32
    scf.for %scan3A_17 = %scan3A_4 to %scan3A_6 step %scan3A_7  : i32 {
      %mul3A_18 = arith.constant 16 : i32
      %mul3A_19 = arith.muli %scan3A_17, %mul3A_18 : i32
      %swap3A = arith.index_cast %mul3A_19 : i32 to index
      %swap3A_20 = tpu.vector_load %arg5[%swap3A] {strides = array<i32>} : memref<10240xf32, #tpu.memory_space<vmem>>, vector<16xf32>,
      tpu.vector_store %arg5[%swap3A], %broadcast_in_dim3A_3 {strides = array<i32>} : memref<10240xf32, #tpu.memory_space<vmem>>, vector<16xf32>,
    }
    %scan3A_8 = arith.constant 640 : i32
    %broadcast_in_dim3A_9 = arith.constant 1.000000e+00 : f32
    %broadcast_in_dim3A_10 = vector.broadcast %broadcast_in_dim3A_9 : f32 to vector<16xf32>
    %scan3A_11 = arith.constant 0 : i32
    %scan3A_12 = arith.constant 0 : i32
    %scan3A_13 = arith.constant 625 : i32
    %scan3A_14 = arith.addi %scan3A_12, %scan3A_13 : i32
    %scan3A_15 = arith.constant 1 : i32
    scf.for %scan3A_17 = %scan3A_12 to %scan3A_14 step %scan3A_15  : i32 {
      %mul3A_18 = arith.constant 16 : i32
      %mul3A_19 = arith.muli %scan3A_17, %mul3A_18 : i32
      %get3A = arith.index_cast %mul3A_19 : i32 to index
      %get3A_20 = tpu.vector_load %arg4[%get3A] {strides = array<i32>} : memref<10000xi32, #tpu.memory_space<vmem>>, vector<16xi32>,
      tpu.vector_store_idx %arg5[%get3A_20], %broadcast_in_dim3A_10 {add = true} : memref<10240xf32, #tpu.memory_space<vmem>>[vector<16xi32>], vector<16xf32>,
    }
    %scan3A_16 = arith.constant 625 : i32
    "tpu.region"() ({
      %run_scoped3A = tpu.sem_alloc : memref<!tpu.dma_semaphore, #tpu.memory_space<semaphore_mem>>
      %dma_start3A = arith.constant 0 : i32
      %dma_start3A_17 = tpu.memref_slice %arg3[%add3A, %dma_start3A] : memref<32x10240xf32, #tpu.memory_space<hbm>> -> memref<1x10240xf32, #tpu.memory_space<hbm>>
      %dma_start3A_18 = tpu.memref_squeeze %dma_start3A_17 : memref<1x10240xf32, #tpu.memory_space<hbm>> -> memref<10240xf32, #tpu.memory_space<hbm>>
      %dma_start3A_19 = arith.constant 0 : i32
      %dma_start3A_20 = tpu.memref_slice %arg3[%add3A, %dma_start3A_19] : memref<32x10240xf32, #tpu.memory_space<hbm>> -> memref<1x10240xf32, #tpu.memory_space<hbm>>
      %dma_start3A_21 = tpu.memref_squeeze %dma_start3A_20 : memref<1x10240xf32, #tpu.memory_space<hbm>> -> memref<10240xf32, #tpu.memory_space<hbm>>
      tpu.enqueue_dma source(%arg5 : memref<10240xf32, #tpu.memory_space<vmem>>) target(%dma_start3A_21 : memref<10240xf32, #tpu.memory_space<hbm>>) target_semaphore(%run_scoped3A : memref<!tpu.dma_semaphore, #tpu.memory_space<semaphore_mem>>)
      %dma_wait3A = arith.constant 0 : i32
      %dma_wait3A_22 = tpu.memref_slice %arg3[%add3A, %dma_wait3A] : memref<32x10240xf32, #tpu.memory_space<hbm>> -> memref<1x10240xf32, #tpu.memory_space<hbm>>
      %dma_wait3A_23 = tpu.memref_squeeze %dma_wait3A_22 : memref<1x10240xf32, #tpu.memory_space<hbm>> -> memref<10240xf32, #tpu.memory_space<hbm>>
      %dma_wait3A_24 = arith.constant 0 : i32
      %dma_wait3A_25 = tpu.memref_slice %arg3[%add3A, %dma_wait3A_24] : memref<32x10240xf32, #tpu.memory_space<hbm>> -> memref<1x10240xf32, #tpu.memory_space<hbm>>
      %dma_wait3A_26 = tpu.memref_squeeze %dma_wait3A_25 : memref<1x10240xf32, #tpu.memory_space<hbm>> -> memref<10240xf32, #tpu.memory_space<hbm>>
      tpu.wait_dma2 semaphore(%run_scoped3A : memref<!tpu.dma_semaphore, #tpu.memory_space<semaphore_mem>>) src(%arg5 : memref<10240xf32, #tpu.memory_space<vmem>>) dst(%dma_wait3A_26 : memref<10240xf32, #tpu.memory_space<hbm>>)
      tpu.yield
    }) : () -> ()
    return
  }
}

#map = affine_map<(d0, d1) -> (0, 0)>
module attributes {stable_mosaic.version = 14 : i64} {
  func.func @_edge_scatter(%arg0: i32, %arg1: i32, %arg2: memref<20000x64xf32, #tpu.memory_space<hbm>>, %arg3: memref<1280x250xi32, #tpu.memory_space<hbm>>, %arg4: memref<1280x250xi32, #tpu.memory_space<hbm>>, %arg5: memref<1280x250xi32, #tpu.memory_space<hbm>>, %arg6: memref<10240x64xf32, #tpu.memory_space<hbm>>, %arg7: memref<10240x128xf32, #tpu.memory_space<hbm>>, %arg8: memref<40x250xi32, #tpu.memory_space<vmem>>, %arg9: memref<40x250xi32, #tpu.memory_space<vmem>>, %arg10: memref<250x64xf32, #tpu.memory_space<vmem>>, %arg11: memref<250x64xf32, #tpu.memory_space<vmem>>, %arg12: memref<10240x64xf32, #tpu.memory_space<vmem_shared>>, %arg13: memref<!tpu.dma_semaphore, #tpu.memory_space<semaphore_mem>>, %arg14: memref<!tpu.dma_semaphore, #tpu.memory_space<semaphore_mem>>) attributes {dimension_semantics = [#tpu.dimension_semantics<core_parallel>, #tpu.dimension_semantics<subcore_parallel>], iteration_bounds = array<i64: 2, 16>, scalar_prefetch = 0 : i64, scratch_operands = 7 : i64, tpu.core_type = #tpu.core_type<sc_vector_subcore>, window_params = [{transform_indices = #map}, {transform_indices = #map}, {transform_indices = #map}, {transform_indices = #map}, {transform_indices = #map}, {transform_indices = #map}]} {
    %mul3A = arith.constant 640 : i32
    %mul3A_0 = arith.muli %arg1, %mul3A : i32
    %mul3A_1 = arith.constant 640 : i32
    %mul3A_2 = arith.muli %arg1, %mul3A_1 : i32
    "tpu.region"() ({
      %run_scoped3A = tpu.sem_alloc : memref<!tpu.dma_semaphore, #tpu.memory_space<semaphore_mem>>
      %dma_start3A_58 = arith.constant 0 : i32
      %dma_start3A_59 = tpu.memref_slice %arg12[%mul3A_2, %dma_start3A_58] : memref<10240x64xf32, #tpu.memory_space<vmem_shared>> -> memref<640x64xf32, #tpu.memory_space<vmem_shared>>
      %dma_start3A_60 = arith.constant 0 : i32
      %dma_start3A_61 = tpu.memref_slice %arg6[%mul3A_0, %dma_start3A_60] : memref<10240x64xf32, #tpu.memory_space<hbm>> -> memref<640x64xf32, #tpu.memory_space<hbm>>
      tpu.enqueue_dma source(%dma_start3A_61 : memref<640x64xf32, #tpu.memory_space<hbm>>) target(%dma_start3A_59 : memref<640x64xf32, #tpu.memory_space<vmem_shared>>) target_semaphore(%run_scoped3A : memref<!tpu.dma_semaphore, #tpu.memory_space<semaphore_mem>>)
      %dma_wait3A = arith.constant 0 : i32
      %dma_wait3A_62 = tpu.memref_slice %arg12[%mul3A_2, %dma_wait3A] : memref<10240x64xf32, #tpu.memory_space<vmem_shared>> -> memref<640x64xf32, #tpu.memory_space<vmem_shared>>
      %dma_wait3A_63 = arith.constant 0 : i32
      %dma_wait3A_64 = tpu.memref_slice %arg6[%mul3A_0, %dma_wait3A_63] : memref<10240x64xf32, #tpu.memory_space<hbm>> -> memref<640x64xf32, #tpu.memory_space<hbm>>
      tpu.wait_dma2 semaphore(%run_scoped3A : memref<!tpu.dma_semaphore, #tpu.memory_space<semaphore_mem>>) src(%dma_wait3A_64 : memref<640x64xf32, #tpu.memory_space<hbm>>) dst(%dma_wait3A_62 : memref<640x64xf32, #tpu.memory_space<vmem_shared>>)
      tpu.yield
    }) : () -> ()
    %barrier3A = arith.constant 0 : index
    tpu.barrier barrier_id(%barrier3A)
    %mul3A_3 = arith.constant 80 : i32
    %mul3A_4 = arith.muli %arg1, %mul3A_3 : i32
    %add3A = arith.constant 0 : i32
    %add3A_5 = arith.addi %mul3A_4, %add3A : i32
    %eq3A = arith.constant 0 : i32
    %eq3A_6 = arith.cmpi eq, %arg0, %eq3A : i32
    %convert_element_type3A = arith.extui %eq3A_6 : i1 to i32
    %cond3A = arith.constant 0 : i32
    %cond3A_7 = arith.cmpi ne, %convert_element_type3A, %cond3A : i32
    scf.if %cond3A_7 {
      "tpu.region"() ({
        %run_scoped3A = tpu.sem_alloc : memref<!tpu.dma_semaphore, #tpu.memory_space<semaphore_mem>>
        %dma_start3A_58 = arith.constant 0 : i32
        %dma_start3A_59 = tpu.memref_slice %arg3[%add3A_5, %dma_start3A_58] : memref<1280x250xi32, #tpu.memory_space<hbm>> -> memref<40x250xi32, #tpu.memory_space<hbm>>
        %dma_start3A_60 = arith.constant 0 : i32
        %dma_start3A_61 = tpu.memref_slice %arg3[%add3A_5, %dma_start3A_60] : memref<1280x250xi32, #tpu.memory_space<hbm>> -> memref<40x250xi32, #tpu.memory_space<hbm>>
        tpu.enqueue_dma source(%dma_start3A_61 : memref<40x250xi32, #tpu.memory_space<hbm>>) target(%arg8 : memref<40x250xi32, #tpu.memory_space<vmem>>) target_semaphore(%run_scoped3A : memref<!tpu.dma_semaphore, #tpu.memory_space<semaphore_mem>>)
        %dma_wait3A = arith.constant 0 : i32
        %dma_wait3A_62 = tpu.memref_slice %arg3[%add3A_5, %dma_wait3A] : memref<1280x250xi32, #tpu.memory_space<hbm>> -> memref<40x250xi32, #tpu.memory_space<hbm>>
        %dma_wait3A_63 = arith.constant 0 : i32
        %dma_wait3A_64 = tpu.memref_slice %arg3[%add3A_5, %dma_wait3A_63] : memref<1280x250xi32, #tpu.memory_space<hbm>> -> memref<40x250xi32, #tpu.memory_space<hbm>>
        tpu.wait_dma2 semaphore(%run_scoped3A : memref<!tpu.dma_semaphore, #tpu.memory_space<semaphore_mem>>) src(%dma_wait3A_64 : memref<40x250xi32, #tpu.memory_space<hbm>>) dst(%arg8 : memref<40x250xi32, #tpu.memory_space<vmem>>)
        tpu.yield
      }) : () -> ()
    } else {
    }
    %eq3A_8 = arith.constant 1 : i32
    %eq3A_9 = arith.cmpi eq, %arg0, %eq3A_8 : i32
    %convert_element_type3A_10 = arith.extui %eq3A_9 : i1 to i32
    %cond3A_11 = arith.constant 0 : i32
    %cond3A_12 = arith.cmpi ne, %convert_element_type3A_10, %cond3A_11 : i32
    scf.if %cond3A_12 {
      "tpu.region"() ({
        %run_scoped3A = tpu.sem_alloc : memref<!tpu.dma_semaphore, #tpu.memory_space<semaphore_mem>>
        %dma_start3A_58 = arith.constant 0 : i32
        %dma_start3A_59 = tpu.memref_slice %arg4[%add3A_5, %dma_start3A_58] : memref<1280x250xi32, #tpu.memory_space<hbm>> -> memref<40x250xi32, #tpu.memory_space<hbm>>
        %dma_start3A_60 = arith.constant 0 : i32
        %dma_start3A_61 = tpu.memref_slice %arg4[%add3A_5, %dma_start3A_60] : memref<1280x250xi32, #tpu.memory_space<hbm>> -> memref<40x250xi32, #tpu.memory_space<hbm>>
        tpu.enqueue_dma source(%dma_start3A_61 : memref<40x250xi32, #tpu.memory_space<hbm>>) target(%arg8 : memref<40x250xi32, #tpu.memory_space<vmem>>) target_semaphore(%run_scoped3A : memref<!tpu.dma_semaphore, #tpu.memory_space<semaphore_mem>>)
        %dma_wait3A = arith.constant 0 : i32
        %dma_wait3A_62 = tpu.memref_slice %arg4[%add3A_5, %dma_wait3A] : memref<1280x250xi32, #tpu.memory_space<hbm>> -> memref<40x250xi32, #tpu.memory_space<hbm>>
        %dma_wait3A_63 = arith.constant 0 : i32
        %dma_wait3A_64 = tpu.memref_slice %arg4[%add3A_5, %dma_wait3A_63] : memref<1280x250xi32, #tpu.memory_space<hbm>> -> memref<40x250xi32, #tpu.memory_space<hbm>>
        tpu.wait_dma2 semaphore(%run_scoped3A : memref<!tpu.dma_semaphore, #tpu.memory_space<semaphore_mem>>) src(%dma_wait3A_64 : memref<40x250xi32, #tpu.memory_space<hbm>>) dst(%arg8 : memref<40x250xi32, #tpu.memory_space<vmem>>)
        tpu.yield
      }) : () -> ()
    } else {
    }
    "tpu.region"() ({
      %run_scoped3A = tpu.sem_alloc : memref<!tpu.dma_semaphore, #tpu.memory_space<semaphore_mem>>
      %dma_start3A_58 = arith.constant 0 : i32
      %dma_start3A_59 = tpu.memref_slice %arg5[%add3A_5, %dma_start3A_58] : memref<1280x250xi32, #tpu.memory_space<hbm>> -> memref<40x250xi32, #tpu.memory_space<hbm>>
      %dma_start3A_60 = arith.constant 0 : i32
      %dma_start3A_61 = tpu.memref_slice %arg5[%add3A_5, %dma_start3A_60] : memref<1280x250xi32, #tpu.memory_space<hbm>> -> memref<40x250xi32, #tpu.memory_space<hbm>>
      tpu.enqueue_dma source(%dma_start3A_61 : memref<40x250xi32, #tpu.memory_space<hbm>>) target(%arg9 : memref<40x250xi32, #tpu.memory_space<vmem>>) target_semaphore(%run_scoped3A : memref<!tpu.dma_semaphore, #tpu.memory_space<semaphore_mem>>)
      %dma_wait3A = arith.constant 0 : i32
      %dma_wait3A_62 = tpu.memref_slice %arg5[%add3A_5, %dma_wait3A] : memref<1280x250xi32, #tpu.memory_space<hbm>> -> memref<40x250xi32, #tpu.memory_space<hbm>>
      %dma_wait3A_63 = arith.constant 0 : i32
      %dma_wait3A_64 = tpu.memref_slice %arg5[%add3A_5, %dma_wait3A_63] : memref<1280x250xi32, #tpu.memory_space<hbm>> -> memref<40x250xi32, #tpu.memory_space<hbm>>
      tpu.wait_dma2 semaphore(%run_scoped3A : memref<!tpu.dma_semaphore, #tpu.memory_space<semaphore_mem>>) src(%dma_wait3A_64 : memref<40x250xi32, #tpu.memory_space<hbm>>) dst(%arg9 : memref<40x250xi32, #tpu.memory_space<vmem>>)
      tpu.yield
    }) : () -> ()
    %dma_start3A = arith.constant 0 : i32
    %dma_start3A_13 = arith.constant 0 : i32
    %dma_start3A_14 = tpu.memref_slice %arg8[%dma_start3A, %dma_start3A_13] : memref<40x250xi32, #tpu.memory_space<vmem>> -> memref<1x250xi32, #tpu.memory_space<vmem>>
    %dma_start3A_15 = tpu.memref_squeeze %dma_start3A_14 : memref<1x250xi32, #tpu.memory_space<vmem>> -> memref<250xi32, #tpu.memory_space<vmem>>
    %dma_start3A_16 = arith.constant 0 : i32
    %dma_start3A_17 = arith.constant 0 : i32
    %dma_start3A_18 = tpu.memref_slice %arg2[%dma_start3A_16, %dma_start3A_17] : memref<20000x64xf32, #tpu.memory_space<hbm>> -> memref<20000x64xf32, #tpu.memory_space<hbm>>
    tpu.enqueue_indirect_dma source(%dma_start3A_18 : memref<20000x64xf32, #tpu.memory_space<hbm>>) target(%arg10 : memref<250x64xf32, #tpu.memory_space<vmem>>) offsets(%dma_start3A_15 : memref<250xi32, #tpu.memory_space<vmem>>) semaphore(%arg13 : memref<!tpu.dma_semaphore, #tpu.memory_space<semaphore_mem>>)
    %scan3A = arith.constant 0 : i32
    %scan3A_19 = arith.constant 0 : i32
    %scan3A_20 = arith.constant 20 : i32
    %scan3A_21 = arith.addi %scan3A_19, %scan3A_20 : i32
    %scan3A_22 = arith.constant 1 : i32
    scf.for %scan3A_58 = %scan3A_19 to %scan3A_21 step %scan3A_22  : i32 {
      %mul3A_59 = arith.constant 2 : i32
      %mul3A_60 = arith.muli %mul3A_59, %scan3A_58 : i32
      %add3A_61 = arith.constant 1 : i32
      %add3A_62 = arith.addi %mul3A_60, %add3A_61 : i32
      %dma_start3A_63 = arith.constant 0 : i32
      %dma_start3A_64 = tpu.memref_slice %arg8[%add3A_62, %dma_start3A_63] : memref<40x250xi32, #tpu.memory_space<vmem>> -> memref<1x250xi32, #tpu.memory_space<vmem>>
      %dma_start3A_65 = tpu.memref_squeeze %dma_start3A_64 : memref<1x250xi32, #tpu.memory_space<vmem>> -> memref<250xi32, #tpu.memory_space<vmem>>
      %dma_start3A_66 = arith.constant 0 : i32
      %dma_start3A_67 = arith.constant 0 : i32
      %dma_start3A_68 = tpu.memref_slice %arg2[%dma_start3A_66, %dma_start3A_67] : memref<20000x64xf32, #tpu.memory_space<hbm>> -> memref<20000x64xf32, #tpu.memory_space<hbm>>
      tpu.enqueue_indirect_dma source(%dma_start3A_68 : memref<20000x64xf32, #tpu.memory_space<hbm>>) target(%arg11 : memref<250x64xf32, #tpu.memory_space<vmem>>) offsets(%dma_start3A_65 : memref<250xi32, #tpu.memory_space<vmem>>) semaphore(%arg14 : memref<!tpu.dma_semaphore, #tpu.memory_space<semaphore_mem>>)
      %dma_wait3A = arith.constant 0 : i32
      %dma_wait3A_69 = arith.constant 0 : i32
      %dma_wait3A_70 = tpu.memref_slice %arg8[%dma_wait3A, %dma_wait3A_69] : memref<40x250xi32, #tpu.memory_space<vmem>> -> memref<1x250xi32, #tpu.memory_space<vmem>>
      %dma_wait3A_71 = tpu.memref_squeeze %dma_wait3A_70 : memref<1x250xi32, #tpu.memory_space<vmem>> -> memref<250xi32, #tpu.memory_space<vmem>>
      %dma_wait3A_72 = arith.constant 0 : i32
      %dma_wait3A_73 = arith.constant 0 : i32
      %dma_wait3A_74 = tpu.memref_slice %arg2[%dma_wait3A_72, %dma_wait3A_73] : memref<20000x64xf32, #tpu.memory_space<hbm>> -> memref<20000x64xf32, #tpu.memory_space<hbm>>
      tpu.wait_indirect_dma semaphore(%arg13 : memref<!tpu.dma_semaphore, #tpu.memory_space<semaphore_mem>>) src(%dma_wait3A_74 : memref<20000x64xf32, #tpu.memory_space<hbm>>) dst(%arg10 : memref<250x64xf32, #tpu.memory_space<vmem>>)
      "tpu.region"() ({
        %run_scoped3A = tpu.sem_alloc : memref<!tpu.dma_semaphore, #tpu.memory_space<semaphore_mem>>
        %dma_start3A_90 = arith.constant 0 : i32
        %dma_start3A_91 = tpu.memref_slice %arg9[%mul3A_60, %dma_start3A_90] : memref<40x250xi32, #tpu.memory_space<vmem>> -> memref<1x250xi32, #tpu.memory_space<vmem>>
        %dma_start3A_92 = tpu.memref_squeeze %dma_start3A_91 : memref<1x250xi32, #tpu.memory_space<vmem>> -> memref<250xi32, #tpu.memory_space<vmem>>
        %dma_start3A_93 = arith.constant 0 : i32
        %dma_start3A_94 = arith.constant 0 : i32
        %dma_start3A_95 = tpu.memref_slice %arg12[%dma_start3A_93, %dma_start3A_94] : memref<10240x64xf32, #tpu.memory_space<vmem_shared>> -> memref<10240x64xf32, #tpu.memory_space<vmem_shared>>
        tpu.enqueue_indirect_dma source(%arg10 : memref<250x64xf32, #tpu.memory_space<vmem>>) target(%dma_start3A_95 : memref<10240x64xf32, #tpu.memory_space<vmem_shared>>) offsets(%dma_start3A_92 : memref<250xi32, #tpu.memory_space<vmem>>) semaphore(%run_scoped3A : memref<!tpu.dma_semaphore, #tpu.memory_space<semaphore_mem>>) {add = true}
        %dma_wait3A_96 = arith.constant 0 : i32
        %dma_wait3A_97 = tpu.memref_slice %arg9[%mul3A_60, %dma_wait3A_96] : memref<40x250xi32, #tpu.memory_space<vmem>> -> memref<1x250xi32, #tpu.memory_space<vmem>>
        %dma_wait3A_98 = tpu.memref_squeeze %dma_wait3A_97 : memref<1x250xi32, #tpu.memory_space<vmem>> -> memref<250xi32, #tpu.memory_space<vmem>>
        %dma_wait3A_99 = arith.constant 0 : i32
        %dma_wait3A_100 = arith.constant 0 : i32
        %dma_wait3A_101 = tpu.memref_slice %arg12[%dma_wait3A_99, %dma_wait3A_100] : memref<10240x64xf32, #tpu.memory_space<vmem_shared>> -> memref<10240x64xf32, #tpu.memory_space<vmem_shared>>
        tpu.wait_indirect_dma semaphore(%run_scoped3A : memref<!tpu.dma_semaphore, #tpu.memory_space<semaphore_mem>>) src(%arg10 : memref<250x64xf32, #tpu.memory_space<vmem>>) dst(%dma_wait3A_101 : memref<10240x64xf32, #tpu.memory_space<vmem_shared>>)
        tpu.yield
      }) : () -> ()
      %add3A_75 = arith.constant 2 : i32
      %add3A_76 = arith.addi %mul3A_60, %add3A_75 : i32
      %lt3A = arith.constant 40 : i32
      %lt3A_77 = arith.cmpi slt, %add3A_76, %lt3A : i32
      %convert_element_type3A_78 = arith.extui %lt3A_77 : i1 to i32
      %cond3A_79 = arith.constant 0 : i32
      %cond3A_80 = arith.cmpi ne, %convert_element_type3A_78, %cond3A_79 : i32
      scf.if %cond3A_80 {
        %add3A_90 = arith.constant 2 : i32
        %add3A_91 = arith.addi %mul3A_60, %add3A_90 : i32
        %dma_start3A_92 = arith.constant 0 : i32
        %dma_start3A_93 = tpu.memref_slice %arg8[%add3A_91, %dma_start3A_92] : memref<40x250xi32, #tpu.memory_space<vmem>> -> memref<1x250xi32, #tpu.memory_space<vmem>>
        %dma_start3A_94 = tpu.memref_squeeze %dma_start3A_93 : memref<1x250xi32, #tpu.memory_space<vmem>> -> memref<250xi32, #tpu.memory_space<vmem>>
        %dma_start3A_95 = arith.constant 0 : i32
        %dma_start3A_96 = arith.constant 0 : i32
        %dma_start3A_97 = tpu.memref_slice %arg2[%dma_start3A_95, %dma_start3A_96] : memref<20000x64xf32, #tpu.memory_space<hbm>> -> memref<20000x64xf32, #tpu.memory_space<hbm>>
        tpu.enqueue_indirect_dma source(%dma_start3A_97 : memref<20000x64xf32, #tpu.memory_space<hbm>>) target(%arg10 : memref<250x64xf32, #tpu.memory_space<vmem>>) offsets(%dma_start3A_94 : memref<250xi32, #tpu.memory_space<vmem>>) semaphore(%arg13 : memref<!tpu.dma_semaphore, #tpu.memory_space<semaphore_mem>>)
      } else {
      }
      %dma_wait3A_81 = arith.constant 0 : i32
      %dma_wait3A_82 = arith.constant 0 : i32
      %dma_wait3A_83 = tpu.memref_slice %arg8[%dma_wait3A_81, %dma_wait3A_82] : memref<40x250xi32, #tpu.memory_space<vmem>> -> memref<1x250xi32, #tpu.memory_space<vmem>>
      %dma_wait3A_84 = tpu.memref_squeeze %dma_wait3A_83 : memref<1x250xi32, #tpu.memory_space<vmem>> -> memref<250xi32, #tpu.memory_space<vmem>>
      %dma_wait3A_85 = arith.constant 0 : i32
      %dma_wait3A_86 = arith.constant 0 : i32
      %dma_wait3A_87 = tpu.memref_slice %arg2[%dma_wait3A_85, %dma_wait3A_86] : memref<20000x64xf32, #tpu.memory_space<hbm>> -> memref<20000x64xf32, #tpu.memory_space<hbm>>
      tpu.wait_indirect_dma semaphore(%arg14 : memref<!tpu.dma_semaphore, #tpu.memory_space<semaphore_mem>>) src(%dma_wait3A_87 : memref<20000x64xf32, #tpu.memory_space<hbm>>) dst(%arg11 : memref<250x64xf32, #tpu.memory_space<vmem>>)
      %add3A_88 = arith.constant 1 : i32
      %add3A_89 = arith.addi %mul3A_60, %add3A_88 : i32
      "tpu.region"() ({
        %run_scoped3A = tpu.sem_alloc : memref<!tpu.dma_semaphore, #tpu.memory_space<semaphore_mem>>
        %dma_start3A_90 = arith.constant 0 : i32
        %dma_start3A_91 = tpu.memref_slice %arg9[%add3A_89, %dma_start3A_90] : memref<40x250xi32, #tpu.memory_space<vmem>> -> memref<1x250xi32, #tpu.memory_space<vmem>>
        %dma_start3A_92 = tpu.memref_squeeze %dma_start3A_91 : memref<1x250xi32, #tpu.memory_space<vmem>> -> memref<250xi32, #tpu.memory_space<vmem>>
        %dma_start3A_93 = arith.constant 0 : i32
        %dma_start3A_94 = arith.constant 0 : i32
        %dma_start3A_95 = tpu.memref_slice %arg12[%dma_start3A_93, %dma_start3A_94] : memref<10240x64xf32, #tpu.memory_space<vmem_shared>> -> memref<10240x64xf32, #tpu.memory_space<vmem_shared>>
        tpu.enqueue_indirect_dma source(%arg11 : memref<250x64xf32, #tpu.memory_space<vmem>>) target(%dma_start3A_95 : memref<10240x64xf32, #tpu.memory_space<vmem_shared>>) offsets(%dma_start3A_92 : memref<250xi32, #tpu.memory_space<vmem>>) semaphore(%run_scoped3A : memref<!tpu.dma_semaphore, #tpu.memory_space<semaphore_mem>>) {add = true}
        %dma_wait3A_96 = arith.constant 0 : i32
        %dma_wait3A_97 = tpu.memref_slice %arg9[%add3A_89, %dma_wait3A_96] : memref<40x250xi32, #tpu.memory_space<vmem>> -> memref<1x250xi32, #tpu.memory_space<vmem>>
        %dma_wait3A_98 = tpu.memref_squeeze %dma_wait3A_97 : memref<1x250xi32, #tpu.memory_space<vmem>> -> memref<250xi32, #tpu.memory_space<vmem>>
        %dma_wait3A_99 = arith.constant 0 : i32
        %dma_wait3A_100 = arith.constant 0 : i32
        %dma_wait3A_101 = tpu.memref_slice %arg12[%dma_wait3A_99, %dma_wait3A_100] : memref<10240x64xf32, #tpu.memory_space<vmem_shared>> -> memref<10240x64xf32, #tpu.memory_space<vmem_shared>>
        tpu.wait_indirect_dma semaphore(%run_scoped3A : memref<!tpu.dma_semaphore, #tpu.memory_space<semaphore_mem>>) src(%arg11 : memref<250x64xf32, #tpu.memory_space<vmem>>) dst(%dma_wait3A_101 : memref<10240x64xf32, #tpu.memory_space<vmem_shared>>)
        tpu.yield
      }) : () -> ()
    }
    %scan3A_23 = arith.constant 20 : i32
    %mul3A_24 = arith.constant 80 : i32
    %mul3A_25 = arith.muli %arg1, %mul3A_24 : i32
    %add3A_26 = arith.constant 40 : i32
    %add3A_27 = arith.addi %mul3A_25, %add3A_26 : i32
    %eq3A_28 = arith.constant 0 : i32
    %eq3A_29 = arith.cmpi eq, %arg0, %eq3A_28 : i32
    %convert_element_type3A_30 = arith.extui %eq3A_29 : i1 to i32
    %cond3A_31 = arith.constant 0 : i32
    %cond3A_32 = arith.cmpi ne, %convert_element_type3A_30, %cond3A_31 : i32
    scf.if %cond3A_32 {
      "tpu.region"() ({
        %run_scoped3A = tpu.sem_alloc : memref<!tpu.dma_semaphore, #tpu.memory_space<semaphore_mem>>
        %dma_start3A_58 = arith.constant 0 : i32
        %dma_start3A_59 = tpu.memref_slice %arg3[%add3A_27, %dma_start3A_58] : memref<1280x250xi32, #tpu.memory_space<hbm>> -> memref<40x250xi32, #tpu.memory_space<hbm>>
        %dma_start3A_60 = arith.constant 0 : i32
        %dma_start3A_61 = tpu.memref_slice %arg3[%add3A_27, %dma_start3A_60] : memref<1280x250xi32, #tpu.memory_space<hbm>> -> memref<40x250xi32, #tpu.memory_space<hbm>>
        tpu.enqueue_dma source(%dma_start3A_61 : memref<40x250xi32, #tpu.memory_space<hbm>>) target(%arg8 : memref<40x250xi32, #tpu.memory_space<vmem>>) target_semaphore(%run_scoped3A : memref<!tpu.dma_semaphore, #tpu.memory_space<semaphore_mem>>)
        %dma_wait3A = arith.constant 0 : i32
        %dma_wait3A_62 = tpu.memref_slice %arg3[%add3A_27, %dma_wait3A] : memref<1280x250xi32, #tpu.memory_space<hbm>> -> memref<40x250xi32, #tpu.memory_space<hbm>>
        %dma_wait3A_63 = arith.constant 0 : i32
        %dma_wait3A_64 = tpu.memref_slice %arg3[%add3A_27, %dma_wait3A_63] : memref<1280x250xi32, #tpu.memory_space<hbm>> -> memref<40x250xi32, #tpu.memory_space<hbm>>
        tpu.wait_dma2 semaphore(%run_scoped3A : memref<!tpu.dma_semaphore, #tpu.memory_space<semaphore_mem>>) src(%dma_wait3A_64 : memref<40x250xi32, #tpu.memory_space<hbm>>) dst(%arg8 : memref<40x250xi32, #tpu.memory_space<vmem>>)
        tpu.yield
      }) : () -> ()
    } else {
    }
    %eq3A_33 = arith.constant 1 : i32
    %eq3A_34 = arith.cmpi eq, %arg0, %eq3A_33 : i32
    %convert_element_type3A_35 = arith.extui %eq3A_34 : i1 to i32
    %cond3A_36 = arith.constant 0 : i32
    %cond3A_37 = arith.cmpi ne, %convert_element_type3A_35, %cond3A_36 : i32
    scf.if %cond3A_37 {
      "tpu.region"() ({
        %run_scoped3A = tpu.sem_alloc : memref<!tpu.dma_semaphore, #tpu.memory_space<semaphore_mem>>
        %dma_start3A_58 = arith.constant 0 : i32
        %dma_start3A_59 = tpu.memref_slice %arg4[%add3A_27, %dma_start3A_58] : memref<1280x250xi32, #tpu.memory_space<hbm>> -> memref<40x250xi32, #tpu.memory_space<hbm>>
        %dma_start3A_60 = arith.constant 0 : i32
        %dma_start3A_61 = tpu.memref_slice %arg4[%add3A_27, %dma_start3A_60] : memref<1280x250xi32, #tpu.memory_space<hbm>> -> memref<40x250xi32, #tpu.memory_space<hbm>>
        tpu.enqueue_dma source(%dma_start3A_61 : memref<40x250xi32, #tpu.memory_space<hbm>>) target(%arg8 : memref<40x250xi32, #tpu.memory_space<vmem>>) target_semaphore(%run_scoped3A : memref<!tpu.dma_semaphore, #tpu.memory_space<semaphore_mem>>)
        %dma_wait3A = arith.constant 0 : i32
        %dma_wait3A_62 = tpu.memref_slice %arg4[%add3A_27, %dma_wait3A] : memref<1280x250xi32, #tpu.memory_space<hbm>> -> memref<40x250xi32, #tpu.memory_space<hbm>>
        %dma_wait3A_63 = arith.constant 0 : i32
        %dma_wait3A_64 = tpu.memref_slice %arg4[%add3A_27, %dma_wait3A_63] : memref<1280x250xi32, #tpu.memory_space<hbm>> -> memref<40x250xi32, #tpu.memory_space<hbm>>
        tpu.wait_dma2 semaphore(%run_scoped3A : memref<!tpu.dma_semaphore, #tpu.memory_space<semaphore_mem>>) src(%dma_wait3A_64 : memref<40x250xi32, #tpu.memory_space<hbm>>) dst(%arg8 : memref<40x250xi32, #tpu.memory_space<vmem>>)
        tpu.yield
      }) : () -> ()
    } else {
    }
    "tpu.region"() ({
      %run_scoped3A = tpu.sem_alloc : memref<!tpu.dma_semaphore, #tpu.memory_space<semaphore_mem>>
      %dma_start3A_58 = arith.constant 0 : i32
      %dma_start3A_59 = tpu.memref_slice %arg5[%add3A_27, %dma_start3A_58] : memref<1280x250xi32, #tpu.memory_space<hbm>> -> memref<40x250xi32, #tpu.memory_space<hbm>>
      %dma_start3A_60 = arith.constant 0 : i32
      %dma_start3A_61 = tpu.memref_slice %arg5[%add3A_27, %dma_start3A_60] : memref<1280x250xi32, #tpu.memory_space<hbm>> -> memref<40x250xi32, #tpu.memory_space<hbm>>
      tpu.enqueue_dma source(%dma_start3A_61 : memref<40x250xi32, #tpu.memory_space<hbm>>) target(%arg9 : memref<40x250xi32, #tpu.memory_space<vmem>>) target_semaphore(%run_scoped3A : memref<!tpu.dma_semaphore, #tpu.memory_space<semaphore_mem>>)
      %dma_wait3A = arith.constant 0 : i32
      %dma_wait3A_62 = tpu.memref_slice %arg5[%add3A_27, %dma_wait3A] : memref<1280x250xi32, #tpu.memory_space<hbm>> -> memref<40x250xi32, #tpu.memory_space<hbm>>
      %dma_wait3A_63 = arith.constant 0 : i32
      %dma_wait3A_64 = tpu.memref_slice %arg5[%add3A_27, %dma_wait3A_63] : memref<1280x250xi32, #tpu.memory_space<hbm>> -> memref<40x250xi32, #tpu.memory_space<hbm>>
      tpu.wait_dma2 semaphore(%run_scoped3A : memref<!tpu.dma_semaphore, #tpu.memory_space<semaphore_mem>>) src(%dma_wait3A_64 : memref<40x250xi32, #tpu.memory_space<hbm>>) dst(%arg9 : memref<40x250xi32, #tpu.memory_space<vmem>>)
      tpu.yield
    }) : () -> ()
    %dma_start3A_38 = arith.constant 0 : i32
    %dma_start3A_39 = arith.constant 0 : i32
    %dma_start3A_40 = tpu.memref_slice %arg8[%dma_start3A_38, %dma_start3A_39] : memref<40x250xi32, #tpu.memory_space<vmem>> -> memref<1x250xi32, #tpu.memory_space<vmem>>
    %dma_start3A_41 = tpu.memref_squeeze %dma_start3A_40 : memref<1x250xi32, #tpu.memory_space<vmem>> -> memref<250xi32, #tpu.memory_space<vmem>>
    %dma_start3A_42 = arith.constant 0 : i32
    %dma_start3A_43 = arith.constant 0 : i32
    %dma_start3A_44 = tpu.memref_slice %arg2[%dma_start3A_42, %dma_start3A_43] : memref<20000x64xf32, #tpu.memory_space<hbm>> -> memref<20000x64xf32, #tpu.memory_space<hbm>>
    tpu.enqueue_indirect_dma source(%dma_start3A_44 : memref<20000x64xf32, #tpu.memory_space<hbm>>) target(%arg10 : memref<250x64xf32, #tpu.memory_space<vmem>>) offsets(%dma_start3A_41 : memref<250xi32, #tpu.memory_space<vmem>>) semaphore(%arg13 : memref<!tpu.dma_semaphore, #tpu.memory_space<semaphore_mem>>)
    %scan3A_45 = arith.constant 0 : i32
    %scan3A_46 = arith.constant 0 : i32
    %scan3A_47 = arith.constant 20 : i32
    %scan3A_48 = arith.addi %scan3A_46, %scan3A_47 : i32
    %scan3A_49 = arith.constant 1 : i32
    scf.for %scan3A_58 = %scan3A_46 to %scan3A_48 step %scan3A_49  : i32 {
      %mul3A_59 = arith.constant 2 : i32
      %mul3A_60 = arith.muli %mul3A_59, %scan3A_58 : i32
      %add3A_61 = arith.constant 1 : i32
      %add3A_62 = arith.addi %mul3A_60, %add3A_61 : i32
      %dma_start3A_63 = arith.constant 0 : i32
      %dma_start3A_64 = tpu.memref_slice %arg8[%add3A_62, %dma_start3A_63] : memref<40x250xi32, #tpu.memory_space<vmem>> -> memref<1x250xi32, #tpu.memory_space<vmem>>
      %dma_start3A_65 = tpu.memref_squeeze %dma_start3A_64 : memref<1x250xi32, #tpu.memory_space<vmem>> -> memref<250xi32, #tpu.memory_space<vmem>>
      %dma_start3A_66 = arith.constant 0 : i32
      %dma_start3A_67 = arith.constant 0 : i32
      %dma_start3A_68 = tpu.memref_slice %arg2[%dma_start3A_66, %dma_start3A_67] : memref<20000x64xf32, #tpu.memory_space<hbm>> -> memref<20000x64xf32, #tpu.memory_space<hbm>>
      tpu.enqueue_indirect_dma source(%dma_start3A_68 : memref<20000x64xf32, #tpu.memory_space<hbm>>) target(%arg11 : memref<250x64xf32, #tpu.memory_space<vmem>>) offsets(%dma_start3A_65 : memref<250xi32, #tpu.memory_space<vmem>>) semaphore(%arg14 : memref<!tpu.dma_semaphore, #tpu.memory_space<semaphore_mem>>)
      %dma_wait3A = arith.constant 0 : i32
      %dma_wait3A_69 = arith.constant 0 : i32
      %dma_wait3A_70 = tpu.memref_slice %arg8[%dma_wait3A, %dma_wait3A_69] : memref<40x250xi32, #tpu.memory_space<vmem>> -> memref<1x250xi32, #tpu.memory_space<vmem>>
      %dma_wait3A_71 = tpu.memref_squeeze %dma_wait3A_70 : memref<1x250xi32, #tpu.memory_space<vmem>> -> memref<250xi32, #tpu.memory_space<vmem>>
      %dma_wait3A_72 = arith.constant 0 : i32
      %dma_wait3A_73 = arith.constant 0 : i32
      %dma_wait3A_74 = tpu.memref_slice %arg2[%dma_wait3A_72, %dma_wait3A_73] : memref<20000x64xf32, #tpu.memory_space<hbm>> -> memref<20000x64xf32, #tpu.memory_space<hbm>>
      tpu.wait_indirect_dma semaphore(%arg13 : memref<!tpu.dma_semaphore, #tpu.memory_space<semaphore_mem>>) src(%dma_wait3A_74 : memref<20000x64xf32, #tpu.memory_space<hbm>>) dst(%arg10 : memref<250x64xf32, #tpu.memory_space<vmem>>)
      "tpu.region"() ({
        %run_scoped3A = tpu.sem_alloc : memref<!tpu.dma_semaphore, #tpu.memory_space<semaphore_mem>>
        %dma_start3A_90 = arith.constant 0 : i32
        %dma_start3A_91 = tpu.memref_slice %arg9[%mul3A_60, %dma_start3A_90] : memref<40x250xi32, #tpu.memory_space<vmem>> -> memref<1x250xi32, #tpu.memory_space<vmem>>
        %dma_start3A_92 = tpu.memref_squeeze %dma_start3A_91 : memref<1x250xi32, #tpu.memory_space<vmem>> -> memref<250xi32, #tpu.memory_space<vmem>>
        %dma_start3A_93 = arith.constant 0 : i32
        %dma_start3A_94 = arith.constant 0 : i32
        %dma_start3A_95 = tpu.memref_slice %arg12[%dma_start3A_93, %dma_start3A_94] : memref<10240x64xf32, #tpu.memory_space<vmem_shared>> -> memref<10240x64xf32, #tpu.memory_space<vmem_shared>>
        tpu.enqueue_indirect_dma source(%arg10 : memref<250x64xf32, #tpu.memory_space<vmem>>) target(%dma_start3A_95 : memref<10240x64xf32, #tpu.memory_space<vmem_shared>>) offsets(%dma_start3A_92 : memref<250xi32, #tpu.memory_space<vmem>>) semaphore(%run_scoped3A : memref<!tpu.dma_semaphore, #tpu.memory_space<semaphore_mem>>) {add = true}
        %dma_wait3A_96 = arith.constant 0 : i32
        %dma_wait3A_97 = tpu.memref_slice %arg9[%mul3A_60, %dma_wait3A_96] : memref<40x250xi32, #tpu.memory_space<vmem>> -> memref<1x250xi32, #tpu.memory_space<vmem>>
        %dma_wait3A_98 = tpu.memref_squeeze %dma_wait3A_97 : memref<1x250xi32, #tpu.memory_space<vmem>> -> memref<250xi32, #tpu.memory_space<vmem>>
        %dma_wait3A_99 = arith.constant 0 : i32
        %dma_wait3A_100 = arith.constant 0 : i32
        %dma_wait3A_101 = tpu.memref_slice %arg12[%dma_wait3A_99, %dma_wait3A_100] : memref<10240x64xf32, #tpu.memory_space<vmem_shared>> -> memref<10240x64xf32, #tpu.memory_space<vmem_shared>>
        tpu.wait_indirect_dma semaphore(%run_scoped3A : memref<!tpu.dma_semaphore, #tpu.memory_space<semaphore_mem>>) src(%arg10 : memref<250x64xf32, #tpu.memory_space<vmem>>) dst(%dma_wait3A_101 : memref<10240x64xf32, #tpu.memory_space<vmem_shared>>)
        tpu.yield
      }) : () -> ()
      %add3A_75 = arith.constant 2 : i32
      %add3A_76 = arith.addi %mul3A_60, %add3A_75 : i32
      %lt3A = arith.constant 40 : i32
      %lt3A_77 = arith.cmpi slt, %add3A_76, %lt3A : i32
      %convert_element_type3A_78 = arith.extui %lt3A_77 : i1 to i32
      %cond3A_79 = arith.constant 0 : i32
      %cond3A_80 = arith.cmpi ne, %convert_element_type3A_78, %cond3A_79 : i32
      scf.if %cond3A_80 {
        %add3A_90 = arith.constant 2 : i32
        %add3A_91 = arith.addi %mul3A_60, %add3A_90 : i32
        %dma_start3A_92 = arith.constant 0 : i32
        %dma_start3A_93 = tpu.memref_slice %arg8[%add3A_91, %dma_start3A_92] : memref<40x250xi32, #tpu.memory_space<vmem>> -> memref<1x250xi32, #tpu.memory_space<vmem>>
        %dma_start3A_94 = tpu.memref_squeeze %dma_start3A_93 : memref<1x250xi32, #tpu.memory_space<vmem>> -> memref<250xi32, #tpu.memory_space<vmem>>
        %dma_start3A_95 = arith.constant 0 : i32
        %dma_start3A_96 = arith.constant 0 : i32
        %dma_start3A_97 = tpu.memref_slice %arg2[%dma_start3A_95, %dma_start3A_96] : memref<20000x64xf32, #tpu.memory_space<hbm>> -> memref<20000x64xf32, #tpu.memory_space<hbm>>
        tpu.enqueue_indirect_dma source(%dma_start3A_97 : memref<20000x64xf32, #tpu.memory_space<hbm>>) target(%arg10 : memref<250x64xf32, #tpu.memory_space<vmem>>) offsets(%dma_start3A_94 : memref<250xi32, #tpu.memory_space<vmem>>) semaphore(%arg13 : memref<!tpu.dma_semaphore, #tpu.memory_space<semaphore_mem>>)
      } else {
      }
      %dma_wait3A_81 = arith.constant 0 : i32
      %dma_wait3A_82 = arith.constant 0 : i32
      %dma_wait3A_83 = tpu.memref_slice %arg8[%dma_wait3A_81, %dma_wait3A_82] : memref<40x250xi32, #tpu.memory_space<vmem>> -> memref<1x250xi32, #tpu.memory_space<vmem>>
      %dma_wait3A_84 = tpu.memref_squeeze %dma_wait3A_83 : memref<1x250xi32, #tpu.memory_space<vmem>> -> memref<250xi32, #tpu.memory_space<vmem>>
      %dma_wait3A_85 = arith.constant 0 : i32
      %dma_wait3A_86 = arith.constant 0 : i32
      %dma_wait3A_87 = tpu.memref_slice %arg2[%dma_wait3A_85, %dma_wait3A_86] : memref<20000x64xf32, #tpu.memory_space<hbm>> -> memref<20000x64xf32, #tpu.memory_space<hbm>>
      tpu.wait_indirect_dma semaphore(%arg14 : memref<!tpu.dma_semaphore, #tpu.memory_space<semaphore_mem>>) src(%dma_wait3A_87 : memref<20000x64xf32, #tpu.memory_space<hbm>>) dst(%arg11 : memref<250x64xf32, #tpu.memory_space<vmem>>)
      %add3A_88 = arith.constant 1 : i32
      %add3A_89 = arith.addi %mul3A_60, %add3A_88 : i32
      "tpu.region"() ({
        %run_scoped3A = tpu.sem_alloc : memref<!tpu.dma_semaphore, #tpu.memory_space<semaphore_mem>>
        %dma_start3A_90 = arith.constant 0 : i32
        %dma_start3A_91 = tpu.memref_slice %arg9[%add3A_89, %dma_start3A_90] : memref<40x250xi32, #tpu.memory_space<vmem>> -> memref<1x250xi32, #tpu.memory_space<vmem>>
        %dma_start3A_92 = tpu.memref_squeeze %dma_start3A_91 : memref<1x250xi32, #tpu.memory_space<vmem>> -> memref<250xi32, #tpu.memory_space<vmem>>
        %dma_start3A_93 = arith.constant 0 : i32
        %dma_start3A_94 = arith.constant 0 : i32
        %dma_start3A_95 = tpu.memref_slice %arg12[%dma_start3A_93, %dma_start3A_94] : memref<10240x64xf32, #tpu.memory_space<vmem_shared>> -> memref<10240x64xf32, #tpu.memory_space<vmem_shared>>
        tpu.enqueue_indirect_dma source(%arg11 : memref<250x64xf32, #tpu.memory_space<vmem>>) target(%dma_start3A_95 : memref<10240x64xf32, #tpu.memory_space<vmem_shared>>) offsets(%dma_start3A_92 : memref<250xi32, #tpu.memory_space<vmem>>) semaphore(%run_scoped3A : memref<!tpu.dma_semaphore, #tpu.memory_space<semaphore_mem>>) {add = true}
        %dma_wait3A_96 = arith.constant 0 : i32
        %dma_wait3A_97 = tpu.memref_slice %arg9[%add3A_89, %dma_wait3A_96] : memref<40x250xi32, #tpu.memory_space<vmem>> -> memref<1x250xi32, #tpu.memory_space<vmem>>
        %dma_wait3A_98 = tpu.memref_squeeze %dma_wait3A_97 : memref<1x250xi32, #tpu.memory_space<vmem>> -> memref<250xi32, #tpu.memory_space<vmem>>
        %dma_wait3A_99 = arith.constant 0 : i32
        %dma_wait3A_100 = arith.constant 0 : i32
        %dma_wait3A_101 = tpu.memref_slice %arg12[%dma_wait3A_99, %dma_wait3A_100] : memref<10240x64xf32, #tpu.memory_space<vmem_shared>> -> memref<10240x64xf32, #tpu.memory_space<vmem_shared>>
        tpu.wait_indirect_dma semaphore(%run_scoped3A : memref<!tpu.dma_semaphore, #tpu.memory_space<semaphore_mem>>) src(%arg11 : memref<250x64xf32, #tpu.memory_space<vmem>>) dst(%dma_wait3A_101 : memref<10240x64xf32, #tpu.memory_space<vmem_shared>>)
        tpu.yield
      }) : () -> ()
    }
    %scan3A_50 = arith.constant 20 : i32
    %barrier3A_51 = arith.constant 0 : index
    tpu.barrier barrier_id(%barrier3A_51)
    %mul3A_52 = arith.constant 640 : i32
    %mul3A_53 = arith.muli %arg1, %mul3A_52 : i32
    %mul3A_54 = arith.constant 640 : i32
    %mul3A_55 = arith.muli %arg1, %mul3A_54 : i32
    %mul3A_56 = arith.constant 64 : i32
    %mul3A_57 = arith.muli %arg0, %mul3A_56 : i32
    "tpu.region"() ({
      %run_scoped3A = tpu.sem_alloc : memref<!tpu.dma_semaphore, #tpu.memory_space<semaphore_mem>>
      %dma_start3A_58 = tpu.memref_slice %arg7[%mul3A_55, %mul3A_57] : memref<10240x128xf32, #tpu.memory_space<hbm>> -> memref<640x64xf32, #tpu.memory_space<hbm>>
      %dma_start3A_59 = arith.constant 0 : i32
      %dma_start3A_60 = tpu.memref_slice %arg12[%mul3A_53, %dma_start3A_59] : memref<10240x64xf32, #tpu.memory_space<vmem_shared>> -> memref<640x64xf32, #tpu.memory_space<vmem_shared>>
      tpu.enqueue_dma source(%dma_start3A_60 : memref<640x64xf32, #tpu.memory_space<vmem_shared>>) target(%dma_start3A_58 : memref<640x64xf32, #tpu.memory_space<hbm>>) target_semaphore(%run_scoped3A : memref<!tpu.dma_semaphore, #tpu.memory_space<semaphore_mem>>)
      %dma_wait3A = tpu.memref_slice %arg7[%mul3A_55, %mul3A_57] : memref<10240x128xf32, #tpu.memory_space<hbm>> -> memref<640x64xf32, #tpu.memory_space<hbm>>
      %dma_wait3A_61 = arith.constant 0 : i32
      %dma_wait3A_62 = tpu.memref_slice %arg12[%mul3A_53, %dma_wait3A_61] : memref<10240x64xf32, #tpu.memory_space<vmem_shared>> -> memref<640x64xf32, #tpu.memory_space<vmem_shared>>
      tpu.wait_dma2 semaphore(%run_scoped3A : memref<!tpu.dma_semaphore, #tpu.memory_space<semaphore_mem>>) src(%dma_wait3A_62 : memref<640x64xf32, #tpu.memory_space<vmem_shared>>) dst(%dma_wait3A : memref<640x64xf32, #tpu.memory_space<hbm>>)
      tpu.yield
    }) : () -> ()
    return
  }
}

#map = affine_map<(d0, d1) -> (0, 0)>
module attributes {stable_mosaic.version = 14 : i64} {
  func.func @_edge_scatter(%arg0: i32, %arg1: i32, %arg2: memref<20000x64xf32, #tpu.memory_space<hbm>>, %arg3: memref<1280x250xi32, #tpu.memory_space<hbm>>, %arg4: memref<1280x250xi32, #tpu.memory_space<hbm>>, %arg5: memref<1280x250xi32, #tpu.memory_space<hbm>>, %arg6: memref<10240x64xf32, #tpu.memory_space<hbm>>, %arg7: memref<10240x128xf32, #tpu.memory_space<hbm>>, %arg8: memref<40x250xi32, #tpu.memory_space<vmem>>, %arg9: memref<40x250xi32, #tpu.memory_space<vmem>>, %arg10: memref<250x64xf32, #tpu.memory_space<vmem>>, %arg11: memref<250x64xf32, #tpu.memory_space<vmem>>, %arg12: memref<10240x64xf32, #tpu.memory_space<vmem_shared>>, %arg13: memref<!tpu.dma_semaphore, #tpu.memory_space<semaphore_mem>>, %arg14: memref<!tpu.dma_semaphore, #tpu.memory_space<semaphore_mem>>) attributes {dimension_semantics = [#tpu.dimension_semantics<core_parallel>, #tpu.dimension_semantics<subcore_parallel>], iteration_bounds = array<i64: 2, 16>, scalar_prefetch = 0 : i64, scratch_operands = 7 : i64, tpu.core_type = #tpu.core_type<sc_vector_subcore>, window_params = [{transform_indices = #map}, {transform_indices = #map}, {transform_indices = #map}, {transform_indices = #map}, {transform_indices = #map}, {transform_indices = #map}]} {
    %mul3A = arith.constant 640 : i32
    %mul3A_0 = arith.muli %arg1, %mul3A : i32
    %mul3A_1 = arith.constant 640 : i32
    %mul3A_2 = arith.muli %arg1, %mul3A_1 : i32
    "tpu.region"() ({
      %run_scoped3A = tpu.sem_alloc : memref<!tpu.dma_semaphore, #tpu.memory_space<semaphore_mem>>
      %dma_start3A_58 = arith.constant 0 : i32
      %dma_start3A_59 = tpu.memref_slice %arg12[%mul3A_2, %dma_start3A_58] : memref<10240x64xf32, #tpu.memory_space<vmem_shared>> -> memref<640x64xf32, #tpu.memory_space<vmem_shared>>
      %dma_start3A_60 = arith.constant 0 : i32
      %dma_start3A_61 = tpu.memref_slice %arg6[%mul3A_0, %dma_start3A_60] : memref<10240x64xf32, #tpu.memory_space<hbm>> -> memref<640x64xf32, #tpu.memory_space<hbm>>
      tpu.enqueue_dma source(%dma_start3A_61 : memref<640x64xf32, #tpu.memory_space<hbm>>) target(%dma_start3A_59 : memref<640x64xf32, #tpu.memory_space<vmem_shared>>) target_semaphore(%run_scoped3A : memref<!tpu.dma_semaphore, #tpu.memory_space<semaphore_mem>>)
      %dma_wait3A = arith.constant 0 : i32
      %dma_wait3A_62 = tpu.memref_slice %arg12[%mul3A_2, %dma_wait3A] : memref<10240x64xf32, #tpu.memory_space<vmem_shared>> -> memref<640x64xf32, #tpu.memory_space<vmem_shared>>
      %dma_wait3A_63 = arith.constant 0 : i32
      %dma_wait3A_64 = tpu.memref_slice %arg6[%mul3A_0, %dma_wait3A_63] : memref<10240x64xf32, #tpu.memory_space<hbm>> -> memref<640x64xf32, #tpu.memory_space<hbm>>
      tpu.wait_dma2 semaphore(%run_scoped3A : memref<!tpu.dma_semaphore, #tpu.memory_space<semaphore_mem>>) src(%dma_wait3A_64 : memref<640x64xf32, #tpu.memory_space<hbm>>) dst(%dma_wait3A_62 : memref<640x64xf32, #tpu.memory_space<vmem_shared>>)
      tpu.yield
    }) : () -> ()
    %barrier3A = arith.constant 0 : index
    tpu.barrier barrier_id(%barrier3A)
    %mul3A_3 = arith.constant 80 : i32
    %mul3A_4 = arith.muli %arg1, %mul3A_3 : i32
    %add3A = arith.constant 0 : i32
    %add3A_5 = arith.addi %mul3A_4, %add3A : i32
    %eq3A = arith.constant 0 : i32
    %eq3A_6 = arith.cmpi eq, %arg0, %eq3A : i32
    %convert_element_type3A = arith.extui %eq3A_6 : i1 to i32
    %cond3A = arith.constant 0 : i32
    %cond3A_7 = arith.cmpi ne, %convert_element_type3A, %cond3A : i32
    scf.if %cond3A_7 {
      "tpu.region"() ({
        %run_scoped3A = tpu.sem_alloc : memref<!tpu.dma_semaphore, #tpu.memory_space<semaphore_mem>>
        %dma_start3A_58 = arith.constant 0 : i32
        %dma_start3A_59 = tpu.memref_slice %arg3[%add3A_5, %dma_start3A_58] : memref<1280x250xi32, #tpu.memory_space<hbm>> -> memref<40x250xi32, #tpu.memory_space<hbm>>
        %dma_start3A_60 = arith.constant 0 : i32
        %dma_start3A_61 = tpu.memref_slice %arg3[%add3A_5, %dma_start3A_60] : memref<1280x250xi32, #tpu.memory_space<hbm>> -> memref<40x250xi32, #tpu.memory_space<hbm>>
        tpu.enqueue_dma source(%dma_start3A_61 : memref<40x250xi32, #tpu.memory_space<hbm>>) target(%arg8 : memref<40x250xi32, #tpu.memory_space<vmem>>) target_semaphore(%run_scoped3A : memref<!tpu.dma_semaphore, #tpu.memory_space<semaphore_mem>>)
        %dma_wait3A = arith.constant 0 : i32
        %dma_wait3A_62 = tpu.memref_slice %arg3[%add3A_5, %dma_wait3A] : memref<1280x250xi32, #tpu.memory_space<hbm>> -> memref<40x250xi32, #tpu.memory_space<hbm>>
        %dma_wait3A_63 = arith.constant 0 : i32
        %dma_wait3A_64 = tpu.memref_slice %arg3[%add3A_5, %dma_wait3A_63] : memref<1280x250xi32, #tpu.memory_space<hbm>> -> memref<40x250xi32, #tpu.memory_space<hbm>>
        tpu.wait_dma2 semaphore(%run_scoped3A : memref<!tpu.dma_semaphore, #tpu.memory_space<semaphore_mem>>) src(%dma_wait3A_64 : memref<40x250xi32, #tpu.memory_space<hbm>>) dst(%arg8 : memref<40x250xi32, #tpu.memory_space<vmem>>)
        tpu.yield
      }) : () -> ()
    } else {
    }
    %eq3A_8 = arith.constant 1 : i32
    %eq3A_9 = arith.cmpi eq, %arg0, %eq3A_8 : i32
    %convert_element_type3A_10 = arith.extui %eq3A_9 : i1 to i32
    %cond3A_11 = arith.constant 0 : i32
    %cond3A_12 = arith.cmpi ne, %convert_element_type3A_10, %cond3A_11 : i32
    scf.if %cond3A_12 {
      "tpu.region"() ({
        %run_scoped3A = tpu.sem_alloc : memref<!tpu.dma_semaphore, #tpu.memory_space<semaphore_mem>>
        %dma_start3A_58 = arith.constant 0 : i32
        %dma_start3A_59 = tpu.memref_slice %arg4[%add3A_5, %dma_start3A_58] : memref<1280x250xi32, #tpu.memory_space<hbm>> -> memref<40x250xi32, #tpu.memory_space<hbm>>
        %dma_start3A_60 = arith.constant 0 : i32
        %dma_start3A_61 = tpu.memref_slice %arg4[%add3A_5, %dma_start3A_60] : memref<1280x250xi32, #tpu.memory_space<hbm>> -> memref<40x250xi32, #tpu.memory_space<hbm>>
        tpu.enqueue_dma source(%dma_start3A_61 : memref<40x250xi32, #tpu.memory_space<hbm>>) target(%arg8 : memref<40x250xi32, #tpu.memory_space<vmem>>) target_semaphore(%run_scoped3A : memref<!tpu.dma_semaphore, #tpu.memory_space<semaphore_mem>>)
        %dma_wait3A = arith.constant 0 : i32
        %dma_wait3A_62 = tpu.memref_slice %arg4[%add3A_5, %dma_wait3A] : memref<1280x250xi32, #tpu.memory_space<hbm>> -> memref<40x250xi32, #tpu.memory_space<hbm>>
        %dma_wait3A_63 = arith.constant 0 : i32
        %dma_wait3A_64 = tpu.memref_slice %arg4[%add3A_5, %dma_wait3A_63] : memref<1280x250xi32, #tpu.memory_space<hbm>> -> memref<40x250xi32, #tpu.memory_space<hbm>>
        tpu.wait_dma2 semaphore(%run_scoped3A : memref<!tpu.dma_semaphore, #tpu.memory_space<semaphore_mem>>) src(%dma_wait3A_64 : memref<40x250xi32, #tpu.memory_space<hbm>>) dst(%arg8 : memref<40x250xi32, #tpu.memory_space<vmem>>)
        tpu.yield
      }) : () -> ()
    } else {
    }
    "tpu.region"() ({
      %run_scoped3A = tpu.sem_alloc : memref<!tpu.dma_semaphore, #tpu.memory_space<semaphore_mem>>
      %dma_start3A_58 = arith.constant 0 : i32
      %dma_start3A_59 = tpu.memref_slice %arg5[%add3A_5, %dma_start3A_58] : memref<1280x250xi32, #tpu.memory_space<hbm>> -> memref<40x250xi32, #tpu.memory_space<hbm>>
      %dma_start3A_60 = arith.constant 0 : i32
      %dma_start3A_61 = tpu.memref_slice %arg5[%add3A_5, %dma_start3A_60] : memref<1280x250xi32, #tpu.memory_space<hbm>> -> memref<40x250xi32, #tpu.memory_space<hbm>>
      tpu.enqueue_dma source(%dma_start3A_61 : memref<40x250xi32, #tpu.memory_space<hbm>>) target(%arg9 : memref<40x250xi32, #tpu.memory_space<vmem>>) target_semaphore(%run_scoped3A : memref<!tpu.dma_semaphore, #tpu.memory_space<semaphore_mem>>)
      %dma_wait3A = arith.constant 0 : i32
      %dma_wait3A_62 = tpu.memref_slice %arg5[%add3A_5, %dma_wait3A] : memref<1280x250xi32, #tpu.memory_space<hbm>> -> memref<40x250xi32, #tpu.memory_space<hbm>>
      %dma_wait3A_63 = arith.constant 0 : i32
      %dma_wait3A_64 = tpu.memref_slice %arg5[%add3A_5, %dma_wait3A_63] : memref<1280x250xi32, #tpu.memory_space<hbm>> -> memref<40x250xi32, #tpu.memory_space<hbm>>
      tpu.wait_dma2 semaphore(%run_scoped3A : memref<!tpu.dma_semaphore, #tpu.memory_space<semaphore_mem>>) src(%dma_wait3A_64 : memref<40x250xi32, #tpu.memory_space<hbm>>) dst(%arg9 : memref<40x250xi32, #tpu.memory_space<vmem>>)
      tpu.yield
    }) : () -> ()
    %dma_start3A = arith.constant 0 : i32
    %dma_start3A_13 = arith.constant 0 : i32
    %dma_start3A_14 = tpu.memref_slice %arg8[%dma_start3A, %dma_start3A_13] : memref<40x250xi32, #tpu.memory_space<vmem>> -> memref<1x250xi32, #tpu.memory_space<vmem>>
    %dma_start3A_15 = tpu.memref_squeeze %dma_start3A_14 : memref<1x250xi32, #tpu.memory_space<vmem>> -> memref<250xi32, #tpu.memory_space<vmem>>
    %dma_start3A_16 = arith.constant 0 : i32
    %dma_start3A_17 = arith.constant 0 : i32
    %dma_start3A_18 = tpu.memref_slice %arg2[%dma_start3A_16, %dma_start3A_17] : memref<20000x64xf32, #tpu.memory_space<hbm>> -> memref<20000x64xf32, #tpu.memory_space<hbm>>
    tpu.enqueue_indirect_dma source(%dma_start3A_18 : memref<20000x64xf32, #tpu.memory_space<hbm>>) target(%arg10 : memref<250x64xf32, #tpu.memory_space<vmem>>) offsets(%dma_start3A_15 : memref<250xi32, #tpu.memory_space<vmem>>) semaphore(%arg13 : memref<!tpu.dma_semaphore, #tpu.memory_space<semaphore_mem>>)
    %scan3A = arith.constant 0 : i32
    %scan3A_19 = arith.constant 0 : i32
    %scan3A_20 = arith.constant 20 : i32
    %scan3A_21 = arith.addi %scan3A_19, %scan3A_20 : i32
    %scan3A_22 = arith.constant 1 : i32
    scf.for %scan3A_58 = %scan3A_19 to %scan3A_21 step %scan3A_22  : i32 {
      %mul3A_59 = arith.constant 2 : i32
      %mul3A_60 = arith.muli %mul3A_59, %scan3A_58 : i32
      %add3A_61 = arith.constant 1 : i32
      %add3A_62 = arith.addi %mul3A_60, %add3A_61 : i32
      %dma_start3A_63 = arith.constant 0 : i32
      %dma_start3A_64 = tpu.memref_slice %arg8[%add3A_62, %dma_start3A_63] : memref<40x250xi32, #tpu.memory_space<vmem>> -> memref<1x250xi32, #tpu.memory_space<vmem>>
      %dma_start3A_65 = tpu.memref_squeeze %dma_start3A_64 : memref<1x250xi32, #tpu.memory_space<vmem>> -> memref<250xi32, #tpu.memory_space<vmem>>
      %dma_start3A_66 = arith.constant 0 : i32
      %dma_start3A_67 = arith.constant 0 : i32
      %dma_start3A_68 = tpu.memref_slice %arg2[%dma_start3A_66, %dma_start3A_67] : memref<20000x64xf32, #tpu.memory_space<hbm>> -> memref<20000x64xf32, #tpu.memory_space<hbm>>
      tpu.enqueue_indirect_dma source(%dma_start3A_68 : memref<20000x64xf32, #tpu.memory_space<hbm>>) target(%arg11 : memref<250x64xf32, #tpu.memory_space<vmem>>) offsets(%dma_start3A_65 : memref<250xi32, #tpu.memory_space<vmem>>) semaphore(%arg14 : memref<!tpu.dma_semaphore, #tpu.memory_space<semaphore_mem>>)
      %dma_wait3A = arith.constant 0 : i32
      %dma_wait3A_69 = arith.constant 0 : i32
      %dma_wait3A_70 = tpu.memref_slice %arg8[%dma_wait3A, %dma_wait3A_69] : memref<40x250xi32, #tpu.memory_space<vmem>> -> memref<1x250xi32, #tpu.memory_space<vmem>>
      %dma_wait3A_71 = tpu.memref_squeeze %dma_wait3A_70 : memref<1x250xi32, #tpu.memory_space<vmem>> -> memref<250xi32, #tpu.memory_space<vmem>>
      %dma_wait3A_72 = arith.constant 0 : i32
      %dma_wait3A_73 = arith.constant 0 : i32
      %dma_wait3A_74 = tpu.memref_slice %arg2[%dma_wait3A_72, %dma_wait3A_73] : memref<20000x64xf32, #tpu.memory_space<hbm>> -> memref<20000x64xf32, #tpu.memory_space<hbm>>
      tpu.wait_indirect_dma semaphore(%arg13 : memref<!tpu.dma_semaphore, #tpu.memory_space<semaphore_mem>>) src(%dma_wait3A_74 : memref<20000x64xf32, #tpu.memory_space<hbm>>) dst(%arg10 : memref<250x64xf32, #tpu.memory_space<vmem>>)
      "tpu.region"() ({
        %run_scoped3A = tpu.sem_alloc : memref<!tpu.dma_semaphore, #tpu.memory_space<semaphore_mem>>
        %dma_start3A_90 = arith.constant 0 : i32
        %dma_start3A_91 = tpu.memref_slice %arg9[%mul3A_60, %dma_start3A_90] : memref<40x250xi32, #tpu.memory_space<vmem>> -> memref<1x250xi32, #tpu.memory_space<vmem>>
        %dma_start3A_92 = tpu.memref_squeeze %dma_start3A_91 : memref<1x250xi32, #tpu.memory_space<vmem>> -> memref<250xi32, #tpu.memory_space<vmem>>
        %dma_start3A_93 = arith.constant 0 : i32
        %dma_start3A_94 = arith.constant 0 : i32
        %dma_start3A_95 = tpu.memref_slice %arg12[%dma_start3A_93, %dma_start3A_94] : memref<10240x64xf32, #tpu.memory_space<vmem_shared>> -> memref<10240x64xf32, #tpu.memory_space<vmem_shared>>
        tpu.enqueue_indirect_dma source(%arg10 : memref<250x64xf32, #tpu.memory_space<vmem>>) target(%dma_start3A_95 : memref<10240x64xf32, #tpu.memory_space<vmem_shared>>) offsets(%dma_start3A_92 : memref<250xi32, #tpu.memory_space<vmem>>) semaphore(%run_scoped3A : memref<!tpu.dma_semaphore, #tpu.memory_space<semaphore_mem>>) {add = true}
        %dma_wait3A_96 = arith.constant 0 : i32
        %dma_wait3A_97 = tpu.memref_slice %arg9[%mul3A_60, %dma_wait3A_96] : memref<40x250xi32, #tpu.memory_space<vmem>> -> memref<1x250xi32, #tpu.memory_space<vmem>>
        %dma_wait3A_98 = tpu.memref_squeeze %dma_wait3A_97 : memref<1x250xi32, #tpu.memory_space<vmem>> -> memref<250xi32, #tpu.memory_space<vmem>>
        %dma_wait3A_99 = arith.constant 0 : i32
        %dma_wait3A_100 = arith.constant 0 : i32
        %dma_wait3A_101 = tpu.memref_slice %arg12[%dma_wait3A_99, %dma_wait3A_100] : memref<10240x64xf32, #tpu.memory_space<vmem_shared>> -> memref<10240x64xf32, #tpu.memory_space<vmem_shared>>
        tpu.wait_indirect_dma semaphore(%run_scoped3A : memref<!tpu.dma_semaphore, #tpu.memory_space<semaphore_mem>>) src(%arg10 : memref<250x64xf32, #tpu.memory_space<vmem>>) dst(%dma_wait3A_101 : memref<10240x64xf32, #tpu.memory_space<vmem_shared>>)
        tpu.yield
      }) : () -> ()
      %add3A_75 = arith.constant 2 : i32
      %add3A_76 = arith.addi %mul3A_60, %add3A_75 : i32
      %lt3A = arith.constant 40 : i32
      %lt3A_77 = arith.cmpi slt, %add3A_76, %lt3A : i32
      %convert_element_type3A_78 = arith.extui %lt3A_77 : i1 to i32
      %cond3A_79 = arith.constant 0 : i32
      %cond3A_80 = arith.cmpi ne, %convert_element_type3A_78, %cond3A_79 : i32
      scf.if %cond3A_80 {
        %add3A_90 = arith.constant 2 : i32
        %add3A_91 = arith.addi %mul3A_60, %add3A_90 : i32
        %dma_start3A_92 = arith.constant 0 : i32
        %dma_start3A_93 = tpu.memref_slice %arg8[%add3A_91, %dma_start3A_92] : memref<40x250xi32, #tpu.memory_space<vmem>> -> memref<1x250xi32, #tpu.memory_space<vmem>>
        %dma_start3A_94 = tpu.memref_squeeze %dma_start3A_93 : memref<1x250xi32, #tpu.memory_space<vmem>> -> memref<250xi32, #tpu.memory_space<vmem>>
        %dma_start3A_95 = arith.constant 0 : i32
        %dma_start3A_96 = arith.constant 0 : i32
        %dma_start3A_97 = tpu.memref_slice %arg2[%dma_start3A_95, %dma_start3A_96] : memref<20000x64xf32, #tpu.memory_space<hbm>> -> memref<20000x64xf32, #tpu.memory_space<hbm>>
        tpu.enqueue_indirect_dma source(%dma_start3A_97 : memref<20000x64xf32, #tpu.memory_space<hbm>>) target(%arg10 : memref<250x64xf32, #tpu.memory_space<vmem>>) offsets(%dma_start3A_94 : memref<250xi32, #tpu.memory_space<vmem>>) semaphore(%arg13 : memref<!tpu.dma_semaphore, #tpu.memory_space<semaphore_mem>>)
      } else {
      }
      %dma_wait3A_81 = arith.constant 0 : i32
      %dma_wait3A_82 = arith.constant 0 : i32
      %dma_wait3A_83 = tpu.memref_slice %arg8[%dma_wait3A_81, %dma_wait3A_82] : memref<40x250xi32, #tpu.memory_space<vmem>> -> memref<1x250xi32, #tpu.memory_space<vmem>>
      %dma_wait3A_84 = tpu.memref_squeeze %dma_wait3A_83 : memref<1x250xi32, #tpu.memory_space<vmem>> -> memref<250xi32, #tpu.memory_space<vmem>>
      %dma_wait3A_85 = arith.constant 0 : i32
      %dma_wait3A_86 = arith.constant 0 : i32
      %dma_wait3A_87 = tpu.memref_slice %arg2[%dma_wait3A_85, %dma_wait3A_86] : memref<20000x64xf32, #tpu.memory_space<hbm>> -> memref<20000x64xf32, #tpu.memory_space<hbm>>
      tpu.wait_indirect_dma semaphore(%arg14 : memref<!tpu.dma_semaphore, #tpu.memory_space<semaphore_mem>>) src(%dma_wait3A_87 : memref<20000x64xf32, #tpu.memory_space<hbm>>) dst(%arg11 : memref<250x64xf32, #tpu.memory_space<vmem>>)
      %add3A_88 = arith.constant 1 : i32
      %add3A_89 = arith.addi %mul3A_60, %add3A_88 : i32
      "tpu.region"() ({
        %run_scoped3A = tpu.sem_alloc : memref<!tpu.dma_semaphore, #tpu.memory_space<semaphore_mem>>
        %dma_start3A_90 = arith.constant 0 : i32
        %dma_start3A_91 = tpu.memref_slice %arg9[%add3A_89, %dma_start3A_90] : memref<40x250xi32, #tpu.memory_space<vmem>> -> memref<1x250xi32, #tpu.memory_space<vmem>>
        %dma_start3A_92 = tpu.memref_squeeze %dma_start3A_91 : memref<1x250xi32, #tpu.memory_space<vmem>> -> memref<250xi32, #tpu.memory_space<vmem>>
        %dma_start3A_93 = arith.constant 0 : i32
        %dma_start3A_94 = arith.constant 0 : i32
        %dma_start3A_95 = tpu.memref_slice %arg12[%dma_start3A_93, %dma_start3A_94] : memref<10240x64xf32, #tpu.memory_space<vmem_shared>> -> memref<10240x64xf32, #tpu.memory_space<vmem_shared>>
        tpu.enqueue_indirect_dma source(%arg11 : memref<250x64xf32, #tpu.memory_space<vmem>>) target(%dma_start3A_95 : memref<10240x64xf32, #tpu.memory_space<vmem_shared>>) offsets(%dma_start3A_92 : memref<250xi32, #tpu.memory_space<vmem>>) semaphore(%run_scoped3A : memref<!tpu.dma_semaphore, #tpu.memory_space<semaphore_mem>>) {add = true}
        %dma_wait3A_96 = arith.constant 0 : i32
        %dma_wait3A_97 = tpu.memref_slice %arg9[%add3A_89, %dma_wait3A_96] : memref<40x250xi32, #tpu.memory_space<vmem>> -> memref<1x250xi32, #tpu.memory_space<vmem>>
        %dma_wait3A_98 = tpu.memref_squeeze %dma_wait3A_97 : memref<1x250xi32, #tpu.memory_space<vmem>> -> memref<250xi32, #tpu.memory_space<vmem>>
        %dma_wait3A_99 = arith.constant 0 : i32
        %dma_wait3A_100 = arith.constant 0 : i32
        %dma_wait3A_101 = tpu.memref_slice %arg12[%dma_wait3A_99, %dma_wait3A_100] : memref<10240x64xf32, #tpu.memory_space<vmem_shared>> -> memref<10240x64xf32, #tpu.memory_space<vmem_shared>>
        tpu.wait_indirect_dma semaphore(%run_scoped3A : memref<!tpu.dma_semaphore, #tpu.memory_space<semaphore_mem>>) src(%arg11 : memref<250x64xf32, #tpu.memory_space<vmem>>) dst(%dma_wait3A_101 : memref<10240x64xf32, #tpu.memory_space<vmem_shared>>)
        tpu.yield
      }) : () -> ()
    }
    %scan3A_23 = arith.constant 20 : i32
    %mul3A_24 = arith.constant 80 : i32
    %mul3A_25 = arith.muli %arg1, %mul3A_24 : i32
    %add3A_26 = arith.constant 40 : i32
    %add3A_27 = arith.addi %mul3A_25, %add3A_26 : i32
    %eq3A_28 = arith.constant 0 : i32
    %eq3A_29 = arith.cmpi eq, %arg0, %eq3A_28 : i32
    %convert_element_type3A_30 = arith.extui %eq3A_29 : i1 to i32
    %cond3A_31 = arith.constant 0 : i32
    %cond3A_32 = arith.cmpi ne, %convert_element_type3A_30, %cond3A_31 : i32
    scf.if %cond3A_32 {
      "tpu.region"() ({
        %run_scoped3A = tpu.sem_alloc : memref<!tpu.dma_semaphore, #tpu.memory_space<semaphore_mem>>
        %dma_start3A_58 = arith.constant 0 : i32
        %dma_start3A_59 = tpu.memref_slice %arg3[%add3A_27, %dma_start3A_58] : memref<1280x250xi32, #tpu.memory_space<hbm>> -> memref<40x250xi32, #tpu.memory_space<hbm>>
        %dma_start3A_60 = arith.constant 0 : i32
        %dma_start3A_61 = tpu.memref_slice %arg3[%add3A_27, %dma_start3A_60] : memref<1280x250xi32, #tpu.memory_space<hbm>> -> memref<40x250xi32, #tpu.memory_space<hbm>>
        tpu.enqueue_dma source(%dma_start3A_61 : memref<40x250xi32, #tpu.memory_space<hbm>>) target(%arg8 : memref<40x250xi32, #tpu.memory_space<vmem>>) target_semaphore(%run_scoped3A : memref<!tpu.dma_semaphore, #tpu.memory_space<semaphore_mem>>)
        %dma_wait3A = arith.constant 0 : i32
        %dma_wait3A_62 = tpu.memref_slice %arg3[%add3A_27, %dma_wait3A] : memref<1280x250xi32, #tpu.memory_space<hbm>> -> memref<40x250xi32, #tpu.memory_space<hbm>>
        %dma_wait3A_63 = arith.constant 0 : i32
        %dma_wait3A_64 = tpu.memref_slice %arg3[%add3A_27, %dma_wait3A_63] : memref<1280x250xi32, #tpu.memory_space<hbm>> -> memref<40x250xi32, #tpu.memory_space<hbm>>
        tpu.wait_dma2 semaphore(%run_scoped3A : memref<!tpu.dma_semaphore, #tpu.memory_space<semaphore_mem>>) src(%dma_wait3A_64 : memref<40x250xi32, #tpu.memory_space<hbm>>) dst(%arg8 : memref<40x250xi32, #tpu.memory_space<vmem>>)
        tpu.yield
      }) : () -> ()
    } else {
    }
    %eq3A_33 = arith.constant 1 : i32
    %eq3A_34 = arith.cmpi eq, %arg0, %eq3A_33 : i32
    %convert_element_type3A_35 = arith.extui %eq3A_34 : i1 to i32
    %cond3A_36 = arith.constant 0 : i32
    %cond3A_37 = arith.cmpi ne, %convert_element_type3A_35, %cond3A_36 : i32
    scf.if %cond3A_37 {
      "tpu.region"() ({
        %run_scoped3A = tpu.sem_alloc : memref<!tpu.dma_semaphore, #tpu.memory_space<semaphore_mem>>
        %dma_start3A_58 = arith.constant 0 : i32
        %dma_start3A_59 = tpu.memref_slice %arg4[%add3A_27, %dma_start3A_58] : memref<1280x250xi32, #tpu.memory_space<hbm>> -> memref<40x250xi32, #tpu.memory_space<hbm>>
        %dma_start3A_60 = arith.constant 0 : i32
        %dma_start3A_61 = tpu.memref_slice %arg4[%add3A_27, %dma_start3A_60] : memref<1280x250xi32, #tpu.memory_space<hbm>> -> memref<40x250xi32, #tpu.memory_space<hbm>>
        tpu.enqueue_dma source(%dma_start3A_61 : memref<40x250xi32, #tpu.memory_space<hbm>>) target(%arg8 : memref<40x250xi32, #tpu.memory_space<vmem>>) target_semaphore(%run_scoped3A : memref<!tpu.dma_semaphore, #tpu.memory_space<semaphore_mem>>)
        %dma_wait3A = arith.constant 0 : i32
        %dma_wait3A_62 = tpu.memref_slice %arg4[%add3A_27, %dma_wait3A] : memref<1280x250xi32, #tpu.memory_space<hbm>> -> memref<40x250xi32, #tpu.memory_space<hbm>>
        %dma_wait3A_63 = arith.constant 0 : i32
        %dma_wait3A_64 = tpu.memref_slice %arg4[%add3A_27, %dma_wait3A_63] : memref<1280x250xi32, #tpu.memory_space<hbm>> -> memref<40x250xi32, #tpu.memory_space<hbm>>
        tpu.wait_dma2 semaphore(%run_scoped3A : memref<!tpu.dma_semaphore, #tpu.memory_space<semaphore_mem>>) src(%dma_wait3A_64 : memref<40x250xi32, #tpu.memory_space<hbm>>) dst(%arg8 : memref<40x250xi32, #tpu.memory_space<vmem>>)
        tpu.yield
      }) : () -> ()
    } else {
    }
    "tpu.region"() ({
      %run_scoped3A = tpu.sem_alloc : memref<!tpu.dma_semaphore, #tpu.memory_space<semaphore_mem>>
      %dma_start3A_58 = arith.constant 0 : i32
      %dma_start3A_59 = tpu.memref_slice %arg5[%add3A_27, %dma_start3A_58] : memref<1280x250xi32, #tpu.memory_space<hbm>> -> memref<40x250xi32, #tpu.memory_space<hbm>>
      %dma_start3A_60 = arith.constant 0 : i32
      %dma_start3A_61 = tpu.memref_slice %arg5[%add3A_27, %dma_start3A_60] : memref<1280x250xi32, #tpu.memory_space<hbm>> -> memref<40x250xi32, #tpu.memory_space<hbm>>
      tpu.enqueue_dma source(%dma_start3A_61 : memref<40x250xi32, #tpu.memory_space<hbm>>) target(%arg9 : memref<40x250xi32, #tpu.memory_space<vmem>>) target_semaphore(%run_scoped3A : memref<!tpu.dma_semaphore, #tpu.memory_space<semaphore_mem>>)
      %dma_wait3A = arith.constant 0 : i32
      %dma_wait3A_62 = tpu.memref_slice %arg5[%add3A_27, %dma_wait3A] : memref<1280x250xi32, #tpu.memory_space<hbm>> -> memref<40x250xi32, #tpu.memory_space<hbm>>
      %dma_wait3A_63 = arith.constant 0 : i32
      %dma_wait3A_64 = tpu.memref_slice %arg5[%add3A_27, %dma_wait3A_63] : memref<1280x250xi32, #tpu.memory_space<hbm>> -> memref<40x250xi32, #tpu.memory_space<hbm>>
      tpu.wait_dma2 semaphore(%run_scoped3A : memref<!tpu.dma_semaphore, #tpu.memory_space<semaphore_mem>>) src(%dma_wait3A_64 : memref<40x250xi32, #tpu.memory_space<hbm>>) dst(%arg9 : memref<40x250xi32, #tpu.memory_space<vmem>>)
      tpu.yield
    }) : () -> ()
    %dma_start3A_38 = arith.constant 0 : i32
    %dma_start3A_39 = arith.constant 0 : i32
    %dma_start3A_40 = tpu.memref_slice %arg8[%dma_start3A_38, %dma_start3A_39] : memref<40x250xi32, #tpu.memory_space<vmem>> -> memref<1x250xi32, #tpu.memory_space<vmem>>
    %dma_start3A_41 = tpu.memref_squeeze %dma_start3A_40 : memref<1x250xi32, #tpu.memory_space<vmem>> -> memref<250xi32, #tpu.memory_space<vmem>>
    %dma_start3A_42 = arith.constant 0 : i32
    %dma_start3A_43 = arith.constant 0 : i32
    %dma_start3A_44 = tpu.memref_slice %arg2[%dma_start3A_42, %dma_start3A_43] : memref<20000x64xf32, #tpu.memory_space<hbm>> -> memref<20000x64xf32, #tpu.memory_space<hbm>>
    tpu.enqueue_indirect_dma source(%dma_start3A_44 : memref<20000x64xf32, #tpu.memory_space<hbm>>) target(%arg10 : memref<250x64xf32, #tpu.memory_space<vmem>>) offsets(%dma_start3A_41 : memref<250xi32, #tpu.memory_space<vmem>>) semaphore(%arg13 : memref<!tpu.dma_semaphore, #tpu.memory_space<semaphore_mem>>)
    %scan3A_45 = arith.constant 0 : i32
    %scan3A_46 = arith.constant 0 : i32
    %scan3A_47 = arith.constant 20 : i32
    %scan3A_48 = arith.addi %scan3A_46, %scan3A_47 : i32
    %scan3A_49 = arith.constant 1 : i32
    scf.for %scan3A_58 = %scan3A_46 to %scan3A_48 step %scan3A_49  : i32 {
      %mul3A_59 = arith.constant 2 : i32
      %mul3A_60 = arith.muli %mul3A_59, %scan3A_58 : i32
      %add3A_61 = arith.constant 1 : i32
      %add3A_62 = arith.addi %mul3A_60, %add3A_61 : i32
      %dma_start3A_63 = arith.constant 0 : i32
      %dma_start3A_64 = tpu.memref_slice %arg8[%add3A_62, %dma_start3A_63] : memref<40x250xi32, #tpu.memory_space<vmem>> -> memref<1x250xi32, #tpu.memory_space<vmem>>
      %dma_start3A_65 = tpu.memref_squeeze %dma_start3A_64 : memref<1x250xi32, #tpu.memory_space<vmem>> -> memref<250xi32, #tpu.memory_space<vmem>>
      %dma_start3A_66 = arith.constant 0 : i32
      %dma_start3A_67 = arith.constant 0 : i32
      %dma_start3A_68 = tpu.memref_slice %arg2[%dma_start3A_66, %dma_start3A_67] : memref<20000x64xf32, #tpu.memory_space<hbm>> -> memref<20000x64xf32, #tpu.memory_space<hbm>>
      tpu.enqueue_indirect_dma source(%dma_start3A_68 : memref<20000x64xf32, #tpu.memory_space<hbm>>) target(%arg11 : memref<250x64xf32, #tpu.memory_space<vmem>>) offsets(%dma_start3A_65 : memref<250xi32, #tpu.memory_space<vmem>>) semaphore(%arg14 : memref<!tpu.dma_semaphore, #tpu.memory_space<semaphore_mem>>)
      %dma_wait3A = arith.constant 0 : i32
      %dma_wait3A_69 = arith.constant 0 : i32
      %dma_wait3A_70 = tpu.memref_slice %arg8[%dma_wait3A, %dma_wait3A_69] : memref<40x250xi32, #tpu.memory_space<vmem>> -> memref<1x250xi32, #tpu.memory_space<vmem>>
      %dma_wait3A_71 = tpu.memref_squeeze %dma_wait3A_70 : memref<1x250xi32, #tpu.memory_space<vmem>> -> memref<250xi32, #tpu.memory_space<vmem>>
      %dma_wait3A_72 = arith.constant 0 : i32
      %dma_wait3A_73 = arith.constant 0 : i32
      %dma_wait3A_74 = tpu.memref_slice %arg2[%dma_wait3A_72, %dma_wait3A_73] : memref<20000x64xf32, #tpu.memory_space<hbm>> -> memref<20000x64xf32, #tpu.memory_space<hbm>>
      tpu.wait_indirect_dma semaphore(%arg13 : memref<!tpu.dma_semaphore, #tpu.memory_space<semaphore_mem>>) src(%dma_wait3A_74 : memref<20000x64xf32, #tpu.memory_space<hbm>>) dst(%arg10 : memref<250x64xf32, #tpu.memory_space<vmem>>)
      "tpu.region"() ({
        %run_scoped3A = tpu.sem_alloc : memref<!tpu.dma_semaphore, #tpu.memory_space<semaphore_mem>>
        %dma_start3A_90 = arith.constant 0 : i32
        %dma_start3A_91 = tpu.memref_slice %arg9[%mul3A_60, %dma_start3A_90] : memref<40x250xi32, #tpu.memory_space<vmem>> -> memref<1x250xi32, #tpu.memory_space<vmem>>
        %dma_start3A_92 = tpu.memref_squeeze %dma_start3A_91 : memref<1x250xi32, #tpu.memory_space<vmem>> -> memref<250xi32, #tpu.memory_space<vmem>>
        %dma_start3A_93 = arith.constant 0 : i32
        %dma_start3A_94 = arith.constant 0 : i32
        %dma_start3A_95 = tpu.memref_slice %arg12[%dma_start3A_93, %dma_start3A_94] : memref<10240x64xf32, #tpu.memory_space<vmem_shared>> -> memref<10240x64xf32, #tpu.memory_space<vmem_shared>>
        tpu.enqueue_indirect_dma source(%arg10 : memref<250x64xf32, #tpu.memory_space<vmem>>) target(%dma_start3A_95 : memref<10240x64xf32, #tpu.memory_space<vmem_shared>>) offsets(%dma_start3A_92 : memref<250xi32, #tpu.memory_space<vmem>>) semaphore(%run_scoped3A : memref<!tpu.dma_semaphore, #tpu.memory_space<semaphore_mem>>) {add = true}
        %dma_wait3A_96 = arith.constant 0 : i32
        %dma_wait3A_97 = tpu.memref_slice %arg9[%mul3A_60, %dma_wait3A_96] : memref<40x250xi32, #tpu.memory_space<vmem>> -> memref<1x250xi32, #tpu.memory_space<vmem>>
        %dma_wait3A_98 = tpu.memref_squeeze %dma_wait3A_97 : memref<1x250xi32, #tpu.memory_space<vmem>> -> memref<250xi32, #tpu.memory_space<vmem>>
        %dma_wait3A_99 = arith.constant 0 : i32
        %dma_wait3A_100 = arith.constant 0 : i32
        %dma_wait3A_101 = tpu.memref_slice %arg12[%dma_wait3A_99, %dma_wait3A_100] : memref<10240x64xf32, #tpu.memory_space<vmem_shared>> -> memref<10240x64xf32, #tpu.memory_space<vmem_shared>>
        tpu.wait_indirect_dma semaphore(%run_scoped3A : memref<!tpu.dma_semaphore, #tpu.memory_space<semaphore_mem>>) src(%arg10 : memref<250x64xf32, #tpu.memory_space<vmem>>) dst(%dma_wait3A_101 : memref<10240x64xf32, #tpu.memory_space<vmem_shared>>)
        tpu.yield
      }) : () -> ()
      %add3A_75 = arith.constant 2 : i32
      %add3A_76 = arith.addi %mul3A_60, %add3A_75 : i32
      %lt3A = arith.constant 40 : i32
      %lt3A_77 = arith.cmpi slt, %add3A_76, %lt3A : i32
      %convert_element_type3A_78 = arith.extui %lt3A_77 : i1 to i32
      %cond3A_79 = arith.constant 0 : i32
      %cond3A_80 = arith.cmpi ne, %convert_element_type3A_78, %cond3A_79 : i32
      scf.if %cond3A_80 {
        %add3A_90 = arith.constant 2 : i32
        %add3A_91 = arith.addi %mul3A_60, %add3A_90 : i32
        %dma_start3A_92 = arith.constant 0 : i32
        %dma_start3A_93 = tpu.memref_slice %arg8[%add3A_91, %dma_start3A_92] : memref<40x250xi32, #tpu.memory_space<vmem>> -> memref<1x250xi32, #tpu.memory_space<vmem>>
        %dma_start3A_94 = tpu.memref_squeeze %dma_start3A_93 : memref<1x250xi32, #tpu.memory_space<vmem>> -> memref<250xi32, #tpu.memory_space<vmem>>
        %dma_start3A_95 = arith.constant 0 : i32
        %dma_start3A_96 = arith.constant 0 : i32
        %dma_start3A_97 = tpu.memref_slice %arg2[%dma_start3A_95, %dma_start3A_96] : memref<20000x64xf32, #tpu.memory_space<hbm>> -> memref<20000x64xf32, #tpu.memory_space<hbm>>
        tpu.enqueue_indirect_dma source(%dma_start3A_97 : memref<20000x64xf32, #tpu.memory_space<hbm>>) target(%arg10 : memref<250x64xf32, #tpu.memory_space<vmem>>) offsets(%dma_start3A_94 : memref<250xi32, #tpu.memory_space<vmem>>) semaphore(%arg13 : memref<!tpu.dma_semaphore, #tpu.memory_space<semaphore_mem>>)
      } else {
      }
      %dma_wait3A_81 = arith.constant 0 : i32
      %dma_wait3A_82 = arith.constant 0 : i32
      %dma_wait3A_83 = tpu.memref_slice %arg8[%dma_wait3A_81, %dma_wait3A_82] : memref<40x250xi32, #tpu.memory_space<vmem>> -> memref<1x250xi32, #tpu.memory_space<vmem>>
      %dma_wait3A_84 = tpu.memref_squeeze %dma_wait3A_83 : memref<1x250xi32, #tpu.memory_space<vmem>> -> memref<250xi32, #tpu.memory_space<vmem>>
      %dma_wait3A_85 = arith.constant 0 : i32
      %dma_wait3A_86 = arith.constant 0 : i32
      %dma_wait3A_87 = tpu.memref_slice %arg2[%dma_wait3A_85, %dma_wait3A_86] : memref<20000x64xf32, #tpu.memory_space<hbm>> -> memref<20000x64xf32, #tpu.memory_space<hbm>>
      tpu.wait_indirect_dma semaphore(%arg14 : memref<!tpu.dma_semaphore, #tpu.memory_space<semaphore_mem>>) src(%dma_wait3A_87 : memref<20000x64xf32, #tpu.memory_space<hbm>>) dst(%arg11 : memref<250x64xf32, #tpu.memory_space<vmem>>)
      %add3A_88 = arith.constant 1 : i32
      %add3A_89 = arith.addi %mul3A_60, %add3A_88 : i32
      "tpu.region"() ({
        %run_scoped3A = tpu.sem_alloc : memref<!tpu.dma_semaphore, #tpu.memory_space<semaphore_mem>>
        %dma_start3A_90 = arith.constant 0 : i32
        %dma_start3A_91 = tpu.memref_slice %arg9[%add3A_89, %dma_start3A_90] : memref<40x250xi32, #tpu.memory_space<vmem>> -> memref<1x250xi32, #tpu.memory_space<vmem>>
        %dma_start3A_92 = tpu.memref_squeeze %dma_start3A_91 : memref<1x250xi32, #tpu.memory_space<vmem>> -> memref<250xi32, #tpu.memory_space<vmem>>
        %dma_start3A_93 = arith.constant 0 : i32
        %dma_start3A_94 = arith.constant 0 : i32
        %dma_start3A_95 = tpu.memref_slice %arg12[%dma_start3A_93, %dma_start3A_94] : memref<10240x64xf32, #tpu.memory_space<vmem_shared>> -> memref<10240x64xf32, #tpu.memory_space<vmem_shared>>
        tpu.enqueue_indirect_dma source(%arg11 : memref<250x64xf32, #tpu.memory_space<vmem>>) target(%dma_start3A_95 : memref<10240x64xf32, #tpu.memory_space<vmem_shared>>) offsets(%dma_start3A_92 : memref<250xi32, #tpu.memory_space<vmem>>) semaphore(%run_scoped3A : memref<!tpu.dma_semaphore, #tpu.memory_space<semaphore_mem>>) {add = true}
        %dma_wait3A_96 = arith.constant 0 : i32
        %dma_wait3A_97 = tpu.memref_slice %arg9[%add3A_89, %dma_wait3A_96] : memref<40x250xi32, #tpu.memory_space<vmem>> -> memref<1x250xi32, #tpu.memory_space<vmem>>
        %dma_wait3A_98 = tpu.memref_squeeze %dma_wait3A_97 : memref<1x250xi32, #tpu.memory_space<vmem>> -> memref<250xi32, #tpu.memory_space<vmem>>
        %dma_wait3A_99 = arith.constant 0 : i32
        %dma_wait3A_100 = arith.constant 0 : i32
        %dma_wait3A_101 = tpu.memref_slice %arg12[%dma_wait3A_99, %dma_wait3A_100] : memref<10240x64xf32, #tpu.memory_space<vmem_shared>> -> memref<10240x64xf32, #tpu.memory_space<vmem_shared>>
        tpu.wait_indirect_dma semaphore(%run_scoped3A : memref<!tpu.dma_semaphore, #tpu.memory_space<semaphore_mem>>) src(%arg11 : memref<250x64xf32, #tpu.memory_space<vmem>>) dst(%dma_wait3A_101 : memref<10240x64xf32, #tpu.memory_space<vmem_shared>>)
        tpu.yield
      }) : () -> ()
    }
    %scan3A_50 = arith.constant 20 : i32
    %barrier3A_51 = arith.constant 0 : index
    tpu.barrier barrier_id(%barrier3A_51)
    %mul3A_52 = arith.constant 640 : i32
    %mul3A_53 = arith.muli %arg1, %mul3A_52 : i32
    %mul3A_54 = arith.constant 640 : i32
    %mul3A_55 = arith.muli %arg1, %mul3A_54 : i32
    %mul3A_56 = arith.constant 64 : i32
    %mul3A_57 = arith.muli %arg0, %mul3A_56 : i32
    "tpu.region"() ({
      %run_scoped3A = tpu.sem_alloc : memref<!tpu.dma_semaphore, #tpu.memory_space<semaphore_mem>>
      %dma_start3A_58 = tpu.memref_slice %arg7[%mul3A_55, %mul3A_57] : memref<10240x128xf32, #tpu.memory_space<hbm>> -> memref<640x64xf32, #tpu.memory_space<hbm>>
      %dma_start3A_59 = arith.constant 0 : i32
      %dma_start3A_60 = tpu.memref_slice %arg12[%mul3A_53, %dma_start3A_59] : memref<10240x64xf32, #tpu.memory_space<vmem_shared>> -> memref<640x64xf32, #tpu.memory_space<vmem_shared>>
      tpu.enqueue_dma source(%dma_start3A_60 : memref<640x64xf32, #tpu.memory_space<vmem_shared>>) target(%dma_start3A_58 : memref<640x64xf32, #tpu.memory_space<hbm>>) target_semaphore(%run_scoped3A : memref<!tpu.dma_semaphore, #tpu.memory_space<semaphore_mem>>)
      %dma_wait3A = tpu.memref_slice %arg7[%mul3A_55, %mul3A_57] : memref<10240x128xf32, #tpu.memory_space<hbm>> -> memref<640x64xf32, #tpu.memory_space<hbm>>
      %dma_wait3A_61 = arith.constant 0 : i32
      %dma_wait3A_62 = tpu.memref_slice %arg12[%mul3A_53, %dma_wait3A_61] : memref<10240x64xf32, #tpu.memory_space<vmem_shared>> -> memref<640x64xf32, #tpu.memory_space<vmem_shared>>
      tpu.wait_dma2 semaphore(%run_scoped3A : memref<!tpu.dma_semaphore, #tpu.memory_space<semaphore_mem>>) src(%dma_wait3A_62 : memref<640x64xf32, #tpu.memory_space<vmem_shared>>) dst(%dma_wait3A : memref<640x64xf32, #tpu.memory_space<hbm>>)
      tpu.yield
    }) : () -> ()
    return
  }
}

#map = affine_map<(d0, d1) -> (0, 0)>
module attributes {stable_mosaic.version = 14 : i64} {
  func.func @_edge_scatter(%arg0: i32, %arg1: i32, %arg2: memref<20000x64xf32, #tpu.memory_space<hbm>>, %arg3: memref<1280x250xi32, #tpu.memory_space<hbm>>, %arg4: memref<1280x250xi32, #tpu.memory_space<hbm>>, %arg5: memref<1280x250xi32, #tpu.memory_space<hbm>>, %arg6: memref<10240x64xf32, #tpu.memory_space<hbm>>, %arg7: memref<10240x128xf32, #tpu.memory_space<hbm>>, %arg8: memref<40x250xi32, #tpu.memory_space<vmem>>, %arg9: memref<40x250xi32, #tpu.memory_space<vmem>>, %arg10: memref<250x64xf32, #tpu.memory_space<vmem>>, %arg11: memref<250x64xf32, #tpu.memory_space<vmem>>, %arg12: memref<10240x64xf32, #tpu.memory_space<vmem_shared>>, %arg13: memref<!tpu.dma_semaphore, #tpu.memory_space<semaphore_mem>>, %arg14: memref<!tpu.dma_semaphore, #tpu.memory_space<semaphore_mem>>) attributes {dimension_semantics = [#tpu.dimension_semantics<core_parallel>, #tpu.dimension_semantics<subcore_parallel>], iteration_bounds = array<i64: 2, 16>, scalar_prefetch = 0 : i64, scratch_operands = 7 : i64, tpu.core_type = #tpu.core_type<sc_vector_subcore>, window_params = [{transform_indices = #map}, {transform_indices = #map}, {transform_indices = #map}, {transform_indices = #map}, {transform_indices = #map}, {transform_indices = #map}]} {
    %mul3A = arith.constant 640 : i32
    %mul3A_0 = arith.muli %arg1, %mul3A : i32
    %mul3A_1 = arith.constant 640 : i32
    %mul3A_2 = arith.muli %arg1, %mul3A_1 : i32
    "tpu.region"() ({
      %run_scoped3A = tpu.sem_alloc : memref<!tpu.dma_semaphore, #tpu.memory_space<semaphore_mem>>
      %dma_start3A_58 = arith.constant 0 : i32
      %dma_start3A_59 = tpu.memref_slice %arg12[%mul3A_2, %dma_start3A_58] : memref<10240x64xf32, #tpu.memory_space<vmem_shared>> -> memref<640x64xf32, #tpu.memory_space<vmem_shared>>
      %dma_start3A_60 = arith.constant 0 : i32
      %dma_start3A_61 = tpu.memref_slice %arg6[%mul3A_0, %dma_start3A_60] : memref<10240x64xf32, #tpu.memory_space<hbm>> -> memref<640x64xf32, #tpu.memory_space<hbm>>
      tpu.enqueue_dma source(%dma_start3A_61 : memref<640x64xf32, #tpu.memory_space<hbm>>) target(%dma_start3A_59 : memref<640x64xf32, #tpu.memory_space<vmem_shared>>) target_semaphore(%run_scoped3A : memref<!tpu.dma_semaphore, #tpu.memory_space<semaphore_mem>>)
      %dma_wait3A = arith.constant 0 : i32
      %dma_wait3A_62 = tpu.memref_slice %arg12[%mul3A_2, %dma_wait3A] : memref<10240x64xf32, #tpu.memory_space<vmem_shared>> -> memref<640x64xf32, #tpu.memory_space<vmem_shared>>
      %dma_wait3A_63 = arith.constant 0 : i32
      %dma_wait3A_64 = tpu.memref_slice %arg6[%mul3A_0, %dma_wait3A_63] : memref<10240x64xf32, #tpu.memory_space<hbm>> -> memref<640x64xf32, #tpu.memory_space<hbm>>
      tpu.wait_dma2 semaphore(%run_scoped3A : memref<!tpu.dma_semaphore, #tpu.memory_space<semaphore_mem>>) src(%dma_wait3A_64 : memref<640x64xf32, #tpu.memory_space<hbm>>) dst(%dma_wait3A_62 : memref<640x64xf32, #tpu.memory_space<vmem_shared>>)
      tpu.yield
    }) : () -> ()
    %barrier3A = arith.constant 0 : index
    tpu.barrier barrier_id(%barrier3A)
    %mul3A_3 = arith.constant 80 : i32
    %mul3A_4 = arith.muli %arg1, %mul3A_3 : i32
    %add3A = arith.constant 0 : i32
    %add3A_5 = arith.addi %mul3A_4, %add3A : i32
    %eq3A = arith.constant 0 : i32
    %eq3A_6 = arith.cmpi eq, %arg0, %eq3A : i32
    %convert_element_type3A = arith.extui %eq3A_6 : i1 to i32
    %cond3A = arith.constant 0 : i32
    %cond3A_7 = arith.cmpi ne, %convert_element_type3A, %cond3A : i32
    scf.if %cond3A_7 {
      "tpu.region"() ({
        %run_scoped3A = tpu.sem_alloc : memref<!tpu.dma_semaphore, #tpu.memory_space<semaphore_mem>>
        %dma_start3A_58 = arith.constant 0 : i32
        %dma_start3A_59 = tpu.memref_slice %arg3[%add3A_5, %dma_start3A_58] : memref<1280x250xi32, #tpu.memory_space<hbm>> -> memref<40x250xi32, #tpu.memory_space<hbm>>
        %dma_start3A_60 = arith.constant 0 : i32
        %dma_start3A_61 = tpu.memref_slice %arg3[%add3A_5, %dma_start3A_60] : memref<1280x250xi32, #tpu.memory_space<hbm>> -> memref<40x250xi32, #tpu.memory_space<hbm>>
        tpu.enqueue_dma source(%dma_start3A_61 : memref<40x250xi32, #tpu.memory_space<hbm>>) target(%arg8 : memref<40x250xi32, #tpu.memory_space<vmem>>) target_semaphore(%run_scoped3A : memref<!tpu.dma_semaphore, #tpu.memory_space<semaphore_mem>>)
        %dma_wait3A = arith.constant 0 : i32
        %dma_wait3A_62 = tpu.memref_slice %arg3[%add3A_5, %dma_wait3A] : memref<1280x250xi32, #tpu.memory_space<hbm>> -> memref<40x250xi32, #tpu.memory_space<hbm>>
        %dma_wait3A_63 = arith.constant 0 : i32
        %dma_wait3A_64 = tpu.memref_slice %arg3[%add3A_5, %dma_wait3A_63] : memref<1280x250xi32, #tpu.memory_space<hbm>> -> memref<40x250xi32, #tpu.memory_space<hbm>>
        tpu.wait_dma2 semaphore(%run_scoped3A : memref<!tpu.dma_semaphore, #tpu.memory_space<semaphore_mem>>) src(%dma_wait3A_64 : memref<40x250xi32, #tpu.memory_space<hbm>>) dst(%arg8 : memref<40x250xi32, #tpu.memory_space<vmem>>)
        tpu.yield
      }) : () -> ()
    } else {
    }
    %eq3A_8 = arith.constant 1 : i32
    %eq3A_9 = arith.cmpi eq, %arg0, %eq3A_8 : i32
    %convert_element_type3A_10 = arith.extui %eq3A_9 : i1 to i32
    %cond3A_11 = arith.constant 0 : i32
    %cond3A_12 = arith.cmpi ne, %convert_element_type3A_10, %cond3A_11 : i32
    scf.if %cond3A_12 {
      "tpu.region"() ({
        %run_scoped3A = tpu.sem_alloc : memref<!tpu.dma_semaphore, #tpu.memory_space<semaphore_mem>>
        %dma_start3A_58 = arith.constant 0 : i32
        %dma_start3A_59 = tpu.memref_slice %arg4[%add3A_5, %dma_start3A_58] : memref<1280x250xi32, #tpu.memory_space<hbm>> -> memref<40x250xi32, #tpu.memory_space<hbm>>
        %dma_start3A_60 = arith.constant 0 : i32
        %dma_start3A_61 = tpu.memref_slice %arg4[%add3A_5, %dma_start3A_60] : memref<1280x250xi32, #tpu.memory_space<hbm>> -> memref<40x250xi32, #tpu.memory_space<hbm>>
        tpu.enqueue_dma source(%dma_start3A_61 : memref<40x250xi32, #tpu.memory_space<hbm>>) target(%arg8 : memref<40x250xi32, #tpu.memory_space<vmem>>) target_semaphore(%run_scoped3A : memref<!tpu.dma_semaphore, #tpu.memory_space<semaphore_mem>>)
        %dma_wait3A = arith.constant 0 : i32
        %dma_wait3A_62 = tpu.memref_slice %arg4[%add3A_5, %dma_wait3A] : memref<1280x250xi32, #tpu.memory_space<hbm>> -> memref<40x250xi32, #tpu.memory_space<hbm>>
        %dma_wait3A_63 = arith.constant 0 : i32
        %dma_wait3A_64 = tpu.memref_slice %arg4[%add3A_5, %dma_wait3A_63] : memref<1280x250xi32, #tpu.memory_space<hbm>> -> memref<40x250xi32, #tpu.memory_space<hbm>>
        tpu.wait_dma2 semaphore(%run_scoped3A : memref<!tpu.dma_semaphore, #tpu.memory_space<semaphore_mem>>) src(%dma_wait3A_64 : memref<40x250xi32, #tpu.memory_space<hbm>>) dst(%arg8 : memref<40x250xi32, #tpu.memory_space<vmem>>)
        tpu.yield
      }) : () -> ()
    } else {
    }
    "tpu.region"() ({
      %run_scoped3A = tpu.sem_alloc : memref<!tpu.dma_semaphore, #tpu.memory_space<semaphore_mem>>
      %dma_start3A_58 = arith.constant 0 : i32
      %dma_start3A_59 = tpu.memref_slice %arg5[%add3A_5, %dma_start3A_58] : memref<1280x250xi32, #tpu.memory_space<hbm>> -> memref<40x250xi32, #tpu.memory_space<hbm>>
      %dma_start3A_60 = arith.constant 0 : i32
      %dma_start3A_61 = tpu.memref_slice %arg5[%add3A_5, %dma_start3A_60] : memref<1280x250xi32, #tpu.memory_space<hbm>> -> memref<40x250xi32, #tpu.memory_space<hbm>>
      tpu.enqueue_dma source(%dma_start3A_61 : memref<40x250xi32, #tpu.memory_space<hbm>>) target(%arg9 : memref<40x250xi32, #tpu.memory_space<vmem>>) target_semaphore(%run_scoped3A : memref<!tpu.dma_semaphore, #tpu.memory_space<semaphore_mem>>)
      %dma_wait3A = arith.constant 0 : i32
      %dma_wait3A_62 = tpu.memref_slice %arg5[%add3A_5, %dma_wait3A] : memref<1280x250xi32, #tpu.memory_space<hbm>> -> memref<40x250xi32, #tpu.memory_space<hbm>>
      %dma_wait3A_63 = arith.constant 0 : i32
      %dma_wait3A_64 = tpu.memref_slice %arg5[%add3A_5, %dma_wait3A_63] : memref<1280x250xi32, #tpu.memory_space<hbm>> -> memref<40x250xi32, #tpu.memory_space<hbm>>
      tpu.wait_dma2 semaphore(%run_scoped3A : memref<!tpu.dma_semaphore, #tpu.memory_space<semaphore_mem>>) src(%dma_wait3A_64 : memref<40x250xi32, #tpu.memory_space<hbm>>) dst(%arg9 : memref<40x250xi32, #tpu.memory_space<vmem>>)
      tpu.yield
    }) : () -> ()
    %dma_start3A = arith.constant 0 : i32
    %dma_start3A_13 = arith.constant 0 : i32
    %dma_start3A_14 = tpu.memref_slice %arg8[%dma_start3A, %dma_start3A_13] : memref<40x250xi32, #tpu.memory_space<vmem>> -> memref<1x250xi32, #tpu.memory_space<vmem>>
    %dma_start3A_15 = tpu.memref_squeeze %dma_start3A_14 : memref<1x250xi32, #tpu.memory_space<vmem>> -> memref<250xi32, #tpu.memory_space<vmem>>
    %dma_start3A_16 = arith.constant 0 : i32
    %dma_start3A_17 = arith.constant 0 : i32
    %dma_start3A_18 = tpu.memref_slice %arg2[%dma_start3A_16, %dma_start3A_17] : memref<20000x64xf32, #tpu.memory_space<hbm>> -> memref<20000x64xf32, #tpu.memory_space<hbm>>
    tpu.enqueue_indirect_dma source(%dma_start3A_18 : memref<20000x64xf32, #tpu.memory_space<hbm>>) target(%arg10 : memref<250x64xf32, #tpu.memory_space<vmem>>) offsets(%dma_start3A_15 : memref<250xi32, #tpu.memory_space<vmem>>) semaphore(%arg13 : memref<!tpu.dma_semaphore, #tpu.memory_space<semaphore_mem>>)
    %scan3A = arith.constant 0 : i32
    %scan3A_19 = arith.constant 0 : i32
    %scan3A_20 = arith.constant 20 : i32
    %scan3A_21 = arith.addi %scan3A_19, %scan3A_20 : i32
    %scan3A_22 = arith.constant 1 : i32
    scf.for %scan3A_58 = %scan3A_19 to %scan3A_21 step %scan3A_22  : i32 {
      %mul3A_59 = arith.constant 2 : i32
      %mul3A_60 = arith.muli %mul3A_59, %scan3A_58 : i32
      %add3A_61 = arith.constant 1 : i32
      %add3A_62 = arith.addi %mul3A_60, %add3A_61 : i32
      %dma_start3A_63 = arith.constant 0 : i32
      %dma_start3A_64 = tpu.memref_slice %arg8[%add3A_62, %dma_start3A_63] : memref<40x250xi32, #tpu.memory_space<vmem>> -> memref<1x250xi32, #tpu.memory_space<vmem>>
      %dma_start3A_65 = tpu.memref_squeeze %dma_start3A_64 : memref<1x250xi32, #tpu.memory_space<vmem>> -> memref<250xi32, #tpu.memory_space<vmem>>
      %dma_start3A_66 = arith.constant 0 : i32
      %dma_start3A_67 = arith.constant 0 : i32
      %dma_start3A_68 = tpu.memref_slice %arg2[%dma_start3A_66, %dma_start3A_67] : memref<20000x64xf32, #tpu.memory_space<hbm>> -> memref<20000x64xf32, #tpu.memory_space<hbm>>
      tpu.enqueue_indirect_dma source(%dma_start3A_68 : memref<20000x64xf32, #tpu.memory_space<hbm>>) target(%arg11 : memref<250x64xf32, #tpu.memory_space<vmem>>) offsets(%dma_start3A_65 : memref<250xi32, #tpu.memory_space<vmem>>) semaphore(%arg14 : memref<!tpu.dma_semaphore, #tpu.memory_space<semaphore_mem>>)
      %dma_wait3A = arith.constant 0 : i32
      %dma_wait3A_69 = arith.constant 0 : i32
      %dma_wait3A_70 = tpu.memref_slice %arg8[%dma_wait3A, %dma_wait3A_69] : memref<40x250xi32, #tpu.memory_space<vmem>> -> memref<1x250xi32, #tpu.memory_space<vmem>>
      %dma_wait3A_71 = tpu.memref_squeeze %dma_wait3A_70 : memref<1x250xi32, #tpu.memory_space<vmem>> -> memref<250xi32, #tpu.memory_space<vmem>>
      %dma_wait3A_72 = arith.constant 0 : i32
      %dma_wait3A_73 = arith.constant 0 : i32
      %dma_wait3A_74 = tpu.memref_slice %arg2[%dma_wait3A_72, %dma_wait3A_73] : memref<20000x64xf32, #tpu.memory_space<hbm>> -> memref<20000x64xf32, #tpu.memory_space<hbm>>
      tpu.wait_indirect_dma semaphore(%arg13 : memref<!tpu.dma_semaphore, #tpu.memory_space<semaphore_mem>>) src(%dma_wait3A_74 : memref<20000x64xf32, #tpu.memory_space<hbm>>) dst(%arg10 : memref<250x64xf32, #tpu.memory_space<vmem>>)
      "tpu.region"() ({
        %run_scoped3A = tpu.sem_alloc : memref<!tpu.dma_semaphore, #tpu.memory_space<semaphore_mem>>
        %dma_start3A_90 = arith.constant 0 : i32
        %dma_start3A_91 = tpu.memref_slice %arg9[%mul3A_60, %dma_start3A_90] : memref<40x250xi32, #tpu.memory_space<vmem>> -> memref<1x250xi32, #tpu.memory_space<vmem>>
        %dma_start3A_92 = tpu.memref_squeeze %dma_start3A_91 : memref<1x250xi32, #tpu.memory_space<vmem>> -> memref<250xi32, #tpu.memory_space<vmem>>
        %dma_start3A_93 = arith.constant 0 : i32
        %dma_start3A_94 = arith.constant 0 : i32
        %dma_start3A_95 = tpu.memref_slice %arg12[%dma_start3A_93, %dma_start3A_94] : memref<10240x64xf32, #tpu.memory_space<vmem_shared>> -> memref<10240x64xf32, #tpu.memory_space<vmem_shared>>
        tpu.enqueue_indirect_dma source(%arg10 : memref<250x64xf32, #tpu.memory_space<vmem>>) target(%dma_start3A_95 : memref<10240x64xf32, #tpu.memory_space<vmem_shared>>) offsets(%dma_start3A_92 : memref<250xi32, #tpu.memory_space<vmem>>) semaphore(%run_scoped3A : memref<!tpu.dma_semaphore, #tpu.memory_space<semaphore_mem>>) {add = true}
        %dma_wait3A_96 = arith.constant 0 : i32
        %dma_wait3A_97 = tpu.memref_slice %arg9[%mul3A_60, %dma_wait3A_96] : memref<40x250xi32, #tpu.memory_space<vmem>> -> memref<1x250xi32, #tpu.memory_space<vmem>>
        %dma_wait3A_98 = tpu.memref_squeeze %dma_wait3A_97 : memref<1x250xi32, #tpu.memory_space<vmem>> -> memref<250xi32, #tpu.memory_space<vmem>>
        %dma_wait3A_99 = arith.constant 0 : i32
        %dma_wait3A_100 = arith.constant 0 : i32
        %dma_wait3A_101 = tpu.memref_slice %arg12[%dma_wait3A_99, %dma_wait3A_100] : memref<10240x64xf32, #tpu.memory_space<vmem_shared>> -> memref<10240x64xf32, #tpu.memory_space<vmem_shared>>
        tpu.wait_indirect_dma semaphore(%run_scoped3A : memref<!tpu.dma_semaphore, #tpu.memory_space<semaphore_mem>>) src(%arg10 : memref<250x64xf32, #tpu.memory_space<vmem>>) dst(%dma_wait3A_101 : memref<10240x64xf32, #tpu.memory_space<vmem_shared>>)
        tpu.yield
      }) : () -> ()
      %add3A_75 = arith.constant 2 : i32
      %add3A_76 = arith.addi %mul3A_60, %add3A_75 : i32
      %lt3A = arith.constant 40 : i32
      %lt3A_77 = arith.cmpi slt, %add3A_76, %lt3A : i32
      %convert_element_type3A_78 = arith.extui %lt3A_77 : i1 to i32
      %cond3A_79 = arith.constant 0 : i32
      %cond3A_80 = arith.cmpi ne, %convert_element_type3A_78, %cond3A_79 : i32
      scf.if %cond3A_80 {
        %add3A_90 = arith.constant 2 : i32
        %add3A_91 = arith.addi %mul3A_60, %add3A_90 : i32
        %dma_start3A_92 = arith.constant 0 : i32
        %dma_start3A_93 = tpu.memref_slice %arg8[%add3A_91, %dma_start3A_92] : memref<40x250xi32, #tpu.memory_space<vmem>> -> memref<1x250xi32, #tpu.memory_space<vmem>>
        %dma_start3A_94 = tpu.memref_squeeze %dma_start3A_93 : memref<1x250xi32, #tpu.memory_space<vmem>> -> memref<250xi32, #tpu.memory_space<vmem>>
        %dma_start3A_95 = arith.constant 0 : i32
        %dma_start3A_96 = arith.constant 0 : i32
        %dma_start3A_97 = tpu.memref_slice %arg2[%dma_start3A_95, %dma_start3A_96] : memref<20000x64xf32, #tpu.memory_space<hbm>> -> memref<20000x64xf32, #tpu.memory_space<hbm>>
        tpu.enqueue_indirect_dma source(%dma_start3A_97 : memref<20000x64xf32, #tpu.memory_space<hbm>>) target(%arg10 : memref<250x64xf32, #tpu.memory_space<vmem>>) offsets(%dma_start3A_94 : memref<250xi32, #tpu.memory_space<vmem>>) semaphore(%arg13 : memref<!tpu.dma_semaphore, #tpu.memory_space<semaphore_mem>>)
      } else {
      }
      %dma_wait3A_81 = arith.constant 0 : i32
      %dma_wait3A_82 = arith.constant 0 : i32
      %dma_wait3A_83 = tpu.memref_slice %arg8[%dma_wait3A_81, %dma_wait3A_82] : memref<40x250xi32, #tpu.memory_space<vmem>> -> memref<1x250xi32, #tpu.memory_space<vmem>>
      %dma_wait3A_84 = tpu.memref_squeeze %dma_wait3A_83 : memref<1x250xi32, #tpu.memory_space<vmem>> -> memref<250xi32, #tpu.memory_space<vmem>>
      %dma_wait3A_85 = arith.constant 0 : i32
      %dma_wait3A_86 = arith.constant 0 : i32
      %dma_wait3A_87 = tpu.memref_slice %arg2[%dma_wait3A_85, %dma_wait3A_86] : memref<20000x64xf32, #tpu.memory_space<hbm>> -> memref<20000x64xf32, #tpu.memory_space<hbm>>
      tpu.wait_indirect_dma semaphore(%arg14 : memref<!tpu.dma_semaphore, #tpu.memory_space<semaphore_mem>>) src(%dma_wait3A_87 : memref<20000x64xf32, #tpu.memory_space<hbm>>) dst(%arg11 : memref<250x64xf32, #tpu.memory_space<vmem>>)
      %add3A_88 = arith.constant 1 : i32
      %add3A_89 = arith.addi %mul3A_60, %add3A_88 : i32
      "tpu.region"() ({
        %run_scoped3A = tpu.sem_alloc : memref<!tpu.dma_semaphore, #tpu.memory_space<semaphore_mem>>
        %dma_start3A_90 = arith.constant 0 : i32
        %dma_start3A_91 = tpu.memref_slice %arg9[%add3A_89, %dma_start3A_90] : memref<40x250xi32, #tpu.memory_space<vmem>> -> memref<1x250xi32, #tpu.memory_space<vmem>>
        %dma_start3A_92 = tpu.memref_squeeze %dma_start3A_91 : memref<1x250xi32, #tpu.memory_space<vmem>> -> memref<250xi32, #tpu.memory_space<vmem>>
        %dma_start3A_93 = arith.constant 0 : i32
        %dma_start3A_94 = arith.constant 0 : i32
        %dma_start3A_95 = tpu.memref_slice %arg12[%dma_start3A_93, %dma_start3A_94] : memref<10240x64xf32, #tpu.memory_space<vmem_shared>> -> memref<10240x64xf32, #tpu.memory_space<vmem_shared>>
        tpu.enqueue_indirect_dma source(%arg11 : memref<250x64xf32, #tpu.memory_space<vmem>>) target(%dma_start3A_95 : memref<10240x64xf32, #tpu.memory_space<vmem_shared>>) offsets(%dma_start3A_92 : memref<250xi32, #tpu.memory_space<vmem>>) semaphore(%run_scoped3A : memref<!tpu.dma_semaphore, #tpu.memory_space<semaphore_mem>>) {add = true}
        %dma_wait3A_96 = arith.constant 0 : i32
        %dma_wait3A_97 = tpu.memref_slice %arg9[%add3A_89, %dma_wait3A_96] : memref<40x250xi32, #tpu.memory_space<vmem>> -> memref<1x250xi32, #tpu.memory_space<vmem>>
        %dma_wait3A_98 = tpu.memref_squeeze %dma_wait3A_97 : memref<1x250xi32, #tpu.memory_space<vmem>> -> memref<250xi32, #tpu.memory_space<vmem>>
        %dma_wait3A_99 = arith.constant 0 : i32
        %dma_wait3A_100 = arith.constant 0 : i32
        %dma_wait3A_101 = tpu.memref_slice %arg12[%dma_wait3A_99, %dma_wait3A_100] : memref<10240x64xf32, #tpu.memory_space<vmem_shared>> -> memref<10240x64xf32, #tpu.memory_space<vmem_shared>>
        tpu.wait_indirect_dma semaphore(%run_scoped3A : memref<!tpu.dma_semaphore, #tpu.memory_space<semaphore_mem>>) src(%arg11 : memref<250x64xf32, #tpu.memory_space<vmem>>) dst(%dma_wait3A_101 : memref<10240x64xf32, #tpu.memory_space<vmem_shared>>)
        tpu.yield
      }) : () -> ()
    }
    %scan3A_23 = arith.constant 20 : i32
    %mul3A_24 = arith.constant 80 : i32
    %mul3A_25 = arith.muli %arg1, %mul3A_24 : i32
    %add3A_26 = arith.constant 40 : i32
    %add3A_27 = arith.addi %mul3A_25, %add3A_26 : i32
    %eq3A_28 = arith.constant 0 : i32
    %eq3A_29 = arith.cmpi eq, %arg0, %eq3A_28 : i32
    %convert_element_type3A_30 = arith.extui %eq3A_29 : i1 to i32
    %cond3A_31 = arith.constant 0 : i32
    %cond3A_32 = arith.cmpi ne, %convert_element_type3A_30, %cond3A_31 : i32
    scf.if %cond3A_32 {
      "tpu.region"() ({
        %run_scoped3A = tpu.sem_alloc : memref<!tpu.dma_semaphore, #tpu.memory_space<semaphore_mem>>
        %dma_start3A_58 = arith.constant 0 : i32
        %dma_start3A_59 = tpu.memref_slice %arg3[%add3A_27, %dma_start3A_58] : memref<1280x250xi32, #tpu.memory_space<hbm>> -> memref<40x250xi32, #tpu.memory_space<hbm>>
        %dma_start3A_60 = arith.constant 0 : i32
        %dma_start3A_61 = tpu.memref_slice %arg3[%add3A_27, %dma_start3A_60] : memref<1280x250xi32, #tpu.memory_space<hbm>> -> memref<40x250xi32, #tpu.memory_space<hbm>>
        tpu.enqueue_dma source(%dma_start3A_61 : memref<40x250xi32, #tpu.memory_space<hbm>>) target(%arg8 : memref<40x250xi32, #tpu.memory_space<vmem>>) target_semaphore(%run_scoped3A : memref<!tpu.dma_semaphore, #tpu.memory_space<semaphore_mem>>)
        %dma_wait3A = arith.constant 0 : i32
        %dma_wait3A_62 = tpu.memref_slice %arg3[%add3A_27, %dma_wait3A] : memref<1280x250xi32, #tpu.memory_space<hbm>> -> memref<40x250xi32, #tpu.memory_space<hbm>>
        %dma_wait3A_63 = arith.constant 0 : i32
        %dma_wait3A_64 = tpu.memref_slice %arg3[%add3A_27, %dma_wait3A_63] : memref<1280x250xi32, #tpu.memory_space<hbm>> -> memref<40x250xi32, #tpu.memory_space<hbm>>
        tpu.wait_dma2 semaphore(%run_scoped3A : memref<!tpu.dma_semaphore, #tpu.memory_space<semaphore_mem>>) src(%dma_wait3A_64 : memref<40x250xi32, #tpu.memory_space<hbm>>) dst(%arg8 : memref<40x250xi32, #tpu.memory_space<vmem>>)
        tpu.yield
      }) : () -> ()
    } else {
    }
    %eq3A_33 = arith.constant 1 : i32
    %eq3A_34 = arith.cmpi eq, %arg0, %eq3A_33 : i32
    %convert_element_type3A_35 = arith.extui %eq3A_34 : i1 to i32
    %cond3A_36 = arith.constant 0 : i32
    %cond3A_37 = arith.cmpi ne, %convert_element_type3A_35, %cond3A_36 : i32
    scf.if %cond3A_37 {
      "tpu.region"() ({
        %run_scoped3A = tpu.sem_alloc : memref<!tpu.dma_semaphore, #tpu.memory_space<semaphore_mem>>
        %dma_start3A_58 = arith.constant 0 : i32
        %dma_start3A_59 = tpu.memref_slice %arg4[%add3A_27, %dma_start3A_58] : memref<1280x250xi32, #tpu.memory_space<hbm>> -> memref<40x250xi32, #tpu.memory_space<hbm>>
        %dma_start3A_60 = arith.constant 0 : i32
        %dma_start3A_61 = tpu.memref_slice %arg4[%add3A_27, %dma_start3A_60] : memref<1280x250xi32, #tpu.memory_space<hbm>> -> memref<40x250xi32, #tpu.memory_space<hbm>>
        tpu.enqueue_dma source(%dma_start3A_61 : memref<40x250xi32, #tpu.memory_space<hbm>>) target(%arg8 : memref<40x250xi32, #tpu.memory_space<vmem>>) target_semaphore(%run_scoped3A : memref<!tpu.dma_semaphore, #tpu.memory_space<semaphore_mem>>)
        %dma_wait3A = arith.constant 0 : i32
        %dma_wait3A_62 = tpu.memref_slice %arg4[%add3A_27, %dma_wait3A] : memref<1280x250xi32, #tpu.memory_space<hbm>> -> memref<40x250xi32, #tpu.memory_space<hbm>>
        %dma_wait3A_63 = arith.constant 0 : i32
        %dma_wait3A_64 = tpu.memref_slice %arg4[%add3A_27, %dma_wait3A_63] : memref<1280x250xi32, #tpu.memory_space<hbm>> -> memref<40x250xi32, #tpu.memory_space<hbm>>
        tpu.wait_dma2 semaphore(%run_scoped3A : memref<!tpu.dma_semaphore, #tpu.memory_space<semaphore_mem>>) src(%dma_wait3A_64 : memref<40x250xi32, #tpu.memory_space<hbm>>) dst(%arg8 : memref<40x250xi32, #tpu.memory_space<vmem>>)
        tpu.yield
      }) : () -> ()
    } else {
    }
    "tpu.region"() ({
      %run_scoped3A = tpu.sem_alloc : memref<!tpu.dma_semaphore, #tpu.memory_space<semaphore_mem>>
      %dma_start3A_58 = arith.constant 0 : i32
      %dma_start3A_59 = tpu.memref_slice %arg5[%add3A_27, %dma_start3A_58] : memref<1280x250xi32, #tpu.memory_space<hbm>> -> memref<40x250xi32, #tpu.memory_space<hbm>>
      %dma_start3A_60 = arith.constant 0 : i32
      %dma_start3A_61 = tpu.memref_slice %arg5[%add3A_27, %dma_start3A_60] : memref<1280x250xi32, #tpu.memory_space<hbm>> -> memref<40x250xi32, #tpu.memory_space<hbm>>
      tpu.enqueue_dma source(%dma_start3A_61 : memref<40x250xi32, #tpu.memory_space<hbm>>) target(%arg9 : memref<40x250xi32, #tpu.memory_space<vmem>>) target_semaphore(%run_scoped3A : memref<!tpu.dma_semaphore, #tpu.memory_space<semaphore_mem>>)
      %dma_wait3A = arith.constant 0 : i32
      %dma_wait3A_62 = tpu.memref_slice %arg5[%add3A_27, %dma_wait3A] : memref<1280x250xi32, #tpu.memory_space<hbm>> -> memref<40x250xi32, #tpu.memory_space<hbm>>
      %dma_wait3A_63 = arith.constant 0 : i32
      %dma_wait3A_64 = tpu.memref_slice %arg5[%add3A_27, %dma_wait3A_63] : memref<1280x250xi32, #tpu.memory_space<hbm>> -> memref<40x250xi32, #tpu.memory_space<hbm>>
      tpu.wait_dma2 semaphore(%run_scoped3A : memref<!tpu.dma_semaphore, #tpu.memory_space<semaphore_mem>>) src(%dma_wait3A_64 : memref<40x250xi32, #tpu.memory_space<hbm>>) dst(%arg9 : memref<40x250xi32, #tpu.memory_space<vmem>>)
      tpu.yield
    }) : () -> ()
    %dma_start3A_38 = arith.constant 0 : i32
    %dma_start3A_39 = arith.constant 0 : i32
    %dma_start3A_40 = tpu.memref_slice %arg8[%dma_start3A_38, %dma_start3A_39] : memref<40x250xi32, #tpu.memory_space<vmem>> -> memref<1x250xi32, #tpu.memory_space<vmem>>
    %dma_start3A_41 = tpu.memref_squeeze %dma_start3A_40 : memref<1x250xi32, #tpu.memory_space<vmem>> -> memref<250xi32, #tpu.memory_space<vmem>>
    %dma_start3A_42 = arith.constant 0 : i32
    %dma_start3A_43 = arith.constant 0 : i32
    %dma_start3A_44 = tpu.memref_slice %arg2[%dma_start3A_42, %dma_start3A_43] : memref<20000x64xf32, #tpu.memory_space<hbm>> -> memref<20000x64xf32, #tpu.memory_space<hbm>>
    tpu.enqueue_indirect_dma source(%dma_start3A_44 : memref<20000x64xf32, #tpu.memory_space<hbm>>) target(%arg10 : memref<250x64xf32, #tpu.memory_space<vmem>>) offsets(%dma_start3A_41 : memref<250xi32, #tpu.memory_space<vmem>>) semaphore(%arg13 : memref<!tpu.dma_semaphore, #tpu.memory_space<semaphore_mem>>)
    %scan3A_45 = arith.constant 0 : i32
    %scan3A_46 = arith.constant 0 : i32
    %scan3A_47 = arith.constant 20 : i32
    %scan3A_48 = arith.addi %scan3A_46, %scan3A_47 : i32
    %scan3A_49 = arith.constant 1 : i32
    scf.for %scan3A_58 = %scan3A_46 to %scan3A_48 step %scan3A_49  : i32 {
      %mul3A_59 = arith.constant 2 : i32
      %mul3A_60 = arith.muli %mul3A_59, %scan3A_58 : i32
      %add3A_61 = arith.constant 1 : i32
      %add3A_62 = arith.addi %mul3A_60, %add3A_61 : i32
      %dma_start3A_63 = arith.constant 0 : i32
      %dma_start3A_64 = tpu.memref_slice %arg8[%add3A_62, %dma_start3A_63] : memref<40x250xi32, #tpu.memory_space<vmem>> -> memref<1x250xi32, #tpu.memory_space<vmem>>
      %dma_start3A_65 = tpu.memref_squeeze %dma_start3A_64 : memref<1x250xi32, #tpu.memory_space<vmem>> -> memref<250xi32, #tpu.memory_space<vmem>>
      %dma_start3A_66 = arith.constant 0 : i32
      %dma_start3A_67 = arith.constant 0 : i32
      %dma_start3A_68 = tpu.memref_slice %arg2[%dma_start3A_66, %dma_start3A_67] : memref<20000x64xf32, #tpu.memory_space<hbm>> -> memref<20000x64xf32, #tpu.memory_space<hbm>>
      tpu.enqueue_indirect_dma source(%dma_start3A_68 : memref<20000x64xf32, #tpu.memory_space<hbm>>) target(%arg11 : memref<250x64xf32, #tpu.memory_space<vmem>>) offsets(%dma_start3A_65 : memref<250xi32, #tpu.memory_space<vmem>>) semaphore(%arg14 : memref<!tpu.dma_semaphore, #tpu.memory_space<semaphore_mem>>)
      %dma_wait3A = arith.constant 0 : i32
      %dma_wait3A_69 = arith.constant 0 : i32
      %dma_wait3A_70 = tpu.memref_slice %arg8[%dma_wait3A, %dma_wait3A_69] : memref<40x250xi32, #tpu.memory_space<vmem>> -> memref<1x250xi32, #tpu.memory_space<vmem>>
      %dma_wait3A_71 = tpu.memref_squeeze %dma_wait3A_70 : memref<1x250xi32, #tpu.memory_space<vmem>> -> memref<250xi32, #tpu.memory_space<vmem>>
      %dma_wait3A_72 = arith.constant 0 : i32
      %dma_wait3A_73 = arith.constant 0 : i32
      %dma_wait3A_74 = tpu.memref_slice %arg2[%dma_wait3A_72, %dma_wait3A_73] : memref<20000x64xf32, #tpu.memory_space<hbm>> -> memref<20000x64xf32, #tpu.memory_space<hbm>>
      tpu.wait_indirect_dma semaphore(%arg13 : memref<!tpu.dma_semaphore, #tpu.memory_space<semaphore_mem>>) src(%dma_wait3A_74 : memref<20000x64xf32, #tpu.memory_space<hbm>>) dst(%arg10 : memref<250x64xf32, #tpu.memory_space<vmem>>)
      "tpu.region"() ({
        %run_scoped3A = tpu.sem_alloc : memref<!tpu.dma_semaphore, #tpu.memory_space<semaphore_mem>>
        %dma_start3A_90 = arith.constant 0 : i32
        %dma_start3A_91 = tpu.memref_slice %arg9[%mul3A_60, %dma_start3A_90] : memref<40x250xi32, #tpu.memory_space<vmem>> -> memref<1x250xi32, #tpu.memory_space<vmem>>
        %dma_start3A_92 = tpu.memref_squeeze %dma_start3A_91 : memref<1x250xi32, #tpu.memory_space<vmem>> -> memref<250xi32, #tpu.memory_space<vmem>>
        %dma_start3A_93 = arith.constant 0 : i32
        %dma_start3A_94 = arith.constant 0 : i32
        %dma_start3A_95 = tpu.memref_slice %arg12[%dma_start3A_93, %dma_start3A_94] : memref<10240x64xf32, #tpu.memory_space<vmem_shared>> -> memref<10240x64xf32, #tpu.memory_space<vmem_shared>>
        tpu.enqueue_indirect_dma source(%arg10 : memref<250x64xf32, #tpu.memory_space<vmem>>) target(%dma_start3A_95 : memref<10240x64xf32, #tpu.memory_space<vmem_shared>>) offsets(%dma_start3A_92 : memref<250xi32, #tpu.memory_space<vmem>>) semaphore(%run_scoped3A : memref<!tpu.dma_semaphore, #tpu.memory_space<semaphore_mem>>) {add = true}
        %dma_wait3A_96 = arith.constant 0 : i32
        %dma_wait3A_97 = tpu.memref_slice %arg9[%mul3A_60, %dma_wait3A_96] : memref<40x250xi32, #tpu.memory_space<vmem>> -> memref<1x250xi32, #tpu.memory_space<vmem>>
        %dma_wait3A_98 = tpu.memref_squeeze %dma_wait3A_97 : memref<1x250xi32, #tpu.memory_space<vmem>> -> memref<250xi32, #tpu.memory_space<vmem>>
        %dma_wait3A_99 = arith.constant 0 : i32
        %dma_wait3A_100 = arith.constant 0 : i32
        %dma_wait3A_101 = tpu.memref_slice %arg12[%dma_wait3A_99, %dma_wait3A_100] : memref<10240x64xf32, #tpu.memory_space<vmem_shared>> -> memref<10240x64xf32, #tpu.memory_space<vmem_shared>>
        tpu.wait_indirect_dma semaphore(%run_scoped3A : memref<!tpu.dma_semaphore, #tpu.memory_space<semaphore_mem>>) src(%arg10 : memref<250x64xf32, #tpu.memory_space<vmem>>) dst(%dma_wait3A_101 : memref<10240x64xf32, #tpu.memory_space<vmem_shared>>)
        tpu.yield
      }) : () -> ()
      %add3A_75 = arith.constant 2 : i32
      %add3A_76 = arith.addi %mul3A_60, %add3A_75 : i32
      %lt3A = arith.constant 40 : i32
      %lt3A_77 = arith.cmpi slt, %add3A_76, %lt3A : i32
      %convert_element_type3A_78 = arith.extui %lt3A_77 : i1 to i32
      %cond3A_79 = arith.constant 0 : i32
      %cond3A_80 = arith.cmpi ne, %convert_element_type3A_78, %cond3A_79 : i32
      scf.if %cond3A_80 {
        %add3A_90 = arith.constant 2 : i32
        %add3A_91 = arith.addi %mul3A_60, %add3A_90 : i32
        %dma_start3A_92 = arith.constant 0 : i32
        %dma_start3A_93 = tpu.memref_slice %arg8[%add3A_91, %dma_start3A_92] : memref<40x250xi32, #tpu.memory_space<vmem>> -> memref<1x250xi32, #tpu.memory_space<vmem>>
        %dma_start3A_94 = tpu.memref_squeeze %dma_start3A_93 : memref<1x250xi32, #tpu.memory_space<vmem>> -> memref<250xi32, #tpu.memory_space<vmem>>
        %dma_start3A_95 = arith.constant 0 : i32
        %dma_start3A_96 = arith.constant 0 : i32
        %dma_start3A_97 = tpu.memref_slice %arg2[%dma_start3A_95, %dma_start3A_96] : memref<20000x64xf32, #tpu.memory_space<hbm>> -> memref<20000x64xf32, #tpu.memory_space<hbm>>
        tpu.enqueue_indirect_dma source(%dma_start3A_97 : memref<20000x64xf32, #tpu.memory_space<hbm>>) target(%arg10 : memref<250x64xf32, #tpu.memory_space<vmem>>) offsets(%dma_start3A_94 : memref<250xi32, #tpu.memory_space<vmem>>) semaphore(%arg13 : memref<!tpu.dma_semaphore, #tpu.memory_space<semaphore_mem>>)
      } else {
      }
      %dma_wait3A_81 = arith.constant 0 : i32
      %dma_wait3A_82 = arith.constant 0 : i32
      %dma_wait3A_83 = tpu.memref_slice %arg8[%dma_wait3A_81, %dma_wait3A_82] : memref<40x250xi32, #tpu.memory_space<vmem>> -> memref<1x250xi32, #tpu.memory_space<vmem>>
      %dma_wait3A_84 = tpu.memref_squeeze %dma_wait3A_83 : memref<1x250xi32, #tpu.memory_space<vmem>> -> memref<250xi32, #tpu.memory_space<vmem>>
      %dma_wait3A_85 = arith.constant 0 : i32
      %dma_wait3A_86 = arith.constant 0 : i32
      %dma_wait3A_87 = tpu.memref_slice %arg2[%dma_wait3A_85, %dma_wait3A_86] : memref<20000x64xf32, #tpu.memory_space<hbm>> -> memref<20000x64xf32, #tpu.memory_space<hbm>>
      tpu.wait_indirect_dma semaphore(%arg14 : memref<!tpu.dma_semaphore, #tpu.memory_space<semaphore_mem>>) src(%dma_wait3A_87 : memref<20000x64xf32, #tpu.memory_space<hbm>>) dst(%arg11 : memref<250x64xf32, #tpu.memory_space<vmem>>)
      %add3A_88 = arith.constant 1 : i32
      %add3A_89 = arith.addi %mul3A_60, %add3A_88 : i32
      "tpu.region"() ({
        %run_scoped3A = tpu.sem_alloc : memref<!tpu.dma_semaphore, #tpu.memory_space<semaphore_mem>>
        %dma_start3A_90 = arith.constant 0 : i32
        %dma_start3A_91 = tpu.memref_slice %arg9[%add3A_89, %dma_start3A_90] : memref<40x250xi32, #tpu.memory_space<vmem>> -> memref<1x250xi32, #tpu.memory_space<vmem>>
        %dma_start3A_92 = tpu.memref_squeeze %dma_start3A_91 : memref<1x250xi32, #tpu.memory_space<vmem>> -> memref<250xi32, #tpu.memory_space<vmem>>
        %dma_start3A_93 = arith.constant 0 : i32
        %dma_start3A_94 = arith.constant 0 : i32
        %dma_start3A_95 = tpu.memref_slice %arg12[%dma_start3A_93, %dma_start3A_94] : memref<10240x64xf32, #tpu.memory_space<vmem_shared>> -> memref<10240x64xf32, #tpu.memory_space<vmem_shared>>
        tpu.enqueue_indirect_dma source(%arg11 : memref<250x64xf32, #tpu.memory_space<vmem>>) target(%dma_start3A_95 : memref<10240x64xf32, #tpu.memory_space<vmem_shared>>) offsets(%dma_start3A_92 : memref<250xi32, #tpu.memory_space<vmem>>) semaphore(%run_scoped3A : memref<!tpu.dma_semaphore, #tpu.memory_space<semaphore_mem>>) {add = true}
        %dma_wait3A_96 = arith.constant 0 : i32
        %dma_wait3A_97 = tpu.memref_slice %arg9[%add3A_89, %dma_wait3A_96] : memref<40x250xi32, #tpu.memory_space<vmem>> -> memref<1x250xi32, #tpu.memory_space<vmem>>
        %dma_wait3A_98 = tpu.memref_squeeze %dma_wait3A_97 : memref<1x250xi32, #tpu.memory_space<vmem>> -> memref<250xi32, #tpu.memory_space<vmem>>
        %dma_wait3A_99 = arith.constant 0 : i32
        %dma_wait3A_100 = arith.constant 0 : i32
        %dma_wait3A_101 = tpu.memref_slice %arg12[%dma_wait3A_99, %dma_wait3A_100] : memref<10240x64xf32, #tpu.memory_space<vmem_shared>> -> memref<10240x64xf32, #tpu.memory_space<vmem_shared>>
        tpu.wait_indirect_dma semaphore(%run_scoped3A : memref<!tpu.dma_semaphore, #tpu.memory_space<semaphore_mem>>) src(%arg11 : memref<250x64xf32, #tpu.memory_space<vmem>>) dst(%dma_wait3A_101 : memref<10240x64xf32, #tpu.memory_space<vmem_shared>>)
        tpu.yield
      }) : () -> ()
    }
    %scan3A_50 = arith.constant 20 : i32
    %barrier3A_51 = arith.constant 0 : index
    tpu.barrier barrier_id(%barrier3A_51)
    %mul3A_52 = arith.constant 640 : i32
    %mul3A_53 = arith.muli %arg1, %mul3A_52 : i32
    %mul3A_54 = arith.constant 640 : i32
    %mul3A_55 = arith.muli %arg1, %mul3A_54 : i32
    %mul3A_56 = arith.constant 64 : i32
    %mul3A_57 = arith.muli %arg0, %mul3A_56 : i32
    "tpu.region"() ({
      %run_scoped3A = tpu.sem_alloc : memref<!tpu.dma_semaphore, #tpu.memory_space<semaphore_mem>>
      %dma_start3A_58 = tpu.memref_slice %arg7[%mul3A_55, %mul3A_57] : memref<10240x128xf32, #tpu.memory_space<hbm>> -> memref<640x64xf32, #tpu.memory_space<hbm>>
      %dma_start3A_59 = arith.constant 0 : i32
      %dma_start3A_60 = tpu.memref_slice %arg12[%mul3A_53, %dma_start3A_59] : memref<10240x64xf32, #tpu.memory_space<vmem_shared>> -> memref<640x64xf32, #tpu.memory_space<vmem_shared>>
      tpu.enqueue_dma source(%dma_start3A_60 : memref<640x64xf32, #tpu.memory_space<vmem_shared>>) target(%dma_start3A_58 : memref<640x64xf32, #tpu.memory_space<hbm>>) target_semaphore(%run_scoped3A : memref<!tpu.dma_semaphore, #tpu.memory_space<semaphore_mem>>)
      %dma_wait3A = tpu.memref_slice %arg7[%mul3A_55, %mul3A_57] : memref<10240x128xf32, #tpu.memory_space<hbm>> -> memref<640x64xf32, #tpu.memory_space<hbm>>
      %dma_wait3A_61 = arith.constant 0 : i32
      %dma_wait3A_62 = tpu.memref_slice %arg12[%mul3A_53, %dma_wait3A_61] : memref<10240x64xf32, #tpu.memory_space<vmem_shared>> -> memref<640x64xf32, #tpu.memory_space<vmem_shared>>
      tpu.wait_dma2 semaphore(%run_scoped3A : memref<!tpu.dma_semaphore, #tpu.memory_space<semaphore_mem>>) src(%dma_wait3A_62 : memref<640x64xf32, #tpu.memory_space<vmem_shared>>) dst(%dma_wait3A : memref<640x64xf32, #tpu.memory_space<hbm>>)
      tpu.yield
    }) : () -> ()
    return
  }
}

#map = affine_map<(d0, d1) -> (0, 0)>
module attributes {stable_mosaic.version = 14 : i64} {
  func.func @_edge_scatter(%arg0: i32, %arg1: i32, %arg2: memref<20000x64xf32, #tpu.memory_space<hbm>>, %arg3: memref<1280x250xi32, #tpu.memory_space<hbm>>, %arg4: memref<1280x250xi32, #tpu.memory_space<hbm>>, %arg5: memref<1280x250xi32, #tpu.memory_space<hbm>>, %arg6: memref<10240x64xf32, #tpu.memory_space<hbm>>, %arg7: memref<10240x128xf32, #tpu.memory_space<hbm>>, %arg8: memref<40x250xi32, #tpu.memory_space<vmem>>, %arg9: memref<40x250xi32, #tpu.memory_space<vmem>>, %arg10: memref<250x64xf32, #tpu.memory_space<vmem>>, %arg11: memref<250x64xf32, #tpu.memory_space<vmem>>, %arg12: memref<10240x64xf32, #tpu.memory_space<vmem_shared>>, %arg13: memref<!tpu.dma_semaphore, #tpu.memory_space<semaphore_mem>>, %arg14: memref<!tpu.dma_semaphore, #tpu.memory_space<semaphore_mem>>) attributes {dimension_semantics = [#tpu.dimension_semantics<core_parallel>, #tpu.dimension_semantics<subcore_parallel>], iteration_bounds = array<i64: 2, 16>, scalar_prefetch = 0 : i64, scratch_operands = 7 : i64, tpu.core_type = #tpu.core_type<sc_vector_subcore>, window_params = [{transform_indices = #map}, {transform_indices = #map}, {transform_indices = #map}, {transform_indices = #map}, {transform_indices = #map}, {transform_indices = #map}]} {
    %mul3A = arith.constant 640 : i32
    %mul3A_0 = arith.muli %arg1, %mul3A : i32
    %mul3A_1 = arith.constant 640 : i32
    %mul3A_2 = arith.muli %arg1, %mul3A_1 : i32
    "tpu.region"() ({
      %run_scoped3A = tpu.sem_alloc : memref<!tpu.dma_semaphore, #tpu.memory_space<semaphore_mem>>
      %dma_start3A_58 = arith.constant 0 : i32
      %dma_start3A_59 = tpu.memref_slice %arg12[%mul3A_2, %dma_start3A_58] : memref<10240x64xf32, #tpu.memory_space<vmem_shared>> -> memref<640x64xf32, #tpu.memory_space<vmem_shared>>
      %dma_start3A_60 = arith.constant 0 : i32
      %dma_start3A_61 = tpu.memref_slice %arg6[%mul3A_0, %dma_start3A_60] : memref<10240x64xf32, #tpu.memory_space<hbm>> -> memref<640x64xf32, #tpu.memory_space<hbm>>
      tpu.enqueue_dma source(%dma_start3A_61 : memref<640x64xf32, #tpu.memory_space<hbm>>) target(%dma_start3A_59 : memref<640x64xf32, #tpu.memory_space<vmem_shared>>) target_semaphore(%run_scoped3A : memref<!tpu.dma_semaphore, #tpu.memory_space<semaphore_mem>>)
      %dma_wait3A = arith.constant 0 : i32
      %dma_wait3A_62 = tpu.memref_slice %arg12[%mul3A_2, %dma_wait3A] : memref<10240x64xf32, #tpu.memory_space<vmem_shared>> -> memref<640x64xf32, #tpu.memory_space<vmem_shared>>
      %dma_wait3A_63 = arith.constant 0 : i32
      %dma_wait3A_64 = tpu.memref_slice %arg6[%mul3A_0, %dma_wait3A_63] : memref<10240x64xf32, #tpu.memory_space<hbm>> -> memref<640x64xf32, #tpu.memory_space<hbm>>
      tpu.wait_dma2 semaphore(%run_scoped3A : memref<!tpu.dma_semaphore, #tpu.memory_space<semaphore_mem>>) src(%dma_wait3A_64 : memref<640x64xf32, #tpu.memory_space<hbm>>) dst(%dma_wait3A_62 : memref<640x64xf32, #tpu.memory_space<vmem_shared>>)
      tpu.yield
    }) : () -> ()
    %barrier3A = arith.constant 0 : index
    tpu.barrier barrier_id(%barrier3A)
    %mul3A_3 = arith.constant 80 : i32
    %mul3A_4 = arith.muli %arg1, %mul3A_3 : i32
    %add3A = arith.constant 0 : i32
    %add3A_5 = arith.addi %mul3A_4, %add3A : i32
    %eq3A = arith.constant 0 : i32
    %eq3A_6 = arith.cmpi eq, %arg0, %eq3A : i32
    %convert_element_type3A = arith.extui %eq3A_6 : i1 to i32
    %cond3A = arith.constant 0 : i32
    %cond3A_7 = arith.cmpi ne, %convert_element_type3A, %cond3A : i32
    scf.if %cond3A_7 {
      "tpu.region"() ({
        %run_scoped3A = tpu.sem_alloc : memref<!tpu.dma_semaphore, #tpu.memory_space<semaphore_mem>>
        %dma_start3A_58 = arith.constant 0 : i32
        %dma_start3A_59 = tpu.memref_slice %arg3[%add3A_5, %dma_start3A_58] : memref<1280x250xi32, #tpu.memory_space<hbm>> -> memref<40x250xi32, #tpu.memory_space<hbm>>
        %dma_start3A_60 = arith.constant 0 : i32
        %dma_start3A_61 = tpu.memref_slice %arg3[%add3A_5, %dma_start3A_60] : memref<1280x250xi32, #tpu.memory_space<hbm>> -> memref<40x250xi32, #tpu.memory_space<hbm>>
        tpu.enqueue_dma source(%dma_start3A_61 : memref<40x250xi32, #tpu.memory_space<hbm>>) target(%arg8 : memref<40x250xi32, #tpu.memory_space<vmem>>) target_semaphore(%run_scoped3A : memref<!tpu.dma_semaphore, #tpu.memory_space<semaphore_mem>>)
        %dma_wait3A = arith.constant 0 : i32
        %dma_wait3A_62 = tpu.memref_slice %arg3[%add3A_5, %dma_wait3A] : memref<1280x250xi32, #tpu.memory_space<hbm>> -> memref<40x250xi32, #tpu.memory_space<hbm>>
        %dma_wait3A_63 = arith.constant 0 : i32
        %dma_wait3A_64 = tpu.memref_slice %arg3[%add3A_5, %dma_wait3A_63] : memref<1280x250xi32, #tpu.memory_space<hbm>> -> memref<40x250xi32, #tpu.memory_space<hbm>>
        tpu.wait_dma2 semaphore(%run_scoped3A : memref<!tpu.dma_semaphore, #tpu.memory_space<semaphore_mem>>) src(%dma_wait3A_64 : memref<40x250xi32, #tpu.memory_space<hbm>>) dst(%arg8 : memref<40x250xi32, #tpu.memory_space<vmem>>)
        tpu.yield
      }) : () -> ()
    } else {
    }
    %eq3A_8 = arith.constant 1 : i32
    %eq3A_9 = arith.cmpi eq, %arg0, %eq3A_8 : i32
    %convert_element_type3A_10 = arith.extui %eq3A_9 : i1 to i32
    %cond3A_11 = arith.constant 0 : i32
    %cond3A_12 = arith.cmpi ne, %convert_element_type3A_10, %cond3A_11 : i32
    scf.if %cond3A_12 {
      "tpu.region"() ({
        %run_scoped3A = tpu.sem_alloc : memref<!tpu.dma_semaphore, #tpu.memory_space<semaphore_mem>>
        %dma_start3A_58 = arith.constant 0 : i32
        %dma_start3A_59 = tpu.memref_slice %arg4[%add3A_5, %dma_start3A_58] : memref<1280x250xi32, #tpu.memory_space<hbm>> -> memref<40x250xi32, #tpu.memory_space<hbm>>
        %dma_start3A_60 = arith.constant 0 : i32
        %dma_start3A_61 = tpu.memref_slice %arg4[%add3A_5, %dma_start3A_60] : memref<1280x250xi32, #tpu.memory_space<hbm>> -> memref<40x250xi32, #tpu.memory_space<hbm>>
        tpu.enqueue_dma source(%dma_start3A_61 : memref<40x250xi32, #tpu.memory_space<hbm>>) target(%arg8 : memref<40x250xi32, #tpu.memory_space<vmem>>) target_semaphore(%run_scoped3A : memref<!tpu.dma_semaphore, #tpu.memory_space<semaphore_mem>>)
        %dma_wait3A = arith.constant 0 : i32
        %dma_wait3A_62 = tpu.memref_slice %arg4[%add3A_5, %dma_wait3A] : memref<1280x250xi32, #tpu.memory_space<hbm>> -> memref<40x250xi32, #tpu.memory_space<hbm>>
        %dma_wait3A_63 = arith.constant 0 : i32
        %dma_wait3A_64 = tpu.memref_slice %arg4[%add3A_5, %dma_wait3A_63] : memref<1280x250xi32, #tpu.memory_space<hbm>> -> memref<40x250xi32, #tpu.memory_space<hbm>>
        tpu.wait_dma2 semaphore(%run_scoped3A : memref<!tpu.dma_semaphore, #tpu.memory_space<semaphore_mem>>) src(%dma_wait3A_64 : memref<40x250xi32, #tpu.memory_space<hbm>>) dst(%arg8 : memref<40x250xi32, #tpu.memory_space<vmem>>)
        tpu.yield
      }) : () -> ()
    } else {
    }
    "tpu.region"() ({
      %run_scoped3A = tpu.sem_alloc : memref<!tpu.dma_semaphore, #tpu.memory_space<semaphore_mem>>
      %dma_start3A_58 = arith.constant 0 : i32
      %dma_start3A_59 = tpu.memref_slice %arg5[%add3A_5, %dma_start3A_58] : memref<1280x250xi32, #tpu.memory_space<hbm>> -> memref<40x250xi32, #tpu.memory_space<hbm>>
      %dma_start3A_60 = arith.constant 0 : i32
      %dma_start3A_61 = tpu.memref_slice %arg5[%add3A_5, %dma_start3A_60] : memref<1280x250xi32, #tpu.memory_space<hbm>> -> memref<40x250xi32, #tpu.memory_space<hbm>>
      tpu.enqueue_dma source(%dma_start3A_61 : memref<40x250xi32, #tpu.memory_space<hbm>>) target(%arg9 : memref<40x250xi32, #tpu.memory_space<vmem>>) target_semaphore(%run_scoped3A : memref<!tpu.dma_semaphore, #tpu.memory_space<semaphore_mem>>)
      %dma_wait3A = arith.constant 0 : i32
      %dma_wait3A_62 = tpu.memref_slice %arg5[%add3A_5, %dma_wait3A] : memref<1280x250xi32, #tpu.memory_space<hbm>> -> memref<40x250xi32, #tpu.memory_space<hbm>>
      %dma_wait3A_63 = arith.constant 0 : i32
      %dma_wait3A_64 = tpu.memref_slice %arg5[%add3A_5, %dma_wait3A_63] : memref<1280x250xi32, #tpu.memory_space<hbm>> -> memref<40x250xi32, #tpu.memory_space<hbm>>
      tpu.wait_dma2 semaphore(%run_scoped3A : memref<!tpu.dma_semaphore, #tpu.memory_space<semaphore_mem>>) src(%dma_wait3A_64 : memref<40x250xi32, #tpu.memory_space<hbm>>) dst(%arg9 : memref<40x250xi32, #tpu.memory_space<vmem>>)
      tpu.yield
    }) : () -> ()
    %dma_start3A = arith.constant 0 : i32
    %dma_start3A_13 = arith.constant 0 : i32
    %dma_start3A_14 = tpu.memref_slice %arg8[%dma_start3A, %dma_start3A_13] : memref<40x250xi32, #tpu.memory_space<vmem>> -> memref<1x250xi32, #tpu.memory_space<vmem>>
    %dma_start3A_15 = tpu.memref_squeeze %dma_start3A_14 : memref<1x250xi32, #tpu.memory_space<vmem>> -> memref<250xi32, #tpu.memory_space<vmem>>
    %dma_start3A_16 = arith.constant 0 : i32
    %dma_start3A_17 = arith.constant 0 : i32
    %dma_start3A_18 = tpu.memref_slice %arg2[%dma_start3A_16, %dma_start3A_17] : memref<20000x64xf32, #tpu.memory_space<hbm>> -> memref<20000x64xf32, #tpu.memory_space<hbm>>
    tpu.enqueue_indirect_dma source(%dma_start3A_18 : memref<20000x64xf32, #tpu.memory_space<hbm>>) target(%arg10 : memref<250x64xf32, #tpu.memory_space<vmem>>) offsets(%dma_start3A_15 : memref<250xi32, #tpu.memory_space<vmem>>) semaphore(%arg13 : memref<!tpu.dma_semaphore, #tpu.memory_space<semaphore_mem>>)
    %scan3A = arith.constant 0 : i32
    %scan3A_19 = arith.constant 0 : i32
    %scan3A_20 = arith.constant 20 : i32
    %scan3A_21 = arith.addi %scan3A_19, %scan3A_20 : i32
    %scan3A_22 = arith.constant 1 : i32
    scf.for %scan3A_58 = %scan3A_19 to %scan3A_21 step %scan3A_22  : i32 {
      %mul3A_59 = arith.constant 2 : i32
      %mul3A_60 = arith.muli %mul3A_59, %scan3A_58 : i32
      %add3A_61 = arith.constant 1 : i32
      %add3A_62 = arith.addi %mul3A_60, %add3A_61 : i32
      %dma_start3A_63 = arith.constant 0 : i32
      %dma_start3A_64 = tpu.memref_slice %arg8[%add3A_62, %dma_start3A_63] : memref<40x250xi32, #tpu.memory_space<vmem>> -> memref<1x250xi32, #tpu.memory_space<vmem>>
      %dma_start3A_65 = tpu.memref_squeeze %dma_start3A_64 : memref<1x250xi32, #tpu.memory_space<vmem>> -> memref<250xi32, #tpu.memory_space<vmem>>
      %dma_start3A_66 = arith.constant 0 : i32
      %dma_start3A_67 = arith.constant 0 : i32
      %dma_start3A_68 = tpu.memref_slice %arg2[%dma_start3A_66, %dma_start3A_67] : memref<20000x64xf32, #tpu.memory_space<hbm>> -> memref<20000x64xf32, #tpu.memory_space<hbm>>
      tpu.enqueue_indirect_dma source(%dma_start3A_68 : memref<20000x64xf32, #tpu.memory_space<hbm>>) target(%arg11 : memref<250x64xf32, #tpu.memory_space<vmem>>) offsets(%dma_start3A_65 : memref<250xi32, #tpu.memory_space<vmem>>) semaphore(%arg14 : memref<!tpu.dma_semaphore, #tpu.memory_space<semaphore_mem>>)
      %dma_wait3A = arith.constant 0 : i32
      %dma_wait3A_69 = arith.constant 0 : i32
      %dma_wait3A_70 = tpu.memref_slice %arg8[%dma_wait3A, %dma_wait3A_69] : memref<40x250xi32, #tpu.memory_space<vmem>> -> memref<1x250xi32, #tpu.memory_space<vmem>>
      %dma_wait3A_71 = tpu.memref_squeeze %dma_wait3A_70 : memref<1x250xi32, #tpu.memory_space<vmem>> -> memref<250xi32, #tpu.memory_space<vmem>>
      %dma_wait3A_72 = arith.constant 0 : i32
      %dma_wait3A_73 = arith.constant 0 : i32
      %dma_wait3A_74 = tpu.memref_slice %arg2[%dma_wait3A_72, %dma_wait3A_73] : memref<20000x64xf32, #tpu.memory_space<hbm>> -> memref<20000x64xf32, #tpu.memory_space<hbm>>
      tpu.wait_indirect_dma semaphore(%arg13 : memref<!tpu.dma_semaphore, #tpu.memory_space<semaphore_mem>>) src(%dma_wait3A_74 : memref<20000x64xf32, #tpu.memory_space<hbm>>) dst(%arg10 : memref<250x64xf32, #tpu.memory_space<vmem>>)
      "tpu.region"() ({
        %run_scoped3A = tpu.sem_alloc : memref<!tpu.dma_semaphore, #tpu.memory_space<semaphore_mem>>
        %dma_start3A_90 = arith.constant 0 : i32
        %dma_start3A_91 = tpu.memref_slice %arg9[%mul3A_60, %dma_start3A_90] : memref<40x250xi32, #tpu.memory_space<vmem>> -> memref<1x250xi32, #tpu.memory_space<vmem>>
        %dma_start3A_92 = tpu.memref_squeeze %dma_start3A_91 : memref<1x250xi32, #tpu.memory_space<vmem>> -> memref<250xi32, #tpu.memory_space<vmem>>
        %dma_start3A_93 = arith.constant 0 : i32
        %dma_start3A_94 = arith.constant 0 : i32
        %dma_start3A_95 = tpu.memref_slice %arg12[%dma_start3A_93, %dma_start3A_94] : memref<10240x64xf32, #tpu.memory_space<vmem_shared>> -> memref<10240x64xf32, #tpu.memory_space<vmem_shared>>
        tpu.enqueue_indirect_dma source(%arg10 : memref<250x64xf32, #tpu.memory_space<vmem>>) target(%dma_start3A_95 : memref<10240x64xf32, #tpu.memory_space<vmem_shared>>) offsets(%dma_start3A_92 : memref<250xi32, #tpu.memory_space<vmem>>) semaphore(%run_scoped3A : memref<!tpu.dma_semaphore, #tpu.memory_space<semaphore_mem>>) {add = true}
        %dma_wait3A_96 = arith.constant 0 : i32
        %dma_wait3A_97 = tpu.memref_slice %arg9[%mul3A_60, %dma_wait3A_96] : memref<40x250xi32, #tpu.memory_space<vmem>> -> memref<1x250xi32, #tpu.memory_space<vmem>>
        %dma_wait3A_98 = tpu.memref_squeeze %dma_wait3A_97 : memref<1x250xi32, #tpu.memory_space<vmem>> -> memref<250xi32, #tpu.memory_space<vmem>>
        %dma_wait3A_99 = arith.constant 0 : i32
        %dma_wait3A_100 = arith.constant 0 : i32
        %dma_wait3A_101 = tpu.memref_slice %arg12[%dma_wait3A_99, %dma_wait3A_100] : memref<10240x64xf32, #tpu.memory_space<vmem_shared>> -> memref<10240x64xf32, #tpu.memory_space<vmem_shared>>
        tpu.wait_indirect_dma semaphore(%run_scoped3A : memref<!tpu.dma_semaphore, #tpu.memory_space<semaphore_mem>>) src(%arg10 : memref<250x64xf32, #tpu.memory_space<vmem>>) dst(%dma_wait3A_101 : memref<10240x64xf32, #tpu.memory_space<vmem_shared>>)
        tpu.yield
      }) : () -> ()
      %add3A_75 = arith.constant 2 : i32
      %add3A_76 = arith.addi %mul3A_60, %add3A_75 : i32
      %lt3A = arith.constant 40 : i32
      %lt3A_77 = arith.cmpi slt, %add3A_76, %lt3A : i32
      %convert_element_type3A_78 = arith.extui %lt3A_77 : i1 to i32
      %cond3A_79 = arith.constant 0 : i32
      %cond3A_80 = arith.cmpi ne, %convert_element_type3A_78, %cond3A_79 : i32
      scf.if %cond3A_80 {
        %add3A_90 = arith.constant 2 : i32
        %add3A_91 = arith.addi %mul3A_60, %add3A_90 : i32
        %dma_start3A_92 = arith.constant 0 : i32
        %dma_start3A_93 = tpu.memref_slice %arg8[%add3A_91, %dma_start3A_92] : memref<40x250xi32, #tpu.memory_space<vmem>> -> memref<1x250xi32, #tpu.memory_space<vmem>>
        %dma_start3A_94 = tpu.memref_squeeze %dma_start3A_93 : memref<1x250xi32, #tpu.memory_space<vmem>> -> memref<250xi32, #tpu.memory_space<vmem>>
        %dma_start3A_95 = arith.constant 0 : i32
        %dma_start3A_96 = arith.constant 0 : i32
        %dma_start3A_97 = tpu.memref_slice %arg2[%dma_start3A_95, %dma_start3A_96] : memref<20000x64xf32, #tpu.memory_space<hbm>> -> memref<20000x64xf32, #tpu.memory_space<hbm>>
        tpu.enqueue_indirect_dma source(%dma_start3A_97 : memref<20000x64xf32, #tpu.memory_space<hbm>>) target(%arg10 : memref<250x64xf32, #tpu.memory_space<vmem>>) offsets(%dma_start3A_94 : memref<250xi32, #tpu.memory_space<vmem>>) semaphore(%arg13 : memref<!tpu.dma_semaphore, #tpu.memory_space<semaphore_mem>>)
      } else {
      }
      %dma_wait3A_81 = arith.constant 0 : i32
      %dma_wait3A_82 = arith.constant 0 : i32
      %dma_wait3A_83 = tpu.memref_slice %arg8[%dma_wait3A_81, %dma_wait3A_82] : memref<40x250xi32, #tpu.memory_space<vmem>> -> memref<1x250xi32, #tpu.memory_space<vmem>>
      %dma_wait3A_84 = tpu.memref_squeeze %dma_wait3A_83 : memref<1x250xi32, #tpu.memory_space<vmem>> -> memref<250xi32, #tpu.memory_space<vmem>>
      %dma_wait3A_85 = arith.constant 0 : i32
      %dma_wait3A_86 = arith.constant 0 : i32
      %dma_wait3A_87 = tpu.memref_slice %arg2[%dma_wait3A_85, %dma_wait3A_86] : memref<20000x64xf32, #tpu.memory_space<hbm>> -> memref<20000x64xf32, #tpu.memory_space<hbm>>
      tpu.wait_indirect_dma semaphore(%arg14 : memref<!tpu.dma_semaphore, #tpu.memory_space<semaphore_mem>>) src(%dma_wait3A_87 : memref<20000x64xf32, #tpu.memory_space<hbm>>) dst(%arg11 : memref<250x64xf32, #tpu.memory_space<vmem>>)
      %add3A_88 = arith.constant 1 : i32
      %add3A_89 = arith.addi %mul3A_60, %add3A_88 : i32
      "tpu.region"() ({
        %run_scoped3A = tpu.sem_alloc : memref<!tpu.dma_semaphore, #tpu.memory_space<semaphore_mem>>
        %dma_start3A_90 = arith.constant 0 : i32
        %dma_start3A_91 = tpu.memref_slice %arg9[%add3A_89, %dma_start3A_90] : memref<40x250xi32, #tpu.memory_space<vmem>> -> memref<1x250xi32, #tpu.memory_space<vmem>>
        %dma_start3A_92 = tpu.memref_squeeze %dma_start3A_91 : memref<1x250xi32, #tpu.memory_space<vmem>> -> memref<250xi32, #tpu.memory_space<vmem>>
        %dma_start3A_93 = arith.constant 0 : i32
        %dma_start3A_94 = arith.constant 0 : i32
        %dma_start3A_95 = tpu.memref_slice %arg12[%dma_start3A_93, %dma_start3A_94] : memref<10240x64xf32, #tpu.memory_space<vmem_shared>> -> memref<10240x64xf32, #tpu.memory_space<vmem_shared>>
        tpu.enqueue_indirect_dma source(%arg11 : memref<250x64xf32, #tpu.memory_space<vmem>>) target(%dma_start3A_95 : memref<10240x64xf32, #tpu.memory_space<vmem_shared>>) offsets(%dma_start3A_92 : memref<250xi32, #tpu.memory_space<vmem>>) semaphore(%run_scoped3A : memref<!tpu.dma_semaphore, #tpu.memory_space<semaphore_mem>>) {add = true}
        %dma_wait3A_96 = arith.constant 0 : i32
        %dma_wait3A_97 = tpu.memref_slice %arg9[%add3A_89, %dma_wait3A_96] : memref<40x250xi32, #tpu.memory_space<vmem>> -> memref<1x250xi32, #tpu.memory_space<vmem>>
        %dma_wait3A_98 = tpu.memref_squeeze %dma_wait3A_97 : memref<1x250xi32, #tpu.memory_space<vmem>> -> memref<250xi32, #tpu.memory_space<vmem>>
        %dma_wait3A_99 = arith.constant 0 : i32
        %dma_wait3A_100 = arith.constant 0 : i32
        %dma_wait3A_101 = tpu.memref_slice %arg12[%dma_wait3A_99, %dma_wait3A_100] : memref<10240x64xf32, #tpu.memory_space<vmem_shared>> -> memref<10240x64xf32, #tpu.memory_space<vmem_shared>>
        tpu.wait_indirect_dma semaphore(%run_scoped3A : memref<!tpu.dma_semaphore, #tpu.memory_space<semaphore_mem>>) src(%arg11 : memref<250x64xf32, #tpu.memory_space<vmem>>) dst(%dma_wait3A_101 : memref<10240x64xf32, #tpu.memory_space<vmem_shared>>)
        tpu.yield
      }) : () -> ()
    }
    %scan3A_23 = arith.constant 20 : i32
    %mul3A_24 = arith.constant 80 : i32
    %mul3A_25 = arith.muli %arg1, %mul3A_24 : i32
    %add3A_26 = arith.constant 40 : i32
    %add3A_27 = arith.addi %mul3A_25, %add3A_26 : i32
    %eq3A_28 = arith.constant 0 : i32
    %eq3A_29 = arith.cmpi eq, %arg0, %eq3A_28 : i32
    %convert_element_type3A_30 = arith.extui %eq3A_29 : i1 to i32
    %cond3A_31 = arith.constant 0 : i32
    %cond3A_32 = arith.cmpi ne, %convert_element_type3A_30, %cond3A_31 : i32
    scf.if %cond3A_32 {
      "tpu.region"() ({
        %run_scoped3A = tpu.sem_alloc : memref<!tpu.dma_semaphore, #tpu.memory_space<semaphore_mem>>
        %dma_start3A_58 = arith.constant 0 : i32
        %dma_start3A_59 = tpu.memref_slice %arg3[%add3A_27, %dma_start3A_58] : memref<1280x250xi32, #tpu.memory_space<hbm>> -> memref<40x250xi32, #tpu.memory_space<hbm>>
        %dma_start3A_60 = arith.constant 0 : i32
        %dma_start3A_61 = tpu.memref_slice %arg3[%add3A_27, %dma_start3A_60] : memref<1280x250xi32, #tpu.memory_space<hbm>> -> memref<40x250xi32, #tpu.memory_space<hbm>>
        tpu.enqueue_dma source(%dma_start3A_61 : memref<40x250xi32, #tpu.memory_space<hbm>>) target(%arg8 : memref<40x250xi32, #tpu.memory_space<vmem>>) target_semaphore(%run_scoped3A : memref<!tpu.dma_semaphore, #tpu.memory_space<semaphore_mem>>)
        %dma_wait3A = arith.constant 0 : i32
        %dma_wait3A_62 = tpu.memref_slice %arg3[%add3A_27, %dma_wait3A] : memref<1280x250xi32, #tpu.memory_space<hbm>> -> memref<40x250xi32, #tpu.memory_space<hbm>>
        %dma_wait3A_63 = arith.constant 0 : i32
        %dma_wait3A_64 = tpu.memref_slice %arg3[%add3A_27, %dma_wait3A_63] : memref<1280x250xi32, #tpu.memory_space<hbm>> -> memref<40x250xi32, #tpu.memory_space<hbm>>
        tpu.wait_dma2 semaphore(%run_scoped3A : memref<!tpu.dma_semaphore, #tpu.memory_space<semaphore_mem>>) src(%dma_wait3A_64 : memref<40x250xi32, #tpu.memory_space<hbm>>) dst(%arg8 : memref<40x250xi32, #tpu.memory_space<vmem>>)
        tpu.yield
      }) : () -> ()
    } else {
    }
    %eq3A_33 = arith.constant 1 : i32
    %eq3A_34 = arith.cmpi eq, %arg0, %eq3A_33 : i32
    %convert_element_type3A_35 = arith.extui %eq3A_34 : i1 to i32
    %cond3A_36 = arith.constant 0 : i32
    %cond3A_37 = arith.cmpi ne, %convert_element_type3A_35, %cond3A_36 : i32
    scf.if %cond3A_37 {
      "tpu.region"() ({
        %run_scoped3A = tpu.sem_alloc : memref<!tpu.dma_semaphore, #tpu.memory_space<semaphore_mem>>
        %dma_start3A_58 = arith.constant 0 : i32
        %dma_start3A_59 = tpu.memref_slice %arg4[%add3A_27, %dma_start3A_58] : memref<1280x250xi32, #tpu.memory_space<hbm>> -> memref<40x250xi32, #tpu.memory_space<hbm>>
        %dma_start3A_60 = arith.constant 0 : i32
        %dma_start3A_61 = tpu.memref_slice %arg4[%add3A_27, %dma_start3A_60] : memref<1280x250xi32, #tpu.memory_space<hbm>> -> memref<40x250xi32, #tpu.memory_space<hbm>>
        tpu.enqueue_dma source(%dma_start3A_61 : memref<40x250xi32, #tpu.memory_space<hbm>>) target(%arg8 : memref<40x250xi32, #tpu.memory_space<vmem>>) target_semaphore(%run_scoped3A : memref<!tpu.dma_semaphore, #tpu.memory_space<semaphore_mem>>)
        %dma_wait3A = arith.constant 0 : i32
        %dma_wait3A_62 = tpu.memref_slice %arg4[%add3A_27, %dma_wait3A] : memref<1280x250xi32, #tpu.memory_space<hbm>> -> memref<40x250xi32, #tpu.memory_space<hbm>>
        %dma_wait3A_63 = arith.constant 0 : i32
        %dma_wait3A_64 = tpu.memref_slice %arg4[%add3A_27, %dma_wait3A_63] : memref<1280x250xi32, #tpu.memory_space<hbm>> -> memref<40x250xi32, #tpu.memory_space<hbm>>
        tpu.wait_dma2 semaphore(%run_scoped3A : memref<!tpu.dma_semaphore, #tpu.memory_space<semaphore_mem>>) src(%dma_wait3A_64 : memref<40x250xi32, #tpu.memory_space<hbm>>) dst(%arg8 : memref<40x250xi32, #tpu.memory_space<vmem>>)
        tpu.yield
      }) : () -> ()
    } else {
    }
    "tpu.region"() ({
      %run_scoped3A = tpu.sem_alloc : memref<!tpu.dma_semaphore, #tpu.memory_space<semaphore_mem>>
      %dma_start3A_58 = arith.constant 0 : i32
      %dma_start3A_59 = tpu.memref_slice %arg5[%add3A_27, %dma_start3A_58] : memref<1280x250xi32, #tpu.memory_space<hbm>> -> memref<40x250xi32, #tpu.memory_space<hbm>>
      %dma_start3A_60 = arith.constant 0 : i32
      %dma_start3A_61 = tpu.memref_slice %arg5[%add3A_27, %dma_start3A_60] : memref<1280x250xi32, #tpu.memory_space<hbm>> -> memref<40x250xi32, #tpu.memory_space<hbm>>
      tpu.enqueue_dma source(%dma_start3A_61 : memref<40x250xi32, #tpu.memory_space<hbm>>) target(%arg9 : memref<40x250xi32, #tpu.memory_space<vmem>>) target_semaphore(%run_scoped3A : memref<!tpu.dma_semaphore, #tpu.memory_space<semaphore_mem>>)
      %dma_wait3A = arith.constant 0 : i32
      %dma_wait3A_62 = tpu.memref_slice %arg5[%add3A_27, %dma_wait3A] : memref<1280x250xi32, #tpu.memory_space<hbm>> -> memref<40x250xi32, #tpu.memory_space<hbm>>
      %dma_wait3A_63 = arith.constant 0 : i32
      %dma_wait3A_64 = tpu.memref_slice %arg5[%add3A_27, %dma_wait3A_63] : memref<1280x250xi32, #tpu.memory_space<hbm>> -> memref<40x250xi32, #tpu.memory_space<hbm>>
      tpu.wait_dma2 semaphore(%run_scoped3A : memref<!tpu.dma_semaphore, #tpu.memory_space<semaphore_mem>>) src(%dma_wait3A_64 : memref<40x250xi32, #tpu.memory_space<hbm>>) dst(%arg9 : memref<40x250xi32, #tpu.memory_space<vmem>>)
      tpu.yield
    }) : () -> ()
    %dma_start3A_38 = arith.constant 0 : i32
    %dma_start3A_39 = arith.constant 0 : i32
    %dma_start3A_40 = tpu.memref_slice %arg8[%dma_start3A_38, %dma_start3A_39] : memref<40x250xi32, #tpu.memory_space<vmem>> -> memref<1x250xi32, #tpu.memory_space<vmem>>
    %dma_start3A_41 = tpu.memref_squeeze %dma_start3A_40 : memref<1x250xi32, #tpu.memory_space<vmem>> -> memref<250xi32, #tpu.memory_space<vmem>>
    %dma_start3A_42 = arith.constant 0 : i32
    %dma_start3A_43 = arith.constant 0 : i32
    %dma_start3A_44 = tpu.memref_slice %arg2[%dma_start3A_42, %dma_start3A_43] : memref<20000x64xf32, #tpu.memory_space<hbm>> -> memref<20000x64xf32, #tpu.memory_space<hbm>>
    tpu.enqueue_indirect_dma source(%dma_start3A_44 : memref<20000x64xf32, #tpu.memory_space<hbm>>) target(%arg10 : memref<250x64xf32, #tpu.memory_space<vmem>>) offsets(%dma_start3A_41 : memref<250xi32, #tpu.memory_space<vmem>>) semaphore(%arg13 : memref<!tpu.dma_semaphore, #tpu.memory_space<semaphore_mem>>)
    %scan3A_45 = arith.constant 0 : i32
    %scan3A_46 = arith.constant 0 : i32
    %scan3A_47 = arith.constant 20 : i32
    %scan3A_48 = arith.addi %scan3A_46, %scan3A_47 : i32
    %scan3A_49 = arith.constant 1 : i32
    scf.for %scan3A_58 = %scan3A_46 to %scan3A_48 step %scan3A_49  : i32 {
      %mul3A_59 = arith.constant 2 : i32
      %mul3A_60 = arith.muli %mul3A_59, %scan3A_58 : i32
      %add3A_61 = arith.constant 1 : i32
      %add3A_62 = arith.addi %mul3A_60, %add3A_61 : i32
      %dma_start3A_63 = arith.constant 0 : i32
      %dma_start3A_64 = tpu.memref_slice %arg8[%add3A_62, %dma_start3A_63] : memref<40x250xi32, #tpu.memory_space<vmem>> -> memref<1x250xi32, #tpu.memory_space<vmem>>
      %dma_start3A_65 = tpu.memref_squeeze %dma_start3A_64 : memref<1x250xi32, #tpu.memory_space<vmem>> -> memref<250xi32, #tpu.memory_space<vmem>>
      %dma_start3A_66 = arith.constant 0 : i32
      %dma_start3A_67 = arith.constant 0 : i32
      %dma_start3A_68 = tpu.memref_slice %arg2[%dma_start3A_66, %dma_start3A_67] : memref<20000x64xf32, #tpu.memory_space<hbm>> -> memref<20000x64xf32, #tpu.memory_space<hbm>>
      tpu.enqueue_indirect_dma source(%dma_start3A_68 : memref<20000x64xf32, #tpu.memory_space<hbm>>) target(%arg11 : memref<250x64xf32, #tpu.memory_space<vmem>>) offsets(%dma_start3A_65 : memref<250xi32, #tpu.memory_space<vmem>>) semaphore(%arg14 : memref<!tpu.dma_semaphore, #tpu.memory_space<semaphore_mem>>)
      %dma_wait3A = arith.constant 0 : i32
      %dma_wait3A_69 = arith.constant 0 : i32
      %dma_wait3A_70 = tpu.memref_slice %arg8[%dma_wait3A, %dma_wait3A_69] : memref<40x250xi32, #tpu.memory_space<vmem>> -> memref<1x250xi32, #tpu.memory_space<vmem>>
      %dma_wait3A_71 = tpu.memref_squeeze %dma_wait3A_70 : memref<1x250xi32, #tpu.memory_space<vmem>> -> memref<250xi32, #tpu.memory_space<vmem>>
      %dma_wait3A_72 = arith.constant 0 : i32
      %dma_wait3A_73 = arith.constant 0 : i32
      %dma_wait3A_74 = tpu.memref_slice %arg2[%dma_wait3A_72, %dma_wait3A_73] : memref<20000x64xf32, #tpu.memory_space<hbm>> -> memref<20000x64xf32, #tpu.memory_space<hbm>>
      tpu.wait_indirect_dma semaphore(%arg13 : memref<!tpu.dma_semaphore, #tpu.memory_space<semaphore_mem>>) src(%dma_wait3A_74 : memref<20000x64xf32, #tpu.memory_space<hbm>>) dst(%arg10 : memref<250x64xf32, #tpu.memory_space<vmem>>)
      "tpu.region"() ({
        %run_scoped3A = tpu.sem_alloc : memref<!tpu.dma_semaphore, #tpu.memory_space<semaphore_mem>>
        %dma_start3A_90 = arith.constant 0 : i32
        %dma_start3A_91 = tpu.memref_slice %arg9[%mul3A_60, %dma_start3A_90] : memref<40x250xi32, #tpu.memory_space<vmem>> -> memref<1x250xi32, #tpu.memory_space<vmem>>
        %dma_start3A_92 = tpu.memref_squeeze %dma_start3A_91 : memref<1x250xi32, #tpu.memory_space<vmem>> -> memref<250xi32, #tpu.memory_space<vmem>>
        %dma_start3A_93 = arith.constant 0 : i32
        %dma_start3A_94 = arith.constant 0 : i32
        %dma_start3A_95 = tpu.memref_slice %arg12[%dma_start3A_93, %dma_start3A_94] : memref<10240x64xf32, #tpu.memory_space<vmem_shared>> -> memref<10240x64xf32, #tpu.memory_space<vmem_shared>>
        tpu.enqueue_indirect_dma source(%arg10 : memref<250x64xf32, #tpu.memory_space<vmem>>) target(%dma_start3A_95 : memref<10240x64xf32, #tpu.memory_space<vmem_shared>>) offsets(%dma_start3A_92 : memref<250xi32, #tpu.memory_space<vmem>>) semaphore(%run_scoped3A : memref<!tpu.dma_semaphore, #tpu.memory_space<semaphore_mem>>) {add = true}
        %dma_wait3A_96 = arith.constant 0 : i32
        %dma_wait3A_97 = tpu.memref_slice %arg9[%mul3A_60, %dma_wait3A_96] : memref<40x250xi32, #tpu.memory_space<vmem>> -> memref<1x250xi32, #tpu.memory_space<vmem>>
        %dma_wait3A_98 = tpu.memref_squeeze %dma_wait3A_97 : memref<1x250xi32, #tpu.memory_space<vmem>> -> memref<250xi32, #tpu.memory_space<vmem>>
        %dma_wait3A_99 = arith.constant 0 : i32
        %dma_wait3A_100 = arith.constant 0 : i32
        %dma_wait3A_101 = tpu.memref_slice %arg12[%dma_wait3A_99, %dma_wait3A_100] : memref<10240x64xf32, #tpu.memory_space<vmem_shared>> -> memref<10240x64xf32, #tpu.memory_space<vmem_shared>>
        tpu.wait_indirect_dma semaphore(%run_scoped3A : memref<!tpu.dma_semaphore, #tpu.memory_space<semaphore_mem>>) src(%arg10 : memref<250x64xf32, #tpu.memory_space<vmem>>) dst(%dma_wait3A_101 : memref<10240x64xf32, #tpu.memory_space<vmem_shared>>)
        tpu.yield
      }) : () -> ()
      %add3A_75 = arith.constant 2 : i32
      %add3A_76 = arith.addi %mul3A_60, %add3A_75 : i32
      %lt3A = arith.constant 40 : i32
      %lt3A_77 = arith.cmpi slt, %add3A_76, %lt3A : i32
      %convert_element_type3A_78 = arith.extui %lt3A_77 : i1 to i32
      %cond3A_79 = arith.constant 0 : i32
      %cond3A_80 = arith.cmpi ne, %convert_element_type3A_78, %cond3A_79 : i32
      scf.if %cond3A_80 {
        %add3A_90 = arith.constant 2 : i32
        %add3A_91 = arith.addi %mul3A_60, %add3A_90 : i32
        %dma_start3A_92 = arith.constant 0 : i32
        %dma_start3A_93 = tpu.memref_slice %arg8[%add3A_91, %dma_start3A_92] : memref<40x250xi32, #tpu.memory_space<vmem>> -> memref<1x250xi32, #tpu.memory_space<vmem>>
        %dma_start3A_94 = tpu.memref_squeeze %dma_start3A_93 : memref<1x250xi32, #tpu.memory_space<vmem>> -> memref<250xi32, #tpu.memory_space<vmem>>
        %dma_start3A_95 = arith.constant 0 : i32
        %dma_start3A_96 = arith.constant 0 : i32
        %dma_start3A_97 = tpu.memref_slice %arg2[%dma_start3A_95, %dma_start3A_96] : memref<20000x64xf32, #tpu.memory_space<hbm>> -> memref<20000x64xf32, #tpu.memory_space<hbm>>
        tpu.enqueue_indirect_dma source(%dma_start3A_97 : memref<20000x64xf32, #tpu.memory_space<hbm>>) target(%arg10 : memref<250x64xf32, #tpu.memory_space<vmem>>) offsets(%dma_start3A_94 : memref<250xi32, #tpu.memory_space<vmem>>) semaphore(%arg13 : memref<!tpu.dma_semaphore, #tpu.memory_space<semaphore_mem>>)
      } else {
      }
      %dma_wait3A_81 = arith.constant 0 : i32
      %dma_wait3A_82 = arith.constant 0 : i32
      %dma_wait3A_83 = tpu.memref_slice %arg8[%dma_wait3A_81, %dma_wait3A_82] : memref<40x250xi32, #tpu.memory_space<vmem>> -> memref<1x250xi32, #tpu.memory_space<vmem>>
      %dma_wait3A_84 = tpu.memref_squeeze %dma_wait3A_83 : memref<1x250xi32, #tpu.memory_space<vmem>> -> memref<250xi32, #tpu.memory_space<vmem>>
      %dma_wait3A_85 = arith.constant 0 : i32
      %dma_wait3A_86 = arith.constant 0 : i32
      %dma_wait3A_87 = tpu.memref_slice %arg2[%dma_wait3A_85, %dma_wait3A_86] : memref<20000x64xf32, #tpu.memory_space<hbm>> -> memref<20000x64xf32, #tpu.memory_space<hbm>>
      tpu.wait_indirect_dma semaphore(%arg14 : memref<!tpu.dma_semaphore, #tpu.memory_space<semaphore_mem>>) src(%dma_wait3A_87 : memref<20000x64xf32, #tpu.memory_space<hbm>>) dst(%arg11 : memref<250x64xf32, #tpu.memory_space<vmem>>)
      %add3A_88 = arith.constant 1 : i32
      %add3A_89 = arith.addi %mul3A_60, %add3A_88 : i32
      "tpu.region"() ({
        %run_scoped3A = tpu.sem_alloc : memref<!tpu.dma_semaphore, #tpu.memory_space<semaphore_mem>>
        %dma_start3A_90 = arith.constant 0 : i32
        %dma_start3A_91 = tpu.memref_slice %arg9[%add3A_89, %dma_start3A_90] : memref<40x250xi32, #tpu.memory_space<vmem>> -> memref<1x250xi32, #tpu.memory_space<vmem>>
        %dma_start3A_92 = tpu.memref_squeeze %dma_start3A_91 : memref<1x250xi32, #tpu.memory_space<vmem>> -> memref<250xi32, #tpu.memory_space<vmem>>
        %dma_start3A_93 = arith.constant 0 : i32
        %dma_start3A_94 = arith.constant 0 : i32
        %dma_start3A_95 = tpu.memref_slice %arg12[%dma_start3A_93, %dma_start3A_94] : memref<10240x64xf32, #tpu.memory_space<vmem_shared>> -> memref<10240x64xf32, #tpu.memory_space<vmem_shared>>
        tpu.enqueue_indirect_dma source(%arg11 : memref<250x64xf32, #tpu.memory_space<vmem>>) target(%dma_start3A_95 : memref<10240x64xf32, #tpu.memory_space<vmem_shared>>) offsets(%dma_start3A_92 : memref<250xi32, #tpu.memory_space<vmem>>) semaphore(%run_scoped3A : memref<!tpu.dma_semaphore, #tpu.memory_space<semaphore_mem>>) {add = true}
        %dma_wait3A_96 = arith.constant 0 : i32
        %dma_wait3A_97 = tpu.memref_slice %arg9[%add3A_89, %dma_wait3A_96] : memref<40x250xi32, #tpu.memory_space<vmem>> -> memref<1x250xi32, #tpu.memory_space<vmem>>
        %dma_wait3A_98 = tpu.memref_squeeze %dma_wait3A_97 : memref<1x250xi32, #tpu.memory_space<vmem>> -> memref<250xi32, #tpu.memory_space<vmem>>
        %dma_wait3A_99 = arith.constant 0 : i32
        %dma_wait3A_100 = arith.constant 0 : i32
        %dma_wait3A_101 = tpu.memref_slice %arg12[%dma_wait3A_99, %dma_wait3A_100] : memref<10240x64xf32, #tpu.memory_space<vmem_shared>> -> memref<10240x64xf32, #tpu.memory_space<vmem_shared>>
        tpu.wait_indirect_dma semaphore(%run_scoped3A : memref<!tpu.dma_semaphore, #tpu.memory_space<semaphore_mem>>) src(%arg11 : memref<250x64xf32, #tpu.memory_space<vmem>>) dst(%dma_wait3A_101 : memref<10240x64xf32, #tpu.memory_space<vmem_shared>>)
        tpu.yield
      }) : () -> ()
    }
    %scan3A_50 = arith.constant 20 : i32
    %barrier3A_51 = arith.constant 0 : index
    tpu.barrier barrier_id(%barrier3A_51)
    %mul3A_52 = arith.constant 640 : i32
    %mul3A_53 = arith.muli %arg1, %mul3A_52 : i32
    %mul3A_54 = arith.constant 640 : i32
    %mul3A_55 = arith.muli %arg1, %mul3A_54 : i32
    %mul3A_56 = arith.constant 64 : i32
    %mul3A_57 = arith.muli %arg0, %mul3A_56 : i32
    "tpu.region"() ({
      %run_scoped3A = tpu.sem_alloc : memref<!tpu.dma_semaphore, #tpu.memory_space<semaphore_mem>>
      %dma_start3A_58 = tpu.memref_slice %arg7[%mul3A_55, %mul3A_57] : memref<10240x128xf32, #tpu.memory_space<hbm>> -> memref<640x64xf32, #tpu.memory_space<hbm>>
      %dma_start3A_59 = arith.constant 0 : i32
      %dma_start3A_60 = tpu.memref_slice %arg12[%mul3A_53, %dma_start3A_59] : memref<10240x64xf32, #tpu.memory_space<vmem_shared>> -> memref<640x64xf32, #tpu.memory_space<vmem_shared>>
      tpu.enqueue_dma source(%dma_start3A_60 : memref<640x64xf32, #tpu.memory_space<vmem_shared>>) target(%dma_start3A_58 : memref<640x64xf32, #tpu.memory_space<hbm>>) target_semaphore(%run_scoped3A : memref<!tpu.dma_semaphore, #tpu.memory_space<semaphore_mem>>)
      %dma_wait3A = tpu.memref_slice %arg7[%mul3A_55, %mul3A_57] : memref<10240x128xf32, #tpu.memory_space<hbm>> -> memref<640x64xf32, #tpu.memory_space<hbm>>
      %dma_wait3A_61 = arith.constant 0 : i32
      %dma_wait3A_62 = tpu.memref_slice %arg12[%mul3A_53, %dma_wait3A_61] : memref<10240x64xf32, #tpu.memory_space<vmem_shared>> -> memref<640x64xf32, #tpu.memory_space<vmem_shared>>
      tpu.wait_dma2 semaphore(%run_scoped3A : memref<!tpu.dma_semaphore, #tpu.memory_space<semaphore_mem>>) src(%dma_wait3A_62 : memref<640x64xf32, #tpu.memory_space<vmem_shared>>) dst(%dma_wait3A : memref<640x64xf32, #tpu.memory_space<hbm>>)
      tpu.yield
    }) : () -> ()
    return
  }
}

module attributes {stable_mosaic.version = 14 : i64} {
  func.func @_dis_body(%arg0: memref<32x10240xf32, #tpu.memory_space<vmem>>, %arg1: memref<1x10240xf32, #tpu.memory_space<vmem>>) attributes {dimension_semantics = [], scalar_prefetch = 0 : i64, scratch_operands = 0 : i64, tpu.core_type = #tpu.core_type<tc>} {
    %get3A = arith.constant 0 : index
    %get3A_0 = arith.constant 0 : index
    %get3A_1 = vector.load %arg0[%get3A, %get3A_0] : memref<32x10240xf32, #tpu.memory_space<vmem>>, vector<32x10240xf32>
    %reduce_sum3A = arith.constant dense<0.000000e+00> : vector<10240xf32>
    %reduce_sum3A_2 = vector.multi_reduction <add>, %get3A_1, %reduce_sum3A [0] : vector<32x10240xf32> to vector<10240xf32>
    %broadcast_in_dim3A = vector.shape_cast %reduce_sum3A_2 : vector<10240xf32> to vector<1x10240xf32>
    %add3A = arith.constant 1.000000e+00 : f32
    %add3A_3 = vector.broadcast %add3A : f32 to vector<1x10240xf32>
    %add3A_4 = arith.addf %broadcast_in_dim3A, %add3A_3 : vector<1x10240xf32>
    %rsqrt3A = math.rsqrt %add3A_4 : vector<1x10240xf32>
    %swap3A = arith.constant 0 : index
    %swap3A_5 = arith.constant 0 : index
    %swap3A_6 = vector.load %arg1[%swap3A, %swap3A_5] : memref<1x10240xf32, #tpu.memory_space<vmem>>, vector<1x10240xf32>
    tpu.vector_store %arg1[%swap3A, %swap3A_5], %rsqrt3A {strides = array<i32>} : memref<1x10240xf32, #tpu.memory_space<vmem>>, vector<1x10240xf32>,
    return
  }
}

module attributes {stable_mosaic.version = 14 : i64} {
  func.func @_pre_body(%arg0: i32, %arg1: memref<2000x128xf32, #tpu.memory_space<vmem>>, %arg2: memref<128x128xf32, #tpu.memory_space<vmem>>, %arg3: memref<1x128xf32, #tpu.memory_space<vmem>>, %arg4: memref<128x128xf32, #tpu.memory_space<vmem>>, %arg5: memref<2000x1xf32, #tpu.memory_space<vmem>>, %arg6: memref<2000x128xf32, #tpu.memory_space<vmem>>, %arg7: memref<2000x128xf32, #tpu.memory_space<vmem>>) attributes {dimension_semantics = [#tpu.dimension_semantics<arbitrary>], iteration_bounds = array<i64: 5>, scalar_prefetch = 0 : i64, scratch_operands = 0 : i64, tpu.core_type = #tpu.core_type<tc>, window_params = [{transform_indices = @transform_0, window_bounds = array<i64: 2000, 128>}, {pipeline_mode = #tpu.pipeline_mode<synchronous>, transform_indices = @transform_1, window_bounds = array<i64: 128, 128>}, {pipeline_mode = #tpu.pipeline_mode<synchronous>, transform_indices = @transform_2, window_bounds = array<i64: 1, 128>}, {pipeline_mode = #tpu.pipeline_mode<synchronous>, transform_indices = @transform_3, window_bounds = array<i64: 128, 128>}, {transform_indices = @transform_4, window_bounds = array<i64: 2000, 1>}, {transform_indices = @transform_5, window_bounds = array<i64: 2000, 128>}, {transform_indices = @transform_6, window_bounds = array<i64: 2000, 128>}]} {
    %get3A = arith.constant 0 : index
    %get3A_0 = arith.constant 0 : index
    %get3A_1 = vector.load %arg1[%get3A, %get3A_0] : memref<2000x128xf32, #tpu.memory_space<vmem>>, vector<2000x128xf32>
    %get3A_2 = arith.constant 0 : index
    %get3A_3 = arith.constant 0 : index
    %get3A_4 = vector.load %arg2[%get3A_2, %get3A_3] : memref<128x128xf32, #tpu.memory_space<vmem>>, vector<128x128xf32>
    %dot_general3A = arith.constant dense<0.000000e+00> : vector<2000x128xf32>
    %dot_general3A_5 = tpu.matmul %get3A_1, %get3A_4, %dot_general3A {dimension_numbers = #tpu.dot_dimension_numbers<[1], [0], [0], [1], [0, 0, 1, 1], [], []>, transpose_lhs_hint = false} : vector<2000x128xf32>, vector<128x128xf32>, vector<2000x128xf32> -> vector<2000x128xf32>
    %get3A_6 = arith.constant 0 : index
    %get3A_7 = arith.constant 0 : index
    %get3A_8 = vector.load %arg3[%get3A_6, %get3A_7] : memref<1x128xf32, #tpu.memory_space<vmem>>, vector<1x128xf32>
    %add3A = vector.broadcast %get3A_8 : vector<1x128xf32> to vector<2000x128xf32>
    %add3A_9 = arith.addf %dot_general3A_5, %add3A : vector<2000x128xf32>
    %max3A = arith.constant 0.000000e+00 : f32
    %max3A_10 = vector.broadcast %max3A : f32 to vector<2000x128xf32>
    %max3A_11 = arith.maximumf %add3A_9, %max3A_10 : vector<2000x128xf32>
    %swap3A = arith.constant 0 : index
    %swap3A_12 = arith.constant 0 : index
    %swap3A_13 = vector.load %arg6[%swap3A, %swap3A_12] : memref<2000x128xf32, #tpu.memory_space<vmem>>, vector<2000x128xf32>
    tpu.vector_store %arg6[%swap3A, %swap3A_12], %max3A_11 {strides = array<i32>} : memref<2000x128xf32, #tpu.memory_space<vmem>>, vector<2000x128xf32>,
    %get3A_14 = arith.constant 0 : index
    %get3A_15 = arith.constant 0 : index
    %get3A_16 = vector.load %arg5[%get3A_14, %get3A_15] : memref<2000x1xf32, #tpu.memory_space<vmem>>, vector<2000x1xf32>
    %get3A_17 = arith.constant 0 : index
    %get3A_18 = arith.constant 0 : index
    %get3A_19 = vector.load %arg4[%get3A_17, %get3A_18] : memref<128x128xf32, #tpu.memory_space<vmem>>, vector<128x128xf32>
    %dot_general3A_20 = arith.constant dense<0.000000e+00> : vector<2000x128xf32>
    %dot_general3A_21 = tpu.matmul %max3A_11, %get3A_19, %dot_general3A_20 {dimension_numbers = #tpu.dot_dimension_numbers<[1], [0], [0], [1], [0, 0, 1, 1], [], []>, transpose_lhs_hint = false} : vector<2000x128xf32>, vector<128x128xf32>, vector<2000x128xf32> -> vector<2000x128xf32>
    %mul3A = vector.broadcast %get3A_16 : vector<2000x1xf32> to vector<2000x128xf32>
    %mul3A_22 = arith.mulf %mul3A, %dot_general3A_21 : vector<2000x128xf32>
    %swap3A_23 = arith.constant 0 : index
    %swap3A_24 = arith.constant 0 : index
    %swap3A_25 = vector.load %arg7[%swap3A_23, %swap3A_24] : memref<2000x128xf32, #tpu.memory_space<vmem>>, vector<2000x128xf32>
    tpu.vector_store %arg7[%swap3A_23, %swap3A_24], %mul3A_22 {strides = array<i32>} : memref<2000x128xf32, #tpu.memory_space<vmem>>, vector<2000x128xf32>,
    return
  }
  func.func @transform_0(%arg0: i32) -> (i32, i32) {
    %c0_i32 = arith.constant 0 : i32
    %c0_i32_0 = arith.constant 0 : i32
    return %arg0, %c0_i32 : i32, i32
  }
  func.func @transform_1(%arg0: i32) -> (i32, i32) {
    %c0_i32 = arith.constant 0 : i32
    %c0_i32_0 = arith.constant 0 : i32
    %c0_i32_1 = arith.constant 0 : i32
    return %c0_i32, %c0_i32_0 : i32, i32
  }
  func.func @transform_2(%arg0: i32) -> (i32, i32) {
    %c0_i32 = arith.constant 0 : i32
    %c0_i32_0 = arith.constant 0 : i32
    %c0_i32_1 = arith.constant 0 : i32
    return %c0_i32, %c0_i32_0 : i32, i32
  }
  func.func @transform_3(%arg0: i32) -> (i32, i32) {
    %c0_i32 = arith.constant 0 : i32
    %c0_i32_0 = arith.constant 0 : i32
    %c0_i32_1 = arith.constant 0 : i32
    return %c0_i32, %c0_i32_0 : i32, i32
  }
  func.func @transform_4(%arg0: i32) -> (i32, i32) {
    %c0_i32 = arith.constant 0 : i32
    %c0_i32_0 = arith.constant 0 : i32
    return %arg0, %c0_i32 : i32, i32
  }
  func.func @transform_5(%arg0: i32) -> (i32, i32) {
    %c0_i32 = arith.constant 0 : i32
    %c0_i32_0 = arith.constant 0 : i32
    return %arg0, %c0_i32 : i32, i32
  }
  func.func @transform_6(%arg0: i32) -> (i32, i32) {
    %c0_i32 = arith.constant 0 : i32
    %c0_i32_0 = arith.constant 0 : i32
    return %arg0, %c0_i32 : i32, i32
  }
}

module attributes {stable_mosaic.version = 14 : i64} {
  func.func @_layer_body(%arg0: i32, %arg1: memref<2000x128xf32, #tpu.memory_space<vmem>>, %arg2: memref<2000x128xf32, #tpu.memory_space<vmem>>, %arg3: memref<2000x1xf32, #tpu.memory_space<vmem>>, %arg4: memref<2000x128xf32, #tpu.memory_space<vmem>>, %arg5: memref<1x128xf32, #tpu.memory_space<vmem>>, %arg6: memref<1x128xf32, #tpu.memory_space<vmem>>, %arg7: memref<1x128xf32, #tpu.memory_space<vmem>>, %arg8: memref<128x128xf32, #tpu.memory_space<vmem>>, %arg9: memref<2000x128xf32, #tpu.memory_space<vmem>>, %arg10: memref<2000x128xf32, #tpu.memory_space<vmem>>) attributes {dimension_semantics = [#tpu.dimension_semantics<arbitrary>], iteration_bounds = array<i64: 5>, scalar_prefetch = 0 : i64, scratch_operands = 0 : i64, tpu.core_type = #tpu.core_type<tc>, window_params = [{transform_indices = @transform_0, window_bounds = array<i64: 2000, 128>}, {transform_indices = @transform_1, window_bounds = array<i64: 2000, 128>}, {transform_indices = @transform_2, window_bounds = array<i64: 2000, 1>}, {transform_indices = @transform_3, window_bounds = array<i64: 2000, 128>}, {pipeline_mode = #tpu.pipeline_mode<synchronous>, transform_indices = @transform_4, window_bounds = array<i64: 1, 128>}, {pipeline_mode = #tpu.pipeline_mode<synchronous>, transform_indices = @transform_5, window_bounds = array<i64: 1, 128>}, {pipeline_mode = #tpu.pipeline_mode<synchronous>, transform_indices = @transform_6, window_bounds = array<i64: 1, 128>}, {pipeline_mode = #tpu.pipeline_mode<synchronous>, transform_indices = @transform_7, window_bounds = array<i64: 128, 128>}, {transform_indices = @transform_8, window_bounds = array<i64: 2000, 128>}, {transform_indices = @transform_9, window_bounds = array<i64: 2000, 128>}]} {
    %get3A = arith.constant 0 : index
    %get3A_0 = arith.constant 0 : index
    %get3A_1 = vector.load %arg3[%get3A, %get3A_0] : memref<2000x1xf32, #tpu.memory_space<vmem>>, vector<2000x1xf32>
    %get3A_2 = arith.constant 0 : index
    %get3A_3 = arith.constant 0 : index
    %get3A_4 = vector.load %arg1[%get3A_2, %get3A_3] : memref<2000x128xf32, #tpu.memory_space<vmem>>, vector<2000x128xf32>
    %get3A_5 = arith.constant 0 : index
    %get3A_6 = arith.constant 0 : index
    %get3A_7 = vector.load %arg2[%get3A_5, %get3A_6] : memref<2000x128xf32, #tpu.memory_space<vmem>>, vector<2000x128xf32>
    %add3A = arith.addf %get3A_4, %get3A_7 : vector<2000x128xf32>
    %mul3A = vector.broadcast %get3A_1 : vector<2000x1xf32> to vector<2000x128xf32>
    %mul3A_8 = arith.mulf %mul3A, %add3A : vector<2000x128xf32>
    %get3A_9 = arith.constant 0 : index
    %get3A_10 = arith.constant 0 : index
    %get3A_11 = vector.load %arg5[%get3A_9, %get3A_10] : memref<1x128xf32, #tpu.memory_space<vmem>>, vector<1x128xf32>
    %add3A_12 = vector.broadcast %get3A_11 : vector<1x128xf32> to vector<2000x128xf32>
    %add3A_13 = arith.addf %mul3A_8, %add3A_12 : vector<2000x128xf32>
    %get3A_14 = arith.constant 0 : index
    %get3A_15 = arith.constant 0 : index
    %get3A_16 = vector.load %arg6[%get3A_14, %get3A_15] : memref<1x128xf32, #tpu.memory_space<vmem>>, vector<1x128xf32>
    %get3A_17 = arith.constant 0 : index
    %get3A_18 = arith.constant 0 : index
    %get3A_19 = vector.load %arg7[%get3A_17, %get3A_18] : memref<1x128xf32, #tpu.memory_space<vmem>>, vector<1x128xf32>
    %reduce_sum3A = arith.constant dense<0.000000e+00> : vector<2000xf32>
    %reduce_sum3A_20 = vector.multi_reduction <add>, %add3A_13, %reduce_sum3A [1] : vector<2000x128xf32> to vector<2000xf32>
    %broadcast_in_dim3A = vector.shape_cast %reduce_sum3A_20 : vector<2000xf32> to vector<2000x1xf32>
    %div3A = arith.constant 1.280000e+02 : f32
    %div3A_21 = vector.broadcast %div3A : f32 to vector<2000x1xf32>
    %div3A_22 = arith.divf %broadcast_in_dim3A, %div3A_21 : vector<2000x1xf32>
    %jit3A = arith.constant 0 : i32
    %reduce_sum3A_23 = arith.constant dense<0.000000e+00> : vector<2000xf32>
    %reduce_sum3A_24 = vector.multi_reduction <add>, %add3A_13, %reduce_sum3A_23 [1] : vector<2000x128xf32> to vector<2000xf32>
    %broadcast_in_dim3A_25 = vector.shape_cast %reduce_sum3A_24 : vector<2000xf32> to vector<2000x1xf32>
    %div3A_26 = arith.constant 1.280000e+02 : f32
    %div3A_27 = vector.broadcast %div3A_26 : f32 to vector<2000x1xf32>
    %div3A_28 = arith.divf %broadcast_in_dim3A_25, %div3A_27 : vector<2000x1xf32>
    %sub3A = vector.broadcast %div3A_28 : vector<2000x1xf32> to vector<2000x128xf32>
    %sub3A_29 = arith.subf %add3A_13, %sub3A : vector<2000x128xf32>
    %square3A = arith.mulf %sub3A_29, %sub3A_29 : vector<2000x128xf32>
    %convert_element_type3A = arith.sitofp %jit3A : i32 to f32
    %sub3A_30 = arith.constant 1.280000e+02 : f32
    %sub3A_31 = arith.subf %sub3A_30, %convert_element_type3A : f32
    %reduce_sum3A_32 = arith.constant dense<0.000000e+00> : vector<2000xf32>
    %reduce_sum3A_33 = vector.multi_reduction <add>, %square3A, %reduce_sum3A_32 [1] : vector<2000x128xf32> to vector<2000xf32>
    %broadcast_in_dim3A_34 = vector.shape_cast %reduce_sum3A_33 : vector<2000xf32> to vector<2000x1xf32>
    %div3A_35 = vector.broadcast %sub3A_31 : f32 to vector<2000x1xf32>
    %div3A_36 = arith.divf %broadcast_in_dim3A_34, %div3A_35 : vector<2000x1xf32>
    %gt3A = arith.constant 0.000000e+00 : f32
    %gt3A_37 = arith.cmpf ogt, %sub3A_31, %gt3A : f32
    %jit3A_38 = arith.constant 0x7FC00000 : f32
    %broadcast_in_dim3A_39 = vector.broadcast %jit3A_38 : f32 to vector<2000x1xf32>
    %select_n3A = arith.select %gt3A_37, %div3A_36, %broadcast_in_dim3A_39 : vector<2000x1xf32>
    %sub3A_40 = vector.broadcast %div3A_22 : vector<2000x1xf32> to vector<2000x128xf32>
    %sub3A_41 = arith.subf %add3A_13, %sub3A_40 : vector<2000x128xf32>
    %add3A_42 = arith.constant 9.99999974E-6 : f32
    %add3A_43 = vector.broadcast %add3A_42 : f32 to vector<2000x1xf32>
    %add3A_44 = arith.addf %select_n3A, %add3A_43 : vector<2000x1xf32>
    %sqrt3A = math.sqrt %add3A_44 : vector<2000x1xf32>
    %div3A_45 = vector.broadcast %sqrt3A : vector<2000x1xf32> to vector<2000x128xf32>
    %div3A_46 = arith.divf %sub3A_41, %div3A_45 : vector<2000x128xf32>
    %mul3A_47 = vector.broadcast %get3A_16 : vector<1x128xf32> to vector<2000x128xf32>
    %mul3A_48 = arith.mulf %div3A_46, %mul3A_47 : vector<2000x128xf32>
    %add3A_49 = vector.broadcast %get3A_19 : vector<1x128xf32> to vector<2000x128xf32>
    %add3A_50 = arith.addf %mul3A_48, %add3A_49 : vector<2000x128xf32>
    %max3A = arith.constant 0.000000e+00 : f32
    %max3A_51 = vector.broadcast %max3A : f32 to vector<2000x128xf32>
    %max3A_52 = arith.maximumf %add3A_50, %max3A_51 : vector<2000x128xf32>
    %get3A_53 = arith.constant 0 : index
    %get3A_54 = arith.constant 0 : index
    %get3A_55 = vector.load %arg4[%get3A_53, %get3A_54] : memref<2000x128xf32, #tpu.memory_space<vmem>>, vector<2000x128xf32>
    %add3A_56 = arith.addf %max3A_52, %get3A_55 : vector<2000x128xf32>
    %swap3A = arith.constant 0 : index
    %swap3A_57 = arith.constant 0 : index
    %swap3A_58 = vector.load %arg9[%swap3A, %swap3A_57] : memref<2000x128xf32, #tpu.memory_space<vmem>>, vector<2000x128xf32>
    tpu.vector_store %arg9[%swap3A, %swap3A_57], %add3A_56 {strides = array<i32>} : memref<2000x128xf32, #tpu.memory_space<vmem>>, vector<2000x128xf32>,
    %get3A_59 = arith.constant 0 : index
    %get3A_60 = arith.constant 0 : index
    %get3A_61 = vector.load %arg8[%get3A_59, %get3A_60] : memref<128x128xf32, #tpu.memory_space<vmem>>, vector<128x128xf32>
    %dot_general3A = arith.constant dense<0.000000e+00> : vector<2000x128xf32>
    %dot_general3A_62 = tpu.matmul %add3A_56, %get3A_61, %dot_general3A {dimension_numbers = #tpu.dot_dimension_numbers<[1], [0], [0], [1], [0, 0, 1, 1], [], []>, transpose_lhs_hint = false} : vector<2000x128xf32>, vector<128x128xf32>, vector<2000x128xf32> -> vector<2000x128xf32>
    %mul3A_63 = vector.broadcast %get3A_1 : vector<2000x1xf32> to vector<2000x128xf32>
    %mul3A_64 = arith.mulf %mul3A_63, %dot_general3A_62 : vector<2000x128xf32>
    %swap3A_65 = arith.constant 0 : index
    %swap3A_66 = arith.constant 0 : index
    %swap3A_67 = vector.load %arg10[%swap3A_65, %swap3A_66] : memref<2000x128xf32, #tpu.memory_space<vmem>>, vector<2000x128xf32>
    tpu.vector_store %arg10[%swap3A_65, %swap3A_66], %mul3A_64 {strides = array<i32>} : memref<2000x128xf32, #tpu.memory_space<vmem>>, vector<2000x128xf32>,
    return
  }
  func.func @transform_0(%arg0: i32) -> (i32, i32) {
    %c0_i32 = arith.constant 0 : i32
    %c0_i32_0 = arith.constant 0 : i32
    return %arg0, %c0_i32 : i32, i32
  }
  func.func @transform_1(%arg0: i32) -> (i32, i32) {
    %c0_i32 = arith.constant 0 : i32
    %c0_i32_0 = arith.constant 0 : i32
    return %arg0, %c0_i32 : i32, i32
  }
  func.func @transform_2(%arg0: i32) -> (i32, i32) {
    %c0_i32 = arith.constant 0 : i32
    %c0_i32_0 = arith.constant 0 : i32
    return %arg0, %c0_i32 : i32, i32
  }
  func.func @transform_3(%arg0: i32) -> (i32, i32) {
    %c0_i32 = arith.constant 0 : i32
    %c0_i32_0 = arith.constant 0 : i32
    return %arg0, %c0_i32 : i32, i32
  }
  func.func @transform_4(%arg0: i32) -> (i32, i32) {
    %c0_i32 = arith.constant 0 : i32
    %c0_i32_0 = arith.constant 0 : i32
    %c0_i32_1 = arith.constant 0 : i32
    return %c0_i32, %c0_i32_0 : i32, i32
  }
  func.func @transform_5(%arg0: i32) -> (i32, i32) {
    %c0_i32 = arith.constant 0 : i32
    %c0_i32_0 = arith.constant 0 : i32
    %c0_i32_1 = arith.constant 0 : i32
    return %c0_i32, %c0_i32_0 : i32, i32
  }
  func.func @transform_6(%arg0: i32) -> (i32, i32) {
    %c0_i32 = arith.constant 0 : i32
    %c0_i32_0 = arith.constant 0 : i32
    %c0_i32_1 = arith.constant 0 : i32
    return %c0_i32, %c0_i32_0 : i32, i32
  }
  func.func @transform_7(%arg0: i32) -> (i32, i32) {
    %c0_i32 = arith.constant 0 : i32
    %c0_i32_0 = arith.constant 0 : i32
    %c0_i32_1 = arith.constant 0 : i32
    return %c0_i32, %c0_i32_0 : i32, i32
  }
  func.func @transform_8(%arg0: i32) -> (i32, i32) {
    %c0_i32 = arith.constant 0 : i32
    %c0_i32_0 = arith.constant 0 : i32
    return %arg0, %c0_i32 : i32, i32
  }
  func.func @transform_9(%arg0: i32) -> (i32, i32) {
    %c0_i32 = arith.constant 0 : i32
    %c0_i32_0 = arith.constant 0 : i32
    return %arg0, %c0_i32 : i32, i32
  }
}

module attributes {stable_mosaic.version = 14 : i64} {
  func.func @_layer_final_body(%arg0: i32, %arg1: memref<2000x128xf32, #tpu.memory_space<vmem>>, %arg2: memref<2000x128xf32, #tpu.memory_space<vmem>>, %arg3: memref<2000x1xf32, #tpu.memory_space<vmem>>, %arg4: memref<2000x128xf32, #tpu.memory_space<vmem>>, %arg5: memref<1x128xf32, #tpu.memory_space<vmem>>, %arg6: memref<1x128xf32, #tpu.memory_space<vmem>>, %arg7: memref<1x128xf32, #tpu.memory_space<vmem>>, %arg8: memref<2000x128xf32, #tpu.memory_space<vmem>>) attributes {dimension_semantics = [#tpu.dimension_semantics<arbitrary>], iteration_bounds = array<i64: 5>, scalar_prefetch = 0 : i64, scratch_operands = 0 : i64, tpu.core_type = #tpu.core_type<tc>, window_params = [{transform_indices = @transform_0, window_bounds = array<i64: 2000, 128>}, {transform_indices = @transform_1, window_bounds = array<i64: 2000, 128>}, {transform_indices = @transform_2, window_bounds = array<i64: 2000, 1>}, {transform_indices = @transform_3, window_bounds = array<i64: 2000, 128>}, {pipeline_mode = #tpu.pipeline_mode<synchronous>, transform_indices = @transform_4, window_bounds = array<i64: 1, 128>}, {pipeline_mode = #tpu.pipeline_mode<synchronous>, transform_indices = @transform_5, window_bounds = array<i64: 1, 128>}, {pipeline_mode = #tpu.pipeline_mode<synchronous>, transform_indices = @transform_6, window_bounds = array<i64: 1, 128>}, {transform_indices = @transform_7, window_bounds = array<i64: 2000, 128>}]} {
    %get3A = arith.constant 0 : index
    %get3A_0 = arith.constant 0 : index
    %get3A_1 = vector.load %arg3[%get3A, %get3A_0] : memref<2000x1xf32, #tpu.memory_space<vmem>>, vector<2000x1xf32>
    %get3A_2 = arith.constant 0 : index
    %get3A_3 = arith.constant 0 : index
    %get3A_4 = vector.load %arg1[%get3A_2, %get3A_3] : memref<2000x128xf32, #tpu.memory_space<vmem>>, vector<2000x128xf32>
    %get3A_5 = arith.constant 0 : index
    %get3A_6 = arith.constant 0 : index
    %get3A_7 = vector.load %arg2[%get3A_5, %get3A_6] : memref<2000x128xf32, #tpu.memory_space<vmem>>, vector<2000x128xf32>
    %add3A = arith.addf %get3A_4, %get3A_7 : vector<2000x128xf32>
    %mul3A = vector.broadcast %get3A_1 : vector<2000x1xf32> to vector<2000x128xf32>
    %mul3A_8 = arith.mulf %mul3A, %add3A : vector<2000x128xf32>
    %get3A_9 = arith.constant 0 : index
    %get3A_10 = arith.constant 0 : index
    %get3A_11 = vector.load %arg5[%get3A_9, %get3A_10] : memref<1x128xf32, #tpu.memory_space<vmem>>, vector<1x128xf32>
    %add3A_12 = vector.broadcast %get3A_11 : vector<1x128xf32> to vector<2000x128xf32>
    %add3A_13 = arith.addf %mul3A_8, %add3A_12 : vector<2000x128xf32>
    %get3A_14 = arith.constant 0 : index
    %get3A_15 = arith.constant 0 : index
    %get3A_16 = vector.load %arg6[%get3A_14, %get3A_15] : memref<1x128xf32, #tpu.memory_space<vmem>>, vector<1x128xf32>
    %get3A_17 = arith.constant 0 : index
    %get3A_18 = arith.constant 0 : index
    %get3A_19 = vector.load %arg7[%get3A_17, %get3A_18] : memref<1x128xf32, #tpu.memory_space<vmem>>, vector<1x128xf32>
    %reduce_sum3A = arith.constant dense<0.000000e+00> : vector<2000xf32>
    %reduce_sum3A_20 = vector.multi_reduction <add>, %add3A_13, %reduce_sum3A [1] : vector<2000x128xf32> to vector<2000xf32>
    %broadcast_in_dim3A = vector.shape_cast %reduce_sum3A_20 : vector<2000xf32> to vector<2000x1xf32>
    %div3A = arith.constant 1.280000e+02 : f32
    %div3A_21 = vector.broadcast %div3A : f32 to vector<2000x1xf32>
    %div3A_22 = arith.divf %broadcast_in_dim3A, %div3A_21 : vector<2000x1xf32>
    %jit3A = arith.constant 0 : i32
    %reduce_sum3A_23 = arith.constant dense<0.000000e+00> : vector<2000xf32>
    %reduce_sum3A_24 = vector.multi_reduction <add>, %add3A_13, %reduce_sum3A_23 [1] : vector<2000x128xf32> to vector<2000xf32>
    %broadcast_in_dim3A_25 = vector.shape_cast %reduce_sum3A_24 : vector<2000xf32> to vector<2000x1xf32>
    %div3A_26 = arith.constant 1.280000e+02 : f32
    %div3A_27 = vector.broadcast %div3A_26 : f32 to vector<2000x1xf32>
    %div3A_28 = arith.divf %broadcast_in_dim3A_25, %div3A_27 : vector<2000x1xf32>
    %sub3A = vector.broadcast %div3A_28 : vector<2000x1xf32> to vector<2000x128xf32>
    %sub3A_29 = arith.subf %add3A_13, %sub3A : vector<2000x128xf32>
    %square3A = arith.mulf %sub3A_29, %sub3A_29 : vector<2000x128xf32>
    %convert_element_type3A = arith.sitofp %jit3A : i32 to f32
    %sub3A_30 = arith.constant 1.280000e+02 : f32
    %sub3A_31 = arith.subf %sub3A_30, %convert_element_type3A : f32
    %reduce_sum3A_32 = arith.constant dense<0.000000e+00> : vector<2000xf32>
    %reduce_sum3A_33 = vector.multi_reduction <add>, %square3A, %reduce_sum3A_32 [1] : vector<2000x128xf32> to vector<2000xf32>
    %broadcast_in_dim3A_34 = vector.shape_cast %reduce_sum3A_33 : vector<2000xf32> to vector<2000x1xf32>
    %div3A_35 = vector.broadcast %sub3A_31 : f32 to vector<2000x1xf32>
    %div3A_36 = arith.divf %broadcast_in_dim3A_34, %div3A_35 : vector<2000x1xf32>
    %gt3A = arith.constant 0.000000e+00 : f32
    %gt3A_37 = arith.cmpf ogt, %sub3A_31, %gt3A : f32
    %jit3A_38 = arith.constant 0x7FC00000 : f32
    %broadcast_in_dim3A_39 = vector.broadcast %jit3A_38 : f32 to vector<2000x1xf32>
    %select_n3A = arith.select %gt3A_37, %div3A_36, %broadcast_in_dim3A_39 : vector<2000x1xf32>
    %sub3A_40 = vector.broadcast %div3A_22 : vector<2000x1xf32> to vector<2000x128xf32>
    %sub3A_41 = arith.subf %add3A_13, %sub3A_40 : vector<2000x128xf32>
    %add3A_42 = arith.constant 9.99999974E-6 : f32
    %add3A_43 = vector.broadcast %add3A_42 : f32 to vector<2000x1xf32>
    %add3A_44 = arith.addf %select_n3A, %add3A_43 : vector<2000x1xf32>
    %sqrt3A = math.sqrt %add3A_44 : vector<2000x1xf32>
    %div3A_45 = vector.broadcast %sqrt3A : vector<2000x1xf32> to vector<2000x128xf32>
    %div3A_46 = arith.divf %sub3A_41, %div3A_45 : vector<2000x128xf32>
    %mul3A_47 = vector.broadcast %get3A_16 : vector<1x128xf32> to vector<2000x128xf32>
    %mul3A_48 = arith.mulf %div3A_46, %mul3A_47 : vector<2000x128xf32>
    %add3A_49 = vector.broadcast %get3A_19 : vector<1x128xf32> to vector<2000x128xf32>
    %add3A_50 = arith.addf %mul3A_48, %add3A_49 : vector<2000x128xf32>
    %max3A = arith.constant 0.000000e+00 : f32
    %max3A_51 = vector.broadcast %max3A : f32 to vector<2000x128xf32>
    %max3A_52 = arith.maximumf %add3A_50, %max3A_51 : vector<2000x128xf32>
    %get3A_53 = arith.constant 0 : index
    %get3A_54 = arith.constant 0 : index
    %get3A_55 = vector.load %arg4[%get3A_53, %get3A_54] : memref<2000x128xf32, #tpu.memory_space<vmem>>, vector<2000x128xf32>
    %add3A_56 = arith.addf %max3A_52, %get3A_55 : vector<2000x128xf32>
    %swap3A = arith.constant 0 : index
    %swap3A_57 = arith.constant 0 : index
    %swap3A_58 = vector.load %arg8[%swap3A, %swap3A_57] : memref<2000x128xf32, #tpu.memory_space<vmem>>, vector<2000x128xf32>
    tpu.vector_store %arg8[%swap3A, %swap3A_57], %add3A_56 {strides = array<i32>} : memref<2000x128xf32, #tpu.memory_space<vmem>>, vector<2000x128xf32>,
    return
  }
  func.func @transform_0(%arg0: i32) -> (i32, i32) {
    %c0_i32 = arith.constant 0 : i32
    %c0_i32_0 = arith.constant 0 : i32
    return %arg0, %c0_i32 : i32, i32
  }
  func.func @transform_1(%arg0: i32) -> (i32, i32) {
    %c0_i32 = arith.constant 0 : i32
    %c0_i32_0 = arith.constant 0 : i32
    return %arg0, %c0_i32 : i32, i32
  }
  func.func @transform_2(%arg0: i32) -> (i32, i32) {
    %c0_i32 = arith.constant 0 : i32
    %c0_i32_0 = arith.constant 0 : i32
    return %arg0, %c0_i32 : i32, i32
  }
  func.func @transform_3(%arg0: i32) -> (i32, i32) {
    %c0_i32 = arith.constant 0 : i32
    %c0_i32_0 = arith.constant 0 : i32
    return %arg0, %c0_i32 : i32, i32
  }
  func.func @transform_4(%arg0: i32) -> (i32, i32) {
    %c0_i32 = arith.constant 0 : i32
    %c0_i32_0 = arith.constant 0 : i32
    %c0_i32_1 = arith.constant 0 : i32
    return %c0_i32, %c0_i32_0 : i32, i32
  }
  func.func @transform_5(%arg0: i32) -> (i32, i32) {
    %c0_i32 = arith.constant 0 : i32
    %c0_i32_0 = arith.constant 0 : i32
    %c0_i32_1 = arith.constant 0 : i32
    return %c0_i32, %c0_i32_0 : i32, i32
  }
  func.func @transform_6(%arg0: i32) -> (i32, i32) {
    %c0_i32 = arith.constant 0 : i32
    %c0_i32_0 = arith.constant 0 : i32
    %c0_i32_1 = arith.constant 0 : i32
    return %c0_i32, %c0_i32_0 : i32, i32
  }
  func.func @transform_7(%arg0: i32) -> (i32, i32) {
    %c0_i32 = arith.constant 0 : i32
    %c0_i32_0 = arith.constant 0 : i32
    return %arg0, %c0_i32 : i32, i32
  }
}

module attributes {stable_mosaic.version = 14 : i64} {
  func.func @_heads_body(%arg0: i32, %arg1: memref<2000x128xf32, #tpu.memory_space<vmem>>, %arg2: memref<128x128xf32, #tpu.memory_space<vmem>>, %arg3: memref<1x128xf32, #tpu.memory_space<vmem>>, %arg4: memref<1x128xf32, #tpu.memory_space<vmem>>, %arg5: memref<1x128xf32, #tpu.memory_space<vmem>>, %arg6: memref<128x64xf32, #tpu.memory_space<vmem>>, %arg7: memref<1x64xf32, #tpu.memory_space<vmem>>, %arg8: memref<64x128xf32, #tpu.memory_space<vmem>>, %arg9: memref<1x128xf32, #tpu.memory_space<vmem>>, %arg10: memref<256x128xf32, #tpu.memory_space<vmem>>, %arg11: memref<1x128xf32, #tpu.memory_space<vmem>>, %arg12: memref<1x128xf32, #tpu.memory_space<vmem>>, %arg13: memref<1x128xf32, #tpu.memory_space<vmem>>, %arg14: memref<128x64xf32, #tpu.memory_space<vmem>>, %arg15: memref<1x64xf32, #tpu.memory_space<vmem>>, %arg16: memref<64x128xf32, #tpu.memory_space<vmem>>, %arg17: memref<1x128xf32, #tpu.memory_space<vmem>>, %arg18: memref<2000x128xf32, #tpu.memory_space<vmem>>, %arg19: memref<8x128xf32, #tpu.memory_space<vmem>>, %arg20: memref<8x128xf32, #tpu.memory_space<vmem>>) attributes {dimension_semantics = [#tpu.dimension_semantics<arbitrary>], iteration_bounds = array<i64: 5>, scalar_prefetch = 0 : i64, scratch_operands = 1 : i64, tpu.core_type = #tpu.core_type<tc>, window_params = [{transform_indices = @transform_0, window_bounds = array<i64: 2000, 128>}, {pipeline_mode = #tpu.pipeline_mode<synchronous>, transform_indices = @transform_1, window_bounds = array<i64: 128, 128>}, {pipeline_mode = #tpu.pipeline_mode<synchronous>, transform_indices = @transform_2, window_bounds = array<i64: 1, 128>}, {pipeline_mode = #tpu.pipeline_mode<synchronous>, transform_indices = @transform_3, window_bounds = array<i64: 1, 128>}, {pipeline_mode = #tpu.pipeline_mode<synchronous>, transform_indices = @transform_4, window_bounds = array<i64: 1, 128>}, {pipeline_mode = #tpu.pipeline_mode<synchronous>, transform_indices = @transform_5, window_bounds = array<i64: 128, 64>}, {pipeline_mode = #tpu.pipeline_mode<synchronous>, transform_indices = @transform_6, window_bounds = array<i64: 1, 64>}, {pipeline_mode = #tpu.pipeline_mode<synchronous>, transform_indices = @transform_7, window_bounds = array<i64: 64, 128>}, {pipeline_mode = #tpu.pipeline_mode<synchronous>, transform_indices = @transform_8, window_bounds = array<i64: 1, 128>}, {pipeline_mode = #tpu.pipeline_mode<synchronous>, transform_indices = @transform_9, window_bounds = array<i64: 256, 128>}, {pipeline_mode = #tpu.pipeline_mode<synchronous>, transform_indices = @transform_10, window_bounds = array<i64: 1, 128>}, {pipeline_mode = #tpu.pipeline_mode<synchronous>, transform_indices = @transform_11, window_bounds = array<i64: 1, 128>}, {pipeline_mode = #tpu.pipeline_mode<synchronous>, transform_indices = @transform_12, window_bounds = array<i64: 1, 128>}, {pipeline_mode = #tpu.pipeline_mode<synchronous>, transform_indices = @transform_13, window_bounds = array<i64: 128, 64>}, {pipeline_mode = #tpu.pipeline_mode<synchronous>, transform_indices = @transform_14, window_bounds = array<i64: 1, 64>}, {pipeline_mode = #tpu.pipeline_mode<synchronous>, transform_indices = @transform_15, window_bounds = array<i64: 64, 128>}, {pipeline_mode = #tpu.pipeline_mode<synchronous>, transform_indices = @transform_16, window_bounds = array<i64: 1, 128>}, {transform_indices = @transform_17, window_bounds = array<i64: 2000, 128>}, {pipeline_mode = #tpu.pipeline_mode<synchronous>, transform_indices = @transform_18, window_bounds = array<i64: 8, 128>}]} {
    %get3A = arith.constant 0 : index
    %get3A_0 = arith.constant 0 : index
    %get3A_1 = vector.load %arg1[%get3A, %get3A_0] : memref<2000x128xf32, #tpu.memory_space<vmem>>, vector<2000x128xf32>
    %eq3A = arith.constant 0 : i32
    %eq3A_2 = arith.cmpi eq, %arg0, %eq3A : i32
    %convert_element_type3A = arith.extui %eq3A_2 : i1 to i32
    %cond3A = arith.constant 0 : i32
    %cond3A_3 = arith.cmpi ne, %convert_element_type3A, %cond3A : i32
    scf.if %cond3A_3 {
      %broadcast_in_dim3A_100 = arith.constant 0.000000e+00 : f32
      %broadcast_in_dim3A_101 = vector.broadcast %broadcast_in_dim3A_100 : f32 to vector<1x128xf32>
      %swap3A_102 = arith.constant 0 : index
      %swap3A_103 = arith.constant 0 : index
      %swap3A_104 = vector.load %arg20[%swap3A_102, %swap3A_103] : memref<8x128xf32, #tpu.memory_space<vmem>>, vector<1x128xf32>
      tpu.vector_store %arg20[%swap3A_102, %swap3A_103], %broadcast_in_dim3A_101 {strides = array<i32>} : memref<8x128xf32, #tpu.memory_space<vmem>>, vector<1x128xf32>,
      %broadcast_in_dim3A_105 = arith.constant 0xFF800000 : f32
      %broadcast_in_dim3A_106 = vector.broadcast %broadcast_in_dim3A_105 : f32 to vector<1x128xf32>
      %swap3A_107 = arith.constant 1 : index
      %swap3A_108 = arith.constant 0 : index
      %swap3A_109 = vector.load %arg20[%swap3A_107, %swap3A_108] : memref<8x128xf32, #tpu.memory_space<vmem>>, vector<1x128xf32>
      tpu.vector_store %arg20[%swap3A_107, %swap3A_108], %broadcast_in_dim3A_106 {strides = array<i32>} : memref<8x128xf32, #tpu.memory_space<vmem>>, vector<1x128xf32>,
    } else {
    }
    %get3A_4 = arith.constant 0 : index
    %get3A_5 = arith.constant 0 : index
    %get3A_6 = vector.load %arg20[%get3A_4, %get3A_5] : memref<8x128xf32, #tpu.memory_space<vmem>>, vector<1x128xf32>
    %reduce_sum3A = arith.constant dense<0.000000e+00> : vector<128xf32>
    %reduce_sum3A_7 = vector.multi_reduction <add>, %get3A_1, %reduce_sum3A [0] : vector<2000x128xf32> to vector<128xf32>
    %broadcast_in_dim3A = vector.shape_cast %reduce_sum3A_7 : vector<128xf32> to vector<1x128xf32>
    %add3A = arith.addf %get3A_6, %broadcast_in_dim3A : vector<1x128xf32>
    %swap3A = arith.constant 0 : index
    %swap3A_8 = arith.constant 0 : index
    %swap3A_9 = vector.load %arg20[%swap3A, %swap3A_8] : memref<8x128xf32, #tpu.memory_space<vmem>>, vector<1x128xf32>
    tpu.vector_store %arg20[%swap3A, %swap3A_8], %add3A {strides = array<i32>} : memref<8x128xf32, #tpu.memory_space<vmem>>, vector<1x128xf32>,
    %get3A_10 = arith.constant 1 : index
    %get3A_11 = arith.constant 0 : index
    %get3A_12 = vector.load %arg20[%get3A_10, %get3A_11] : memref<8x128xf32, #tpu.memory_space<vmem>>, vector<1x128xf32>
    %reduce_max3A = arith.constant dense<0xFF800000> : vector<128xf32>
    %reduce_max3A_13 = vector.multi_reduction <maximumf>, %get3A_1, %reduce_max3A [0] : vector<2000x128xf32> to vector<128xf32>
    %broadcast_in_dim3A_14 = vector.shape_cast %reduce_max3A_13 : vector<128xf32> to vector<1x128xf32>
    %max3A = arith.maximumf %get3A_12, %broadcast_in_dim3A_14 : vector<1x128xf32>
    %swap3A_15 = arith.constant 1 : index
    %swap3A_16 = arith.constant 0 : index
    %swap3A_17 = vector.load %arg20[%swap3A_15, %swap3A_16] : memref<8x128xf32, #tpu.memory_space<vmem>>, vector<1x128xf32>
    tpu.vector_store %arg20[%swap3A_15, %swap3A_16], %max3A {strides = array<i32>} : memref<8x128xf32, #tpu.memory_space<vmem>>, vector<1x128xf32>,
    %get3A_18 = arith.constant 0 : index
    %get3A_19 = arith.constant 0 : index
    %get3A_20 = vector.load %arg2[%get3A_18, %get3A_19] : memref<128x128xf32, #tpu.memory_space<vmem>>, vector<128x128xf32>
    %dot_general3A = arith.constant dense<0.000000e+00> : vector<2000x128xf32>
    %dot_general3A_21 = tpu.matmul %get3A_1, %get3A_20, %dot_general3A {dimension_numbers = #tpu.dot_dimension_numbers<[1], [0], [0], [1], [0, 0, 1, 1], [], []>, transpose_lhs_hint = false} : vector<2000x128xf32>, vector<128x128xf32>, vector<2000x128xf32> -> vector<2000x128xf32>
    %get3A_22 = arith.constant 0 : index
    %get3A_23 = arith.constant 0 : index
    %get3A_24 = vector.load %arg3[%get3A_22, %get3A_23] : memref<1x128xf32, #tpu.memory_space<vmem>>, vector<1x128xf32>
    %add3A_25 = vector.broadcast %get3A_24 : vector<1x128xf32> to vector<2000x128xf32>
    %add3A_26 = arith.addf %dot_general3A_21, %add3A_25 : vector<2000x128xf32>
    %get3A_27 = arith.constant 0 : index
    %get3A_28 = arith.constant 0 : index
    %get3A_29 = vector.load %arg4[%get3A_27, %get3A_28] : memref<1x128xf32, #tpu.memory_space<vmem>>, vector<1x128xf32>
    %get3A_30 = arith.constant 0 : index
    %get3A_31 = arith.constant 0 : index
    %get3A_32 = vector.load %arg5[%get3A_30, %get3A_31] : memref<1x128xf32, #tpu.memory_space<vmem>>, vector<1x128xf32>
    %reduce_sum3A_33 = arith.constant dense<0.000000e+00> : vector<2000xf32>
    %reduce_sum3A_34 = vector.multi_reduction <add>, %add3A_26, %reduce_sum3A_33 [1] : vector<2000x128xf32> to vector<2000xf32>
    %broadcast_in_dim3A_35 = vector.shape_cast %reduce_sum3A_34 : vector<2000xf32> to vector<2000x1xf32>
    %div3A = arith.constant 1.280000e+02 : f32
    %div3A_36 = vector.broadcast %div3A : f32 to vector<2000x1xf32>
    %div3A_37 = arith.divf %broadcast_in_dim3A_35, %div3A_36 : vector<2000x1xf32>
    %jit3A = arith.constant 0 : i32
    %reduce_sum3A_38 = arith.constant dense<0.000000e+00> : vector<2000xf32>
    %reduce_sum3A_39 = vector.multi_reduction <add>, %add3A_26, %reduce_sum3A_38 [1] : vector<2000x128xf32> to vector<2000xf32>
    %broadcast_in_dim3A_40 = vector.shape_cast %reduce_sum3A_39 : vector<2000xf32> to vector<2000x1xf32>
    %div3A_41 = arith.constant 1.280000e+02 : f32
    %div3A_42 = vector.broadcast %div3A_41 : f32 to vector<2000x1xf32>
    %div3A_43 = arith.divf %broadcast_in_dim3A_40, %div3A_42 : vector<2000x1xf32>
    %sub3A = vector.broadcast %div3A_43 : vector<2000x1xf32> to vector<2000x128xf32>
    %sub3A_44 = arith.subf %add3A_26, %sub3A : vector<2000x128xf32>
    %square3A = arith.mulf %sub3A_44, %sub3A_44 : vector<2000x128xf32>
    %convert_element_type3A_45 = arith.sitofp %jit3A : i32 to f32
    %sub3A_46 = arith.constant 1.280000e+02 : f32
    %sub3A_47 = arith.subf %sub3A_46, %convert_element_type3A_45 : f32
    %reduce_sum3A_48 = arith.constant dense<0.000000e+00> : vector<2000xf32>
    %reduce_sum3A_49 = vector.multi_reduction <add>, %square3A, %reduce_sum3A_48 [1] : vector<2000x128xf32> to vector<2000xf32>
    %broadcast_in_dim3A_50 = vector.shape_cast %reduce_sum3A_49 : vector<2000xf32> to vector<2000x1xf32>
    %div3A_51 = vector.broadcast %sub3A_47 : f32 to vector<2000x1xf32>
    %div3A_52 = arith.divf %broadcast_in_dim3A_50, %div3A_51 : vector<2000x1xf32>
    %gt3A = arith.constant 0.000000e+00 : f32
    %gt3A_53 = arith.cmpf ogt, %sub3A_47, %gt3A : f32
    %jit3A_54 = arith.constant 0x7FC00000 : f32
    %broadcast_in_dim3A_55 = vector.broadcast %jit3A_54 : f32 to vector<2000x1xf32>
    %select_n3A = arith.select %gt3A_53, %div3A_52, %broadcast_in_dim3A_55 : vector<2000x1xf32>
    %sub3A_56 = vector.broadcast %div3A_37 : vector<2000x1xf32> to vector<2000x128xf32>
    %sub3A_57 = arith.subf %add3A_26, %sub3A_56 : vector<2000x128xf32>
    %add3A_58 = arith.constant 9.99999974E-6 : f32
    %add3A_59 = vector.broadcast %add3A_58 : f32 to vector<2000x1xf32>
    %add3A_60 = arith.addf %select_n3A, %add3A_59 : vector<2000x1xf32>
    %sqrt3A = math.sqrt %add3A_60 : vector<2000x1xf32>
    %div3A_61 = vector.broadcast %sqrt3A : vector<2000x1xf32> to vector<2000x128xf32>
    %div3A_62 = arith.divf %sub3A_57, %div3A_61 : vector<2000x128xf32>
    %mul3A = vector.broadcast %get3A_29 : vector<1x128xf32> to vector<2000x128xf32>
    %mul3A_63 = arith.mulf %div3A_62, %mul3A : vector<2000x128xf32>
    %add3A_64 = vector.broadcast %get3A_32 : vector<1x128xf32> to vector<2000x128xf32>
    %add3A_65 = arith.addf %mul3A_63, %add3A_64 : vector<2000x128xf32>
    %max3A_66 = arith.constant 0.000000e+00 : f32
    %max3A_67 = vector.broadcast %max3A_66 : f32 to vector<2000x128xf32>
    %max3A_68 = arith.maximumf %add3A_65, %max3A_67 : vector<2000x128xf32>
    %get3A_69 = arith.constant 0 : index
    %get3A_70 = arith.constant 0 : index
    %get3A_71 = vector.load %arg6[%get3A_69, %get3A_70] : memref<128x64xf32, #tpu.memory_space<vmem>>, vector<128x64xf32>
    %dot_general3A_72 = arith.constant dense<0.000000e+00> : vector<2000x64xf32>
    %dot_general3A_73 = tpu.matmul %max3A_68, %get3A_71, %dot_general3A_72 {dimension_numbers = #tpu.dot_dimension_numbers<[1], [0], [0], [1], [0, 0, 1, 1], [], []>, transpose_lhs_hint = false} : vector<2000x128xf32>, vector<128x64xf32>, vector<2000x64xf32> -> vector<2000x64xf32>
    %get3A_74 = arith.constant 0 : index
    %get3A_75 = arith.constant 0 : index
    %get3A_76 = vector.load %arg7[%get3A_74, %get3A_75] : memref<1x64xf32, #tpu.memory_space<vmem>>, vector<1x64xf32>
    %add3A_77 = vector.broadcast %get3A_76 : vector<1x64xf32> to vector<2000x64xf32>
    %add3A_78 = arith.addf %dot_general3A_73, %add3A_77 : vector<2000x64xf32>
    %max3A_79 = arith.constant 0.000000e+00 : f32
    %max3A_80 = vector.broadcast %max3A_79 : f32 to vector<2000x64xf32>
    %max3A_81 = arith.maximumf %add3A_78, %max3A_80 : vector<2000x64xf32>
    %get3A_82 = arith.constant 0 : index
    %get3A_83 = arith.constant 0 : index
    %get3A_84 = vector.load %arg8[%get3A_82, %get3A_83] : memref<64x128xf32, #tpu.memory_space<vmem>>, vector<64x128xf32>
    %dot_general3A_85 = arith.constant dense<0.000000e+00> : vector<2000x128xf32>
    %dot_general3A_86 = tpu.matmul %max3A_81, %get3A_84, %dot_general3A_85 {dimension_numbers = #tpu.dot_dimension_numbers<[1], [0], [0], [1], [0, 0, 1, 1], [], []>, transpose_lhs_hint = false} : vector<2000x64xf32>, vector<64x128xf32>, vector<2000x128xf32> -> vector<2000x128xf32>
    %get3A_87 = arith.constant 0 : index
    %get3A_88 = arith.constant 0 : index
    %get3A_89 = vector.load %arg9[%get3A_87, %get3A_88] : memref<1x128xf32, #tpu.memory_space<vmem>>, vector<1x128xf32>
    %add3A_90 = vector.broadcast %get3A_89 : vector<1x128xf32> to vector<2000x128xf32>
    %add3A_91 = arith.addf %dot_general3A_86, %add3A_90 : vector<2000x128xf32>
    %swap3A_92 = arith.constant 0 : index
    %swap3A_93 = arith.constant 0 : index
    %swap3A_94 = vector.load %arg18[%swap3A_92, %swap3A_93] : memref<2000x128xf32, #tpu.memory_space<vmem>>, vector<2000x128xf32>
    tpu.vector_store %arg18[%swap3A_92, %swap3A_93], %add3A_91 {strides = array<i32>} : memref<2000x128xf32, #tpu.memory_space<vmem>>, vector<2000x128xf32>,
    %eq3A_95 = arith.constant 4 : i32
    %eq3A_96 = arith.cmpi eq, %arg0, %eq3A_95 : i32
    %convert_element_type3A_97 = arith.extui %eq3A_96 : i1 to i32
    %cond3A_98 = arith.constant 0 : i32
    %cond3A_99 = arith.cmpi ne, %convert_element_type3A_97, %cond3A_98 : i32
    scf.if %cond3A_99 {
      %get3A_100 = arith.constant 0 : index
      %get3A_101 = arith.constant 0 : index
      %get3A_102 = vector.load %arg20[%get3A_100, %get3A_101] : memref<8x128xf32, #tpu.memory_space<vmem>>, vector<1x128xf32>
      %mul3A_103 = arith.constant 9.99999974E-5 : f32
      %mul3A_104 = vector.broadcast %mul3A_103 : f32 to vector<1x128xf32>
      %mul3A_105 = arith.mulf %get3A_102, %mul3A_104 : vector<1x128xf32>
      %get3A_106 = arith.constant 1 : index
      %get3A_107 = arith.constant 0 : index
      %get3A_108 = vector.load %arg20[%get3A_106, %get3A_107] : memref<8x128xf32, #tpu.memory_space<vmem>>, vector<1x128xf32>
      %get3A_109 = arith.constant 0 : index
      %get3A_110 = arith.constant 0 : index
      %get3A_111 = vector.load %arg10[%get3A_109, %get3A_110] : memref<256x128xf32, #tpu.memory_space<vmem>>, vector<128x128xf32>
      %dot_general3A_112 = arith.constant dense<0.000000e+00> : vector<1x128xf32>
      %dot_general3A_113 = tpu.matmul %mul3A_105, %get3A_111, %dot_general3A_112 {dimension_numbers = #tpu.dot_dimension_numbers<[1], [0], [0], [1], [0, 0, 1, 1], [], []>, transpose_lhs_hint = false} : vector<1x128xf32>, vector<128x128xf32>, vector<1x128xf32> -> vector<1x128xf32>
      %get3A_114 = arith.constant 128 : index
      %get3A_115 = arith.constant 0 : index
      %get3A_116 = vector.load %arg10[%get3A_114, %get3A_115] : memref<256x128xf32, #tpu.memory_space<vmem>>, vector<128x128xf32>
      %dot_general3A_117 = arith.constant dense<0.000000e+00> : vector<1x128xf32>
      %dot_general3A_118 = tpu.matmul %get3A_108, %get3A_116, %dot_general3A_117 {dimension_numbers = #tpu.dot_dimension_numbers<[1], [0], [0], [1], [0, 0, 1, 1], [], []>, transpose_lhs_hint = false} : vector<1x128xf32>, vector<128x128xf32>, vector<1x128xf32> -> vector<1x128xf32>
      %add3A_119 = arith.addf %dot_general3A_113, %dot_general3A_118 : vector<1x128xf32>
      %get3A_120 = arith.constant 0 : index
      %get3A_121 = arith.constant 0 : index
      %get3A_122 = vector.load %arg11[%get3A_120, %get3A_121] : memref<1x128xf32, #tpu.memory_space<vmem>>, vector<1x128xf32>
      %add3A_123 = arith.addf %add3A_119, %get3A_122 : vector<1x128xf32>
      %get3A_124 = arith.constant 0 : index
      %get3A_125 = arith.constant 0 : index
      %get3A_126 = vector.load %arg12[%get3A_124, %get3A_125] : memref<1x128xf32, #tpu.memory_space<vmem>>, vector<1x128xf32>
      %get3A_127 = arith.constant 0 : index
      %get3A_128 = arith.constant 0 : index
      %get3A_129 = vector.load %arg13[%get3A_127, %get3A_128] : memref<1x128xf32, #tpu.memory_space<vmem>>, vector<1x128xf32>
      %reduce_sum3A_130 = arith.constant dense<0.000000e+00> : vector<1xf32>
      %reduce_sum3A_131 = vector.multi_reduction <add>, %add3A_123, %reduce_sum3A_130 [1] : vector<1x128xf32> to vector<1xf32>
      %broadcast_in_dim3A_132 = vector.shape_cast %reduce_sum3A_131 : vector<1xf32> to vector<1x1xf32>
      %div3A_133 = arith.constant 1.280000e+02 : f32
      %div3A_134 = vector.broadcast %div3A_133 : f32 to vector<1x1xf32>
      %div3A_135 = arith.divf %broadcast_in_dim3A_132, %div3A_134 : vector<1x1xf32>
      %jit3A_136 = arith.constant 0 : i32
      %reduce_sum3A_137 = arith.constant dense<0.000000e+00> : vector<1xf32>
      %reduce_sum3A_138 = vector.multi_reduction <add>, %add3A_123, %reduce_sum3A_137 [1] : vector<1x128xf32> to vector<1xf32>
      %broadcast_in_dim3A_139 = vector.shape_cast %reduce_sum3A_138 : vector<1xf32> to vector<1x1xf32>
      %div3A_140 = arith.constant 1.280000e+02 : f32
      %div3A_141 = vector.broadcast %div3A_140 : f32 to vector<1x1xf32>
      %div3A_142 = arith.divf %broadcast_in_dim3A_139, %div3A_141 : vector<1x1xf32>
      %sub3A_143 = vector.broadcast %div3A_142 : vector<1x1xf32> to vector<1x128xf32>
      %sub3A_144 = arith.subf %add3A_123, %sub3A_143 : vector<1x128xf32>
      %square3A_145 = arith.mulf %sub3A_144, %sub3A_144 : vector<1x128xf32>
      %convert_element_type3A_146 = arith.sitofp %jit3A_136 : i32 to f32
      %sub3A_147 = arith.constant 1.280000e+02 : f32
      %sub3A_148 = arith.subf %sub3A_147, %convert_element_type3A_146 : f32
      %reduce_sum3A_149 = arith.constant dense<0.000000e+00> : vector<1xf32>
      %reduce_sum3A_150 = vector.multi_reduction <add>, %square3A_145, %reduce_sum3A_149 [1] : vector<1x128xf32> to vector<1xf32>
      %broadcast_in_dim3A_151 = vector.shape_cast %reduce_sum3A_150 : vector<1xf32> to vector<1x1xf32>
      %div3A_152 = vector.broadcast %sub3A_148 : f32 to vector<1x1xf32>
      %div3A_153 = arith.divf %broadcast_in_dim3A_151, %div3A_152 : vector<1x1xf32>
      %gt3A_154 = arith.constant 0.000000e+00 : f32
      %gt3A_155 = arith.cmpf ogt, %sub3A_148, %gt3A_154 : f32
      %jit3A_156 = arith.constant 0x7FC00000 : f32
      %broadcast_in_dim3A_157 = vector.broadcast %jit3A_156 : f32 to vector<1x1xf32>
      %select_n3A_158 = arith.select %gt3A_155, %div3A_153, %broadcast_in_dim3A_157 : vector<1x1xf32>
      %sub3A_159 = vector.broadcast %div3A_135 : vector<1x1xf32> to vector<1x128xf32>
      %sub3A_160 = arith.subf %add3A_123, %sub3A_159 : vector<1x128xf32>
      %add3A_161 = arith.constant 9.99999974E-6 : f32
      %add3A_162 = vector.broadcast %add3A_161 : f32 to vector<1x1xf32>
      %add3A_163 = arith.addf %select_n3A_158, %add3A_162 : vector<1x1xf32>
      %sqrt3A_164 = math.sqrt %add3A_163 : vector<1x1xf32>
      %div3A_165 = vector.broadcast %sqrt3A_164 : vector<1x1xf32> to vector<1x128xf32>
      %div3A_166 = arith.divf %sub3A_160, %div3A_165 : vector<1x128xf32>
      %mul3A_167 = arith.mulf %div3A_166, %get3A_126 : vector<1x128xf32>
      %add3A_168 = arith.addf %mul3A_167, %get3A_129 : vector<1x128xf32>
      %max3A_169 = arith.constant 0.000000e+00 : f32
      %max3A_170 = vector.broadcast %max3A_169 : f32 to vector<1x128xf32>
      %max3A_171 = arith.maximumf %add3A_168, %max3A_170 : vector<1x128xf32>
      %get3A_172 = arith.constant 0 : index
      %get3A_173 = arith.constant 0 : index
      %get3A_174 = vector.load %arg14[%get3A_172, %get3A_173] : memref<128x64xf32, #tpu.memory_space<vmem>>, vector<128x64xf32>
      %dot_general3A_175 = arith.constant dense<0.000000e+00> : vector<1x64xf32>
      %dot_general3A_176 = tpu.matmul %max3A_171, %get3A_174, %dot_general3A_175 {dimension_numbers = #tpu.dot_dimension_numbers<[1], [0], [0], [1], [0, 0, 1, 1], [], []>, transpose_lhs_hint = false} : vector<1x128xf32>, vector<128x64xf32>, vector<1x64xf32> -> vector<1x64xf32>
      %get3A_177 = arith.constant 0 : index
      %get3A_178 = arith.constant 0 : index
      %get3A_179 = vector.load %arg15[%get3A_177, %get3A_178] : memref<1x64xf32, #tpu.memory_space<vmem>>, vector<1x64xf32>
      %add3A_180 = arith.addf %dot_general3A_176, %get3A_179 : vector<1x64xf32>
      %max3A_181 = arith.constant 0.000000e+00 : f32
      %max3A_182 = vector.broadcast %max3A_181 : f32 to vector<1x64xf32>
      %max3A_183 = arith.maximumf %add3A_180, %max3A_182 : vector<1x64xf32>
      %get3A_184 = arith.constant 0 : index
      %get3A_185 = arith.constant 0 : index
      %get3A_186 = vector.load %arg16[%get3A_184, %get3A_185] : memref<64x128xf32, #tpu.memory_space<vmem>>, vector<64x128xf32>
      %dot_general3A_187 = arith.constant dense<0.000000e+00> : vector<1x128xf32>
      %dot_general3A_188 = tpu.matmul %max3A_183, %get3A_186, %dot_general3A_187 {dimension_numbers = #tpu.dot_dimension_numbers<[1], [0], [0], [1], [0, 0, 1, 1], [], []>, transpose_lhs_hint = false} : vector<1x64xf32>, vector<64x128xf32>, vector<1x128xf32> -> vector<1x128xf32>
      %get3A_189 = arith.constant 0 : index
      %get3A_190 = arith.constant 0 : index
      %get3A_191 = vector.load %arg17[%get3A_189, %get3A_190] : memref<1x128xf32, #tpu.memory_space<vmem>>, vector<1x128xf32>
      %add3A_192 = arith.addf %dot_general3A_188, %get3A_191 : vector<1x128xf32>
      %broadcast_in_dim3A_193 = vector.shape_cast %add3A_192 : vector<1x128xf32> to vector<1x128xf32>
      %broadcast_in_dim3A_194 = vector.broadcast %broadcast_in_dim3A_193 : vector<1x128xf32> to vector<8x128xf32>
      %swap3A_195 = arith.constant 0 : index
      %swap3A_196 = arith.constant 0 : index
      %swap3A_197 = vector.load %arg19[%swap3A_195, %swap3A_196] : memref<8x128xf32, #tpu.memory_space<vmem>>, vector<8x128xf32>
      tpu.vector_store %arg19[%swap3A_195, %swap3A_196], %broadcast_in_dim3A_194 {strides = array<i32>} : memref<8x128xf32, #tpu.memory_space<vmem>>, vector<8x128xf32>,
    } else {
    }
    return
  }
  func.func @transform_0(%arg0: i32) -> (i32, i32) {
    %c0_i32 = arith.constant 0 : i32
    %c0_i32_0 = arith.constant 0 : i32
    return %arg0, %c0_i32 : i32, i32
  }
  func.func @transform_1(%arg0: i32) -> (i32, i32) {
    %c0_i32 = arith.constant 0 : i32
    %c0_i32_0 = arith.constant 0 : i32
    %c0_i32_1 = arith.constant 0 : i32
    return %c0_i32, %c0_i32_0 : i32, i32
  }
  func.func @transform_2(%arg0: i32) -> (i32, i32) {
    %c0_i32 = arith.constant 0 : i32
    %c0_i32_0 = arith.constant 0 : i32
    %c0_i32_1 = arith.constant 0 : i32
    return %c0_i32, %c0_i32_0 : i32, i32
  }
  func.func @transform_3(%arg0: i32) -> (i32, i32) {
    %c0_i32 = arith.constant 0 : i32
    %c0_i32_0 = arith.constant 0 : i32
    %c0_i32_1 = arith.constant 0 : i32
    return %c0_i32, %c0_i32_0 : i32, i32
  }
  func.func @transform_4(%arg0: i32) -> (i32, i32) {
    %c0_i32 = arith.constant 0 : i32
    %c0_i32_0 = arith.constant 0 : i32
    %c0_i32_1 = arith.constant 0 : i32
    return %c0_i32, %c0_i32_0 : i32, i32
  }
  func.func @transform_5(%arg0: i32) -> (i32, i32) {
    %c0_i32 = arith.constant 0 : i32
    %c0_i32_0 = arith.constant 0 : i32
    %c0_i32_1 = arith.constant 0 : i32
    return %c0_i32, %c0_i32_0 : i32, i32
  }
  func.func @transform_6(%arg0: i32) -> (i32, i32) {
    %c0_i32 = arith.constant 0 : i32
    %c0_i32_0 = arith.constant 0 : i32
    %c0_i32_1 = arith.constant 0 : i32
    return %c0_i32, %c0_i32_0 : i32, i32
  }
  func.func @transform_7(%arg0: i32) -> (i32, i32) {
    %c0_i32 = arith.constant 0 : i32
    %c0_i32_0 = arith.constant 0 : i32
    %c0_i32_1 = arith.constant 0 : i32
    return %c0_i32, %c0_i32_0 : i32, i32
  }
  func.func @transform_8(%arg0: i32) -> (i32, i32) {
    %c0_i32 = arith.constant 0 : i32
    %c0_i32_0 = arith.constant 0 : i32
    %c0_i32_1 = arith.constant 0 : i32
    return %c0_i32, %c0_i32_0 : i32, i32
  }
  func.func @transform_9(%arg0: i32) -> (i32, i32) {
    %c0_i32 = arith.constant 0 : i32
    %c0_i32_0 = arith.constant 0 : i32
    %c0_i32_1 = arith.constant 0 : i32
    return %c0_i32, %c0_i32_0 : i32, i32
  }
  func.func @transform_10(%arg0: i32) -> (i32, i32) {
    %c0_i32 = arith.constant 0 : i32
    %c0_i32_0 = arith.constant 0 : i32
    %c0_i32_1 = arith.constant 0 : i32
    return %c0_i32, %c0_i32_0 : i32, i32
  }
  func.func @transform_11(%arg0: i32) -> (i32, i32) {
    %c0_i32 = arith.constant 0 : i32
    %c0_i32_0 = arith.constant 0 : i32
    %c0_i32_1 = arith.constant 0 : i32
    return %c0_i32, %c0_i32_0 : i32, i32
  }
  func.func @transform_12(%arg0: i32) -> (i32, i32) {
    %c0_i32 = arith.constant 0 : i32
    %c0_i32_0 = arith.constant 0 : i32
    %c0_i32_1 = arith.constant 0 : i32
    return %c0_i32, %c0_i32_0 : i32, i32
  }
  func.func @transform_13(%arg0: i32) -> (i32, i32) {
    %c0_i32 = arith.constant 0 : i32
    %c0_i32_0 = arith.constant 0 : i32
    %c0_i32_1 = arith.constant 0 : i32
    return %c0_i32, %c0_i32_0 : i32, i32
  }
  func.func @transform_14(%arg0: i32) -> (i32, i32) {
    %c0_i32 = arith.constant 0 : i32
    %c0_i32_0 = arith.constant 0 : i32
    %c0_i32_1 = arith.constant 0 : i32
    return %c0_i32, %c0_i32_0 : i32, i32
  }
  func.func @transform_15(%arg0: i32) -> (i32, i32) {
    %c0_i32 = arith.constant 0 : i32
    %c0_i32_0 = arith.constant 0 : i32
    %c0_i32_1 = arith.constant 0 : i32
    return %c0_i32, %c0_i32_0 : i32, i32
  }
  func.func @transform_16(%arg0: i32) -> (i32, i32) {
    %c0_i32 = arith.constant 0 : i32
    %c0_i32_0 = arith.constant 0 : i32
    %c0_i32_1 = arith.constant 0 : i32
    return %c0_i32, %c0_i32_0 : i32, i32
  }
  func.func @transform_17(%arg0: i32) -> (i32, i32) {
    %c0_i32 = arith.constant 0 : i32
    %c0_i32_0 = arith.constant 0 : i32
    return %arg0, %c0_i32 : i32, i32
  }
  func.func @transform_18(%arg0: i32) -> (i32, i32) {
    %c0_i32 = arith.constant 0 : i32
    %c0_i32_0 = arith.constant 0 : i32
    %c0_i32_1 = arith.constant 0 : i32
    return %c0_i32, %c0_i32_0 : i32, i32
  }
}

</mosaic_0001>

<sc_bundles>
// kernel: kernel.14.cloned.1.call-start
scs
__scs_entry_jumppad:
0x0: {  	(pc) =	sbr.rel $0x88, $3  }
0x1: {  	(tag) =	ssettag $0x0;
	lr =	simm.s32 $0x1  }
0x2: {  	[smem:$0x3F89] =	sst lr;
	_ =	strace $0xD0000000  }
0x3: {  	_ = 	snop  }
0x4: {  	_ = 	snop  }
0x5: {  	_ = 	snop  }
0x6: {  	_ = 	snop  }
0x7: {  	_ = 	snop  }
__scs_overlays_trampoline_lowered:
0x8: {  	[smem:$0x3F98] =	sst s0  }
0x9: {  	[smem:$0x3F99] =	sst s1  }
0xa: {  	[smem:$0x3F9A] =	sst s2  }
0xb: {  	[smem:$0x3F9B] =	sst s3  }
0xc: {  	[smem:$0x3F9C] =	sst s4  }
0xd: {  	[smem:$0x3F9D] =	sst s5  }
0xe: {  	[smem:$0x3F9E] =	sst s6  }
0xf: {  	[smem:$0x3F9F] =	sst s7  }
0x10: {  	[smem:$0x3FA0] =	sst s8  }
0x11: {  	[smem:$0x3FA1] =	sst s9;
	s0 =	simm.s32 @!p0 $0x0  }
0x12: {  	s1 =	sld [smem:$0x3F87];
	s0 =	simm.s32 @p0 $0x1  }
0x13: {  	[smem:$0x3FA2] =	sst s0;
	s0 =	simm.s32 @!p1 $0x0  }
0x14: {  	s2 =	sld [smem:$0x3F86];
	s0 =	simm.s32 @p1 $0x1  }
0x15: {  	[smem:$0x3FA3] =	sst s0;
	s0 =	simm.s32 @!p2 $0x0  }
0x16: {  	s3 =	sld [smem:$0x3FDB];
	s0 =	simm.s32 @p2 $0x1  }
0x17: {  	s4 =	simm.s32 $0x1BF5;
	[smem:$0x3FA5] =	sst s0  }
0x18: {  	s0 =	sld [smem:$0x3F88];
	_ =	swait.ge [sflag:s4], $0x0  }
0x19: {  	s7 =	sld [smem:$0x3F89]  }
0x1a: {  	s8 =	sadd.s32 $0xFFFFE003, lr  }
0x1b: {  	s9 =	sadd.s32 $0xFFFFFEF7, lr;
	s5 =	simm.s32 $0xFFFFFFFF;
	p2 =	slt.u32 s8, $0xFFFFF086  }
0x1c: {  	p1 =	slt.u32 s9, $0xF7A;
	s5 =	simm.s32 @!p2 $0x0  }
0x1d: {  	s5 =	simm.s32 @p1 $0x1;
	p0 =	seq.s32 s7, s2  }
0x1e: {  	s7 =	smul.u32 @!p0 $0xF7A, s2;
	p2 =	seq.s32 @!p0 s5, $0x0  }
0x1f: {  	s9 =	smul.u32 $0xF7A, s1;
	s8 =	simm.s32 @!p0 $0x1BF5;
	p2 =	por !p2, p0  }
0x20: {  	[sflag:s8] =	ssyncset.s32 @!p0 $0xFFFFF086;
	s6 =	sadd.s32 @!p0 s3, s7;
	s7 =	simm.s32 @!p0 $0x108  }
0x21: {  	s3 =	sadd.s32 s3, s9;
	s6 =	sadd.s32 @!p0 $0x88, s6;
	s7 =	simm.s32 @p2 $0x1082  }
0x22: {  	[simem:s7], [sflag:s8] =	dma.local @!p0 [hbm:s6], $0xF7A  }
0x23: {  	s9 =	sor.u32 $0xD0000000, s2;
	s6 =	simm.s32 $0x108;
	_ =	swait.ge @!p0 [sflag:s8], $0x0  }
0x24: {  	s3 =	sadd.s32 $0x88, s3;
	s6 =	simm.s32 @!p1 $0x1082;
	[sflag:s4] =	ssyncset.s32 $0xFFFFF086  }
0x25: {  	[simem:s6], [sflag:s4] =	dma.local [hbm:s3], $0xF7A  }
0x26: {  	[smem:$0x3F89] =	sst s1;
	(tag) =	ssettag s2;
	_ =	strace s9  }
0x27: {  	s1 =	sld [smem:$0x3F99]  }
0x28: {  	s2 =	sld [smem:$0x3F9A]  }
0x29: {  	s4 =	sld [smem:$0x3F9C]  }
0x2a: {  	p0 =	seq.s32 s5, $0x0;
	s5 =	sld [smem:$0x3F9D]  }
0x2b: {  	s6 =	sld [smem:$0x3F9E]  }
0x2c: {  	s7 =	sld [smem:$0x3F9F]  }
0x2d: {  	s3 =	simm.s32 $0x108;
	s8 =	sld [smem:$0x3FA0]  }
0x2e: {  	s3 =	simm.s32 @!p0 $0x1082;
	s9 =	sld [smem:$0x3FA1]  }
0x2f: {  	lr =	sadd.s32 s0, s3;
	s0 =	sld [smem:$0x3F98]  }
0x30: {  	s3 =	sld [smem:$0x3F9B]  }
0x31: {  	[smem:$0x3FA4] =	sst s10  }
0x32: {  	s10 =	sld [smem:$0x3FA2];
	_ =	sdelay $0x3  }
0x33: {  	p0 =	seq.s32 s10, $0x1;
	s10 =	sld [smem:$0x3FA4];
	_ =	sdelay $0x3  }
0x34: {  	[smem:$0x3FA4] =	sst s10  }
0x35: {  	s10 =	sld [smem:$0x3FA3];
	_ =	sdelay $0x3  }
0x36: {  	p1 =	seq.s32 s10, $0x1;
	s10 =	sld [smem:$0x3FA4];
	_ =	sdelay $0x3  }
0x37: {  	[smem:$0x3FA4] =	sst s10  }
0x38: {  	s10 =	sld [smem:$0x3FA5]  }
0x39: {  	_ = 	snop;
	(pc) =	sbr.ind lr, $3  }
0x3a: {  	_ = 	snop  }
0x3b: {  	_ = 	snop  }
0x3c: {  	p2 =	seq.s32 s10, $0x1;
	s10 =	sld [smem:$0x3FA4]  }
0x3d: {  	_ =	shalt  }
0x3e: {  	_ =	shalt  }
0x3f: {  	_ =	shalt  }
0x40: {  	_ =	shalt  }
0x41: {  	_ =	shalt  }
0x42: {  	_ =	shalt  }
0x43: {  	_ =	shalt  }
0x44: {  	_ =	shalt  }
0x45: {  	_ =	shalt  }
0x46: {  	_ =	shalt  }
0x47: {  	_ =	shalt  }
0x48: {  	_ =	shalt  }
0x49: {  	_ =	shalt  }
0x4a: {  	_ =	shalt  }
0x4b: {  	_ =	shalt  }
0x4c: {  	_ =	shalt  }
0x4d: {  	_ =	shalt  }
0x4e: {  	_ =	shalt  }
0x4f: {  	_ =	shalt  }
0x50: {  	_ =	shalt  }
0x51: {  	_ =	shalt  }
0x52: {  	_ =	shalt  }
0x53: {  	_ =	shalt  }
0x54: {  	_ =	shalt  }
0x55: {  	_ =	shalt  }
0x56: {  	_ =	shalt  }
0x57: {  	_ =	shalt  }
0x58: {  	_ =	shalt  }
0x59: {  	_ =	shalt  }
0x5a: {  	_ =	shalt  }
0x5b: {  	_ =	shalt  }
0x5c: {  	_ =	shalt  }
0x5d: {  	_ =	shalt  }
0x5e: {  	_ =	shalt  }
0x5f: {  	_ =	shalt  }
0x60: {  	_ =	shalt  }
0x61: {  	_ =	shalt  }
0x62: {  	_ =	shalt  }
0x63: {  	_ =	shalt  }
0x64: {  	_ =	shalt  }
0x65: {  	_ =	shalt  }
0x66: {  	_ =	shalt  }
0x67: {  	_ =	shalt  }
0x68: {  	_ =	shalt  }
0x69: {  	_ =	shalt  }
0x6a: {  	_ =	shalt  }
0x6b: {  	_ =	shalt  }
0x6c: {  	_ =	shalt  }
0x6d: {  	_ =	shalt  }
0x6e: {  	_ =	shalt  }
0x6f: {  	_ =	shalt  }
0x70: {  	_ =	shalt  }
0x71: {  	_ =	shalt  }
0x72: {  	_ =	shalt  }
0x73: {  	_ =	shalt  }
0x74: {  	_ =	shalt  }
0x75: {  	_ =	shalt  }
0x76: {  	_ =	shalt  }
0x77: {  	_ =	shalt  }
0x78: {  	_ =	shalt  }
0x79: {  	_ =	shalt  }
0x7a: {  	_ =	shalt  }
0x7b: {  	_ =	shalt  }
0x7c: {  	_ =	shalt  }
0x7d: {  	_ =	shalt  }
0x7e: {  	_ =	shalt  }
0x7f: {  	_ =	shalt  }
0x80: {  	_ =	shalt  }
0x81: {  	_ =	shalt  }
0x82: {  	_ =	shalt  }
0x83: {  	_ =	shalt  }
0x84: {  	_ =	shalt  }
0x85: {  	_ =	shalt  }
0x86: {  	_ =	shalt  }
0x87: {  	_ =	shalt  }
.Lfunc_end0:
.L_simem_size_0:
called_computation_lowered:
.L_overlay_start_0:
0x88: {  	s2 =	sld [smem:$0x3FD9]  }
0x89: {  	s3 =	sld [smem:$0x3FFE];
	_ =	sdelay $0x1  }
0x8a: {  	s1 =	srdreg.scid  }
0x8b: {  	s0 =	sand.u32 $0x1, s1  }
0x8c: {  	s16 =	sshll.u32 s0, $0xA;
	s2 =	sadd.s32 s3, s2  }
0x8d: {  	s2 =	sadd.s32 s2, s16  }
0x8e: {  	[smem:$0x3FB0] =	sst s2  }
0x8f: {  	_ = 	snop  }
0x90: {  	(tm) =	ssettm $0x1  }
0x91: {  	s17 =	sld [smem:$0x3FFB];
	_ =	sdelay $0x3  }
0x92: {  	_ =	strace s17  }
0x93: {  	s2 =	sld [smem:$0x3FFC];
	_ =	sdelay $0x3  }
0x94: {  	_ =	strace s2  }
0x95: {  	s2 =	sld [smem:$0x3FFD];
	_ =	sdelay $0x3  }
0x96: {  	_ =	strace s2  }
0x97: {  	_ =	strace $0x8FFFFFFF  }
0x98: {  	s18 =	sld [smem:$0x3FDB];
	_ =	sdelay $0x1  }
0x99: {  	s19 =	simm.s32 $_scs_section_size  }
0x9a: {  	s4 =	simm.s32 $_size__tile_overlayer_lowered;
	s5 =	simm.s32 $_tile_overlayer_lowered  }
0x9b: {  	s22 =	simm.s32 $0x1BFF;
	s21 =	sshll.u32 s5, $0x1;
	s2 =	sadd.s32 s19, s18  }
0x9c: {  	s6 =	simm.s32 $0x0;
	s20 =	sshll.u32 s4, $0x1;
	s4 =	sadd.s32 s21, s2  }
0x9d: {  	[timem:s6], [sflag:s22] =	dma.local [hbm:s4], s20  }
0x9e: {  	_ =	swait.ge [sflag:s22], s20  }
0x9f: {  	s3 =	ssub.s32 $0x0, s20;
	[sflag:s22] =	ssyncset.done $0x0  }
0xa0: {  	[sflag:s22] =	ssyncadd.s32 s3;
	_ =	sdelay $0x1  }
0xa1: {  	s23 =	simm.s32 $0x1B8B  }
0xa2: {  	_ =	swait.ge [sflag:s23], $0x1  }
0xa3: {  	[sflag:s23] =	ssyncset.done $0x0  }
0xa4: {  	s25 =	simm.s32 $0x1B8E;
	s24 =	sld [smem:$0x3FFE];
	[sflag:s23] =	ssyncadd.s32 $0xFFFFFFFF  }
0xa5: {  	s26 =	simm.s32 $execute0_lowered;
	[smem:$0x3FD2] =	sst s25  }
0xa6: {  	s4 =	sshll.u32 s26, $0x1;
	_ =	strace $0x80000046;
	[dreg:$0x1] =	wrdreg $0xFFFFFFFF  }
0xa7: {  	s28 =	simm.s32 $_size_execute0_lowered;
	s2 =	sadd.s32 s2, s4;
	[dreg:$0x0] =	wrdreg $0x0  }
0xa8: {  	s4 =	sshll.u32 s28, $0x1;
	[dreg:$0x2] =	wrdreg s2  }
0xa9: {  	[dreg:$0x3] =	wrdreg s4  }
0xaa: {  	[dreg:$0x4] =	wrdreg $0xC0  }
0xab: {  	_ =	task [dreg:s6], $0x5FFFF  }
0xac: {  	[dreg:$0x1] =	wrdreg $0xFFFFFFFF  }
0xad: {  	[dreg:$0x0] =	wrdreg $0x60  }
0xae: {  	[dreg:$0x2] =	wrdreg s24  }
0xaf: {  	[dreg:$0x3] =	wrdreg $0x9  }
0xb0: {  	_ =	task.clear_ibuf [dreg:s6], $0x4FFFF;
	_ =	strace $0x90000046  }
0xb1: {  	s29 =	simm.s32 $0x9;
	_ =	strace $0x80000048  }
0xb2: {  	_ =	swait.ge [sflag:s29], $0x1  }
0xb3: {  	[sflag:s29] =	ssyncadd.s32 $0xFFFFFFFF  }
0xb4: {  	_ =	strace $0x90000048  }
0xb5: {  	_ =	sfence  }
0xb6: {  	s30 =	sld [smem:$0x0];
	_ =	sdelay $0x2  }
0xb7: {  	s31 =	sshll.u32 s1, $0xD;
	s1 =	sshrl.u32 s1, $0x2  }
0xb8: {  	s3 =	sand.u32 $0x4000, s31;
	s1 =	sadd.s32 s1, s30  }
0xb9: {  	s0 =	sor.u32 s3, s0;
	s1 =	sshll.u32 s1, $0x11  }
0xba: {  	s0 =	sor.u32 s1, s0  }
0xbb: {  	s0 =	sadd.s32 $0x8F2B, s0  }
0xbc: {  	[sflag:s0] =	ssyncadd.remote.s32 $0x1  }
0xbd: {  	_ =	sfence.sel $0xFFFF  }
0xbe: {  	[dreg:$0x0] =	wrdreg $0xFFFFFFFF;
	(pc) =	sbr.abs _section_cstart, $3  }
0xbf: {  	[dreg:$0x1] =	wrdreg $0xFFFFFFFF  }
0xc0: {  	_ =	task.clear_ibuf [dreg:s6], $0x2FFFF;
	_ =	strace $0x9FFFFFFF  }
0xc1: {  	(tm) =	ssettm $0x7FFFFFFF  }
tec
execute0_lowered:
.L_overlay_start_1:
0x0: {  	(tag) =	ssettag $0x1  }
0x1: {  	s0 =	srdreg.scid  }
0x2: {  	s3 =	sand.u32 $0x1, s0  }
0x3: {  	s4 =	rddreg [dreg:$0x0];
	s0 =	stileid.u32;
	s1 =	sshll.u32 s3, $0x4  }
0x4: {  	s2 =	simm.s32 $0x0;
	s8 =	simm.s32 $0x0;
	s5 =	sor.u32 s0, s1  }
0x5: {  	[smem:$0x7FF] =	sst s2;
	s3 =	ssub.s32 $0x2, s3;
	s6 =	smul.u32 $0x4E2, s5  }
0x6: {  	s1 =	rddreg [dreg:$0x1];
	s7 =	sshrl.u32 s3, $0x1;
	s5 =	smul.u32 $0x500, s5  }
0x7: {  	_ =	strace $0x80000047;
	s31 =	ssub.s32 s3, s7;
	s7 =	simm.s32 $0x2710  }
0x8: {  	s6 =	sadd.s32 s6, s4;
	s4 =	sadd.s32 s5, s4;
	s5 =	smax.u32 s31, $0x1  }
0x9: {  	v0 =	vimm.f32 $0.0e+00;
	v1 =	vimm.f32 $1.000000000e+00;
	s3 =	sadd.s32 $0x8200, s6;
	s4 =	sadd.s32 $0x12000, s4;
	s6 =	simm.s32 $0x1  }
.LBB2_1:
0xa: {  	[tilespmem:s2], [sflag:$0x1] =	stream.linear.gather [hbm4b:s3+s2], $0x2710, $0x38;
	[tilespmem:$0x4F10] =	vst v63  }
0xb: {  	_ =	swait.ge [sflag:s6], $0x2710  }
0xc: {  	[sflag:s6] =	ssyncset.done $0x0  }
0xd: {  	s9 =	simm.s32 $0x0;
	[sflag:s6] =	ssyncadd.s32 $0xFFFFD8F0  }
.LBB2_2:
0xe: {  	p0 =	sne.s32 s9, $0x9FC0  }
.Ltmp0:
0xf: {  	_ = 	snop;
	(pc) =	sbr.rel @p0 .LBB2_2-.Ltmp0, $3  }
0x10: {  	_ =	sdelay $0x1  }
0x11: {  	s10 =	sshra.s32 s9, $0x2  }
0x12: {  	s9 =	sadd.s32 $0x40, s9;
	[tilespmem:s10+$0x2710] =	vst v0  }
0x13: {  	s10 =	simm.s32 $0x0;
	s9 =	simm.s32 $0x40  }
.LBB2_4:
0x14: {  	p0 =	sne.s32 s9, $0x9C00;
	v2 =	vld [tilespmem:s10+$0x0];
	_ =	sdelay $0x3  }
.Ltmp1:
0x15: {  	(pc) =	sbr.rel @p0 .LBB2_4-.Ltmp1, $2  }
0x16: {  	_ =	sdelay $0x2  }
0x17: {  	s10 =	sshra.s32 s9, $0x2;
	s9 =	sadd.s32 $0x40, s9;
	[tilespmem:v2+s7+$0x0] =	vst.idx.add.f32.msk $0xffff, v1  }
0x18: {  	v2 =	vld [tilespmem:s10+$0x0];
	_ =	sdelay $0x5  }
0x19: {  	s8 =	sadd.s32 $0x1, s8  }
0x1a: {  	p0 =	sne.s32 s8, s5  }
.Ltmp2:
0x1b: {  	[tilespmem:v2+s7+$0x0] =	vst.idx.add.f32.msk $0xffff, v1;
	(pc) =	sbr.rel @p0 .LBB2_1-.Ltmp2, $4  }
0x1c: {  	[hbm4b:s4+s2] =	stream.linear.scatter [tilespmem:s7], [sflag:$0x1], $0x2800, $0x38;
	[tilespmem:$0x4F10] =	vst v63  }
0x1d: {  	_ =	swait.ge [sflag:s6], $0x2800  }
0x1e: {  	[sflag:s6] =	ssyncset.done $0x0  }
0x1f: {  	[sflag:s6] =	ssyncadd.s32 $0xFFFFD800  }
0x20: {  	_ =	sfence.sel $0x180000  }
0x21: {  	[bflag:$0x0] =	sbarrier.arrive $0xFFFF  }
0x22: {  	p0 =	sne.s32 s0, $0x0;
	_ =	strace $0x90000047  }
0x23: {  	s0 =	sadd.s32 @!p0 $0x100000, s1;
	[bflag:$0x2] =	sbarrier.arrive $0xFFFF  }
0x24: {  	[sflag:s0] =	ssyncadd.tile.s32 @!p0 $0x1;
	_ =	shalt  }
.Lfunc_end2:
_tile_overlayer_lowered:
.L_overlay_start_2:
0x25: {  	(tag) =	ssettag $0x2  }
0x26: {  	s0 =	rddreg [dreg:$0x0];
	s2 =	stileid.u32  }
0x27: {  	s1 =	rddreg [dreg:$0x1];
	p0 =	sne.s32 s2, $0x0  }
0x28: {  	s3 =	rddreg [dreg:$0x2];
	[bflag:$0x3] =	sbarrier.arrive $0xFFFF;
	s2 =	simm.s32 @!p0 $0x1C01  }
0x29: {  	[timem:s3], [sflag:s2] =	dma.local @!p0 [hbm:s0], s1  }
0x2a: {  	s0 =	simm.s32 @!p0 $0x1  }
0x2b: {  	_ =	swait.ge @!p0 [sflag:s0], s1  }
0x2c: {  	s1 =	ssub.s32 @!p0 $0x0, s1;
	[sflag:s0] =	ssyncset.done @!p0 $0x0  }
0x2d: {  	[sflag:s0] =	ssyncadd.s32 @!p0 s1  }
0x2e: {  	[bflag:$0x3] =	sbarrier.arrive $0xFFFF  }
0x2f: {  	_ =	shalt  }

// kernel: kernel.17.cloned.1.call-start
scs
__scs_entry_jumppad:
0x0: {  	(pc) =	sbr.rel $0x88, $3  }
0x1: {  	(tag) =	ssettag $0x0;
	lr =	simm.s32 $0x1  }
0x2: {  	[smem:$0x3F89] =	sst lr;
	_ =	strace $0xD0000000  }
0x3: {  	_ = 	snop  }
0x4: {  	_ = 	snop  }
0x5: {  	_ = 	snop  }
0x6: {  	_ = 	snop  }
0x7: {  	_ = 	snop  }
__scs_overlays_trampoline_lowered:
0x8: {  	[smem:$0x3F98] =	sst s0  }
0x9: {  	[smem:$0x3F99] =	sst s1  }
0xa: {  	[smem:$0x3F9A] =	sst s2  }
0xb: {  	[smem:$0x3F9B] =	sst s3  }
0xc: {  	[smem:$0x3F9C] =	sst s4  }
0xd: {  	[smem:$0x3F9D] =	sst s5  }
0xe: {  	[smem:$0x3F9E] =	sst s6  }
0xf: {  	[smem:$0x3F9F] =	sst s7  }
0x10: {  	[smem:$0x3FA0] =	sst s8  }
0x11: {  	[smem:$0x3FA1] =	sst s9;
	s0 =	simm.s32 @!p0 $0x0  }
0x12: {  	s1 =	sld [smem:$0x3F87];
	s0 =	simm.s32 @p0 $0x1  }
0x13: {  	[smem:$0x3FA2] =	sst s0;
	s0 =	simm.s32 @!p1 $0x0  }
0x14: {  	s2 =	sld [smem:$0x3F86];
	s0 =	simm.s32 @p1 $0x1  }
0x15: {  	[smem:$0x3FA3] =	sst s0;
	s0 =	simm.s32 @!p2 $0x0  }
0x16: {  	s3 =	sld [smem:$0x3FDB];
	s0 =	simm.s32 @p2 $0x1  }
0x17: {  	s4 =	simm.s32 $0x1BF5;
	[smem:$0x3FA5] =	sst s0  }
0x18: {  	s0 =	sld [smem:$0x3F88];
	_ =	swait.ge [sflag:s4], $0x0  }
0x19: {  	s7 =	sld [smem:$0x3F89]  }
0x1a: {  	s8 =	sadd.s32 $0xFFFFE003, lr  }
0x1b: {  	s9 =	sadd.s32 $0xFFFFFEF7, lr;
	s5 =	simm.s32 $0xFFFFFFFF;
	p2 =	slt.u32 s8, $0xFFFFF086  }
0x1c: {  	p1 =	slt.u32 s9, $0xF7A;
	s5 =	simm.s32 @!p2 $0x0  }
0x1d: {  	s5 =	simm.s32 @p1 $0x1;
	p0 =	seq.s32 s7, s2  }
0x1e: {  	s7 =	smul.u32 @!p0 $0xF7A, s2;
	p2 =	seq.s32 @!p0 s5, $0x0  }
0x1f: {  	s9 =	smul.u32 $0xF7A, s1;
	s8 =	simm.s32 @!p0 $0x1BF5;
	p2 =	por !p2, p0  }
0x20: {  	[sflag:s8] =	ssyncset.s32 @!p0 $0xFFFFF086;
	s6 =	sadd.s32 @!p0 s3, s7;
	s7 =	simm.s32 @!p0 $0x108  }
0x21: {  	s3 =	sadd.s32 s3, s9;
	s6 =	sadd.s32 @!p0 $0x88, s6;
	s7 =	simm.s32 @p2 $0x1082  }
0x22: {  	[simem:s7], [sflag:s8] =	dma.local @!p0 [hbm:s6], $0xF7A  }
0x23: {  	s9 =	sor.u32 $0xD0000000, s2;
	s6 =	simm.s32 $0x108;
	_ =	swait.ge @!p0 [sflag:s8], $0x0  }
0x24: {  	s3 =	sadd.s32 $0x88, s3;
	s6 =	simm.s32 @!p1 $0x1082;
	[sflag:s4] =	ssyncset.s32 $0xFFFFF086  }
0x25: {  	[simem:s6], [sflag:s4] =	dma.local [hbm:s3], $0xF7A  }
0x26: {  	[smem:$0x3F89] =	sst s1;
	(tag) =	ssettag s2;
	_ =	strace s9  }
0x27: {  	s1 =	sld [smem:$0x3F99]  }
0x28: {  	s2 =	sld [smem:$0x3F9A]  }
0x29: {  	s4 =	sld [smem:$0x3F9C]  }
0x2a: {  	p0 =	seq.s32 s5, $0x0;
	s5 =	sld [smem:$0x3F9D]  }
0x2b: {  	s6 =	sld [smem:$0x3F9E]  }
0x2c: {  	s7 =	sld [smem:$0x3F9F]  }
0x2d: {  	s3 =	simm.s32 $0x108;
	s8 =	sld [smem:$0x3FA0]  }
0x2e: {  	s3 =	simm.s32 @!p0 $0x1082;
	s9 =	sld [smem:$0x3FA1]  }
0x2f: {  	lr =	sadd.s32 s0, s3;
	s0 =	sld [smem:$0x3F98]  }
0x30: {  	s3 =	sld [smem:$0x3F9B]  }
0x31: {  	[smem:$0x3FA4] =	sst s10  }
0x32: {  	s10 =	sld [smem:$0x3FA2];
	_ =	sdelay $0x3  }
0x33: {  	p0 =	seq.s32 s10, $0x1;
	s10 =	sld [smem:$0x3FA4];
	_ =	sdelay $0x3  }
0x34: {  	[smem:$0x3FA4] =	sst s10  }
0x35: {  	s10 =	sld [smem:$0x3FA3];
	_ =	sdelay $0x3  }
0x36: {  	p1 =	seq.s32 s10, $0x1;
	s10 =	sld [smem:$0x3FA4];
	_ =	sdelay $0x3  }
0x37: {  	[smem:$0x3FA4] =	sst s10  }
0x38: {  	s10 =	sld [smem:$0x3FA5]  }
0x39: {  	_ = 	snop;
	(pc) =	sbr.ind lr, $3  }
0x3a: {  	_ = 	snop  }
0x3b: {  	_ = 	snop  }
0x3c: {  	p2 =	seq.s32 s10, $0x1;
	s10 =	sld [smem:$0x3FA4]  }
0x3d: {  	_ =	shalt  }
0x3e: {  	_ =	shalt  }
0x3f: {  	_ =	shalt  }
0x40: {  	_ =	shalt  }
0x41: {  	_ =	shalt  }
0x42: {  	_ =	shalt  }
0x43: {  	_ =	shalt  }
0x44: {  	_ =	shalt  }
0x45: {  	_ =	shalt  }
0x46: {  	_ =	shalt  }
0x47: {  	_ =	shalt  }
0x48: {  	_ =	shalt  }
0x49: {  	_ =	shalt  }
0x4a: {  	_ =	shalt  }
0x4b: {  	_ =	shalt  }
0x4c: {  	_ =	shalt  }
0x4d: {  	_ =	shalt  }
0x4e: {  	_ =	shalt  }
0x4f: {  	_ =	shalt  }
0x50: {  	_ =	shalt  }
0x51: {  	_ =	shalt  }
0x52: {  	_ =	shalt  }
0x53: {  	_ =	shalt  }
0x54: {  	_ =	shalt  }
0x55: {  	_ =	shalt  }
0x56: {  	_ =	shalt  }
0x57: {  	_ =	shalt  }
0x58: {  	_ =	shalt  }
0x59: {  	_ =	shalt  }
0x5a: {  	_ =	shalt  }
0x5b: {  	_ =	shalt  }
0x5c: {  	_ =	shalt  }
0x5d: {  	_ =	shalt  }
0x5e: {  	_ =	shalt  }
0x5f: {  	_ =	shalt  }
0x60: {  	_ =	shalt  }
0x61: {  	_ =	shalt  }
0x62: {  	_ =	shalt  }
0x63: {  	_ =	shalt  }
0x64: {  	_ =	shalt  }
0x65: {  	_ =	shalt  }
0x66: {  	_ =	shalt  }
0x67: {  	_ =	shalt  }
0x68: {  	_ =	shalt  }
0x69: {  	_ =	shalt  }
0x6a: {  	_ =	shalt  }
0x6b: {  	_ =	shalt  }
0x6c: {  	_ =	shalt  }
0x6d: {  	_ =	shalt  }
0x6e: {  	_ =	shalt  }
0x6f: {  	_ =	shalt  }
0x70: {  	_ =	shalt  }
0x71: {  	_ =	shalt  }
0x72: {  	_ =	shalt  }
0x73: {  	_ =	shalt  }
0x74: {  	_ =	shalt  }
0x75: {  	_ =	shalt  }
0x76: {  	_ =	shalt  }
0x77: {  	_ =	shalt  }
0x78: {  	_ =	shalt  }
0x79: {  	_ =	shalt  }
0x7a: {  	_ =	shalt  }
0x7b: {  	_ =	shalt  }
0x7c: {  	_ =	shalt  }
0x7d: {  	_ =	shalt  }
0x7e: {  	_ =	shalt  }
0x7f: {  	_ =	shalt  }
0x80: {  	_ =	shalt  }
0x81: {  	_ =	shalt  }
0x82: {  	_ =	shalt  }
0x83: {  	_ =	shalt  }
0x84: {  	_ =	shalt  }
0x85: {  	_ =	shalt  }
0x86: {  	_ =	shalt  }
0x87: {  	_ =	shalt  }
.Lfunc_end0:
.L_simem_size_0:
called_computation.1_lowered:
.L_overlay_start_0:
0x88: {  	s2 =	sld [smem:$0x3FD9]  }
0x89: {  	s3 =	sld [smem:$0x3FFE];
	_ =	sdelay $0x1  }
0x8a: {  	s1 =	srdreg.scid  }
0x8b: {  	s0 =	sand.u32 $0x1, s1  }
0x8c: {  	s16 =	sshll.u32 s0, $0xA;
	s2 =	sadd.s32 s3, s2  }
0x8d: {  	s2 =	sadd.s32 s2, s16  }
0x8e: {  	[smem:$0x3FB0] =	sst s2  }
0x8f: {  	_ = 	snop  }
0x90: {  	(tm) =	ssettm $0x1  }
0x91: {  	s17 =	sld [smem:$0x3FFB];
	_ =	sdelay $0x3  }
0x92: {  	_ =	strace s17  }
0x93: {  	s2 =	sld [smem:$0x3FFC];
	_ =	sdelay $0x3  }
0x94: {  	_ =	strace s2  }
0x95: {  	s2 =	sld [smem:$0x3FFD];
	_ =	sdelay $0x3  }
0x96: {  	_ =	strace s2  }
0x97: {  	_ =	strace $0x8FFFFFFF  }
0x98: {  	s18 =	sld [smem:$0x3FDB];
	_ =	sdelay $0x1  }
0x99: {  	s19 =	simm.s32 $_scs_section_size  }
0x9a: {  	s4 =	simm.s32 $_size__tile_overlayer_lowered;
	s5 =	simm.s32 $_tile_overlayer_lowered  }
0x9b: {  	s22 =	simm.s32 $0x1BFF;
	s21 =	sshll.u32 s5, $0x1;
	s2 =	sadd.s32 s19, s18  }
0x9c: {  	s6 =	simm.s32 $0x0;
	s20 =	sshll.u32 s4, $0x1;
	s4 =	sadd.s32 s21, s2  }
0x9d: {  	[timem:s6], [sflag:s22] =	dma.local [hbm:s4], s20  }
0x9e: {  	_ =	swait.ge [sflag:s22], s20  }
0x9f: {  	s3 =	ssub.s32 $0x0, s20;
	[sflag:s22] =	ssyncset.done $0x0  }
0xa0: {  	[sflag:s22] =	ssyncadd.s32 s3;
	_ =	sdelay $0x1  }
0xa1: {  	s23 =	simm.s32 $0x1B8B  }
0xa2: {  	_ =	swait.ge [sflag:s23], $0x1  }
0xa3: {  	[sflag:s23] =	ssyncset.done $0x0  }
0xa4: {  	s25 =	simm.s32 $0x1B8E;
	s24 =	sld [smem:$0x3FFE];
	[sflag:s23] =	ssyncadd.s32 $0xFFFFFFFF  }
0xa5: {  	s26 =	simm.s32 $execute0_lowered;
	[smem:$0x3FD2] =	sst s25  }
0xa6: {  	s4 =	sshll.u32 s26, $0x1;
	_ =	strace $0x80000049;
	[dreg:$0x1] =	wrdreg $0xFFFFFFFF  }
0xa7: {  	s28 =	simm.s32 $_size_execute0_lowered;
	s2 =	sadd.s32 s2, s4;
	[dreg:$0x0] =	wrdreg $0x0  }
0xa8: {  	s4 =	sshll.u32 s28, $0x1;
	[dreg:$0x2] =	wrdreg s2  }
0xa9: {  	[dreg:$0x3] =	wrdreg s4  }
0xaa: {  	[dreg:$0x4] =	wrdreg $0xC0  }
0xab: {  	_ =	task [dreg:s6], $0x5FFFF  }
0xac: {  	[dreg:$0x1] =	wrdreg $0xFFFFFFFF  }
0xad: {  	[dreg:$0x0] =	wrdreg $0x60  }
0xae: {  	[dreg:$0x2] =	wrdreg s24  }
0xaf: {  	[dreg:$0x3] =	wrdreg $0xCD000  }
0xb0: {  	[dreg:$0x4] =	wrdreg $0x9  }
0xb1: {  	_ =	task.clear_ibuf [dreg:s6], $0x5FFFF;
	_ =	strace $0x90000049  }
0xb2: {  	s29 =	simm.s32 $0x9;
	_ =	strace $0x8000004B  }
0xb3: {  	_ =	swait.ge [sflag:s29], $0x1  }
0xb4: {  	[sflag:s29] =	ssyncadd.s32 $0xFFFFFFFF  }
0xb5: {  	_ =	strace $0x9000004B  }
0xb6: {  	_ =	sfence  }
0xb7: {  	s30 =	sld [smem:$0x0];
	_ =	sdelay $0x2  }
0xb8: {  	s31 =	sshll.u32 s1, $0xD;
	s1 =	sshrl.u32 s1, $0x2  }
0xb9: {  	s3 =	sand.u32 $0x4000, s31;
	s1 =	sadd.s32 s1, s30  }
0xba: {  	s0 =	sor.u32 s3, s0;
	s1 =	sshll.u32 s1, $0x11  }
0xbb: {  	s0 =	sor.u32 s1, s0  }
0xbc: {  	s0 =	sadd.s32 $0x8F2B, s0  }
0xbd: {  	[sflag:s0] =	ssyncadd.remote.s32 $0x1  }
0xbe: {  	_ =	sfence.sel $0xFFFF  }
0xbf: {  	[dreg:$0x0] =	wrdreg $0xFFFFFFFF;
	(pc) =	sbr.abs _section_cstart, $3  }
0xc0: {  	[dreg:$0x1] =	wrdreg $0xFFFFFFFF  }
0xc1: {  	_ =	task.clear_ibuf [dreg:s6], $0x2FFFF;
	_ =	strace $0x9FFFFFFF  }
0xc2: {  	(tm) =	ssettm $0x7FFFFFFF  }
0xc3: {  	_ =	shalt  }
tec
execute0_lowered:
.L_overlay_start_1:
0x0: {  	(tag) =	ssettag $0x1  }
0x1: {  	s9 =	rddreg [dreg:$0x0]  }
0x2: {  	s2 =	rddreg [dreg:$0x1];
	s3 =	simm.s32 $0x0  }
0x3: {  	s1 =	stileid.u32;
	s4 =	srdreg.scid;
	s15 =	simm.s32 $0x30000  }
0x4: {  	s17 =	simm.s32 $0x5000;
	s18 =	simm.s32 $0x8E80;
	s19 =	simm.s32 $0x1  }
0x5: {  	s20 =	simm.s32 $0x2;
	s21 =	simm.s32 $0x2700;
	s22 =	simm.s32 $0x4E00  }
0x6: {  	s23 =	simm.s32 $0x4F00;
	s24 =	simm.s32 $0x10;
	s25 =	simm.s32 $0x8  }
0x7: {  	s26 =	simm.s32 $0x0;
	[smem:$0x7FF] =	sst s3;
	s5 =	smul.u32 $0x14000, s1  }
0x8: {  	s6 =	sand.u32 $0x1, s4;
	s4 =	sadd.s32 $0x3A000, s9;
	s7 =	smul.u32 $0xA000, s1  }
0x9: {  	s10 =	sadd.s32 $0x26000, s9;
	s30 =	smul.u32 $0xA00, s1;
	s31 =	sshll.u32 s1, $0x6  }
0xa: {  	_ =	strace $0x8000004A;
	s8 =	sshll.u32 s6, $0x6;
	s29 =	ssub.s32 $0x2, s6  }
0xb: {  	p0 =	seq.s32 s6, $0x0;
	s6 =	sor.u32 $0x1C03, s31;
	s5 =	sor.u32 s8, s5  }
0xc: {  	s11 =	sshrl.u32 s7, $0x3;
	s12 =	sshrl.u32 s29, $0x1;
	s14 =	sadd.s32 s7, s2  }
0xd: {  	s16 =	sadd.s32 $0x500, s30;
	s15 =	simm.s32 @!p0 $0x1C000;
	s7 =	sadd.s32 s10, s30  }
0xe: {  	s5 =	sshrl.u32 s5, $0x3;
	s11 =	sadd.s32 s11, s9;
	s12 =	ssub.s32 s29, s12  }
0xf: {  	s8 =	sadd.s32 s10, s16;
	s15 =	sadd.s32 s15, s9;
	s13 =	sadd.s32 s5, s9  }
0x10: {  	s5 =	sadd.s32 $0x88400, s11;
	s10 =	smax.u32 s12, $0x1;
	s11 =	sadd.s32 s15, s30  }
0x11: {  	s12 =	sadd.s32 s15, s16;
	s15 =	simm.s32 $0x2800;
	s16 =	simm.s32 $0xFA  }
0x12: {  	s9 =	sadd.s32 $0x9C400, s13;
	s13 =	sshrl.u32 s14, $0x3;
	s14 =	simm.s32 $0x3  }
.LBB2_1:
0x13: {  	[spmem:s13], [sflag:s6] =	dma.local [hbm:s5], $0x1400  }
0x14: {  	_ =	swait.ge [sflag:s14], $0x1400  }
0x15: {  	[sflag:s14] =	ssyncset.done $0x0  }
0x16: {  	[sflag:s14] =	ssyncadd.s32 $0xFFFFEC00  }
0x17: {  	[bflag:$0x0] =	sbarrier.arrive $0xFFFF  }
0x18: {  	[tilespmem:s3], [sflag:$0x3] =	stream.linear.gather [hbm4b:s11+s3], $0x2800, $0x38;
	[tilespmem:$0x16D00] =	vst v63  }
0x19: {  	_ =	swait.ge [sflag:s14], $0x2800  }
0x1a: {  	[sflag:s14] =	ssyncset.done $0x0  }
0x1b: {  	[sflag:s14] =	ssyncadd.s32 $0xFFFFD800  }
0x1c: {  	[tilespmem:s15], [sflag:$0x3] =	stream.linear.gather [hbm4b:s7+s3], $0x2800, $0x38;
	[tilespmem:$0x16D00] =	vst v63  }
0x1d: {  	_ =	swait.ge [sflag:s14], $0x2800  }
0x1e: {  	[sflag:s14] =	ssyncset.done $0x0  }
0x1f: {  	[sflag:s14] =	ssyncadd.s32 $0xFFFFD800  }
0x20: {  	[tilespmem:s17], [sflag:$0x1] =	stream.indirect.gather [hbm4b:s4+s16], $0x40, s3, s16, $0xb8;
	[tilespmem:$0x16D00] =	vst v63  }
0x21: {  	s28 =	simm.s32 $0x100  }
0x22: {  	[tilespmem:s18], [sflag:$0x2] =	stream.indirect.gather [hbm4b:s4+s16], $0x40, s28, s16, $0xb8;
	[tilespmem:$0x16D00] =	vst v63  }
0x23: {  	_ =	swait.ge [sflag:s19], $0x3E80  }
0x24: {  	[sflag:s19] =	ssyncset.done $0x0  }
0x25: {  	s28 =	simm.s32 $0x2800;
	[sflag:s19] =	ssyncadd.s32 $0xFFFFC180  }
0x26: {  	[spmem:s2] =	stream.indirect.scatter.add.f32 [tilespmem:s17], [sflag:$0x3], $0x40, s28, s16, $0xb8;
	[tilespmem:$0x16D00] =	vst v63  }
0x27: {  	_ =	swait.ge [sflag:s14], $0x3E80  }
0x28: {  	[sflag:s14] =	ssyncset.done $0x0  }
0x29: {  	s28 =	simm.s32 $0x200;
	[sflag:s14] =	ssyncadd.s32 $0xFFFFC180  }
0x2a: {  	[tilespmem:s17], [sflag:$0x1] =	stream.indirect.gather [hbm4b:s4+s16], $0x40, s28, s16, $0xb8;
	[tilespmem:$0x16D00] =	vst v63  }
0x2b: {  	_ =	swait.ge [sflag:s20], $0x3E80  }
0x2c: {  	[sflag:s20] =	ssyncset.done $0x0  }
0x2d: {  	s28 =	simm.s32 $0x2900;
	[sflag:s20] =	ssyncadd.s32 $0xFFFFC180  }
0x2e: {  	[spmem:s2] =	stream.indirect.scatter.add.f32 [tilespmem:s18], [sflag:$0x3], $0x40, s28, s16, $0xb8;
	[tilespmem:$0x16D00] =	vst v63  }
0x2f: {  	_ =	swait.ge [sflag:s14], $0x3E80  }
0x30: {  	s29 =	simm.s32 $0x1000;
	s28 =	simm.s32 $0x200;
	[sflag:s14] =	ssyncset.done $0x0  }
.LBB2_2:
0x31: {  	s30 =	sadd.s32 $0x100, s28  }
0x32: {  	[sflag:s14] =	ssyncadd.s32 $0xFFFFC180;
	s31 =	smov.u32 s29;
	s0 =	sadd.s32 $0x800, s29  }
0x33: {  	[tilespmem:s18], [sflag:$0x2] =	stream.indirect.gather [hbm4b:s4+s16], $0x40, s30, s16, $0xb8;
	[tilespmem:$0x16D00] =	vst v63  }
0x34: {  	p0 =	sne.s32 s29, $0x9000;
	_ =	swait.ge [sflag:s19], $0x3E80  }
0x35: {  	[sflag:s19] =	ssyncset.done $0x0  }
0x36: {  	s29 =	sadd.s32 $0x2800, s28;
	[sflag:s19] =	ssyncadd.s32 $0xFFFFC180  }
0x37: {  	[spmem:s2] =	stream.indirect.scatter.add.f32 [tilespmem:s17], [sflag:$0x3], $0x40, s29, s16, $0xb8;
	[tilespmem:$0x16D00] =	vst v63  }
0x38: {  	_ =	swait.ge [sflag:s14], $0x3E80  }
0x39: {  	[sflag:s14] =	ssyncset.done $0x0  }
0x3a: {  	s29 =	sadd.s32 $0x200, s28;
	[sflag:s14] =	ssyncadd.s32 $0xFFFFC180  }
0x3b: {  	[tilespmem:s17], [sflag:$0x1] =	stream.indirect.gather [hbm4b:s4+s16], $0x40, s29, s16, $0xb8;
	[tilespmem:$0x16D00] =	vst v63  }
0x3c: {  	_ =	swait.ge [sflag:s20], $0x3E80  }
.Ltmp0:
0x3d: {  	[sflag:s20] =	ssyncset.done $0x0;
	(pc) =	sbr.rel @p0 .LBB2_2-.Ltmp0, $4  }
0x3e: {  	s28 =	sadd.s32 $0x2900, s28;
	[sflag:s20] =	ssyncadd.s32 $0xFFFFC180  }
0x3f: {  	[spmem:s2] =	stream.indirect.scatter.add.f32 [tilespmem:s18], [sflag:$0x3], $0x40, s28, s16, $0xb8;
	[tilespmem:$0x16D00] =	vst v63  }
0x40: {  	_ =	swait.ge [sflag:s14], $0x3E80  }
0x41: {  	s29 =	smov.u32 s0;
	s28 =	sshra.s32 s31, $0x2;
	[sflag:s14] =	ssyncset.done $0x0  }
0x42: {  	s0 =	sadd.s32 $0x100, s28;
	[sflag:s14] =	ssyncadd.s32 $0xFFFFC180  }
0x43: {  	[tilespmem:s18], [sflag:$0x2] =	stream.indirect.gather [hbm4b:s4+s16], $0x40, s0, s16, $0xb8;
	[tilespmem:$0x16D00] =	vst v63  }
0x44: {  	_ =	swait.ge [sflag:s19], $0x3E80  }
0x45: {  	[sflag:s19] =	ssyncset.done $0x0  }
0x46: {  	s30 =	sadd.s32 $0x2800, s28;
	[sflag:s19] =	ssyncadd.s32 $0xFFFFC180  }
0x47: {  	[spmem:s2] =	stream.indirect.scatter.add.f32 [tilespmem:s17], [sflag:$0x3], $0x40, s30, s16, $0xb8;
	[tilespmem:$0x16D00] =	vst v63  }
0x48: {  	_ =	swait.ge [sflag:s14], $0x3E80  }
0x49: {  	[sflag:s14] =	ssyncset.done $0x0  }
0x4a: {  	s31 =	sadd.s32 $0x200, s28;
	[sflag:s14] =	ssyncadd.s32 $0xFFFFC180  }
0x4b: {  	[tilespmem:s17], [sflag:$0x1] =	stream.indirect.gather [hbm4b:s4+s16], $0x40, s31, s16, $0xb8;
	[tilespmem:$0x16D00] =	vst v63  }
0x4c: {  	_ =	swait.ge [sflag:s20], $0x3E80  }
0x4d: {  	[sflag:s20] =	ssyncset.done $0x0  }
0x4e: {  	s30 =	sadd.s32 $0x2900, s28;
	[sflag:s20] =	ssyncadd.s32 $0xFFFFC180  }
0x4f: {  	[spmem:s2] =	stream.indirect.scatter.add.f32 [tilespmem:s18], [sflag:$0x3], $0x40, s30, s16, $0xb8;
	[tilespmem:$0x16D00] =	vst v63  }
0x50: {  	_ =	swait.ge [sflag:s14], $0x3E80  }
0x51: {  	[sflag:s14] =	ssyncset.done $0x0  }
0x52: {  	[sflag:s14] =	ssyncadd.s32 $0xFFFFC180  }
0x53: {  	[tilespmem:s18], [sflag:$0x2] =	stream.indirect.gather [hbm4b:s4+s16], $0x40, s21, s16, $0xb8;
	[tilespmem:$0x16D00] =	vst v63  }
0x54: {  	_ =	swait.ge [sflag:s19], $0x3E80  }
0x55: {  	[sflag:s19] =	ssyncset.done $0x0  }
0x56: {  	[sflag:s19] =	ssyncadd.s32 $0xFFFFC180  }
0x57: {  	[spmem:s2] =	stream.indirect.scatter.add.f32 [tilespmem:s17], [sflag:$0x3], $0x40, s22, s16, $0xb8;
	[tilespmem:$0x16D00] =	vst v63  }
0x58: {  	_ =	swait.ge [sflag:s14], $0x3E80  }
0x59: {  	[sflag:s14] =	ssyncset.done $0x0  }
0x5a: {  	[sflag:s14] =	ssyncadd.s32 $0xFFFFC180  }
0x5b: {  	_ =	swait.ge [sflag:s20], $0x3E80  }
0x5c: {  	[sflag:s20] =	ssyncset.done $0x0  }
0x5d: {  	[sflag:s20] =	ssyncadd.s32 $0xFFFFC180  }
0x5e: {  	[spmem:s2] =	stream.indirect.scatter.add.f32 [tilespmem:s18], [sflag:$0x3], $0x40, s23, s16, $0xb8;
	[tilespmem:$0x16D00] =	vst v63  }
0x5f: {  	_ =	swait.ge [sflag:s14], $0x3E80  }
0x60: {  	[sflag:s14] =	ssyncset.done $0x0  }
0x61: {  	s31 =	simm.s32 $0x0;
	[sflag:s14] =	ssyncadd.s32 $0xFFFFC180  }
0x62: {  	[tilespmem:s31], [sflag:$0x3] =	stream.linear.gather [hbm4b:s12+s31], $0x2800, $0x38;
	[tilespmem:$0x16D00] =	vst v63  }
0x63: {  	_ =	swait.ge [sflag:s14], $0x2800  }
0x64: {  	[sflag:s14] =	ssyncset.done $0x0  }
0x65: {  	[sflag:s14] =	ssyncadd.s32 $0xFFFFD800  }
0x66: {  	[tilespmem:s15], [sflag:$0x3] =	stream.linear.gather [hbm4b:s8+s31], $0x2800, $0x38;
	[tilespmem:$0x16D00] =	vst v63  }
0x67: {  	_ =	swait.ge [sflag:s14], $0x2800  }
0x68: {  	[sflag:s14] =	ssyncset.done $0x0  }
0x69: {  	[sflag:s14] =	ssyncadd.s32 $0xFFFFD800  }
0x6a: {  	[tilespmem:s17], [sflag:$0x1] =	stream.indirect.gather [hbm4b:s4+s16], $0x40, s31, s16, $0xb8;
	[tilespmem:$0x16D00] =	vst v63  }
0x6b: {  	s30 =	simm.s32 $0x100  }
0x6c: {  	[tilespmem:s18], [sflag:$0x2] =	stream.indirect.gather [hbm4b:s4+s16], $0x40, s30, s16, $0xb8;
	[tilespmem:$0x16D00] =	vst v63  }
0x6d: {  	_ =	swait.ge [sflag:s19], $0x3E80  }
0x6e: {  	[sflag:s19] =	ssyncset.done $0x0  }
0x6f: {  	s31 =	simm.s32 $0x2800;
	[sflag:s19] =	ssyncadd.s32 $0xFFFFC180  }
0x70: {  	[spmem:s2] =	stream.indirect.scatter.add.f32 [tilespmem:s17], [sflag:$0x3], $0x40, s31, s16, $0xb8;
	[tilespmem:$0x16D00] =	vst v63  }
0x71: {  	_ =	swait.ge [sflag:s14], $0x3E80  }
0x72: {  	[sflag:s14] =	ssyncset.done $0x0  }
0x73: {  	s30 =	simm.s32 $0x200;
	[sflag:s14] =	ssyncadd.s32 $0xFFFFC180  }
0x74: {  	[tilespmem:s17], [sflag:$0x1] =	stream.indirect.gather [hbm4b:s4+s16], $0x40, s30, s16, $0xb8;
	[tilespmem:$0x16D00] =	vst v63  }
0x75: {  	_ =	swait.ge [sflag:s20], $0x3E80  }
0x76: {  	[sflag:s20] =	ssyncset.done $0x0  }
0x77: {  	s31 =	simm.s32 $0x2900;
	[sflag:s20] =	ssyncadd.s32 $0xFFFFC180  }
0x78: {  	[spmem:s2] =	stream.indirect.scatter.add.f32 [tilespmem:s18], [sflag:$0x3], $0x40, s31, s16, $0xb8;
	[tilespmem:$0x16D00] =	vst v63  }
0x79: {  	_ =	swait.ge [sflag:s14], $0x3E80  }
0x7a: {  	s29 =	simm.s32 $0x1000;
	s28 =	simm.s32 $0x200;
	[sflag:s14] =	ssyncset.done $0x0  }
.LBB2_4:
0x7b: {  	s0 =	sadd.s32 $0x100, s28  }
0x7c: {  	[sflag:s14] =	ssyncadd.s32 $0xFFFFC180;
	s30 =	smov.u32 s29;
	s31 =	sadd.s32 $0x800, s29  }
0x7d: {  	[tilespmem:s18], [sflag:$0x2] =	stream.indirect.gather [hbm4b:s4+s16], $0x40, s0, s16, $0xb8;
	[tilespmem:$0x16D00] =	vst v63  }
0x7e: {  	p0 =	sne.s32 s29, $0x9000;
	_ =	swait.ge [sflag:s19], $0x3E80  }
0x7f: {  	[sflag:s19] =	ssyncset.done $0x0  }
0x80: {  	s0 =	sadd.s32 $0x2800, s28;
	[sflag:s19] =	ssyncadd.s32 $0xFFFFC180  }
0x81: {  	[spmem:s2] =	stream.indirect.scatter.add.f32 [tilespmem:s17], [sflag:$0x3], $0x40, s0, s16, $0xb8;
	[tilespmem:$0x16D00] =	vst v63  }
0x82: {  	_ =	swait.ge [sflag:s14], $0x3E80  }
0x83: {  	[sflag:s14] =	ssyncset.done $0x0  }
0x84: {  	s0 =	sadd.s32 $0x200, s28;
	[sflag:s14] =	ssyncadd.s32 $0xFFFFC180  }
0x85: {  	[tilespmem:s17], [sflag:$0x1] =	stream.indirect.gather [hbm4b:s4+s16], $0x40, s0, s16, $0xb8;
	[tilespmem:$0x16D00] =	vst v63  }
0x86: {  	_ =	swait.ge [sflag:s20], $0x3E80  }
.Ltmp1:
0x87: {  	[sflag:s20] =	ssyncset.done $0x0;
	(pc) =	sbr.rel @p0 .LBB2_4-.Ltmp1, $4  }
0x88: {  	s0 =	sadd.s32 $0x2900, s28;
	[sflag:s20] =	ssyncadd.s32 $0xFFFFC180  }
0x89: {  	[spmem:s2] =	stream.indirect.scatter.add.f32 [tilespmem:s18], [sflag:$0x3], $0x40, s0, s16, $0xb8;
	[tilespmem:$0x16D00] =	vst v63  }
0x8a: {  	_ =	swait.ge [sflag:s14], $0x3E80  }
0x8b: {  	s29 =	smov.u32 s31;
	s28 =	sshra.s32 s30, $0x2;
	[sflag:s14] =	ssyncset.done $0x0  }
0x8c: {  	s0 =	sadd.s32 $0x100, s28;
	[sflag:s14] =	ssyncadd.s32 $0xFFFFC180  }
0x8d: {  	[tilespmem:s18], [sflag:$0x2] =	stream.indirect.gather [hbm4b:s4+s16], $0x40, s0, s16, $0xb8;
	[tilespmem:$0x16D00] =	vst v63  }
0x8e: {  	_ =	swait.ge [sflag:s19], $0x3E80  }
0x8f: {  	[sflag:s19] =	ssyncset.done $0x0  }
0x90: {  	s29 =	sadd.s32 $0x2800, s28;
	[sflag:s19] =	ssyncadd.s32 $0xFFFFC180  }
0x91: {  	[spmem:s2] =	stream.indirect.scatter.add.f32 [tilespmem:s17], [sflag:$0x3], $0x40, s29, s16, $0xb8;
	[tilespmem:$0x16D00] =	vst v63  }
0x92: {  	_ =	swait.ge [sflag:s14], $0x3E80  }
0x93: {  	[sflag:s14] =	ssyncset.done $0x0  }
0x94: {  	s30 =	sadd.s32 $0x200, s28;
	[sflag:s14] =	ssyncadd.s32 $0xFFFFC180  }
0x95: {  	[tilespmem:s17], [sflag:$0x1] =	stream.indirect.gather [hbm4b:s4+s16], $0x40, s30, s16, $0xb8;
	[tilespmem:$0x16D00] =	vst v63  }
0x96: {  	_ =	swait.ge [sflag:s20], $0x3E80  }
0x97: {  	[sflag:s20] =	ssyncset.done $0x0  }
0x98: {  	s31 =	sadd.s32 $0x2900, s28;
	[sflag:s20] =	ssyncadd.s32 $0xFFFFC180  }
0x99: {  	[spmem:s2] =	stream.indirect.scatter.add.f32 [tilespmem:s18], [sflag:$0x3], $0x40, s31, s16, $0xb8;
	[tilespmem:$0x16D00] =	vst v63  }
0x9a: {  	_ =	swait.ge [sflag:s14], $0x3E80  }
0x9b: {  	[sflag:s14] =	ssyncset.done $0x0  }
0x9c: {  	[sflag:s14] =	ssyncadd.s32 $0xFFFFC180  }
0x9d: {  	[tilespmem:s18], [sflag:$0x2] =	stream.indirect.gather [hbm4b:s4+s16], $0x40, s21, s16, $0xb8;
	[tilespmem:$0x16D00] =	vst v63  }
0x9e: {  	_ =	swait.ge [sflag:s19], $0x3E80  }
0x9f: {  	[sflag:s19] =	ssyncset.done $0x0  }
0xa0: {  	[sflag:s19] =	ssyncadd.s32 $0xFFFFC180  }
0xa1: {  	[spmem:s2] =	stream.indirect.scatter.add.f32 [tilespmem:s17], [sflag:$0x3], $0x40, s22, s16, $0xb8;
	[tilespmem:$0x16D00] =	vst v63  }
0xa2: {  	_ =	swait.ge [sflag:s14], $0x3E80  }
0xa3: {  	[sflag:s14] =	ssyncset.done $0x0  }
0xa4: {  	[sflag:s14] =	ssyncadd.s32 $0xFFFFC180  }
0xa5: {  	_ =	swait.ge [sflag:s20], $0x3E80  }
0xa6: {  	[sflag:s20] =	ssyncset.done $0x0  }
0xa7: {  	[sflag:s20] =	ssyncadd.s32 $0xFFFFC180  }
0xa8: {  	[spmem:s2] =	stream.indirect.scatter.add.f32 [tilespmem:s18], [sflag:$0x3], $0x40, s23, s16, $0xb8;
	[tilespmem:$0x16D00] =	vst v63  }
0xa9: {  	_ =	swait.ge [sflag:s14], $0x3E80  }
0xaa: {  	s26 =	sadd.s32 $0x1, s26;
	[sflag:s14] =	ssyncset.done $0x0  }
0xab: {  	p0 =	sne.s32 s26, s10;
	[sflag:s14] =	ssyncadd.s32 $0xFFFFC180  }
.Ltmp2:
0xac: {  	[bflag:$0x0] =	sbarrier.arrive $0xFFFF;
	(pc) =	sbr.rel @p0 .LBB2_1-.Ltmp2, $4  }
0xad: {  	[hbm:s9@s24], [sflag:s6] =	dma.strided [spmem:s13@s25], $0x1400, s19, $0x8   }
0xae: {  	_ =	swait.ge [sflag:s14], $0x1400  }
0xaf: {  	[sflag:s14] =	ssyncset.done $0x0  }
0xb0: {  	[sflag:s14] =	ssyncadd.s32 $0xFFFFEC00  }
0xb1: {  	_ =	sfence.sel $0x180000  }
0xb2: {  	[bflag:$0x0] =	sbarrier.arrive $0xFFFF  }
0xb3: {  	_ =	strace $0x9000004A  }
0xb4: {  	[bflag:$0x2] =	sbarrier.arrive $0xFFFF  }
0xb5: {  	p0 =	sne.s32 s1, $0x0;
	s0 =	rddreg [dreg:$0x2]  }
0xb6: {  	s0 =	sadd.s32 @!p0 $0x100000, s0  }
0xb7: {  	[sflag:s0] =	ssyncadd.tile.s32 @!p0 $0x1;
	_ =	shalt  }
.Lfunc_end2:
_tile_overlayer_lowered:
.L_overlay_start_2:
0xb8: {  	(tag) =	ssettag $0x2  }
0xb9: {  	s0 =	rddreg [dreg:$0x0];
	s2 =	stileid.u32  }
0xba: {  	s1 =	rddreg [dreg:$0x1];
	p0 =	sne.s32 s2, $0x0  }
0xbb: {  	s3 =	rddreg [dreg:$0x2];
	[bflag:$0x3] =	sbarrier.arrive $0xFFFF;
	s2 =	simm.s32 @!p0 $0x1C03  }
0xbc: {  	[timem:s3], [sflag:s2] =	dma.local @!p0 [hbm:s0], s1  }
0xbd: {  	s0 =	simm.s32 @!p0 $0x3  }
0xbe: {  	_ =	swait.ge @!p0 [sflag:s0], s1  }
0xbf: {  	s1 =	ssub.s32 @!p0 $0x0, s1;
	[sflag:s0] =	ssyncset.done @!p0 $0x0  }
0xc0: {  	[sflag:s0] =	ssyncadd.s32 @!p0 s1  }
0xc1: {  	[bflag:$0x3] =	sbarrier.arrive $0xFFFF  }
0xc2: {  	_ =	shalt  }

// kernel: kernel.20.cloned.1.call-start
scs
__scs_entry_jumppad:
0x0: {  	(pc) =	sbr.rel $0x88, $3  }
0x1: {  	(tag) =	ssettag $0x0;
	lr =	simm.s32 $0x1  }
0x2: {  	[smem:$0x3F89] =	sst lr;
	_ =	strace $0xD0000000  }
0x3: {  	_ = 	snop  }
0x4: {  	_ = 	snop  }
0x5: {  	_ = 	snop  }
0x6: {  	_ = 	snop  }
0x7: {  	_ = 	snop  }
__scs_overlays_trampoline_lowered:
0x8: {  	[smem:$0x3F98] =	sst s0  }
0x9: {  	[smem:$0x3F99] =	sst s1  }
0xa: {  	[smem:$0x3F9A] =	sst s2  }
0xb: {  	[smem:$0x3F9B] =	sst s3  }
0xc: {  	[smem:$0x3F9C] =	sst s4  }
0xd: {  	[smem:$0x3F9D] =	sst s5  }
0xe: {  	[smem:$0x3F9E] =	sst s6  }
0xf: {  	[smem:$0x3F9F] =	sst s7  }
0x10: {  	[smem:$0x3FA0] =	sst s8  }
0x11: {  	[smem:$0x3FA1] =	sst s9;
	s0 =	simm.s32 @!p0 $0x0  }
0x12: {  	s1 =	sld [smem:$0x3F87];
	s0 =	simm.s32 @p0 $0x1  }
0x13: {  	[smem:$0x3FA2] =	sst s0;
	s0 =	simm.s32 @!p1 $0x0  }
0x14: {  	s2 =	sld [smem:$0x3F86];
	s0 =	simm.s32 @p1 $0x1  }
0x15: {  	[smem:$0x3FA3] =	sst s0;
	s0 =	simm.s32 @!p2 $0x0  }
0x16: {  	s3 =	sld [smem:$0x3FDB];
	s0 =	simm.s32 @p2 $0x1  }
0x17: {  	s4 =	simm.s32 $0x1BF5;
	[smem:$0x3FA5] =	sst s0  }
0x18: {  	s0 =	sld [smem:$0x3F88];
	_ =	swait.ge [sflag:s4], $0x0  }
0x19: {  	s7 =	sld [smem:$0x3F89]  }
0x1a: {  	s8 =	sadd.s32 $0xFFFFE003, lr  }
0x1b: {  	s9 =	sadd.s32 $0xFFFFFEF7, lr;
	s5 =	simm.s32 $0xFFFFFFFF;
	p2 =	slt.u32 s8, $0xFFFFF086  }
0x1c: {  	p1 =	slt.u32 s9, $0xF7A;
	s5 =	simm.s32 @!p2 $0x0  }
0x1d: {  	s5 =	simm.s32 @p1 $0x1;
	p0 =	seq.s32 s7, s2  }
0x1e: {  	s7 =	smul.u32 @!p0 $0xF7A, s2;
	p2 =	seq.s32 @!p0 s5, $0x0  }
0x1f: {  	s9 =	smul.u32 $0xF7A, s1;
	s8 =	simm.s32 @!p0 $0x1BF5;
	p2 =	por !p2, p0  }
0x20: {  	[sflag:s8] =	ssyncset.s32 @!p0 $0xFFFFF086;
	s6 =	sadd.s32 @!p0 s3, s7;
	s7 =	simm.s32 @!p0 $0x108  }
0x21: {  	s3 =	sadd.s32 s3, s9;
	s6 =	sadd.s32 @!p0 $0x88, s6;
	s7 =	simm.s32 @p2 $0x1082  }
0x22: {  	[simem:s7], [sflag:s8] =	dma.local @!p0 [hbm:s6], $0xF7A  }
0x23: {  	s9 =	sor.u32 $0xD0000000, s2;
	s6 =	simm.s32 $0x108;
	_ =	swait.ge @!p0 [sflag:s8], $0x0  }
0x24: {  	s3 =	sadd.s32 $0x88, s3;
	s6 =	simm.s32 @!p1 $0x1082;
	[sflag:s4] =	ssyncset.s32 $0xFFFFF086  }
0x25: {  	[simem:s6], [sflag:s4] =	dma.local [hbm:s3], $0xF7A  }
0x26: {  	[smem:$0x3F89] =	sst s1;
	(tag) =	ssettag s2;
	_ =	strace s9  }
0x27: {  	s1 =	sld [smem:$0x3F99]  }
0x28: {  	s2 =	sld [smem:$0x3F9A]  }
0x29: {  	s4 =	sld [smem:$0x3F9C]  }
0x2a: {  	p0 =	seq.s32 s5, $0x0;
	s5 =	sld [smem:$0x3F9D]  }
0x2b: {  	s6 =	sld [smem:$0x3F9E]  }
0x2c: {  	s7 =	sld [smem:$0x3F9F]  }
0x2d: {  	s3 =	simm.s32 $0x108;
	s8 =	sld [smem:$0x3FA0]  }
0x2e: {  	s3 =	simm.s32 @!p0 $0x1082;
	s9 =	sld [smem:$0x3FA1]  }
0x2f: {  	lr =	sadd.s32 s0, s3;
	s0 =	sld [smem:$0x3F98]  }
0x30: {  	s3 =	sld [smem:$0x3F9B]  }
0x31: {  	[smem:$0x3FA4] =	sst s10  }
0x32: {  	s10 =	sld [smem:$0x3FA2];
	_ =	sdelay $0x3  }
0x33: {  	p0 =	seq.s32 s10, $0x1;
	s10 =	sld [smem:$0x3FA4];
	_ =	sdelay $0x3  }
0x34: {  	[smem:$0x3FA4] =	sst s10  }
0x35: {  	s10 =	sld [smem:$0x3FA3];
	_ =	sdelay $0x3  }
0x36: {  	p1 =	seq.s32 s10, $0x1;
	s10 =	sld [smem:$0x3FA4];
	_ =	sdelay $0x3  }
0x37: {  	[smem:$0x3FA4] =	sst s10  }
0x38: {  	s10 =	sld [smem:$0x3FA5]  }
0x39: {  	_ = 	snop;
	(pc) =	sbr.ind lr, $3  }
0x3a: {  	_ = 	snop  }
0x3b: {  	_ = 	snop  }
0x3c: {  	p2 =	seq.s32 s10, $0x1;
	s10 =	sld [smem:$0x3FA4]  }
0x3d: {  	_ =	shalt  }
0x3e: {  	_ =	shalt  }
0x3f: {  	_ =	shalt  }
0x40: {  	_ =	shalt  }
0x41: {  	_ =	shalt  }
0x42: {  	_ =	shalt  }
0x43: {  	_ =	shalt  }
0x44: {  	_ =	shalt  }
0x45: {  	_ =	shalt  }
0x46: {  	_ =	shalt  }
0x47: {  	_ =	shalt  }
0x48: {  	_ =	shalt  }
0x49: {  	_ =	shalt  }
0x4a: {  	_ =	shalt  }
0x4b: {  	_ =	shalt  }
0x4c: {  	_ =	shalt  }
0x4d: {  	_ =	shalt  }
0x4e: {  	_ =	shalt  }
0x4f: {  	_ =	shalt  }
0x50: {  	_ =	shalt  }
0x51: {  	_ =	shalt  }
0x52: {  	_ =	shalt  }
0x53: {  	_ =	shalt  }
0x54: {  	_ =	shalt  }
0x55: {  	_ =	shalt  }
0x56: {  	_ =	shalt  }
0x57: {  	_ =	shalt  }
0x58: {  	_ =	shalt  }
0x59: {  	_ =	shalt  }
0x5a: {  	_ =	shalt  }
0x5b: {  	_ =	shalt  }
0x5c: {  	_ =	shalt  }
0x5d: {  	_ =	shalt  }
0x5e: {  	_ =	shalt  }
0x5f: {  	_ =	shalt  }
0x60: {  	_ =	shalt  }
0x61: {  	_ =	shalt  }
0x62: {  	_ =	shalt  }
0x63: {  	_ =	shalt  }
0x64: {  	_ =	shalt  }
0x65: {  	_ =	shalt  }
0x66: {  	_ =	shalt  }
0x67: {  	_ =	shalt  }
0x68: {  	_ =	shalt  }
0x69: {  	_ =	shalt  }
0x6a: {  	_ =	shalt  }
0x6b: {  	_ =	shalt  }
0x6c: {  	_ =	shalt  }
0x6d: {  	_ =	shalt  }
0x6e: {  	_ =	shalt  }
0x6f: {  	_ =	shalt  }
0x70: {  	_ =	shalt  }
0x71: {  	_ =	shalt  }
0x72: {  	_ =	shalt  }
0x73: {  	_ =	shalt  }
0x74: {  	_ =	shalt  }
0x75: {  	_ =	shalt  }
0x76: {  	_ =	shalt  }
0x77: {  	_ =	shalt  }
0x78: {  	_ =	shalt  }
0x79: {  	_ =	shalt  }
0x7a: {  	_ =	shalt  }
0x7b: {  	_ =	shalt  }
0x7c: {  	_ =	shalt  }
0x7d: {  	_ =	shalt  }
0x7e: {  	_ =	shalt  }
0x7f: {  	_ =	shalt  }
0x80: {  	_ =	shalt  }
0x81: {  	_ =	shalt  }
0x82: {  	_ =	shalt  }
0x83: {  	_ =	shalt  }
0x84: {  	_ =	shalt  }
0x85: {  	_ =	shalt  }
0x86: {  	_ =	shalt  }
0x87: {  	_ =	shalt  }
.Lfunc_end0:
.L_simem_size_0:
called_computation.2_lowered:
.L_overlay_start_0:
0x88: {  	s2 =	sld [smem:$0x3FD9]  }
0x89: {  	s3 =	sld [smem:$0x3FFE];
	_ =	sdelay $0x1  }
0x8a: {  	s1 =	srdreg.scid  }
0x8b: {  	s0 =	sand.u32 $0x1, s1  }
0x8c: {  	s16 =	sshll.u32 s0, $0xA;
	s2 =	sadd.s32 s3, s2  }
0x8d: {  	s2 =	sadd.s32 s2, s16  }
0x8e: {  	[smem:$0x3FB0] =	sst s2  }
0x8f: {  	_ = 	snop  }
0x90: {  	(tm) =	ssettm $0x1  }
0x91: {  	s17 =	sld [smem:$0x3FFB];
	_ =	sdelay $0x3  }
0x92: {  	_ =	strace s17  }
0x93: {  	s2 =	sld [smem:$0x3FFC];
	_ =	sdelay $0x3  }
0x94: {  	_ =	strace s2  }
0x95: {  	s2 =	sld [smem:$0x3FFD];
	_ =	sdelay $0x3  }
0x96: {  	_ =	strace s2  }
0x97: {  	_ =	strace $0x8FFFFFFF  }
0x98: {  	s18 =	sld [smem:$0x3FDB];
	_ =	sdelay $0x1  }
0x99: {  	s19 =	simm.s32 $_scs_section_size  }
0x9a: {  	s4 =	simm.s32 $_size__tile_overlayer_lowered;
	s5 =	simm.s32 $_tile_overlayer_lowered  }
0x9b: {  	s22 =	simm.s32 $0x1BFF;
	s21 =	sshll.u32 s5, $0x1;
	s2 =	sadd.s32 s19, s18  }
0x9c: {  	s6 =	simm.s32 $0x0;
	s20 =	sshll.u32 s4, $0x1;
	s4 =	sadd.s32 s21, s2  }
0x9d: {  	[timem:s6], [sflag:s22] =	dma.local [hbm:s4], s20  }
0x9e: {  	_ =	swait.ge [sflag:s22], s20  }
0x9f: {  	s3 =	ssub.s32 $0x0, s20;
	[sflag:s22] =	ssyncset.done $0x0  }
0xa0: {  	[sflag:s22] =	ssyncadd.s32 s3;
	_ =	sdelay $0x1  }
0xa1: {  	s23 =	simm.s32 $0x1B8B  }
0xa2: {  	_ =	swait.ge [sflag:s23], $0x1  }
0xa3: {  	[sflag:s23] =	ssyncset.done $0x0  }
0xa4: {  	s25 =	simm.s32 $0x1B8E;
	s24 =	sld [smem:$0x3FFE];
	[sflag:s23] =	ssyncadd.s32 $0xFFFFFFFF  }
0xa5: {  	s26 =	simm.s32 $execute0_lowered;
	[smem:$0x3FD2] =	sst s25  }
0xa6: {  	s4 =	sshll.u32 s26, $0x1;
	_ =	strace $0x8000004C;
	[dreg:$0x1] =	wrdreg $0xFFFFFFFF  }
0xa7: {  	s28 =	simm.s32 $_size_execute0_lowered;
	s2 =	sadd.s32 s2, s4;
	[dreg:$0x0] =	wrdreg $0x0  }
0xa8: {  	s4 =	sshll.u32 s28, $0x1;
	[dreg:$0x2] =	wrdreg s2  }
0xa9: {  	[dreg:$0x3] =	wrdreg s4  }
0xaa: {  	[dreg:$0x4] =	wrdreg $0xC0  }
0xab: {  	_ =	task [dreg:s6], $0x5FFFF  }
0xac: {  	[dreg:$0x1] =	wrdreg $0xFFFFFFFF  }
0xad: {  	[dreg:$0x0] =	wrdreg $0x60  }
0xae: {  	[dreg:$0x2] =	wrdreg s24  }
0xaf: {  	[dreg:$0x3] =	wrdreg $0xCD000  }
0xb0: {  	[dreg:$0x4] =	wrdreg $0x9  }
0xb1: {  	_ =	task.clear_ibuf [dreg:s6], $0x5FFFF;
	_ =	strace $0x9000004C  }
0xb2: {  	s29 =	simm.s32 $0x9;
	_ =	strace $0x8000004E  }
0xb3: {  	_ =	swait.ge [sflag:s29], $0x1  }
0xb4: {  	[sflag:s29] =	ssyncadd.s32 $0xFFFFFFFF  }
0xb5: {  	_ =	strace $0x9000004E  }
0xb6: {  	_ =	sfence  }
0xb7: {  	s30 =	sld [smem:$0x0];
	_ =	sdelay $0x2  }
0xb8: {  	s31 =	sshll.u32 s1, $0xD;
	s1 =	sshrl.u32 s1, $0x2  }
0xb9: {  	s3 =	sand.u32 $0x4000, s31;
	s1 =	sadd.s32 s1, s30  }
0xba: {  	s0 =	sor.u32 s3, s0;
	s1 =	sshll.u32 s1, $0x11  }
0xbb: {  	s0 =	sor.u32 s1, s0  }
0xbc: {  	s0 =	sadd.s32 $0x8F2B, s0  }
0xbd: {  	[sflag:s0] =	ssyncadd.remote.s32 $0x1  }
0xbe: {  	_ =	sfence.sel $0xFFFF  }
0xbf: {  	[dreg:$0x0] =	wrdreg $0xFFFFFFFF;
	(pc) =	sbr.abs _section_cstart, $3  }
0xc0: {  	[dreg:$0x1] =	wrdreg $0xFFFFFFFF  }
0xc1: {  	_ =	task.clear_ibuf [dreg:s6], $0x2FFFF;
	_ =	strace $0x9FFFFFFF  }
0xc2: {  	(tm) =	ssettm $0x7FFFFFFF  }
0xc3: {  	_ =	shalt  }
tec
execute0_lowered:
.L_overlay_start_1:
0x0: {  	(tag) =	ssettag $0x1  }
0x1: {  	s9 =	rddreg [dreg:$0x0]  }
0x2: {  	s2 =	rddreg [dreg:$0x1];
	s3 =	simm.s32 $0x0  }
0x3: {  	s1 =	stileid.u32;
	s4 =	srdreg.scid;
	s15 =	simm.s32 $0x30000  }
0x4: {  	s17 =	simm.s32 $0x5000;
	s18 =	simm.s32 $0x8E80;
	s19 =	simm.s32 $0x1  }
0x5: {  	s20 =	simm.s32 $0x2;
	s21 =	simm.s32 $0x2700;
	s22 =	simm.s32 $0x4E00  }
0x6: {  	s23 =	simm.s32 $0x4F00;
	s24 =	simm.s32 $0x10;
	s25 =	simm.s32 $0x8  }
0x7: {  	s26 =	simm.s32 $0x0;
	[smem:$0x7FF] =	sst s3;
	s5 =	smul.u32 $0x14000, s1  }
0x8: {  	s6 =	sand.u32 $0x1, s4;
	s4 =	sadd.s32 $0x3A000, s9;
	s7 =	smul.u32 $0xA000, s1  }
0x9: {  	s10 =	sadd.s32 $0x26000, s9;
	s30 =	smul.u32 $0xA00, s1;
	s31 =	sshll.u32 s1, $0x6  }
0xa: {  	_ =	strace $0x8000004D;
	s8 =	sshll.u32 s6, $0x6;
	s29 =	ssub.s32 $0x2, s6  }
0xb: {  	p0 =	seq.s32 s6, $0x0;
	s6 =	sor.u32 $0x1C03, s31;
	s5 =	sor.u32 s8, s5  }
0xc: {  	s11 =	sshrl.u32 s7, $0x3;
	s12 =	sshrl.u32 s29, $0x1;
	s14 =	sadd.s32 s7, s2  }
0xd: {  	s16 =	sadd.s32 $0x500, s30;
	s15 =	simm.s32 @!p0 $0x1C000;
	s7 =	sadd.s32 s10, s30  }
0xe: {  	s5 =	sshrl.u32 s5, $0x3;
	s11 =	sadd.s32 s11, s9;
	s12 =	ssub.s32 s29, s12  }
0xf: {  	s8 =	sadd.s32 s10, s16;
	s15 =	sadd.s32 s15, s9;
	s13 =	sadd.s32 s5, s9  }
0x10: {  	s5 =	sadd.s32 $0x88400, s11;
	s10 =	smax.u32 s12, $0x1;
	s11 =	sadd.s32 s15, s30  }
0x11: {  	s12 =	sadd.s32 s15, s16;
	s15 =	simm.s32 $0x2800;
	s16 =	simm.s32 $0xFA  }
0x12: {  	s9 =	sadd.s32 $0x9C400, s13;
	s13 =	sshrl.u32 s14, $0x3;
	s14 =	simm.s32 $0x3  }
.LBB2_1:
0x13: {  	[spmem:s13], [sflag:s6] =	dma.local [hbm:s5], $0x1400  }
0x14: {  	_ =	swait.ge [sflag:s14], $0x1400  }
0x15: {  	[sflag:s14] =	ssyncset.done $0x0  }
0x16: {  	[sflag:s14] =	ssyncadd.s32 $0xFFFFEC00  }
0x17: {  	[bflag:$0x0] =	sbarrier.arrive $0xFFFF  }
0x18: {  	[tilespmem:s3], [sflag:$0x3] =	stream.linear.gather [hbm4b:s11+s3], $0x2800, $0x38;
	[tilespmem:$0x16D00] =	vst v63  }
0x19: {  	_ =	swait.ge [sflag:s14], $0x2800  }
0x1a: {  	[sflag:s14] =	ssyncset.done $0x0  }
0x1b: {  	[sflag:s14] =	ssyncadd.s32 $0xFFFFD800  }
0x1c: {  	[tilespmem:s15], [sflag:$0x3] =	stream.linear.gather [hbm4b:s7+s3], $0x2800, $0x38;
	[tilespmem:$0x16D00] =	vst v63  }
0x1d: {  	_ =	swait.ge [sflag:s14], $0x2800  }
0x1e: {  	[sflag:s14] =	ssyncset.done $0x0  }
0x1f: {  	[sflag:s14] =	ssyncadd.s32 $0xFFFFD800  }
0x20: {  	[tilespmem:s17], [sflag:$0x1] =	stream.indirect.gather [hbm4b:s4+s16], $0x40, s3, s16, $0xb8;
	[tilespmem:$0x16D00] =	vst v63  }
0x21: {  	s28 =	simm.s32 $0x100  }
0x22: {  	[tilespmem:s18], [sflag:$0x2] =	stream.indirect.gather [hbm4b:s4+s16], $0x40, s28, s16, $0xb8;
	[tilespmem:$0x16D00] =	vst v63  }
0x23: {  	_ =	swait.ge [sflag:s19], $0x3E80  }
0x24: {  	[sflag:s19] =	ssyncset.done $0x0  }
0x25: {  	s28 =	simm.s32 $0x2800;
	[sflag:s19] =	ssyncadd.s32 $0xFFFFC180  }
0x26: {  	[spmem:s2] =	stream.indirect.scatter.add.f32 [tilespmem:s17], [sflag:$0x3], $0x40, s28, s16, $0xb8;
	[tilespmem:$0x16D00] =	vst v63  }
0x27: {  	_ =	swait.ge [sflag:s14], $0x3E80  }
0x28: {  	[sflag:s14] =	ssyncset.done $0x0  }
0x29: {  	s28 =	simm.s32 $0x200;
	[sflag:s14] =	ssyncadd.s32 $0xFFFFC180  }
0x2a: {  	[tilespmem:s17], [sflag:$0x1] =	stream.indirect.gather [hbm4b:s4+s16], $0x40, s28, s16, $0xb8;
	[tilespmem:$0x16D00] =	vst v63  }
0x2b: {  	_ =	swait.ge [sflag:s20], $0x3E80  }
0x2c: {  	[sflag:s20] =	ssyncset.done $0x0  }
0x2d: {  	s28 =	simm.s32 $0x2900;
	[sflag:s20] =	ssyncadd.s32 $0xFFFFC180  }
0x2e: {  	[spmem:s2] =	stream.indirect.scatter.add.f32 [tilespmem:s18], [sflag:$0x3], $0x40, s28, s16, $0xb8;
	[tilespmem:$0x16D00] =	vst v63  }
0x2f: {  	_ =	swait.ge [sflag:s14], $0x3E80  }
0x30: {  	s29 =	simm.s32 $0x1000;
	s28 =	simm.s32 $0x200;
	[sflag:s14] =	ssyncset.done $0x0  }
.LBB2_2:
0x31: {  	s30 =	sadd.s32 $0x100, s28  }
0x32: {  	[sflag:s14] =	ssyncadd.s32 $0xFFFFC180;
	s31 =	smov.u32 s29;
	s0 =	sadd.s32 $0x800, s29  }
0x33: {  	[tilespmem:s18], [sflag:$0x2] =	stream.indirect.gather [hbm4b:s4+s16], $0x40, s30, s16, $0xb8;
	[tilespmem:$0x16D00] =	vst v63  }
0x34: {  	p0 =	sne.s32 s29, $0x9000;
	_ =	swait.ge [sflag:s19], $0x3E80  }
0x35: {  	[sflag:s19] =	ssyncset.done $0x0  }
0x36: {  	s29 =	sadd.s32 $0x2800, s28;
	[sflag:s19] =	ssyncadd.s32 $0xFFFFC180  }
0x37: {  	[spmem:s2] =	stream.indirect.scatter.add.f32 [tilespmem:s17], [sflag:$0x3], $0x40, s29, s16, $0xb8;
	[tilespmem:$0x16D00] =	vst v63  }
0x38: {  	_ =	swait.ge [sflag:s14], $0x3E80  }
0x39: {  	[sflag:s14] =	ssyncset.done $0x0  }
0x3a: {  	s29 =	sadd.s32 $0x200, s28;
	[sflag:s14] =	ssyncadd.s32 $0xFFFFC180  }
0x3b: {  	[tilespmem:s17], [sflag:$0x1] =	stream.indirect.gather [hbm4b:s4+s16], $0x40, s29, s16, $0xb8;
	[tilespmem:$0x16D00] =	vst v63  }
0x3c: {  	_ =	swait.ge [sflag:s20], $0x3E80  }
.Ltmp0:
0x3d: {  	[sflag:s20] =	ssyncset.done $0x0;
	(pc) =	sbr.rel @p0 .LBB2_2-.Ltmp0, $4  }
0x3e: {  	s28 =	sadd.s32 $0x2900, s28;
	[sflag:s20] =	ssyncadd.s32 $0xFFFFC180  }
0x3f: {  	[spmem:s2] =	stream.indirect.scatter.add.f32 [tilespmem:s18], [sflag:$0x3], $0x40, s28, s16, $0xb8;
	[tilespmem:$0x16D00] =	vst v63  }
0x40: {  	_ =	swait.ge [sflag:s14], $0x3E80  }
0x41: {  	s29 =	smov.u32 s0;
	s28 =	sshra.s32 s31, $0x2;
	[sflag:s14] =	ssyncset.done $0x0  }
0x42: {  	s0 =	sadd.s32 $0x100, s28;
	[sflag:s14] =	ssyncadd.s32 $0xFFFFC180  }
0x43: {  	[tilespmem:s18], [sflag:$0x2] =	stream.indirect.gather [hbm4b:s4+s16], $0x40, s0, s16, $0xb8;
	[tilespmem:$0x16D00] =	vst v63  }
0x44: {  	_ =	swait.ge [sflag:s19], $0x3E80  }
0x45: {  	[sflag:s19] =	ssyncset.done $0x0  }
0x46: {  	s30 =	sadd.s32 $0x2800, s28;
	[sflag:s19] =	ssyncadd.s32 $0xFFFFC180  }
0x47: {  	[spmem:s2] =	stream.indirect.scatter.add.f32 [tilespmem:s17], [sflag:$0x3], $0x40, s30, s16, $0xb8;
	[tilespmem:$0x16D00] =	vst v63  }
0x48: {  	_ =	swait.ge [sflag:s14], $0x3E80  }
0x49: {  	[sflag:s14] =	ssyncset.done $0x0  }
0x4a: {  	s31 =	sadd.s32 $0x200, s28;
	[sflag:s14] =	ssyncadd.s32 $0xFFFFC180  }
0x4b: {  	[tilespmem:s17], [sflag:$0x1] =	stream.indirect.gather [hbm4b:s4+s16], $0x40, s31, s16, $0xb8;
	[tilespmem:$0x16D00] =	vst v63  }
0x4c: {  	_ =	swait.ge [sflag:s20], $0x3E80  }
0x4d: {  	[sflag:s20] =	ssyncset.done $0x0  }
0x4e: {  	s30 =	sadd.s32 $0x2900, s28;
	[sflag:s20] =	ssyncadd.s32 $0xFFFFC180  }
0x4f: {  	[spmem:s2] =	stream.indirect.scatter.add.f32 [tilespmem:s18], [sflag:$0x3], $0x40, s30, s16, $0xb8;
	[tilespmem:$0x16D00] =	vst v63  }
0x50: {  	_ =	swait.ge [sflag:s14], $0x3E80  }
0x51: {  	[sflag:s14] =	ssyncset.done $0x0  }
0x52: {  	[sflag:s14] =	ssyncadd.s32 $0xFFFFC180  }
0x53: {  	[tilespmem:s18], [sflag:$0x2] =	stream.indirect.gather [hbm4b:s4+s16], $0x40, s21, s16, $0xb8;
	[tilespmem:$0x16D00] =	vst v63  }
0x54: {  	_ =	swait.ge [sflag:s19], $0x3E80  }
0x55: {  	[sflag:s19] =	ssyncset.done $0x0  }
0x56: {  	[sflag:s19] =	ssyncadd.s32 $0xFFFFC180  }
0x57: {  	[spmem:s2] =	stream.indirect.scatter.add.f32 [tilespmem:s17], [sflag:$0x3], $0x40, s22, s16, $0xb8;
	[tilespmem:$0x16D00] =	vst v63  }
0x58: {  	_ =	swait.ge [sflag:s14], $0x3E80  }
0x59: {  	[sflag:s14] =	ssyncset.done $0x0  }
0x5a: {  	[sflag:s14] =	ssyncadd.s32 $0xFFFFC180  }
0x5b: {  	_ =	swait.ge [sflag:s20], $0x3E80  }
0x5c: {  	[sflag:s20] =	ssyncset.done $0x0  }
0x5d: {  	[sflag:s20] =	ssyncadd.s32 $0xFFFFC180  }
0x5e: {  	[spmem:s2] =	stream.indirect.scatter.add.f32 [tilespmem:s18], [sflag:$0x3], $0x40, s23, s16, $0xb8;
	[tilespmem:$0x16D00] =	vst v63  }
0x5f: {  	_ =	swait.ge [sflag:s14], $0x3E80  }
0x60: {  	[sflag:s14] =	ssyncset.done $0x0  }
0x61: {  	s31 =	simm.s32 $0x0;
	[sflag:s14] =	ssyncadd.s32 $0xFFFFC180  }
0x62: {  	[tilespmem:s31], [sflag:$0x3] =	stream.linear.gather [hbm4b:s12+s31], $0x2800, $0x38;
	[tilespmem:$0x16D00] =	vst v63  }
0x63: {  	_ =	swait.ge [sflag:s14], $0x2800  }
0x64: {  	[sflag:s14] =	ssyncset.done $0x0  }
0x65: {  	[sflag:s14] =	ssyncadd.s32 $0xFFFFD800  }
0x66: {  	[tilespmem:s15], [sflag:$0x3] =	stream.linear.gather [hbm4b:s8+s31], $0x2800, $0x38;
	[tilespmem:$0x16D00] =	vst v63  }
0x67: {  	_ =	swait.ge [sflag:s14], $0x2800  }
0x68: {  	[sflag:s14] =	ssyncset.done $0x0  }
0x69: {  	[sflag:s14] =	ssyncadd.s32 $0xFFFFD800  }
0x6a: {  	[tilespmem:s17], [sflag:$0x1] =	stream.indirect.gather [hbm4b:s4+s16], $0x40, s31, s16, $0xb8;
	[tilespmem:$0x16D00] =	vst v63  }
0x6b: {  	s30 =	simm.s32 $0x100  }
0x6c: {  	[tilespmem:s18], [sflag:$0x2] =	stream.indirect.gather [hbm4b:s4+s16], $0x40, s30, s16, $0xb8;
	[tilespmem:$0x16D00] =	vst v63  }
0x6d: {  	_ =	swait.ge [sflag:s19], $0x3E80  }
0x6e: {  	[sflag:s19] =	ssyncset.done $0x0  }
0x6f: {  	s31 =	simm.s32 $0x2800;
	[sflag:s19] =	ssyncadd.s32 $0xFFFFC180  }
0x70: {  	[spmem:s2] =	stream.indirect.scatter.add.f32 [tilespmem:s17], [sflag:$0x3], $0x40, s31, s16, $0xb8;
	[tilespmem:$0x16D00] =	vst v63  }
0x71: {  	_ =	swait.ge [sflag:s14], $0x3E80  }
0x72: {  	[sflag:s14] =	ssyncset.done $0x0  }
0x73: {  	s30 =	simm.s32 $0x200;
	[sflag:s14] =	ssyncadd.s32 $0xFFFFC180  }
0x74: {  	[tilespmem:s17], [sflag:$0x1] =	stream.indirect.gather [hbm4b:s4+s16], $0x40, s30, s16, $0xb8;
	[tilespmem:$0x16D00] =	vst v63  }
0x75: {  	_ =	swait.ge [sflag:s20], $0x3E80  }
0x76: {  	[sflag:s20] =	ssyncset.done $0x0  }
0x77: {  	s31 =	simm.s32 $0x2900;
	[sflag:s20] =	ssyncadd.s32 $0xFFFFC180  }
0x78: {  	[spmem:s2] =	stream.indirect.scatter.add.f32 [tilespmem:s18], [sflag:$0x3], $0x40, s31, s16, $0xb8;
	[tilespmem:$0x16D00] =	vst v63  }
0x79: {  	_ =	swait.ge [sflag:s14], $0x3E80  }
0x7a: {  	s29 =	simm.s32 $0x1000;
	s28 =	simm.s32 $0x200;
	[sflag:s14] =	ssyncset.done $0x0  }
.LBB2_4:
0x7b: {  	s0 =	sadd.s32 $0x100, s28  }
0x7c: {  	[sflag:s14] =	ssyncadd.s32 $0xFFFFC180;
	s30 =	smov.u32 s29;
	s31 =	sadd.s32 $0x800, s29  }
0x7d: {  	[tilespmem:s18], [sflag:$0x2] =	stream.indirect.gather [hbm4b:s4+s16], $0x40, s0, s16, $0xb8;
	[tilespmem:$0x16D00] =	vst v63  }
0x7e: {  	p0 =	sne.s32 s29, $0x9000;
	_ =	swait.ge [sflag:s19], $0x3E80  }
0x7f: {  	[sflag:s19] =	ssyncset.done $0x0  }
0x80: {  	s0 =	sadd.s32 $0x2800, s28;
	[sflag:s19] =	ssyncadd.s32 $0xFFFFC180  }
0x81: {  	[spmem:s2] =	stream.indirect.scatter.add.f32 [tilespmem:s17], [sflag:$0x3], $0x40, s0, s16, $0xb8;
	[tilespmem:$0x16D00] =	vst v63  }
0x82: {  	_ =	swait.ge [sflag:s14], $0x3E80  }
0x83: {  	[sflag:s14] =	ssyncset.done $0x0  }
0x84: {  	s0 =	sadd.s32 $0x200, s28;
	[sflag:s14] =	ssyncadd.s32 $0xFFFFC180  }
0x85: {  	[tilespmem:s17], [sflag:$0x1] =	stream.indirect.gather [hbm4b:s4+s16], $0x40, s0, s16, $0xb8;
	[tilespmem:$0x16D00] =	vst v63  }
0x86: {  	_ =	swait.ge [sflag:s20], $0x3E80  }
.Ltmp1:
0x87: {  	[sflag:s20] =	ssyncset.done $0x0;
	(pc) =	sbr.rel @p0 .LBB2_4-.Ltmp1, $4  }
0x88: {  	s0 =	sadd.s32 $0x2900, s28;
	[sflag:s20] =	ssyncadd.s32 $0xFFFFC180  }
0x89: {  	[spmem:s2] =	stream.indirect.scatter.add.f32 [tilespmem:s18], [sflag:$0x3], $0x40, s0, s16, $0xb8;
	[tilespmem:$0x16D00] =	vst v63  }
0x8a: {  	_ =	swait.ge [sflag:s14], $0x3E80  }
0x8b: {  	s29 =	smov.u32 s31;
	s28 =	sshra.s32 s30, $0x2;
	[sflag:s14] =	ssyncset.done $0x0  }
0x8c: {  	s0 =	sadd.s32 $0x100, s28;
	[sflag:s14] =	ssyncadd.s32 $0xFFFFC180  }
0x8d: {  	[tilespmem:s18], [sflag:$0x2] =	stream.indirect.gather [hbm4b:s4+s16], $0x40, s0, s16, $0xb8;
	[tilespmem:$0x16D00] =	vst v63  }
0x8e: {  	_ =	swait.ge [sflag:s19], $0x3E80  }
0x8f: {  	[sflag:s19] =	ssyncset.done $0x0  }
0x90: {  	s29 =	sadd.s32 $0x2800, s28;
	[sflag:s19] =	ssyncadd.s32 $0xFFFFC180  }
0x91: {  	[spmem:s2] =	stream.indirect.scatter.add.f32 [tilespmem:s17], [sflag:$0x3], $0x40, s29, s16, $0xb8;
	[tilespmem:$0x16D00] =	vst v63  }
0x92: {  	_ =	swait.ge [sflag:s14], $0x3E80  }
0x93: {  	[sflag:s14] =	ssyncset.done $0x0  }
0x94: {  	s30 =	sadd.s32 $0x200, s28;
	[sflag:s14] =	ssyncadd.s32 $0xFFFFC180  }
0x95: {  	[tilespmem:s17], [sflag:$0x1] =	stream.indirect.gather [hbm4b:s4+s16], $0x40, s30, s16, $0xb8;
	[tilespmem:$0x16D00] =	vst v63  }
0x96: {  	_ =	swait.ge [sflag:s20], $0x3E80  }
0x97: {  	[sflag:s20] =	ssyncset.done $0x0  }
0x98: {  	s31 =	sadd.s32 $0x2900, s28;
	[sflag:s20] =	ssyncadd.s32 $0xFFFFC180  }
0x99: {  	[spmem:s2] =	stream.indirect.scatter.add.f32 [tilespmem:s18], [sflag:$0x3], $0x40, s31, s16, $0xb8;
	[tilespmem:$0x16D00] =	vst v63  }
0x9a: {  	_ =	swait.ge [sflag:s14], $0x3E80  }
0x9b: {  	[sflag:s14] =	ssyncset.done $0x0  }
0x9c: {  	[sflag:s14] =	ssyncadd.s32 $0xFFFFC180  }
0x9d: {  	[tilespmem:s18], [sflag:$0x2] =	stream.indirect.gather [hbm4b:s4+s16], $0x40, s21, s16, $0xb8;
	[tilespmem:$0x16D00] =	vst v63  }
0x9e: {  	_ =	swait.ge [sflag:s19], $0x3E80  }
0x9f: {  	[sflag:s19] =	ssyncset.done $0x0  }
0xa0: {  	[sflag:s19] =	ssyncadd.s32 $0xFFFFC180  }
0xa1: {  	[spmem:s2] =	stream.indirect.scatter.add.f32 [tilespmem:s17], [sflag:$0x3], $0x40, s22, s16, $0xb8;
	[tilespmem:$0x16D00] =	vst v63  }
0xa2: {  	_ =	swait.ge [sflag:s14], $0x3E80  }
0xa3: {  	[sflag:s14] =	ssyncset.done $0x0  }
0xa4: {  	[sflag:s14] =	ssyncadd.s32 $0xFFFFC180  }
0xa5: {  	_ =	swait.ge [sflag:s20], $0x3E80  }
0xa6: {  	[sflag:s20] =	ssyncset.done $0x0  }
0xa7: {  	[sflag:s20] =	ssyncadd.s32 $0xFFFFC180  }
0xa8: {  	[spmem:s2] =	stream.indirect.scatter.add.f32 [tilespmem:s18], [sflag:$0x3], $0x40, s23, s16, $0xb8;
	[tilespmem:$0x16D00] =	vst v63  }
0xa9: {  	_ =	swait.ge [sflag:s14], $0x3E80  }
0xaa: {  	s26 =	sadd.s32 $0x1, s26;
	[sflag:s14] =	ssyncset.done $0x0  }
0xab: {  	p0 =	sne.s32 s26, s10;
	[sflag:s14] =	ssyncadd.s32 $0xFFFFC180  }
.Ltmp2:
0xac: {  	[bflag:$0x0] =	sbarrier.arrive $0xFFFF;
	(pc) =	sbr.rel @p0 .LBB2_1-.Ltmp2, $4  }
0xad: {  	[hbm:s9@s24], [sflag:s6] =	dma.strided [spmem:s13@s25], $0x1400, s19, $0x8   }
0xae: {  	_ =	swait.ge [sflag:s14], $0x1400  }
0xaf: {  	[sflag:s14] =	ssyncset.done $0x0  }
0xb0: {  	[sflag:s14] =	ssyncadd.s32 $0xFFFFEC00  }
0xb1: {  	_ =	sfence.sel $0x180000  }
0xb2: {  	[bflag:$0x0] =	sbarrier.arrive $0xFFFF  }
0xb3: {  	_ =	strace $0x9000004D  }
0xb4: {  	[bflag:$0x2] =	sbarrier.arrive $0xFFFF  }
0xb5: {  	p0 =	sne.s32 s1, $0x0;
	s0 =	rddreg [dreg:$0x2]  }
0xb6: {  	s0 =	sadd.s32 @!p0 $0x100000, s0  }
0xb7: {  	[sflag:s0] =	ssyncadd.tile.s32 @!p0 $0x1;
	_ =	shalt  }
.Lfunc_end2:
_tile_overlayer_lowered:
.L_overlay_start_2:
0xb8: {  	(tag) =	ssettag $0x2  }
0xb9: {  	s0 =	rddreg [dreg:$0x0];
	s2 =	stileid.u32  }
0xba: {  	s1 =	rddreg [dreg:$0x1];
	p0 =	sne.s32 s2, $0x0  }
0xbb: {  	s3 =	rddreg [dreg:$0x2];
	[bflag:$0x3] =	sbarrier.arrive $0xFFFF;
	s2 =	simm.s32 @!p0 $0x1C03  }
0xbc: {  	[timem:s3], [sflag:s2] =	dma.local @!p0 [hbm:s0], s1  }
0xbd: {  	s0 =	simm.s32 @!p0 $0x3  }
0xbe: {  	_ =	swait.ge @!p0 [sflag:s0], s1  }
0xbf: {  	s1 =	ssub.s32 @!p0 $0x0, s1;
	[sflag:s0] =	ssyncset.done @!p0 $0x0  }
0xc0: {  	[sflag:s0] =	ssyncadd.s32 @!p0 s1  }
0xc1: {  	[bflag:$0x3] =	sbarrier.arrive $0xFFFF  }
0xc2: {  	_ =	shalt  }

// kernel: kernel.23.cloned.1.call-start
scs
__scs_entry_jumppad:
0x0: {  	(pc) =	sbr.rel $0x88, $3  }
0x1: {  	(tag) =	ssettag $0x0;
	lr =	simm.s32 $0x1  }
0x2: {  	[smem:$0x3F89] =	sst lr;
	_ =	strace $0xD0000000  }
0x3: {  	_ = 	snop  }
0x4: {  	_ = 	snop  }
0x5: {  	_ = 	snop  }
0x6: {  	_ = 	snop  }
0x7: {  	_ = 	snop  }
__scs_overlays_trampoline_lowered:
0x8: {  	[smem:$0x3F98] =	sst s0  }
0x9: {  	[smem:$0x3F99] =	sst s1  }
0xa: {  	[smem:$0x3F9A] =	sst s2  }
0xb: {  	[smem:$0x3F9B] =	sst s3  }
0xc: {  	[smem:$0x3F9C] =	sst s4  }
0xd: {  	[smem:$0x3F9D] =	sst s5  }
0xe: {  	[smem:$0x3F9E] =	sst s6  }
0xf: {  	[smem:$0x3F9F] =	sst s7  }
0x10: {  	[smem:$0x3FA0] =	sst s8  }
0x11: {  	[smem:$0x3FA1] =	sst s9;
	s0 =	simm.s32 @!p0 $0x0  }
0x12: {  	s1 =	sld [smem:$0x3F87];
	s0 =	simm.s32 @p0 $0x1  }
0x13: {  	[smem:$0x3FA2] =	sst s0;
	s0 =	simm.s32 @!p1 $0x0  }
0x14: {  	s2 =	sld [smem:$0x3F86];
	s0 =	simm.s32 @p1 $0x1  }
0x15: {  	[smem:$0x3FA3] =	sst s0;
	s0 =	simm.s32 @!p2 $0x0  }
0x16: {  	s3 =	sld [smem:$0x3FDB];
	s0 =	simm.s32 @p2 $0x1  }
0x17: {  	s4 =	simm.s32 $0x1BF5;
	[smem:$0x3FA5] =	sst s0  }
0x18: {  	s0 =	sld [smem:$0x3F88];
	_ =	swait.ge [sflag:s4], $0x0  }
0x19: {  	s7 =	sld [smem:$0x3F89]  }
0x1a: {  	s8 =	sadd.s32 $0xFFFFE003, lr  }
0x1b: {  	s9 =	sadd.s32 $0xFFFFFEF7, lr;
	s5 =	simm.s32 $0xFFFFFFFF;
	p2 =	slt.u32 s8, $0xFFFFF086  }
0x1c: {  	p1 =	slt.u32 s9, $0xF7A;
	s5 =	simm.s32 @!p2 $0x0  }
0x1d: {  	s5 =	simm.s32 @p1 $0x1;
	p0 =	seq.s32 s7, s2  }
0x1e: {  	s7 =	smul.u32 @!p0 $0xF7A, s2;
	p2 =	seq.s32 @!p0 s5, $0x0  }
0x1f: {  	s9 =	smul.u32 $0xF7A, s1;
	s8 =	simm.s32 @!p0 $0x1BF5;
	p2 =	por !p2, p0  }
0x20: {  	[sflag:s8] =	ssyncset.s32 @!p0 $0xFFFFF086;
	s6 =	sadd.s32 @!p0 s3, s7;
	s7 =	simm.s32 @!p0 $0x108  }
0x21: {  	s3 =	sadd.s32 s3, s9;
	s6 =	sadd.s32 @!p0 $0x88, s6;
	s7 =	simm.s32 @p2 $0x1082  }
0x22: {  	[simem:s7], [sflag:s8] =	dma.local @!p0 [hbm:s6], $0xF7A  }
0x23: {  	s9 =	sor.u32 $0xD0000000, s2;
	s6 =	simm.s32 $0x108;
	_ =	swait.ge @!p0 [sflag:s8], $0x0  }
0x24: {  	s3 =	sadd.s32 $0x88, s3;
	s6 =	simm.s32 @!p1 $0x1082;
	[sflag:s4] =	ssyncset.s32 $0xFFFFF086  }
0x25: {  	[simem:s6], [sflag:s4] =	dma.local [hbm:s3], $0xF7A  }
0x26: {  	[smem:$0x3F89] =	sst s1;
	(tag) =	ssettag s2;
	_ =	strace s9  }
0x27: {  	s1 =	sld [smem:$0x3F99]  }
0x28: {  	s2 =	sld [smem:$0x3F9A]  }
0x29: {  	s4 =	sld [smem:$0x3F9C]  }
0x2a: {  	p0 =	seq.s32 s5, $0x0;
	s5 =	sld [smem:$0x3F9D]  }
0x2b: {  	s6 =	sld [smem:$0x3F9E]  }
0x2c: {  	s7 =	sld [smem:$0x3F9F]  }
0x2d: {  	s3 =	simm.s32 $0x108;
	s8 =	sld [smem:$0x3FA0]  }
0x2e: {  	s3 =	simm.s32 @!p0 $0x1082;
	s9 =	sld [smem:$0x3FA1]  }
0x2f: {  	lr =	sadd.s32 s0, s3;
	s0 =	sld [smem:$0x3F98]  }
0x30: {  	s3 =	sld [smem:$0x3F9B]  }
0x31: {  	[smem:$0x3FA4] =	sst s10  }
0x32: {  	s10 =	sld [smem:$0x3FA2];
	_ =	sdelay $0x3  }
0x33: {  	p0 =	seq.s32 s10, $0x1;
	s10 =	sld [smem:$0x3FA4];
	_ =	sdelay $0x3  }
0x34: {  	[smem:$0x3FA4] =	sst s10  }
0x35: {  	s10 =	sld [smem:$0x3FA3];
	_ =	sdelay $0x3  }
0x36: {  	p1 =	seq.s32 s10, $0x1;
	s10 =	sld [smem:$0x3FA4];
	_ =	sdelay $0x3  }
0x37: {  	[smem:$0x3FA4] =	sst s10  }
0x38: {  	s10 =	sld [smem:$0x3FA5]  }
0x39: {  	_ = 	snop;
	(pc) =	sbr.ind lr, $3  }
0x3a: {  	_ = 	snop  }
0x3b: {  	_ = 	snop  }
0x3c: {  	p2 =	seq.s32 s10, $0x1;
	s10 =	sld [smem:$0x3FA4]  }
0x3d: {  	_ =	shalt  }
0x3e: {  	_ =	shalt  }
0x3f: {  	_ =	shalt  }
0x40: {  	_ =	shalt  }
0x41: {  	_ =	shalt  }
0x42: {  	_ =	shalt  }
0x43: {  	_ =	shalt  }
0x44: {  	_ =	shalt  }
0x45: {  	_ =	shalt  }
0x46: {  	_ =	shalt  }
0x47: {  	_ =	shalt  }
0x48: {  	_ =	shalt  }
0x49: {  	_ =	shalt  }
0x4a: {  	_ =	shalt  }
0x4b: {  	_ =	shalt  }
0x4c: {  	_ =	shalt  }
0x4d: {  	_ =	shalt  }
0x4e: {  	_ =	shalt  }
0x4f: {  	_ =	shalt  }
0x50: {  	_ =	shalt  }
0x51: {  	_ =	shalt  }
0x52: {  	_ =	shalt  }
0x53: {  	_ =	shalt  }
0x54: {  	_ =	shalt  }
0x55: {  	_ =	shalt  }
0x56: {  	_ =	shalt  }
0x57: {  	_ =	shalt  }
0x58: {  	_ =	shalt  }
0x59: {  	_ =	shalt  }
0x5a: {  	_ =	shalt  }
0x5b: {  	_ =	shalt  }
0x5c: {  	_ =	shalt  }
0x5d: {  	_ =	shalt  }
0x5e: {  	_ =	shalt  }
0x5f: {  	_ =	shalt  }
0x60: {  	_ =	shalt  }
0x61: {  	_ =	shalt  }
0x62: {  	_ =	shalt  }
0x63: {  	_ =	shalt  }
0x64: {  	_ =	shalt  }
0x65: {  	_ =	shalt  }
0x66: {  	_ =	shalt  }
0x67: {  	_ =	shalt  }
0x68: {  	_ =	shalt  }
0x69: {  	_ =	shalt  }
0x6a: {  	_ =	shalt  }
0x6b: {  	_ =	shalt  }
0x6c: {  	_ =	shalt  }
0x6d: {  	_ =	shalt  }
0x6e: {  	_ =	shalt  }
0x6f: {  	_ =	shalt  }
0x70: {  	_ =	shalt  }
0x71: {  	_ =	shalt  }
0x72: {  	_ =	shalt  }
0x73: {  	_ =	shalt  }
0x74: {  	_ =	shalt  }
0x75: {  	_ =	shalt  }
0x76: {  	_ =	shalt  }
0x77: {  	_ =	shalt  }
0x78: {  	_ =	shalt  }
0x79: {  	_ =	shalt  }
0x7a: {  	_ =	shalt  }
0x7b: {  	_ =	shalt  }
0x7c: {  	_ =	shalt  }
0x7d: {  	_ =	shalt  }
0x7e: {  	_ =	shalt  }
0x7f: {  	_ =	shalt  }
0x80: {  	_ =	shalt  }
0x81: {  	_ =	shalt  }
0x82: {  	_ =	shalt  }
0x83: {  	_ =	shalt  }
0x84: {  	_ =	shalt  }
0x85: {  	_ =	shalt  }
0x86: {  	_ =	shalt  }
0x87: {  	_ =	shalt  }
.Lfunc_end0:
.L_simem_size_0:
called_computation.3_lowered:
.L_overlay_start_0:
0x88: {  	s2 =	sld [smem:$0x3FD9]  }
0x89: {  	s3 =	sld [smem:$0x3FFE];
	_ =	sdelay $0x1  }
0x8a: {  	s1 =	srdreg.scid  }
0x8b: {  	s0 =	sand.u32 $0x1, s1  }
0x8c: {  	s16 =	sshll.u32 s0, $0xA;
	s2 =	sadd.s32 s3, s2  }
0x8d: {  	s2 =	sadd.s32 s2, s16  }
0x8e: {  	[smem:$0x3FB0] =	sst s2  }
0x8f: {  	_ = 	snop  }
0x90: {  	(tm) =	ssettm $0x1  }
0x91: {  	s17 =	sld [smem:$0x3FFB];
	_ =	sdelay $0x3  }
0x92: {  	_ =	strace s17  }
0x93: {  	s2 =	sld [smem:$0x3FFC];
	_ =	sdelay $0x3  }
0x94: {  	_ =	strace s2  }
0x95: {  	s2 =	sld [smem:$0x3FFD];
	_ =	sdelay $0x3  }
0x96: {  	_ =	strace s2  }
0x97: {  	_ =	strace $0x8FFFFFFF  }
0x98: {  	s18 =	sld [smem:$0x3FDB];
	_ =	sdelay $0x1  }
0x99: {  	s19 =	simm.s32 $_scs_section_size  }
0x9a: {  	s4 =	simm.s32 $_size__tile_overlayer_lowered;
	s5 =	simm.s32 $_tile_overlayer_lowered  }
0x9b: {  	s22 =	simm.s32 $0x1BFF;
	s21 =	sshll.u32 s5, $0x1;
	s2 =	sadd.s32 s19, s18  }
0x9c: {  	s6 =	simm.s32 $0x0;
	s20 =	sshll.u32 s4, $0x1;
	s4 =	sadd.s32 s21, s2  }
0x9d: {  	[timem:s6], [sflag:s22] =	dma.local [hbm:s4], s20  }
0x9e: {  	_ =	swait.ge [sflag:s22], s20  }
0x9f: {  	s3 =	ssub.s32 $0x0, s20;
	[sflag:s22] =	ssyncset.done $0x0  }
0xa0: {  	[sflag:s22] =	ssyncadd.s32 s3;
	_ =	sdelay $0x1  }
0xa1: {  	s23 =	simm.s32 $0x1B8B  }
0xa2: {  	_ =	swait.ge [sflag:s23], $0x1  }
0xa3: {  	[sflag:s23] =	ssyncset.done $0x0  }
0xa4: {  	s25 =	simm.s32 $0x1B8E;
	s24 =	sld [smem:$0x3FFE];
	[sflag:s23] =	ssyncadd.s32 $0xFFFFFFFF  }
0xa5: {  	s26 =	simm.s32 $execute0_lowered;
	[smem:$0x3FD2] =	sst s25  }
0xa6: {  	s4 =	sshll.u32 s26, $0x1;
	_ =	strace $0x8000004F;
	[dreg:$0x1] =	wrdreg $0xFFFFFFFF  }
0xa7: {  	s28 =	simm.s32 $_size_execute0_lowered;
	s2 =	sadd.s32 s2, s4;
	[dreg:$0x0] =	wrdreg $0x0  }
0xa8: {  	s4 =	sshll.u32 s28, $0x1;
	[dreg:$0x2] =	wrdreg s2  }
0xa9: {  	[dreg:$0x3] =	wrdreg s4  }
0xaa: {  	[dreg:$0x4] =	wrdreg $0xC0  }
0xab: {  	_ =	task [dreg:s6], $0x5FFFF  }
0xac: {  	[dreg:$0x1] =	wrdreg $0xFFFFFFFF  }
0xad: {  	[dreg:$0x0] =	wrdreg $0x60  }
0xae: {  	[dreg:$0x2] =	wrdreg s24  }
0xaf: {  	[dreg:$0x3] =	wrdreg $0xCD000  }
0xb0: {  	[dreg:$0x4] =	wrdreg $0x9  }
0xb1: {  	_ =	task.clear_ibuf [dreg:s6], $0x5FFFF;
	_ =	strace $0x9000004F  }
0xb2: {  	s29 =	simm.s32 $0x9;
	_ =	strace $0x80000051  }
0xb3: {  	_ =	swait.ge [sflag:s29], $0x1  }
0xb4: {  	[sflag:s29] =	ssyncadd.s32 $0xFFFFFFFF  }
0xb5: {  	_ =	strace $0x90000051  }
0xb6: {  	_ =	sfence  }
0xb7: {  	s30 =	sld [smem:$0x0];
	_ =	sdelay $0x2  }
0xb8: {  	s31 =	sshll.u32 s1, $0xD;
	s1 =	sshrl.u32 s1, $0x2  }
0xb9: {  	s3 =	sand.u32 $0x4000, s31;
	s1 =	sadd.s32 s1, s30  }
0xba: {  	s0 =	sor.u32 s3, s0;
	s1 =	sshll.u32 s1, $0x11  }
0xbb: {  	s0 =	sor.u32 s1, s0  }
0xbc: {  	s0 =	sadd.s32 $0x8F2B, s0  }
0xbd: {  	[sflag:s0] =	ssyncadd.remote.s32 $0x1  }
0xbe: {  	_ =	sfence.sel $0xFFFF  }
0xbf: {  	[dreg:$0x0] =	wrdreg $0xFFFFFFFF;
	(pc) =	sbr.abs _section_cstart, $3  }
0xc0: {  	[dreg:$0x1] =	wrdreg $0xFFFFFFFF  }
0xc1: {  	_ =	task.clear_ibuf [dreg:s6], $0x2FFFF;
	_ =	strace $0x9FFFFFFF  }
0xc2: {  	(tm) =	ssettm $0x7FFFFFFF  }
0xc3: {  	_ =	shalt  }
tec
execute0_lowered:
.L_overlay_start_1:
0x0: {  	(tag) =	ssettag $0x1  }
0x1: {  	s9 =	rddreg [dreg:$0x0]  }
0x2: {  	s2 =	rddreg [dreg:$0x1];
	s3 =	simm.s32 $0x0  }
0x3: {  	s1 =	stileid.u32;
	s4 =	srdreg.scid;
	s15 =	simm.s32 $0x30000  }
0x4: {  	s17 =	simm.s32 $0x5000;
	s18 =	simm.s32 $0x8E80;
	s19 =	simm.s32 $0x1  }
0x5: {  	s20 =	simm.s32 $0x2;
	s21 =	simm.s32 $0x2700;
	s22 =	simm.s32 $0x4E00  }
0x6: {  	s23 =	simm.s32 $0x4F00;
	s24 =	simm.s32 $0x10;
	s25 =	simm.s32 $0x8  }
0x7: {  	s26 =	simm.s32 $0x0;
	[smem:$0x7FF] =	sst s3;
	s5 =	smul.u32 $0x14000, s1  }
0x8: {  	s6 =	sand.u32 $0x1, s4;
	s4 =	sadd.s32 $0x3A000, s9;
	s7 =	smul.u32 $0xA000, s1  }
0x9: {  	s10 =	sadd.s32 $0x26000, s9;
	s30 =	smul.u32 $0xA00, s1;
	s31 =	sshll.u32 s1, $0x6  }
0xa: {  	_ =	strace $0x80000050;
	s8 =	sshll.u32 s6, $0x6;
	s29 =	ssub.s32 $0x2, s6  }
0xb: {  	p0 =	seq.s32 s6, $0x0;
	s6 =	sor.u32 $0x1C03, s31;
	s5 =	sor.u32 s8, s5  }
0xc: {  	s11 =	sshrl.u32 s7, $0x3;
	s12 =	sshrl.u32 s29, $0x1;
	s14 =	sadd.s32 s7, s2  }
0xd: {  	s16 =	sadd.s32 $0x500, s30;
	s15 =	simm.s32 @!p0 $0x1C000;
	s7 =	sadd.s32 s10, s30  }
0xe: {  	s5 =	sshrl.u32 s5, $0x3;
	s11 =	sadd.s32 s11, s9;
	s12 =	ssub.s32 s29, s12  }
0xf: {  	s8 =	sadd.s32 s10, s16;
	s15 =	sadd.s32 s15, s9;
	s13 =	sadd.s32 s5, s9  }
0x10: {  	s5 =	sadd.s32 $0x88400, s11;
	s10 =	smax.u32 s12, $0x1;
	s11 =	sadd.s32 s15, s30  }
0x11: {  	s12 =	sadd.s32 s15, s16;
	s15 =	simm.s32 $0x2800;
	s16 =	simm.s32 $0xFA  }
0x12: {  	s9 =	sadd.s32 $0x9C400, s13;
	s13 =	sshrl.u32 s14, $0x3;
	s14 =	simm.s32 $0x3  }
.LBB2_1:
0x13: {  	[spmem:s13], [sflag:s6] =	dma.local [hbm:s5], $0x1400  }
0x14: {  	_ =	swait.ge [sflag:s14], $0x1400  }
0x15: {  	[sflag:s14] =	ssyncset.done $0x0  }
0x16: {  	[sflag:s14] =	ssyncadd.s32 $0xFFFFEC00  }
0x17: {  	[bflag:$0x0] =	sbarrier.arrive $0xFFFF  }
0x18: {  	[tilespmem:s3], [sflag:$0x3] =	stream.linear.gather [hbm4b:s11+s3], $0x2800, $0x38;
	[tilespmem:$0x16D00] =	vst v63  }
0x19: {  	_ =	swait.ge [sflag:s14], $0x2800  }
0x1a: {  	[sflag:s14] =	ssyncset.done $0x0  }
0x1b: {  	[sflag:s14] =	ssyncadd.s32 $0xFFFFD800  }
0x1c: {  	[tilespmem:s15], [sflag:$0x3] =	stream.linear.gather [hbm4b:s7+s3], $0x2800, $0x38;
	[tilespmem:$0x16D00] =	vst v63  }
0x1d: {  	_ =	swait.ge [sflag:s14], $0x2800  }
0x1e: {  	[sflag:s14] =	ssyncset.done $0x0  }
0x1f: {  	[sflag:s14] =	ssyncadd.s32 $0xFFFFD800  }
0x20: {  	[tilespmem:s17], [sflag:$0x1] =	stream.indirect.gather [hbm4b:s4+s16], $0x40, s3, s16, $0xb8;
	[tilespmem:$0x16D00] =	vst v63  }
0x21: {  	s28 =	simm.s32 $0x100  }
0x22: {  	[tilespmem:s18], [sflag:$0x2] =	stream.indirect.gather [hbm4b:s4+s16], $0x40, s28, s16, $0xb8;
	[tilespmem:$0x16D00] =	vst v63  }
0x23: {  	_ =	swait.ge [sflag:s19], $0x3E80  }
0x24: {  	[sflag:s19] =	ssyncset.done $0x0  }
0x25: {  	s28 =	simm.s32 $0x2800;
	[sflag:s19] =	ssyncadd.s32 $0xFFFFC180  }
0x26: {  	[spmem:s2] =	stream.indirect.scatter.add.f32 [tilespmem:s17], [sflag:$0x3], $0x40, s28, s16, $0xb8;
	[tilespmem:$0x16D00] =	vst v63  }
0x27: {  	_ =	swait.ge [sflag:s14], $0x3E80  }
0x28: {  	[sflag:s14] =	ssyncset.done $0x0  }
0x29: {  	s28 =	simm.s32 $0x200;
	[sflag:s14] =	ssyncadd.s32 $0xFFFFC180  }
0x2a: {  	[tilespmem:s17], [sflag:$0x1] =	stream.indirect.gather [hbm4b:s4+s16], $0x40, s28, s16, $0xb8;
	[tilespmem:$0x16D00] =	vst v63  }
0x2b: {  	_ =	swait.ge [sflag:s20], $0x3E80  }
0x2c: {  	[sflag:s20] =	ssyncset.done $0x0  }
0x2d: {  	s28 =	simm.s32 $0x2900;
	[sflag:s20] =	ssyncadd.s32 $0xFFFFC180  }
0x2e: {  	[spmem:s2] =	stream.indirect.scatter.add.f32 [tilespmem:s18], [sflag:$0x3], $0x40, s28, s16, $0xb8;
	[tilespmem:$0x16D00] =	vst v63  }
0x2f: {  	_ =	swait.ge [sflag:s14], $0x3E80  }
0x30: {  	s29 =	simm.s32 $0x1000;
	s28 =	simm.s32 $0x200;
	[sflag:s14] =	ssyncset.done $0x0  }
.LBB2_2:
0x31: {  	s30 =	sadd.s32 $0x100, s28  }
0x32: {  	[sflag:s14] =	ssyncadd.s32 $0xFFFFC180;
	s31 =	smov.u32 s29;
	s0 =	sadd.s32 $0x800, s29  }
0x33: {  	[tilespmem:s18], [sflag:$0x2] =	stream.indirect.gather [hbm4b:s4+s16], $0x40, s30, s16, $0xb8;
	[tilespmem:$0x16D00] =	vst v63  }
0x34: {  	p0 =	sne.s32 s29, $0x9000;
	_ =	swait.ge [sflag:s19], $0x3E80  }
0x35: {  	[sflag:s19] =	ssyncset.done $0x0  }
0x36: {  	s29 =	sadd.s32 $0x2800, s28;
	[sflag:s19] =	ssyncadd.s32 $0xFFFFC180  }
0x37: {  	[spmem:s2] =	stream.indirect.scatter.add.f32 [tilespmem:s17], [sflag:$0x3], $0x40, s29, s16, $0xb8;
	[tilespmem:$0x16D00] =	vst v63  }
0x38: {  	_ =	swait.ge [sflag:s14], $0x3E80  }
0x39: {  	[sflag:s14] =	ssyncset.done $0x0  }
0x3a: {  	s29 =	sadd.s32 $0x200, s28;
	[sflag:s14] =	ssyncadd.s32 $0xFFFFC180  }
0x3b: {  	[tilespmem:s17], [sflag:$0x1] =	stream.indirect.gather [hbm4b:s4+s16], $0x40, s29, s16, $0xb8;
	[tilespmem:$0x16D00] =	vst v63  }
0x3c: {  	_ =	swait.ge [sflag:s20], $0x3E80  }
.Ltmp0:
0x3d: {  	[sflag:s20] =	ssyncset.done $0x0;
	(pc) =	sbr.rel @p0 .LBB2_2-.Ltmp0, $4  }
0x3e: {  	s28 =	sadd.s32 $0x2900, s28;
	[sflag:s20] =	ssyncadd.s32 $0xFFFFC180  }
0x3f: {  	[spmem:s2] =	stream.indirect.scatter.add.f32 [tilespmem:s18], [sflag:$0x3], $0x40, s28, s16, $0xb8;
	[tilespmem:$0x16D00] =	vst v63  }
0x40: {  	_ =	swait.ge [sflag:s14], $0x3E80  }
0x41: {  	s29 =	smov.u32 s0;
	s28 =	sshra.s32 s31, $0x2;
	[sflag:s14] =	ssyncset.done $0x0  }
0x42: {  	s0 =	sadd.s32 $0x100, s28;
	[sflag:s14] =	ssyncadd.s32 $0xFFFFC180  }
0x43: {  	[tilespmem:s18], [sflag:$0x2] =	stream.indirect.gather [hbm4b:s4+s16], $0x40, s0, s16, $0xb8;
	[tilespmem:$0x16D00] =	vst v63  }
0x44: {  	_ =	swait.ge [sflag:s19], $0x3E80  }
0x45: {  	[sflag:s19] =	ssyncset.done $0x0  }
0x46: {  	s30 =	sadd.s32 $0x2800, s28;
	[sflag:s19] =	ssyncadd.s32 $0xFFFFC180  }
0x47: {  	[spmem:s2] =	stream.indirect.scatter.add.f32 [tilespmem:s17], [sflag:$0x3], $0x40, s30, s16, $0xb8;
	[tilespmem:$0x16D00] =	vst v63  }
0x48: {  	_ =	swait.ge [sflag:s14], $0x3E80  }
0x49: {  	[sflag:s14] =	ssyncset.done $0x0  }
0x4a: {  	s31 =	sadd.s32 $0x200, s28;
	[sflag:s14] =	ssyncadd.s32 $0xFFFFC180  }
0x4b: {  	[tilespmem:s17], [sflag:$0x1] =	stream.indirect.gather [hbm4b:s4+s16], $0x40, s31, s16, $0xb8;
	[tilespmem:$0x16D00] =	vst v63  }
0x4c: {  	_ =	swait.ge [sflag:s20], $0x3E80  }
0x4d: {  	[sflag:s20] =	ssyncset.done $0x0  }
0x4e: {  	s30 =	sadd.s32 $0x2900, s28;
	[sflag:s20] =	ssyncadd.s32 $0xFFFFC180  }
0x4f: {  	[spmem:s2] =	stream.indirect.scatter.add.f32 [tilespmem:s18], [sflag:$0x3], $0x40, s30, s16, $0xb8;
	[tilespmem:$0x16D00] =	vst v63  }
0x50: {  	_ =	swait.ge [sflag:s14], $0x3E80  }
0x51: {  	[sflag:s14] =	ssyncset.done $0x0  }
0x52: {  	[sflag:s14] =	ssyncadd.s32 $0xFFFFC180  }
0x53: {  	[tilespmem:s18], [sflag:$0x2] =	stream.indirect.gather [hbm4b:s4+s16], $0x40, s21, s16, $0xb8;
	[tilespmem:$0x16D00] =	vst v63  }
0x54: {  	_ =	swait.ge [sflag:s19], $0x3E80  }
0x55: {  	[sflag:s19] =	ssyncset.done $0x0  }
0x56: {  	[sflag:s19] =	ssyncadd.s32 $0xFFFFC180  }
0x57: {  	[spmem:s2] =	stream.indirect.scatter.add.f32 [tilespmem:s17], [sflag:$0x3], $0x40, s22, s16, $0xb8;
	[tilespmem:$0x16D00] =	vst v63  }
0x58: {  	_ =	swait.ge [sflag:s14], $0x3E80  }
0x59: {  	[sflag:s14] =	ssyncset.done $0x0  }
0x5a: {  	[sflag:s14] =	ssyncadd.s32 $0xFFFFC180  }
0x5b: {  	_ =	swait.ge [sflag:s20], $0x3E80  }
0x5c: {  	[sflag:s20] =	ssyncset.done $0x0  }
0x5d: {  	[sflag:s20] =	ssyncadd.s32 $0xFFFFC180  }
0x5e: {  	[spmem:s2] =	stream.indirect.scatter.add.f32 [tilespmem:s18], [sflag:$0x3], $0x40, s23, s16, $0xb8;
	[tilespmem:$0x16D00] =	vst v63  }
0x5f: {  	_ =	swait.ge [sflag:s14], $0x3E80  }
0x60: {  	[sflag:s14] =	ssyncset.done $0x0  }
0x61: {  	s31 =	simm.s32 $0x0;
	[sflag:s14] =	ssyncadd.s32 $0xFFFFC180  }
0x62: {  	[tilespmem:s31], [sflag:$0x3] =	stream.linear.gather [hbm4b:s12+s31], $0x2800, $0x38;
	[tilespmem:$0x16D00] =	vst v63  }
0x63: {  	_ =	swait.ge [sflag:s14], $0x2800  }
0x64: {  	[sflag:s14] =	ssyncset.done $0x0  }
0x65: {  	[sflag:s14] =	ssyncadd.s32 $0xFFFFD800  }
0x66: {  	[tilespmem:s15], [sflag:$0x3] =	stream.linear.gather [hbm4b:s8+s31], $0x2800, $0x38;
	[tilespmem:$0x16D00] =	vst v63  }
0x67: {  	_ =	swait.ge [sflag:s14], $0x2800  }
0x68: {  	[sflag:s14] =	ssyncset.done $0x0  }
0x69: {  	[sflag:s14] =	ssyncadd.s32 $0xFFFFD800  }
0x6a: {  	[tilespmem:s17], [sflag:$0x1] =	stream.indirect.gather [hbm4b:s4+s16], $0x40, s31, s16, $0xb8;
	[tilespmem:$0x16D00] =	vst v63  }
0x6b: {  	s30 =	simm.s32 $0x100  }
0x6c: {  	[tilespmem:s18], [sflag:$0x2] =	stream.indirect.gather [hbm4b:s4+s16], $0x40, s30, s16, $0xb8;
	[tilespmem:$0x16D00] =	vst v63  }
0x6d: {  	_ =	swait.ge [sflag:s19], $0x3E80  }
0x6e: {  	[sflag:s19] =	ssyncset.done $0x0  }
0x6f: {  	s31 =	simm.s32 $0x2800;
	[sflag:s19] =	ssyncadd.s32 $0xFFFFC180  }
0x70: {  	[spmem:s2] =	stream.indirect.scatter.add.f32 [tilespmem:s17], [sflag:$0x3], $0x40, s31, s16, $0xb8;
	[tilespmem:$0x16D00] =	vst v63  }
0x71: {  	_ =	swait.ge [sflag:s14], $0x3E80  }
0x72: {  	[sflag:s14] =	ssyncset.done $0x0  }
0x73: {  	s30 =	simm.s32 $0x200;
	[sflag:s14] =	ssyncadd.s32 $0xFFFFC180  }
0x74: {  	[tilespmem:s17], [sflag:$0x1] =	stream.indirect.gather [hbm4b:s4+s16], $0x40, s30, s16, $0xb8;
	[tilespmem:$0x16D00] =	vst v63  }
0x75: {  	_ =	swait.ge [sflag:s20], $0x3E80  }
0x76: {  	[sflag:s20] =	ssyncset.done $0x0  }
0x77: {  	s31 =	simm.s32 $0x2900;
	[sflag:s20] =	ssyncadd.s32 $0xFFFFC180  }
0x78: {  	[spmem:s2] =	stream.indirect.scatter.add.f32 [tilespmem:s18], [sflag:$0x3], $0x40, s31, s16, $0xb8;
	[tilespmem:$0x16D00] =	vst v63  }
0x79: {  	_ =	swait.ge [sflag:s14], $0x3E80  }
0x7a: {  	s29 =	simm.s32 $0x1000;
	s28 =	simm.s32 $0x200;
	[sflag:s14] =	ssyncset.done $0x0  }
.LBB2_4:
0x7b: {  	s0 =	sadd.s32 $0x100, s28  }
0x7c: {  	[sflag:s14] =	ssyncadd.s32 $0xFFFFC180;
	s30 =	smov.u32 s29;
	s31 =	sadd.s32 $0x800, s29  }
0x7d: {  	[tilespmem:s18], [sflag:$0x2] =	stream.indirect.gather [hbm4b:s4+s16], $0x40, s0, s16, $0xb8;
	[tilespmem:$0x16D00] =	vst v63  }
0x7e: {  	p0 =	sne.s32 s29, $0x9000;
	_ =	swait.ge [sflag:s19], $0x3E80  }
0x7f: {  	[sflag:s19] =	ssyncset.done $0x0  }
0x80: {  	s0 =	sadd.s32 $0x2800, s28;
	[sflag:s19] =	ssyncadd.s32 $0xFFFFC180  }
0x81: {  	[spmem:s2] =	stream.indirect.scatter.add.f32 [tilespmem:s17], [sflag:$0x3], $0x40, s0, s16, $0xb8;
	[tilespmem:$0x16D00] =	vst v63  }
0x82: {  	_ =	swait.ge [sflag:s14], $0x3E80  }
0x83: {  	[sflag:s14] =	ssyncset.done $0x0  }
0x84: {  	s0 =	sadd.s32 $0x200, s28;
	[sflag:s14] =	ssyncadd.s32 $0xFFFFC180  }
0x85: {  	[tilespmem:s17], [sflag:$0x1] =	stream.indirect.gather [hbm4b:s4+s16], $0x40, s0, s16, $0xb8;
	[tilespmem:$0x16D00] =	vst v63  }
0x86: {  	_ =	swait.ge [sflag:s20], $0x3E80  }
.Ltmp1:
0x87: {  	[sflag:s20] =	ssyncset.done $0x0;
	(pc) =	sbr.rel @p0 .LBB2_4-.Ltmp1, $4  }
0x88: {  	s0 =	sadd.s32 $0x2900, s28;
	[sflag:s20] =	ssyncadd.s32 $0xFFFFC180  }
0x89: {  	[spmem:s2] =	stream.indirect.scatter.add.f32 [tilespmem:s18], [sflag:$0x3], $0x40, s0, s16, $0xb8;
	[tilespmem:$0x16D00] =	vst v63  }
0x8a: {  	_ =	swait.ge [sflag:s14], $0x3E80  }
0x8b: {  	s29 =	smov.u32 s31;
	s28 =	sshra.s32 s30, $0x2;
	[sflag:s14] =	ssyncset.done $0x0  }
0x8c: {  	s0 =	sadd.s32 $0x100, s28;
	[sflag:s14] =	ssyncadd.s32 $0xFFFFC180  }
0x8d: {  	[tilespmem:s18], [sflag:$0x2] =	stream.indirect.gather [hbm4b:s4+s16], $0x40, s0, s16, $0xb8;
	[tilespmem:$0x16D00] =	vst v63  }
0x8e: {  	_ =	swait.ge [sflag:s19], $0x3E80  }
0x8f: {  	[sflag:s19] =	ssyncset.done $0x0  }
0x90: {  	s29 =	sadd.s32 $0x2800, s28;
	[sflag:s19] =	ssyncadd.s32 $0xFFFFC180  }
0x91: {  	[spmem:s2] =	stream.indirect.scatter.add.f32 [tilespmem:s17], [sflag:$0x3], $0x40, s29, s16, $0xb8;
	[tilespmem:$0x16D00] =	vst v63  }
0x92: {  	_ =	swait.ge [sflag:s14], $0x3E80  }
0x93: {  	[sflag:s14] =	ssyncset.done $0x0  }
0x94: {  	s30 =	sadd.s32 $0x200, s28;
	[sflag:s14] =	ssyncadd.s32 $0xFFFFC180  }
0x95: {  	[tilespmem:s17], [sflag:$0x1] =	stream.indirect.gather [hbm4b:s4+s16], $0x40, s30, s16, $0xb8;
	[tilespmem:$0x16D00] =	vst v63  }
0x96: {  	_ =	swait.ge [sflag:s20], $0x3E80  }
0x97: {  	[sflag:s20] =	ssyncset.done $0x0  }
0x98: {  	s31 =	sadd.s32 $0x2900, s28;
	[sflag:s20] =	ssyncadd.s32 $0xFFFFC180  }
0x99: {  	[spmem:s2] =	stream.indirect.scatter.add.f32 [tilespmem:s18], [sflag:$0x3], $0x40, s31, s16, $0xb8;
	[tilespmem:$0x16D00] =	vst v63  }
0x9a: {  	_ =	swait.ge [sflag:s14], $0x3E80  }
0x9b: {  	[sflag:s14] =	ssyncset.done $0x0  }
0x9c: {  	[sflag:s14] =	ssyncadd.s32 $0xFFFFC180  }
0x9d: {  	[tilespmem:s18], [sflag:$0x2] =	stream.indirect.gather [hbm4b:s4+s16], $0x40, s21, s16, $0xb8;
	[tilespmem:$0x16D00] =	vst v63  }
0x9e: {  	_ =	swait.ge [sflag:s19], $0x3E80  }
0x9f: {  	[sflag:s19] =	ssyncset.done $0x0  }
0xa0: {  	[sflag:s19] =	ssyncadd.s32 $0xFFFFC180  }
0xa1: {  	[spmem:s2] =	stream.indirect.scatter.add.f32 [tilespmem:s17], [sflag:$0x3], $0x40, s22, s16, $0xb8;
	[tilespmem:$0x16D00] =	vst v63  }
0xa2: {  	_ =	swait.ge [sflag:s14], $0x3E80  }
0xa3: {  	[sflag:s14] =	ssyncset.done $0x0  }
0xa4: {  	[sflag:s14] =	ssyncadd.s32 $0xFFFFC180  }
0xa5: {  	_ =	swait.ge [sflag:s20], $0x3E80  }
0xa6: {  	[sflag:s20] =	ssyncset.done $0x0  }
0xa7: {  	[sflag:s20] =	ssyncadd.s32 $0xFFFFC180  }
0xa8: {  	[spmem:s2] =	stream.indirect.scatter.add.f32 [tilespmem:s18], [sflag:$0x3], $0x40, s23, s16, $0xb8;
	[tilespmem:$0x16D00] =	vst v63  }
0xa9: {  	_ =	swait.ge [sflag:s14], $0x3E80  }
0xaa: {  	s26 =	sadd.s32 $0x1, s26;
	[sflag:s14] =	ssyncset.done $0x0  }
0xab: {  	p0 =	sne.s32 s26, s10;
	[sflag:s14] =	ssyncadd.s32 $0xFFFFC180  }
.Ltmp2:
0xac: {  	[bflag:$0x0] =	sbarrier.arrive $0xFFFF;
	(pc) =	sbr.rel @p0 .LBB2_1-.Ltmp2, $4  }
0xad: {  	[hbm:s9@s24], [sflag:s6] =	dma.strided [spmem:s13@s25], $0x1400, s19, $0x8   }
0xae: {  	_ =	swait.ge [sflag:s14], $0x1400  }
0xaf: {  	[sflag:s14] =	ssyncset.done $0x0  }
0xb0: {  	[sflag:s14] =	ssyncadd.s32 $0xFFFFEC00  }
0xb1: {  	_ =	sfence.sel $0x180000  }
0xb2: {  	[bflag:$0x0] =	sbarrier.arrive $0xFFFF  }
0xb3: {  	_ =	strace $0x90000050  }
0xb4: {  	[bflag:$0x2] =	sbarrier.arrive $0xFFFF  }
0xb5: {  	p0 =	sne.s32 s1, $0x0;
	s0 =	rddreg [dreg:$0x2]  }
0xb6: {  	s0 =	sadd.s32 @!p0 $0x100000, s0  }
0xb7: {  	[sflag:s0] =	ssyncadd.tile.s32 @!p0 $0x1;
	_ =	shalt  }
.Lfunc_end2:
_tile_overlayer_lowered:
.L_overlay_start_2:
0xb8: {  	(tag) =	ssettag $0x2  }
0xb9: {  	s0 =	rddreg [dreg:$0x0];
	s2 =	stileid.u32  }
0xba: {  	s1 =	rddreg [dreg:$0x1];
	p0 =	sne.s32 s2, $0x0  }
0xbb: {  	s3 =	rddreg [dreg:$0x2];
	[bflag:$0x3] =	sbarrier.arrive $0xFFFF;
	s2 =	simm.s32 @!p0 $0x1C03  }
0xbc: {  	[timem:s3], [sflag:s2] =	dma.local @!p0 [hbm:s0], s1  }
0xbd: {  	s0 =	simm.s32 @!p0 $0x3  }
0xbe: {  	_ =	swait.ge @!p0 [sflag:s0], s1  }
0xbf: {  	s1 =	ssub.s32 @!p0 $0x0, s1;
	[sflag:s0] =	ssyncset.done @!p0 $0x0  }
0xc0: {  	[sflag:s0] =	ssyncadd.s32 @!p0 s1  }
0xc1: {  	[bflag:$0x3] =	sbarrier.arrive $0xFFFF  }
0xc2: {  	_ =	shalt  }

// kernel: kernel.26.cloned.1.call-start
scs
__scs_entry_jumppad:
0x0: {  	(pc) =	sbr.rel $0x88, $3  }
0x1: {  	(tag) =	ssettag $0x0;
	lr =	simm.s32 $0x1  }
0x2: {  	[smem:$0x3F89] =	sst lr;
	_ =	strace $0xD0000000  }
0x3: {  	_ = 	snop  }
0x4: {  	_ = 	snop  }
0x5: {  	_ = 	snop  }
0x6: {  	_ = 	snop  }
0x7: {  	_ = 	snop  }
__scs_overlays_trampoline_lowered:
0x8: {  	[smem:$0x3F98] =	sst s0  }
0x9: {  	[smem:$0x3F99] =	sst s1  }
0xa: {  	[smem:$0x3F9A] =	sst s2  }
0xb: {  	[smem:$0x3F9B] =	sst s3  }
0xc: {  	[smem:$0x3F9C] =	sst s4  }
0xd: {  	[smem:$0x3F9D] =	sst s5  }
0xe: {  	[smem:$0x3F9E] =	sst s6  }
0xf: {  	[smem:$0x3F9F] =	sst s7  }
0x10: {  	[smem:$0x3FA0] =	sst s8  }
0x11: {  	[smem:$0x3FA1] =	sst s9;
	s0 =	simm.s32 @!p0 $0x0  }
0x12: {  	s1 =	sld [smem:$0x3F87];
	s0 =	simm.s32 @p0 $0x1  }
0x13: {  	[smem:$0x3FA2] =	sst s0;
	s0 =	simm.s32 @!p1 $0x0  }
0x14: {  	s2 =	sld [smem:$0x3F86];
	s0 =	simm.s32 @p1 $0x1  }
0x15: {  	[smem:$0x3FA3] =	sst s0;
	s0 =	simm.s32 @!p2 $0x0  }
0x16: {  	s3 =	sld [smem:$0x3FDB];
	s0 =	simm.s32 @p2 $0x1  }
0x17: {  	s4 =	simm.s32 $0x1BF5;
	[smem:$0x3FA5] =	sst s0  }
0x18: {  	s0 =	sld [smem:$0x3F88];
	_ =	swait.ge [sflag:s4], $0x0  }
0x19: {  	s7 =	sld [smem:$0x3F89]  }
0x1a: {  	s8 =	sadd.s32 $0xFFFFE003, lr  }
0x1b: {  	s9 =	sadd.s32 $0xFFFFFEF7, lr;
	s5 =	simm.s32 $0xFFFFFFFF;
	p2 =	slt.u32 s8, $0xFFFFF086  }
0x1c: {  	p1 =	slt.u32 s9, $0xF7A;
	s5 =	simm.s32 @!p2 $0x0  }
0x1d: {  	s5 =	simm.s32 @p1 $0x1;
	p0 =	seq.s32 s7, s2  }
0x1e: {  	s7 =	smul.u32 @!p0 $0xF7A, s2;
	p2 =	seq.s32 @!p0 s5, $0x0  }
0x1f: {  	s9 =	smul.u32 $0xF7A, s1;
	s8 =	simm.s32 @!p0 $0x1BF5;
	p2 =	por !p2, p0  }
0x20: {  	[sflag:s8] =	ssyncset.s32 @!p0 $0xFFFFF086;
	s6 =	sadd.s32 @!p0 s3, s7;
	s7 =	simm.s32 @!p0 $0x108  }
0x21: {  	s3 =	sadd.s32 s3, s9;
	s6 =	sadd.s32 @!p0 $0x88, s6;
	s7 =	simm.s32 @p2 $0x1082  }
0x22: {  	[simem:s7], [sflag:s8] =	dma.local @!p0 [hbm:s6], $0xF7A  }
0x23: {  	s9 =	sor.u32 $0xD0000000, s2;
	s6 =	simm.s32 $0x108;
	_ =	swait.ge @!p0 [sflag:s8], $0x0  }
0x24: {  	s3 =	sadd.s32 $0x88, s3;
	s6 =	simm.s32 @!p1 $0x1082;
	[sflag:s4] =	ssyncset.s32 $0xFFFFF086  }
0x25: {  	[simem:s6], [sflag:s4] =	dma.local [hbm:s3], $0xF7A  }
0x26: {  	[smem:$0x3F89] =	sst s1;
	(tag) =	ssettag s2;
	_ =	strace s9  }
0x27: {  	s1 =	sld [smem:$0x3F99]  }
0x28: {  	s2 =	sld [smem:$0x3F9A]  }
0x29: {  	s4 =	sld [smem:$0x3F9C]  }
0x2a: {  	p0 =	seq.s32 s5, $0x0;
	s5 =	sld [smem:$0x3F9D]  }
0x2b: {  	s6 =	sld [smem:$0x3F9E]  }
0x2c: {  	s7 =	sld [smem:$0x3F9F]  }
0x2d: {  	s3 =	simm.s32 $0x108;
	s8 =	sld [smem:$0x3FA0]  }
0x2e: {  	s3 =	simm.s32 @!p0 $0x1082;
	s9 =	sld [smem:$0x3FA1]  }
0x2f: {  	lr =	sadd.s32 s0, s3;
	s0 =	sld [smem:$0x3F98]  }
0x30: {  	s3 =	sld [smem:$0x3F9B]  }
0x31: {  	[smem:$0x3FA4] =	sst s10  }
0x32: {  	s10 =	sld [smem:$0x3FA2];
	_ =	sdelay $0x3  }
0x33: {  	p0 =	seq.s32 s10, $0x1;
	s10 =	sld [smem:$0x3FA4];
	_ =	sdelay $0x3  }
0x34: {  	[smem:$0x3FA4] =	sst s10  }
0x35: {  	s10 =	sld [smem:$0x3FA3];
	_ =	sdelay $0x3  }
0x36: {  	p1 =	seq.s32 s10, $0x1;
	s10 =	sld [smem:$0x3FA4];
	_ =	sdelay $0x3  }
0x37: {  	[smem:$0x3FA4] =	sst s10  }
0x38: {  	s10 =	sld [smem:$0x3FA5]  }
0x39: {  	_ = 	snop;
	(pc) =	sbr.ind lr, $3  }
0x3a: {  	_ = 	snop  }
0x3b: {  	_ = 	snop  }
0x3c: {  	p2 =	seq.s32 s10, $0x1;
	s10 =	sld [smem:$0x3FA4]  }
0x3d: {  	_ =	shalt  }
0x3e: {  	_ =	shalt  }
0x3f: {  	_ =	shalt  }
0x40: {  	_ =	shalt  }
0x41: {  	_ =	shalt  }
0x42: {  	_ =	shalt  }
0x43: {  	_ =	shalt  }
0x44: {  	_ =	shalt  }
0x45: {  	_ =	shalt  }
0x46: {  	_ =	shalt  }
0x47: {  	_ =	shalt  }
0x48: {  	_ =	shalt  }
0x49: {  	_ =	shalt  }
0x4a: {  	_ =	shalt  }
0x4b: {  	_ =	shalt  }
0x4c: {  	_ =	shalt  }
0x4d: {  	_ =	shalt  }
0x4e: {  	_ =	shalt  }
0x4f: {  	_ =	shalt  }
0x50: {  	_ =	shalt  }
0x51: {  	_ =	shalt  }
0x52: {  	_ =	shalt  }
0x53: {  	_ =	shalt  }
0x54: {  	_ =	shalt  }
0x55: {  	_ =	shalt  }
0x56: {  	_ =	shalt  }
0x57: {  	_ =	shalt  }
0x58: {  	_ =	shalt  }
0x59: {  	_ =	shalt  }
0x5a: {  	_ =	shalt  }
0x5b: {  	_ =	shalt  }
0x5c: {  	_ =	shalt  }
0x5d: {  	_ =	shalt  }
0x5e: {  	_ =	shalt  }
0x5f: {  	_ =	shalt  }
0x60: {  	_ =	shalt  }
0x61: {  	_ =	shalt  }
0x62: {  	_ =	shalt  }
0x63: {  	_ =	shalt  }
0x64: {  	_ =	shalt  }
0x65: {  	_ =	shalt  }
0x66: {  	_ =	shalt  }
0x67: {  	_ =	shalt  }
0x68: {  	_ =	shalt  }
0x69: {  	_ =	shalt  }
0x6a: {  	_ =	shalt  }
0x6b: {  	_ =	shalt  }
0x6c: {  	_ =	shalt  }
0x6d: {  	_ =	shalt  }
0x6e: {  	_ =	shalt  }
0x6f: {  	_ =	shalt  }
0x70: {  	_ =	shalt  }
0x71: {  	_ =	shalt  }
0x72: {  	_ =	shalt  }
0x73: {  	_ =	shalt  }
0x74: {  	_ =	shalt  }
0x75: {  	_ =	shalt  }
0x76: {  	_ =	shalt  }
0x77: {  	_ =	shalt  }
0x78: {  	_ =	shalt  }
0x79: {  	_ =	shalt  }
0x7a: {  	_ =	shalt  }
0x7b: {  	_ =	shalt  }
0x7c: {  	_ =	shalt  }
0x7d: {  	_ =	shalt  }
0x7e: {  	_ =	shalt  }
0x7f: {  	_ =	shalt  }
0x80: {  	_ =	shalt  }
0x81: {  	_ =	shalt  }
0x82: {  	_ =	shalt  }
0x83: {  	_ =	shalt  }
0x84: {  	_ =	shalt  }
0x85: {  	_ =	shalt  }
0x86: {  	_ =	shalt  }
0x87: {  	_ =	shalt  }
.Lfunc_end0:
.L_simem_size_0:
called_computation.4_lowered:
.L_overlay_start_0:
0x88: {  	s2 =	sld [smem:$0x3FD9]  }
0x89: {  	s3 =	sld [smem:$0x3FFE];
	_ =	sdelay $0x1  }
0x8a: {  	s1 =	srdreg.scid  }
0x8b: {  	s0 =	sand.u32 $0x1, s1  }
0x8c: {  	s16 =	sshll.u32 s0, $0xA;
	s2 =	sadd.s32 s3, s2  }
0x8d: {  	s2 =	sadd.s32 s2, s16  }
0x8e: {  	[smem:$0x3FB0] =	sst s2  }
0x8f: {  	_ = 	snop  }
0x90: {  	(tm) =	ssettm $0x1  }
0x91: {  	s17 =	sld [smem:$0x3FFB];
	_ =	sdelay $0x3  }
0x92: {  	_ =	strace s17  }
0x93: {  	s2 =	sld [smem:$0x3FFC];
	_ =	sdelay $0x3  }
0x94: {  	_ =	strace s2  }
0x95: {  	s2 =	sld [smem:$0x3FFD];
	_ =	sdelay $0x3  }
0x96: {  	_ =	strace s2  }
0x97: {  	_ =	strace $0x8FFFFFFF  }
0x98: {  	s18 =	sld [smem:$0x3FDB];
	_ =	sdelay $0x1  }
0x99: {  	s19 =	simm.s32 $_scs_section_size  }
0x9a: {  	s4 =	simm.s32 $_size__tile_overlayer_lowered;
	s5 =	simm.s32 $_tile_overlayer_lowered  }
0x9b: {  	s22 =	simm.s32 $0x1BFF;
	s21 =	sshll.u32 s5, $0x1;
	s2 =	sadd.s32 s19, s18  }
0x9c: {  	s6 =	simm.s32 $0x0;
	s20 =	sshll.u32 s4, $0x1;
	s4 =	sadd.s32 s21, s2  }
0x9d: {  	[timem:s6], [sflag:s22] =	dma.local [hbm:s4], s20  }
0x9e: {  	_ =	swait.ge [sflag:s22], s20  }
0x9f: {  	s3 =	ssub.s32 $0x0, s20;
	[sflag:s22] =	ssyncset.done $0x0  }
0xa0: {  	[sflag:s22] =	ssyncadd.s32 s3;
	_ =	sdelay $0x1  }
0xa1: {  	s23 =	simm.s32 $0x1B8B  }
0xa2: {  	_ =	swait.ge [sflag:s23], $0x1  }
0xa3: {  	[sflag:s23] =	ssyncset.done $0x0  }
0xa4: {  	s25 =	simm.s32 $0x1B8E;
	s24 =	sld [smem:$0x3FFE];
	[sflag:s23] =	ssyncadd.s32 $0xFFFFFFFF  }
0xa5: {  	s26 =	simm.s32 $execute0_lowered;
	[smem:$0x3FD2] =	sst s25  }
0xa6: {  	s4 =	sshll.u32 s26, $0x1;
	_ =	strace $0x80000052;
	[dreg:$0x1] =	wrdreg $0xFFFFFFFF  }
0xa7: {  	s28 =	simm.s32 $_size_execute0_lowered;
	s2 =	sadd.s32 s2, s4;
	[dreg:$0x0] =	wrdreg $0x0  }
0xa8: {  	s4 =	sshll.u32 s28, $0x1;
	[dreg:$0x2] =	wrdreg s2  }
0xa9: {  	[dreg:$0x3] =	wrdreg s4  }
0xaa: {  	[dreg:$0x4] =	wrdreg $0xC0  }
0xab: {  	_ =	task [dreg:s6], $0x5FFFF  }
0xac: {  	[dreg:$0x1] =	wrdreg $0xFFFFFFFF  }
0xad: {  	[dreg:$0x0] =	wrdreg $0x60  }
0xae: {  	[dreg:$0x2] =	wrdreg s24  }
0xaf: {  	[dreg:$0x3] =	wrdreg $0xCD000  }
0xb0: {  	[dreg:$0x4] =	wrdreg $0x9  }
0xb1: {  	_ =	task.clear_ibuf [dreg:s6], $0x5FFFF;
	_ =	strace $0x90000052  }
0xb2: {  	s29 =	simm.s32 $0x9;
	_ =	strace $0x80000054  }
0xb3: {  	_ =	swait.ge [sflag:s29], $0x1  }
0xb4: {  	[sflag:s29] =	ssyncadd.s32 $0xFFFFFFFF  }
0xb5: {  	_ =	strace $0x90000054  }
0xb6: {  	_ =	sfence  }
0xb7: {  	s30 =	sld [smem:$0x0];
	_ =	sdelay $0x2  }
0xb8: {  	s31 =	sshll.u32 s1, $0xD;
	s1 =	sshrl.u32 s1, $0x2  }
0xb9: {  	s3 =	sand.u32 $0x4000, s31;
	s1 =	sadd.s32 s1, s30  }
0xba: {  	s0 =	sor.u32 s3, s0;
	s1 =	sshll.u32 s1, $0x11  }
0xbb: {  	s0 =	sor.u32 s1, s0  }
0xbc: {  	s0 =	sadd.s32 $0x8F2B, s0  }
0xbd: {  	[sflag:s0] =	ssyncadd.remote.s32 $0x1  }
0xbe: {  	_ =	sfence.sel $0xFFFF  }
0xbf: {  	[dreg:$0x0] =	wrdreg $0xFFFFFFFF;
	(pc) =	sbr.abs _section_cstart, $3  }
0xc0: {  	[dreg:$0x1] =	wrdreg $0xFFFFFFFF  }
0xc1: {  	_ =	task.clear_ibuf [dreg:s6], $0x2FFFF;
	_ =	strace $0x9FFFFFFF  }
0xc2: {  	(tm) =	ssettm $0x7FFFFFFF  }
0xc3: {  	_ =	shalt  }
tec
execute0_lowered:
.L_overlay_start_1:
0x0: {  	(tag) =	ssettag $0x1  }
0x1: {  	s9 =	rddreg [dreg:$0x0]  }
0x2: {  	s2 =	rddreg [dreg:$0x1];
	s3 =	simm.s32 $0x0  }
0x3: {  	s1 =	stileid.u32;
	s4 =	srdreg.scid;
	s15 =	simm.s32 $0x30000  }
0x4: {  	s17 =	simm.s32 $0x5000;
	s18 =	simm.s32 $0x8E80;
	s19 =	simm.s32 $0x1  }
0x5: {  	s20 =	simm.s32 $0x2;
	s21 =	simm.s32 $0x2700;
	s22 =	simm.s32 $0x4E00  }
0x6: {  	s23 =	simm.s32 $0x4F00;
	s24 =	simm.s32 $0x10;
	s25 =	simm.s32 $0x8  }
0x7: {  	s26 =	simm.s32 $0x0;
	[smem:$0x7FF] =	sst s3;
	s5 =	smul.u32 $0x14000, s1  }
0x8: {  	s6 =	sand.u32 $0x1, s4;
	s4 =	sadd.s32 $0x3A000, s9;
	s7 =	smul.u32 $0xA000, s1  }
0x9: {  	s10 =	sadd.s32 $0x26000, s9;
	s30 =	smul.u32 $0xA00, s1;
	s31 =	sshll.u32 s1, $0x6  }
0xa: {  	_ =	strace $0x80000053;
	s8 =	sshll.u32 s6, $0x6;
	s29 =	ssub.s32 $0x2, s6  }
0xb: {  	p0 =	seq.s32 s6, $0x0;
	s6 =	sor.u32 $0x1C03, s31;
	s5 =	sor.u32 s8, s5  }
0xc: {  	s11 =	sshrl.u32 s7, $0x3;
	s12 =	sshrl.u32 s29, $0x1;
	s14 =	sadd.s32 s7, s2  }
0xd: {  	s16 =	sadd.s32 $0x500, s30;
	s15 =	simm.s32 @!p0 $0x1C000;
	s7 =	sadd.s32 s10, s30  }
0xe: {  	s5 =	sshrl.u32 s5, $0x3;
	s11 =	sadd.s32 s11, s9;
	s12 =	ssub.s32 s29, s12  }
0xf: {  	s8 =	sadd.s32 s10, s16;
	s15 =	sadd.s32 s15, s9;
	s13 =	sadd.s32 s5, s9  }
0x10: {  	s5 =	sadd.s32 $0x88400, s11;
	s10 =	smax.u32 s12, $0x1;
	s11 =	sadd.s32 s15, s30  }
0x11: {  	s12 =	sadd.s32 s15, s16;
	s15 =	simm.s32 $0x2800;
	s16 =	simm.s32 $0xFA  }
0x12: {  	s9 =	sadd.s32 $0x9C400, s13;
	s13 =	sshrl.u32 s14, $0x3;
	s14 =	simm.s32 $0x3  }
.LBB2_1:
0x13: {  	[spmem:s13], [sflag:s6] =	dma.local [hbm:s5], $0x1400  }
0x14: {  	_ =	swait.ge [sflag:s14], $0x1400  }
0x15: {  	[sflag:s14] =	ssyncset.done $0x0  }
0x16: {  	[sflag:s14] =	ssyncadd.s32 $0xFFFFEC00  }
0x17: {  	[bflag:$0x0] =	sbarrier.arrive $0xFFFF  }
0x18: {  	[tilespmem:s3], [sflag:$0x3] =	stream.linear.gather [hbm4b:s11+s3], $0x2800, $0x38;
	[tilespmem:$0x16D00] =	vst v63  }
0x19: {  	_ =	swait.ge [sflag:s14], $0x2800  }
0x1a: {  	[sflag:s14] =	ssyncset.done $0x0  }
0x1b: {  	[sflag:s14] =	ssyncadd.s32 $0xFFFFD800  }
0x1c: {  	[tilespmem:s15], [sflag:$0x3] =	stream.linear.gather [hbm4b:s7+s3], $0x2800, $0x38;
	[tilespmem:$0x16D00] =	vst v63  }
0x1d: {  	_ =	swait.ge [sflag:s14], $0x2800  }
0x1e: {  	[sflag:s14] =	ssyncset.done $0x0  }
0x1f: {  	[sflag:s14] =	ssyncadd.s32 $0xFFFFD800  }
0x20: {  	[tilespmem:s17], [sflag:$0x1] =	stream.indirect.gather [hbm4b:s4+s16], $0x40, s3, s16, $0xb8;
	[tilespmem:$0x16D00] =	vst v63  }
0x21: {  	s28 =	simm.s32 $0x100  }
0x22: {  	[tilespmem:s18], [sflag:$0x2] =	stream.indirect.gather [hbm4b:s4+s16], $0x40, s28, s16, $0xb8;
	[tilespmem:$0x16D00] =	vst v63  }
0x23: {  	_ =	swait.ge [sflag:s19], $0x3E80  }
0x24: {  	[sflag:s19] =	ssyncset.done $0x0  }
0x25: {  	s28 =	simm.s32 $0x2800;
	[sflag:s19] =	ssyncadd.s32 $0xFFFFC180  }
0x26: {  	[spmem:s2] =	stream.indirect.scatter.add.f32 [tilespmem:s17], [sflag:$0x3], $0x40, s28, s16, $0xb8;
	[tilespmem:$0x16D00] =	vst v63  }
0x27: {  	_ =	swait.ge [sflag:s14], $0x3E80  }
0x28: {  	[sflag:s14] =	ssyncset.done $0x0  }
0x29: {  	s28 =	simm.s32 $0x200;
	[sflag:s14] =	ssyncadd.s32 $0xFFFFC180  }
0x2a: {  	[tilespmem:s17], [sflag:$0x1] =	stream.indirect.gather [hbm4b:s4+s16], $0x40, s28, s16, $0xb8;
	[tilespmem:$0x16D00] =	vst v63  }
0x2b: {  	_ =	swait.ge [sflag:s20], $0x3E80  }
0x2c: {  	[sflag:s20] =	ssyncset.done $0x0  }
0x2d: {  	s28 =	simm.s32 $0x2900;
	[sflag:s20] =	ssyncadd.s32 $0xFFFFC180  }
0x2e: {  	[spmem:s2] =	stream.indirect.scatter.add.f32 [tilespmem:s18], [sflag:$0x3], $0x40, s28, s16, $0xb8;
	[tilespmem:$0x16D00] =	vst v63  }
0x2f: {  	_ =	swait.ge [sflag:s14], $0x3E80  }
0x30: {  	s29 =	simm.s32 $0x1000;
	s28 =	simm.s32 $0x200;
	[sflag:s14] =	ssyncset.done $0x0  }
.LBB2_2:
0x31: {  	s30 =	sadd.s32 $0x100, s28  }
0x32: {  	[sflag:s14] =	ssyncadd.s32 $0xFFFFC180;
	s31 =	smov.u32 s29;
	s0 =	sadd.s32 $0x800, s29  }
0x33: {  	[tilespmem:s18], [sflag:$0x2] =	stream.indirect.gather [hbm4b:s4+s16], $0x40, s30, s16, $0xb8;
	[tilespmem:$0x16D00] =	vst v63  }
0x34: {  	p0 =	sne.s32 s29, $0x9000;
	_ =	swait.ge [sflag:s19], $0x3E80  }
0x35: {  	[sflag:s19] =	ssyncset.done $0x0  }
0x36: {  	s29 =	sadd.s32 $0x2800, s28;
	[sflag:s19] =	ssyncadd.s32 $0xFFFFC180  }
0x37: {  	[spmem:s2] =	stream.indirect.scatter.add.f32 [tilespmem:s17], [sflag:$0x3], $0x40, s29, s16, $0xb8;
	[tilespmem:$0x16D00] =	vst v63  }
0x38: {  	_ =	swait.ge [sflag:s14], $0x3E80  }
0x39: {  	[sflag:s14] =	ssyncset.done $0x0  }
0x3a: {  	s29 =	sadd.s32 $0x200, s28;
	[sflag:s14] =	ssyncadd.s32 $0xFFFFC180  }
0x3b: {  	[tilespmem:s17], [sflag:$0x1] =	stream.indirect.gather [hbm4b:s4+s16], $0x40, s29, s16, $0xb8;
	[tilespmem:$0x16D00] =	vst v63  }
0x3c: {  	_ =	swait.ge [sflag:s20], $0x3E80  }
.Ltmp0:
0x3d: {  	[sflag:s20] =	ssyncset.done $0x0;
	(pc) =	sbr.rel @p0 .LBB2_2-.Ltmp0, $4  }
0x3e: {  	s28 =	sadd.s32 $0x2900, s28;
	[sflag:s20] =	ssyncadd.s32 $0xFFFFC180  }
0x3f: {  	[spmem:s2] =	stream.indirect.scatter.add.f32 [tilespmem:s18], [sflag:$0x3], $0x40, s28, s16, $0xb8;
	[tilespmem:$0x16D00] =	vst v63  }
0x40: {  	_ =	swait.ge [sflag:s14], $0x3E80  }
0x41: {  	s29 =	smov.u32 s0;
	s28 =	sshra.s32 s31, $0x2;
	[sflag:s14] =	ssyncset.done $0x0  }
0x42: {  	s0 =	sadd.s32 $0x100, s28;
	[sflag:s14] =	ssyncadd.s32 $0xFFFFC180  }
0x43: {  	[tilespmem:s18], [sflag:$0x2] =	stream.indirect.gather [hbm4b:s4+s16], $0x40, s0, s16, $0xb8;
	[tilespmem:$0x16D00] =	vst v63  }
0x44: {  	_ =	swait.ge [sflag:s19], $0x3E80  }
0x45: {  	[sflag:s19] =	ssyncset.done $0x0  }
0x46: {  	s30 =	sadd.s32 $0x2800, s28;
	[sflag:s19] =	ssyncadd.s32 $0xFFFFC180  }
0x47: {  	[spmem:s2] =	stream.indirect.scatter.add.f32 [tilespmem:s17], [sflag:$0x3], $0x40, s30, s16, $0xb8;
	[tilespmem:$0x16D00] =	vst v63  }
0x48: {  	_ =	swait.ge [sflag:s14], $0x3E80  }
0x49: {  	[sflag:s14] =	ssyncset.done $0x0  }
0x4a: {  	s31 =	sadd.s32 $0x200, s28;
	[sflag:s14] =	ssyncadd.s32 $0xFFFFC180  }
0x4b: {  	[tilespmem:s17], [sflag:$0x1] =	stream.indirect.gather [hbm4b:s4+s16], $0x40, s31, s16, $0xb8;
	[tilespmem:$0x16D00] =	vst v63  }
0x4c: {  	_ =	swait.ge [sflag:s20], $0x3E80  }
0x4d: {  	[sflag:s20] =	ssyncset.done $0x0  }
0x4e: {  	s30 =	sadd.s32 $0x2900, s28;
	[sflag:s20] =	ssyncadd.s32 $0xFFFFC180  }
0x4f: {  	[spmem:s2] =	stream.indirect.scatter.add.f32 [tilespmem:s18], [sflag:$0x3], $0x40, s30, s16, $0xb8;
	[tilespmem:$0x16D00] =	vst v63  }
0x50: {  	_ =	swait.ge [sflag:s14], $0x3E80  }
0x51: {  	[sflag:s14] =	ssyncset.done $0x0  }
0x52: {  	[sflag:s14] =	ssyncadd.s32 $0xFFFFC180  }
0x53: {  	[tilespmem:s18], [sflag:$0x2] =	stream.indirect.gather [hbm4b:s4+s16], $0x40, s21, s16, $0xb8;
	[tilespmem:$0x16D00] =	vst v63  }
0x54: {  	_ =	swait.ge [sflag:s19], $0x3E80  }
0x55: {  	[sflag:s19] =	ssyncset.done $0x0  }
0x56: {  	[sflag:s19] =	ssyncadd.s32 $0xFFFFC180  }
0x57: {  	[spmem:s2] =	stream.indirect.scatter.add.f32 [tilespmem:s17], [sflag:$0x3], $0x40, s22, s16, $0xb8;
	[tilespmem:$0x16D00] =	vst v63  }
0x58: {  	_ =	swait.ge [sflag:s14], $0x3E80  }
0x59: {  	[sflag:s14] =	ssyncset.done $0x0  }
0x5a: {  	[sflag:s14] =	ssyncadd.s32 $0xFFFFC180  }
0x5b: {  	_ =	swait.ge [sflag:s20], $0x3E80  }
0x5c: {  	[sflag:s20] =	ssyncset.done $0x0  }
0x5d: {  	[sflag:s20] =	ssyncadd.s32 $0xFFFFC180  }
0x5e: {  	[spmem:s2] =	stream.indirect.scatter.add.f32 [tilespmem:s18], [sflag:$0x3], $0x40, s23, s16, $0xb8;
	[tilespmem:$0x16D00] =	vst v63  }
0x5f: {  	_ =	swait.ge [sflag:s14], $0x3E80  }
0x60: {  	[sflag:s14] =	ssyncset.done $0x0  }
0x61: {  	s31 =	simm.s32 $0x0;
	[sflag:s14] =	ssyncadd.s32 $0xFFFFC180  }
0x62: {  	[tilespmem:s31], [sflag:$0x3] =	stream.linear.gather [hbm4b:s12+s31], $0x2800, $0x38;
	[tilespmem:$0x16D00] =	vst v63  }
0x63: {  	_ =	swait.ge [sflag:s14], $0x2800  }
0x64: {  	[sflag:s14] =	ssyncset.done $0x0  }
0x65: {  	[sflag:s14] =	ssyncadd.s32 $0xFFFFD800  }
0x66: {  	[tilespmem:s15], [sflag:$0x3] =	stream.linear.gather [hbm4b:s8+s31], $0x2800, $0x38;
	[tilespmem:$0x16D00] =	vst v63  }
0x67: {  	_ =	swait.ge [sflag:s14], $0x2800  }
0x68: {  	[sflag:s14] =	ssyncset.done $0x0  }
0x69: {  	[sflag:s14] =	ssyncadd.s32 $0xFFFFD800  }
0x6a: {  	[tilespmem:s17], [sflag:$0x1] =	stream.indirect.gather [hbm4b:s4+s16], $0x40, s31, s16, $0xb8;
	[tilespmem:$0x16D00] =	vst v63  }
0x6b: {  	s30 =	simm.s32 $0x100  }
0x6c: {  	[tilespmem:s18], [sflag:$0x2] =	stream.indirect.gather [hbm4b:s4+s16], $0x40, s30, s16, $0xb8;
	[tilespmem:$0x16D00] =	vst v63  }
0x6d: {  	_ =	swait.ge [sflag:s19], $0x3E80  }
0x6e: {  	[sflag:s19] =	ssyncset.done $0x0  }
0x6f: {  	s31 =	simm.s32 $0x2800;
	[sflag:s19] =	ssyncadd.s32 $0xFFFFC180  }
0x70: {  	[spmem:s2] =	stream.indirect.scatter.add.f32 [tilespmem:s17], [sflag:$0x3], $0x40, s31, s16, $0xb8;
	[tilespmem:$0x16D00] =	vst v63  }
0x71: {  	_ =	swait.ge [sflag:s14], $0x3E80  }
0x72: {  	[sflag:s14] =	ssyncset.done $0x0  }
0x73: {  	s30 =	simm.s32 $0x200;
	[sflag:s14] =	ssyncadd.s32 $0xFFFFC180  }
0x74: {  	[tilespmem:s17], [sflag:$0x1] =	stream.indirect.gather [hbm4b:s4+s16], $0x40, s30, s16, $0xb8;
	[tilespmem:$0x16D00] =	vst v63  }
0x75: {  	_ =	swait.ge [sflag:s20], $0x3E80  }
0x76: {  	[sflag:s20] =	ssyncset.done $0x0  }
0x77: {  	s31 =	simm.s32 $0x2900;
	[sflag:s20] =	ssyncadd.s32 $0xFFFFC180  }
0x78: {  	[spmem:s2] =	stream.indirect.scatter.add.f32 [tilespmem:s18], [sflag:$0x3], $0x40, s31, s16, $0xb8;
	[tilespmem:$0x16D00] =	vst v63  }
0x79: {  	_ =	swait.ge [sflag:s14], $0x3E80  }
0x7a: {  	s29 =	simm.s32 $0x1000;
	s28 =	simm.s32 $0x200;
	[sflag:s14] =	ssyncset.done $0x0  }
.LBB2_4:
0x7b: {  	s0 =	sadd.s32 $0x100, s28  }
0x7c: {  	[sflag:s14] =	ssyncadd.s32 $0xFFFFC180;
	s30 =	smov.u32 s29;
	s31 =	sadd.s32 $0x800, s29  }
0x7d: {  	[tilespmem:s18], [sflag:$0x2] =	stream.indirect.gather [hbm4b:s4+s16], $0x40, s0, s16, $0xb8;
	[tilespmem:$0x16D00] =	vst v63  }
0x7e: {  	p0 =	sne.s32 s29, $0x9000;
	_ =	swait.ge [sflag:s19], $0x3E80  }
0x7f: {  	[sflag:s19] =	ssyncset.done $0x0  }
0x80: {  	s0 =	sadd.s32 $0x2800, s28;
	[sflag:s19] =	ssyncadd.s32 $0xFFFFC180  }
0x81: {  	[spmem:s2] =	stream.indirect.scatter.add.f32 [tilespmem:s17], [sflag:$0x3], $0x40, s0, s16, $0xb8;
	[tilespmem:$0x16D00] =	vst v63  }
0x82: {  	_ =	swait.ge [sflag:s14], $0x3E80  }
0x83: {  	[sflag:s14] =	ssyncset.done $0x0  }
0x84: {  	s0 =	sadd.s32 $0x200, s28;
	[sflag:s14] =	ssyncadd.s32 $0xFFFFC180  }
0x85: {  	[tilespmem:s17], [sflag:$0x1] =	stream.indirect.gather [hbm4b:s4+s16], $0x40, s0, s16, $0xb8;
	[tilespmem:$0x16D00] =	vst v63  }
0x86: {  	_ =	swait.ge [sflag:s20], $0x3E80  }
.Ltmp1:
0x87: {  	[sflag:s20] =	ssyncset.done $0x0;
	(pc) =	sbr.rel @p0 .LBB2_4-.Ltmp1, $4  }
0x88: {  	s0 =	sadd.s32 $0x2900, s28;
	[sflag:s20] =	ssyncadd.s32 $0xFFFFC180  }
0x89: {  	[spmem:s2] =	stream.indirect.scatter.add.f32 [tilespmem:s18], [sflag:$0x3], $0x40, s0, s16, $0xb8;
	[tilespmem:$0x16D00] =	vst v63  }
0x8a: {  	_ =	swait.ge [sflag:s14], $0x3E80  }
0x8b: {  	s29 =	smov.u32 s31;
	s28 =	sshra.s32 s30, $0x2;
	[sflag:s14] =	ssyncset.done $0x0  }
0x8c: {  	s0 =	sadd.s32 $0x100, s28;
	[sflag:s14] =	ssyncadd.s32 $0xFFFFC180  }
0x8d: {  	[tilespmem:s18], [sflag:$0x2] =	stream.indirect.gather [hbm4b:s4+s16], $0x40, s0, s16, $0xb8;
	[tilespmem:$0x16D00] =	vst v63  }
0x8e: {  	_ =	swait.ge [sflag:s19], $0x3E80  }
0x8f: {  	[sflag:s19] =	ssyncset.done $0x0  }
0x90: {  	s29 =	sadd.s32 $0x2800, s28;
	[sflag:s19] =	ssyncadd.s32 $0xFFFFC180  }
0x91: {  	[spmem:s2] =	stream.indirect.scatter.add.f32 [tilespmem:s17], [sflag:$0x3], $0x40, s29, s16, $0xb8;
	[tilespmem:$0x16D00] =	vst v63  }
0x92: {  	_ =	swait.ge [sflag:s14], $0x3E80  }
0x93: {  	[sflag:s14] =	ssyncset.done $0x0  }
0x94: {  	s30 =	sadd.s32 $0x200, s28;
	[sflag:s14] =	ssyncadd.s32 $0xFFFFC180  }
0x95: {  	[tilespmem:s17], [sflag:$0x1] =	stream.indirect.gather [hbm4b:s4+s16], $0x40, s30, s16, $0xb8;
	[tilespmem:$0x16D00] =	vst v63  }
0x96: {  	_ =	swait.ge [sflag:s20], $0x3E80  }
0x97: {  	[sflag:s20] =	ssyncset.done $0x0  }
0x98: {  	s31 =	sadd.s32 $0x2900, s28;
	[sflag:s20] =	ssyncadd.s32 $0xFFFFC180  }
0x99: {  	[spmem:s2] =	stream.indirect.scatter.add.f32 [tilespmem:s18], [sflag:$0x3], $0x40, s31, s16, $0xb8;
	[tilespmem:$0x16D00] =	vst v63  }
0x9a: {  	_ =	swait.ge [sflag:s14], $0x3E80  }
0x9b: {  	[sflag:s14] =	ssyncset.done $0x0  }
0x9c: {  	[sflag:s14] =	ssyncadd.s32 $0xFFFFC180  }
0x9d: {  	[tilespmem:s18], [sflag:$0x2] =	stream.indirect.gather [hbm4b:s4+s16], $0x40, s21, s16, $0xb8;
	[tilespmem:$0x16D00] =	vst v63  }
0x9e: {  	_ =	swait.ge [sflag:s19], $0x3E80  }
0x9f: {  	[sflag:s19] =	ssyncset.done $0x0  }
0xa0: {  	[sflag:s19] =	ssyncadd.s32 $0xFFFFC180  }
0xa1: {  	[spmem:s2] =	stream.indirect.scatter.add.f32 [tilespmem:s17], [sflag:$0x3], $0x40, s22, s16, $0xb8;
	[tilespmem:$0x16D00] =	vst v63  }
0xa2: {  	_ =	swait.ge [sflag:s14], $0x3E80  }
0xa3: {  	[sflag:s14] =	ssyncset.done $0x0  }
0xa4: {  	[sflag:s14] =	ssyncadd.s32 $0xFFFFC180  }
0xa5: {  	_ =	swait.ge [sflag:s20], $0x3E80  }
0xa6: {  	[sflag:s20] =	ssyncset.done $0x0  }
0xa7: {  	[sflag:s20] =	ssyncadd.s32 $0xFFFFC180  }
0xa8: {  	[spmem:s2] =	stream.indirect.scatter.add.f32 [tilespmem:s18], [sflag:$0x3], $0x40, s23, s16, $0xb8;
	[tilespmem:$0x16D00] =	vst v63  }
0xa9: {  	_ =	swait.ge [sflag:s14], $0x3E80  }
0xaa: {  	s26 =	sadd.s32 $0x1, s26;
	[sflag:s14] =	ssyncset.done $0x0  }
0xab: {  	p0 =	sne.s32 s26, s10;
	[sflag:s14] =	ssyncadd.s32 $0xFFFFC180  }
.Ltmp2:
0xac: {  	[bflag:$0x0] =	sbarrier.arrive $0xFFFF;
	(pc) =	sbr.rel @p0 .LBB2_1-.Ltmp2, $4  }
0xad: {  	[hbm:s9@s24], [sflag:s6] =	dma.strided [spmem:s13@s25], $0x1400, s19, $0x8   }
0xae: {  	_ =	swait.ge [sflag:s14], $0x1400  }
0xaf: {  	[sflag:s14] =	ssyncset.done $0x0  }
0xb0: {  	[sflag:s14] =	ssyncadd.s32 $0xFFFFEC00  }
0xb1: {  	_ =	sfence.sel $0x180000  }
0xb2: {  	[bflag:$0x0] =	sbarrier.arrive $0xFFFF  }
0xb3: {  	_ =	strace $0x90000053  }
0xb4: {  	[bflag:$0x2] =	sbarrier.arrive $0xFFFF  }
0xb5: {  	p0 =	sne.s32 s1, $0x0;
	s0 =	rddreg [dreg:$0x2]  }
0xb6: {  	s0 =	sadd.s32 @!p0 $0x100000, s0  }
0xb7: {  	[sflag:s0] =	ssyncadd.tile.s32 @!p0 $0x1;
	_ =	shalt  }
.Lfunc_end2:
_tile_overlayer_lowered:
.L_overlay_start_2:
0xb8: {  	(tag) =	ssettag $0x2  }
0xb9: {  	s0 =	rddreg [dreg:$0x0];
	s2 =	stileid.u32  }
0xba: {  	s1 =	rddreg [dreg:$0x1];
	p0 =	sne.s32 s2, $0x0  }
0xbb: {  	s3 =	rddreg [dreg:$0x2];
	[bflag:$0x3] =	sbarrier.arrive $0xFFFF;
	s2 =	simm.s32 @!p0 $0x1C03  }
0xbc: {  	[timem:s3], [sflag:s2] =	dma.local @!p0 [hbm:s0], s1  }
0xbd: {  	s0 =	simm.s32 @!p0 $0x3  }
0xbe: {  	_ =	swait.ge @!p0 [sflag:s0], s1  }
0xbf: {  	s1 =	ssub.s32 @!p0 $0x0, s1;
	[sflag:s0] =	ssyncset.done @!p0 $0x0  }
0xc0: {  	[sflag:s0] =	ssyncadd.s32 @!p0 s1  }
0xc1: {  	[bflag:$0x3] =	sbarrier.arrive $0xFFFF  }
0xc2: {  	_ =	shalt  }

</sc_bundles>
